<compile_context>
chip_gen: v7x
topology: tpu7x:2x2x1
jax: 0.10.2.dev20260603
libtpu: 0.0.44.dev20260713+nightly
codegen_flags: <defaults>
</compile_context>

<pallas_src>
import functools

import jax
import jax.numpy as jnp
from jax import lax
from jax.experimental import pallas as pl
from jax.experimental.pallas import tpu as pltpu
from jax.experimental.pallas import tpu_sc as plsc

NY, NX, NZ = 128, 128, 128
C = 32
NVOX = 200000
TOTAL = NY * NX * NZ

_info = plsc.get_sparse_core_info()
NC = _info.num_cores
NS = _info.num_subcores
NWORK = NC * NS

VPW = 6256
NVOX_PAD = VPW * NWORK

RANGE = TOTAL // NWORK
CW = 1024
NCHUNK = RANGE // CW
NLCH = 16
LK = NVOX_PAD // NLCH
CAP = 16368
CAPC = 496
NROW = 4

_mesh = plsc.VectorSubcoreMesh(core_axis_name="c", subcore_axis_name="s")
_params = pltpu.CompilerParams(needs_layout_passes=False,
                               use_tc_tiling_on_sc=False)


@functools.partial(
    pl.kernel,
    out_type=jax.ShapeDtypeStruct((NVOX_PAD,), jnp.int32),
    mesh=_mesh,
    compiler_params=_params,
    scratch_types=[
        pltpu.VMEM((VPW * 4,), jnp.int32),
        pltpu.VMEM((VPW,), jnp.int32),
    ],
)
def _lin_kernel(coors_hbm, lin_hbm, cbuf, lbuf):
    wid = lax.axis_index("s") * NC + lax.axis_index("c")
    base = wid * VPW
    pltpu.sync_copy(coors_hbm.at[pl.ds(base * 4, VPW * 4)], cbuf)
    iota = lax.iota(jnp.int32, 16)

    def body(i, _):
        r = i * 16
        rows4 = (iota + r) * 4
        yv = plsc.load_gather(cbuf, [rows4 + 1])
        xv = plsc.load_gather(cbuf, [rows4 + 2])
        zv = plsc.load_gather(cbuf, [rows4 + 3])
        linv = yv * NX + xv + zv * (NX * NY)
        gid = iota + r + base
        linv = jnp.where(gid < NVOX, linv, TOTAL)
        lbuf[pl.ds(r, 16)] = linv
        return 0

    lax.fori_loop(0, VPW // 16, body, 0)
    pltpu.sync_copy(lbuf, lin_hbm.at[pl.ds(base, VPW)])


@functools.partial(
    pl.kernel,
    out_type=jax.ShapeDtypeStruct((C, TOTAL), jnp.float32),
    mesh=_mesh,
    compiler_params=_params,
    scratch_types=[
        pltpu.VMEM((LK,), jnp.int32),
        pltpu.VMEM((LK,), jnp.int32),
        pltpu.VMEM((CAP + 16,), jnp.int32),
        pltpu.VMEM((CAP + 16,), jnp.int32),
        pltpu.VMEM((2 * 512,), jnp.int32),
        pltpu.VMEM((2 * 512,), jnp.int32),
        pltpu.VMEM((NROW, 128), jnp.int32),
        pltpu.VMEM((512, 32), jnp.float32),
        pltpu.VMEM((C, CW), jnp.float32),
        pltpu.SemaphoreType.DMA,
        pltpu.SemaphoreType.DMA,
        pltpu.SemaphoreType.DMA,
        pltpu.SemaphoreType.DMA,
    ],
)
def _scatter_kernel(lin_hbm, vf_hbm, out_hbm, lb0, lb1, locs, idsl, clocs,
                    cids, idxb, stage, canvas, sin0, sin1, sg, so):
    wid = lax.axis_index("s") * NC + lax.axis_index("c")
    lo = wid * RANGE
    iota = lax.iota(jnp.int32, 16)
    z16f = jnp.zeros((16,), jnp.float32)
    z16i = jnp.zeros((16,), jnp.int32)

    def ibody(i, _):
        cids[pl.ds(i * 16, 16)] = z16i
        clocs[pl.ds(i * 16, 16)] = z16i
        return 0

    lax.fori_loop(0, (2 * 512) // 16, ibody, 0)

    pltpu.async_copy(lin_hbm.at[pl.ds(0, LK)], lb0, sin0)
    cnt = 0
    for j in range(NLCH):
        buf = lb0 if j % 2 == 0 else lb1
        sem = sin0 if j % 2 == 0 else sin1
        pltpu.make_async_copy(lin_hbm.at[pl.ds(j * LK, LK)], buf, sem).wait()
        if j + 1 < NLCH:
            nbuf = lb1 if j % 2 == 0 else lb0
            nsem = sin1 if j % 2 == 0 else sin0
            pltpu.async_copy(lin_hbm.at[pl.ds((j + 1) * LK, LK)], nbuf, nsem)

        def scan(i, cnt, buf=buf, j=j):
            v = buf[pl.ds(i * 16, 16)]
            m = (v >= lo) & (v < lo + RANGE)
            plsc.store_compressed(locs.at[pl.ds(cnt, 16)], v - lo, mask=m)
            ids = iota + (j * LK + i * 16)
            plsc.store_compressed(idsl.at[pl.ds(cnt, 16)], ids, mask=m)
            pc = plsc.all_reduce_population_count(m)
            return jnp.minimum(cnt + pc[0], CAP)

        cnt = lax.fori_loop(0, LK // 16, scan, cnt)

    nvec = (cnt + 15) // 16

    def zbody(i, _):
        canvas[i // (CW // 16), pl.ds((i % (CW // 16)) * 16, 16)] = z16f
        return 0

    lax.fori_loop(0, C * CW // 16, zbody, 0)

    def chunk_body(ch, kprev):
        par = ch % 2
        cb = par * 512
        c0 = ch * CW

        def sel(i, k):
            valid = (i * 16 + iota) < cnt
            lv = locs[pl.ds(i * 16, 16)]
            dv = lv - c0
            m = valid & (dv >= 0) & (dv < CW)
            plsc.store_compressed(clocs.at[pl.ds(cb + k, 16)], dv, mask=m)
            idv = idsl[pl.ds(i * 16, 16)]
            plsc.store_compressed(cids.at[pl.ds(cb + k, 16)], idv, mask=m)
            pc = plsc.all_reduce_population_count(m)
            return jnp.minimum(k + pc[0], CAPC)

        k = lax.fori_loop(0, nvec, sel, 0)

        def cpy(i, _):
            idxb[i // 8, pl.ds((i % 8) * 16, 16)] = cids[pl.ds(cb + i * 16, 16)]
            return 0

        lax.fori_loop(0, NROW * 8, cpy, 0)

        nrow = (k + 127) // 128

        def gat(r, _):
            pltpu.async_copy(vf_hbm.at[idxb.at[r]],
                             stage.at[pl.ds(r * 128, 128), :], sg)
            return 0

        lax.fori_loop(0, nrow, gat, 0)

        def gwait(r, _):
            pltpu.make_async_copy(vf_hbm.at[idxb.at[0]],
                                  stage.at[pl.ds(0, 128), :], sg).wait()
            return 0

        lax.fori_loop(0, nrow, gwait, 0)

        @pl.when(ch > 0)
        def _():
            pltpu.make_async_copy(canvas, out_hbm.at[:, pl.ds(lo, CW)],
                                  so).wait()
            pb = (1 - par) * 512

            def rz(q, _):
                b16 = q * 16
                locv = clocs[pl.ds(pb + b16, 16)]
                for l in range(16):
                    m = jnp.full((16,), (b16 + l) < kprev)
                    locl = jnp.full((16,), locv[l], jnp.int32)
                    plsc.store_scatter(canvas, [iota, locl], z16f, mask=m)
                    plsc.store_scatter(canvas, [iota + 16, locl], z16f, mask=m)
                return 0

            lax.fori_loop(0, (kprev + 15) // 16, rz, 0)

        def sc(q, _):
            b16 = q * 16
            locv = clocs[pl.ds(cb + b16, 16)]
            for l in range(16):
                m = jnp.full((16,), (b16 + l) < k)
                locl = jnp.full((16,), locv[l], jnp.int32)
                v0 = stage[b16 + l, pl.ds(0, 16)]
                v1 = stage[b16 + l, pl.ds(16, 16)]
                plsc.store_scatter(canvas, [iota, locl], v0, mask=m)
                plsc.store_scatter(canvas, [iota + 16, locl], v1, mask=m)
            return 0

        lax.fori_loop(0, (k + 15) // 16, sc, 0)

        pltpu.async_copy(canvas, out_hbm.at[:, pl.ds(lo + c0, CW)], so)
        return k

    lax.fori_loop(0, NCHUNK, chunk_body, 0)
    pltpu.make_async_copy(canvas, out_hbm.at[:, pl.ds(lo, CW)], so).wait()


def kernel(voxel_features, coors):
    coors_p = jnp.pad(coors, ((0, NVOX_PAD - NVOX), (0, 0))).reshape(-1)
    lin = _lin_kernel(coors_p)
    canvas = _scatter_kernel(lin, voxel_features)
    return canvas.reshape(1, C, NY, NX, NZ)

# --- scband reference (transcript-rebuilt; emitter-appended) ---
"""Pipeline reference for scband-general-scatter-24223615549678 (READ-ONLY COPY).

The authoritative reference and input builder live on the scoring server;
editing this copy changes nothing except your own understanding.
"""

import jax, jax.numpy as jnp
import numpy as np

NY, NX, NZ = 128, 128, 128
C = 32
N_VOX = 200000


def setup_inputs(seed: int = 0) -> dict:
    key = jax.random.key(seed)
    k1, k2 = jax.random.split(key)
    voxel_features = jax.random.normal(k1, (N_VOX, C), dtype=jnp.float32)
    # Sample unique linear cell indices (real voxel coords never collide),
    # then decompose according to lin = z*(NX*NY) + y*NX + x so that the
    # module's index formula reconstructs them exactly.
    total = NY * NX * NZ
    lin = jax.random.permutation(k2, total)[:N_VOX]
    z = lin // (NX * NY)
    rem = lin % (NX * NY)
    y = rem // NX
    x = rem % NX
    col0 = jnp.zeros_like(z)  # sample id, unused in single-sample path
    coors = jnp.stack([col0, y, x, z], axis=1).astype(jnp.int32)
    return {"voxel_features": voxel_features, "coors": coors}


def reference(voxel_features, coors):
    # GeneralScatter.forward_single (batch_size=None path)
    indices = coors[:, 1] * NX + coors[:, 2] + coors[:, 3] * (NX * NY)
    indices = indices.astype(jnp.int32)
    canvas = jnp.zeros((C, NX * NY * NZ), dtype=voxel_features.dtype)
    canvas = canvas.at[:, indices].set(voxel_features.T)
    canvas = canvas.reshape(1, C, NY, NX, NZ)
    return canvas

if __name__ == "__main__":
    import jax
    _d = setup_inputs()
    print(jax.jit(kernel)(*tuple(_d.values())))

</pallas_src>

<mosaic_0001>
#map = affine_map<(d0, d1) -> (0)>
#map1 = affine_map<(d0, d1) -> (0, 0)>
module attributes {stable_mosaic.version = 14 : i64} {
  func.func @_scatter_kernel(%arg0: i32, %arg1: i32, %arg2: memref<200192xi32, #tpu.memory_space<hbm>>, %arg3: memref<200000x32xf32, #tpu.memory_space<hbm>>, %arg4: memref<32x2097152xf32, #tpu.memory_space<hbm>>, %arg5: memref<12512xi32, #tpu.memory_space<vmem>>, %arg6: memref<12512xi32, #tpu.memory_space<vmem>>, %arg7: memref<16384xi32, #tpu.memory_space<vmem>>, %arg8: memref<16384xi32, #tpu.memory_space<vmem>>, %arg9: memref<1024xi32, #tpu.memory_space<vmem>>, %arg10: memref<1024xi32, #tpu.memory_space<vmem>>, %arg11: memref<4x128xi32, #tpu.memory_space<vmem>>, %arg12: memref<512x32xf32, #tpu.memory_space<vmem>>, %arg13: memref<32x1024xf32, #tpu.memory_space<vmem>>, %arg14: memref<!tpu.dma_semaphore, #tpu.memory_space<semaphore_mem>>, %arg15: memref<!tpu.dma_semaphore, #tpu.memory_space<semaphore_mem>>, %arg16: memref<!tpu.dma_semaphore, #tpu.memory_space<semaphore_mem>>, %arg17: memref<!tpu.dma_semaphore, #tpu.memory_space<semaphore_mem>>) attributes {dimension_semantics = [#tpu.dimension_semantics<core_parallel>, #tpu.dimension_semantics<subcore_parallel>], iteration_bounds = array<i64: 2, 16>, scalar_prefetch = 0 : i64, scratch_operands = 13 : i64, tpu.core_type = #tpu.core_type<sc_vector_subcore>, window_params = [{transform_indices = #map}, {transform_indices = #map1}, {transform_indices = #map1}]} {
    %mul3A = arith.constant 2 : i32
    %mul3A_0 = arith.muli %arg1, %mul3A : i32
    %add3A = arith.addi %mul3A_0, %arg0 : i32
    %mul3A_1 = arith.constant 65536 : i32
    %mul3A_2 = arith.muli %add3A, %mul3A_1 : i32
    %iota3A = tpu.iota {dimensions = array<i32: 0>} : vector<16xi32>
    %broadcast_in_dim3A = arith.constant 0.000000e+00 : f32
    %broadcast_in_dim3A_3 = vector.broadcast %broadcast_in_dim3A : f32 to vector<16xf32>
    %broadcast_in_dim3A_4 = arith.constant 0 : i32
    %broadcast_in_dim3A_5 = vector.broadcast %broadcast_in_dim3A_4 : i32 to vector<16xi32>
    %scan3A = arith.constant 0 : i32
    %scan3A_6 = arith.constant 0 : i32
    %scan3A_7 = arith.constant 64 : i32
    %scan3A_8 = arith.addi %scan3A_6, %scan3A_7 : i32
    %scan3A_9 = arith.constant 1 : i32
    %scan3A_10 = scf.for %scan3A_271 = %scan3A_6 to %scan3A_8 step %scan3A_9 iter_args(%scan3A_272 = %scan3A) -> (i32)  : i32 {
      %mul3A_273 = arith.constant 16 : i32
      %mul3A_274 = arith.muli %scan3A_271, %mul3A_273 : i32
      %swap3A = arith.index_cast %mul3A_274 : i32 to index
      %swap3A_275 = tpu.vector_load %arg10[%swap3A] {strides = array<i32>} : memref<1024xi32, #tpu.memory_space<vmem>>, vector<16xi32>,
      tpu.vector_store %arg10[%swap3A], %broadcast_in_dim3A_5 {strides = array<i32>} : memref<1024xi32, #tpu.memory_space<vmem>>, vector<16xi32>,
      %mul3A_276 = arith.constant 16 : i32
      %mul3A_277 = arith.muli %scan3A_271, %mul3A_276 : i32
      %swap3A_278 = arith.index_cast %mul3A_277 : i32 to index
      %swap3A_279 = tpu.vector_load %arg9[%swap3A_278] {strides = array<i32>} : memref<1024xi32, #tpu.memory_space<vmem>>, vector<16xi32>,
      tpu.vector_store %arg9[%swap3A_278], %broadcast_in_dim3A_5 {strides = array<i32>} : memref<1024xi32, #tpu.memory_space<vmem>>, vector<16xi32>,
      %scan3A_280 = arith.constant 0 : i32
      scf.yield %scan3A_280 : i32
    }
    %scan3A_11 = arith.constant 64 : i32
    %dma_start3A = arith.constant 0 : i32
    %dma_start3A_12 = tpu.memref_slice %arg2[%dma_start3A] : memref<200192xi32, #tpu.memory_space<hbm>> -> memref<12512xi32, #tpu.memory_space<hbm>>
    %dma_start3A_13 = arith.constant 0 : i32
    %dma_start3A_14 = tpu.memref_slice %arg2[%dma_start3A_13] : memref<200192xi32, #tpu.memory_space<hbm>> -> memref<12512xi32, #tpu.memory_space<hbm>>
    tpu.enqueue_dma source(%dma_start3A_14 : memref<12512xi32, #tpu.memory_space<hbm>>) target(%arg5 : memref<12512xi32, #tpu.memory_space<vmem>>) target_semaphore(%arg14 : memref<!tpu.dma_semaphore, #tpu.memory_space<semaphore_mem>>)
    %dma_wait3A = arith.constant 0 : i32
    %dma_wait3A_15 = tpu.memref_slice %arg2[%dma_wait3A] : memref<200192xi32, #tpu.memory_space<hbm>> -> memref<12512xi32, #tpu.memory_space<hbm>>
    %dma_wait3A_16 = arith.constant 0 : i32
    %dma_wait3A_17 = tpu.memref_slice %arg2[%dma_wait3A_16] : memref<200192xi32, #tpu.memory_space<hbm>> -> memref<12512xi32, #tpu.memory_space<hbm>>
    tpu.wait_dma2 semaphore(%arg14 : memref<!tpu.dma_semaphore, #tpu.memory_space<semaphore_mem>>) src(%dma_wait3A_17 : memref<12512xi32, #tpu.memory_space<hbm>>) dst(%arg5 : memref<12512xi32, #tpu.memory_space<vmem>>)
    %dma_start3A_18 = arith.constant 12512 : i32
    %dma_start3A_19 = tpu.memref_slice %arg2[%dma_start3A_18] : memref<200192xi32, #tpu.memory_space<hbm>> -> memref<12512xi32, #tpu.memory_space<hbm>>
    %dma_start3A_20 = arith.constant 12512 : i32
    %dma_start3A_21 = tpu.memref_slice %arg2[%dma_start3A_20] : memref<200192xi32, #tpu.memory_space<hbm>> -> memref<12512xi32, #tpu.memory_space<hbm>>
    tpu.enqueue_dma source(%dma_start3A_21 : memref<12512xi32, #tpu.memory_space<hbm>>) target(%arg6 : memref<12512xi32, #tpu.memory_space<vmem>>) target_semaphore(%arg15 : memref<!tpu.dma_semaphore, #tpu.memory_space<semaphore_mem>>)
    %scan3A_22 = arith.constant 0 : i32
    %scan3A_23 = arith.constant 0 : i32
    %scan3A_24 = arith.constant 782 : i32
    %scan3A_25 = arith.addi %scan3A_23, %scan3A_24 : i32
    %scan3A_26 = arith.constant 1 : i32
    %scan3A_27 = scf.for %scan3A_271 = %scan3A_23 to %scan3A_25 step %scan3A_26 iter_args(%scan3A_272 = %scan3A_22) -> (i32)  : i32 {
      %mul3A_273 = arith.constant 16 : i32
      %mul3A_274 = arith.muli %scan3A_271, %mul3A_273 : i32
      %get3A = arith.index_cast %mul3A_274 : i32 to index
      %get3A_275 = tpu.vector_load %arg5[%get3A] {strides = array<i32>} : memref<12512xi32, #tpu.memory_space<vmem>>, vector<16xi32>,
      %ge3A = vector.broadcast %mul3A_2 : i32 to vector<16xi32>
      %ge3A_276 = arith.cmpi sge, %get3A_275, %ge3A : vector<16xi32>
      %add3A_277 = arith.constant 65536 : i32
      %add3A_278 = arith.addi %mul3A_2, %add3A_277 : i32
      %lt3A = vector.broadcast %add3A_278 : i32 to vector<16xi32>
      %lt3A_279 = arith.cmpi slt, %get3A_275, %lt3A : vector<16xi32>
      %and3A_280 = arith.andi %ge3A_276, %lt3A_279 : vector<16xi1>
      %sub3A_281 = vector.broadcast %mul3A_2 : i32 to vector<16xi32>
      %sub3A_282 = arith.subi %get3A_275, %sub3A_281 : vector<16xi32>
      %swap3A = arith.index_cast %scan3A_272 : i32 to index
      %swap3A_283 = tpu.vector_load %arg7[%swap3A] masked %and3A_280 {strides = array<i32>} : memref<16384xi32, #tpu.memory_space<vmem>>, vector<16xi32>, vector<16xi1>
      tpu.vector_store %arg7[%swap3A], %sub3A_282 masked %and3A_280 {strides = array<i32>} : memref<16384xi32, #tpu.memory_space<vmem>>, vector<16xi32>, vector<16xi1>
      %mul3A_284 = arith.constant 16 : i32
      %mul3A_285 = arith.muli %scan3A_271, %mul3A_284 : i32
      %add3A_286 = arith.constant 0 : i32
      %add3A_287 = arith.addi %add3A_286, %mul3A_285 : i32
      %add3A_288 = vector.broadcast %add3A_287 : i32 to vector<16xi32>
      %add3A_289 = arith.addi %iota3A, %add3A_288 : vector<16xi32>
      %swap3A_290 = arith.index_cast %scan3A_272 : i32 to index
      %swap3A_291 = tpu.vector_load %arg8[%swap3A_290] masked %and3A_280 {strides = array<i32>} : memref<16384xi32, #tpu.memory_space<vmem>>, vector<16xi32>, vector<16xi1>
      tpu.vector_store %arg8[%swap3A_290], %add3A_289 masked %and3A_280 {strides = array<i32>} : memref<16384xi32, #tpu.memory_space<vmem>>, vector<16xi32>, vector<16xi1>
      %all_reduce_population_count3A = tpu.all_reduce %and3A_280 {dim = 0 : i64, kind = #tpu.reduction_kind<sum>} : vector<16xi1> -> vector<16xi32>
      %slice3A = vector.extract_strided_slice %all_reduce_population_count3A {offsets = [0], sizes = [1], strides = [1]} : vector<16xi32> to vector<1xi32>
      %squeeze3A = vector.extract %slice3A[0] : i32 from vector<1xi32>
      %add3A_292 = arith.addi %scan3A_272, %squeeze3A : i32
      %min3A = arith.constant 16368 : i32
      %min3A_293 = arith.minsi %add3A_292, %min3A : i32
      scf.yield %min3A_293 : i32
    }
    %scan3A_28 = arith.constant 782 : i32
    %dma_wait3A_29 = arith.constant 12512 : i32
    %dma_wait3A_30 = tpu.memref_slice %arg2[%dma_wait3A_29] : memref<200192xi32, #tpu.memory_space<hbm>> -> memref<12512xi32, #tpu.memory_space<hbm>>
    %dma_wait3A_31 = arith.constant 12512 : i32
    %dma_wait3A_32 = tpu.memref_slice %arg2[%dma_wait3A_31] : memref<200192xi32, #tpu.memory_space<hbm>> -> memref<12512xi32, #tpu.memory_space<hbm>>
    tpu.wait_dma2 semaphore(%arg15 : memref<!tpu.dma_semaphore, #tpu.memory_space<semaphore_mem>>) src(%dma_wait3A_32 : memref<12512xi32, #tpu.memory_space<hbm>>) dst(%arg6 : memref<12512xi32, #tpu.memory_space<vmem>>)
    %dma_start3A_33 = arith.constant 25024 : i32
    %dma_start3A_34 = tpu.memref_slice %arg2[%dma_start3A_33] : memref<200192xi32, #tpu.memory_space<hbm>> -> memref<12512xi32, #tpu.memory_space<hbm>>
    %dma_start3A_35 = arith.constant 25024 : i32
    %dma_start3A_36 = tpu.memref_slice %arg2[%dma_start3A_35] : memref<200192xi32, #tpu.memory_space<hbm>> -> memref<12512xi32, #tpu.memory_space<hbm>>
    tpu.enqueue_dma source(%dma_start3A_36 : memref<12512xi32, #tpu.memory_space<hbm>>) target(%arg5 : memref<12512xi32, #tpu.memory_space<vmem>>) target_semaphore(%arg14 : memref<!tpu.dma_semaphore, #tpu.memory_space<semaphore_mem>>)
    %scan3A_37 = arith.constant 0 : i32
    %scan3A_38 = arith.constant 782 : i32
    %scan3A_39 = arith.addi %scan3A_37, %scan3A_38 : i32
    %scan3A_40 = arith.constant 1 : i32
    %scan3A_41 = scf.for %scan3A_271 = %scan3A_37 to %scan3A_39 step %scan3A_40 iter_args(%scan3A_272 = %scan3A_27) -> (i32)  : i32 {
      %mul3A_273 = arith.constant 16 : i32
      %mul3A_274 = arith.muli %scan3A_271, %mul3A_273 : i32
      %get3A = arith.index_cast %mul3A_274 : i32 to index
      %get3A_275 = tpu.vector_load %arg6[%get3A] {strides = array<i32>} : memref<12512xi32, #tpu.memory_space<vmem>>, vector<16xi32>,
      %ge3A = vector.broadcast %mul3A_2 : i32 to vector<16xi32>
      %ge3A_276 = arith.cmpi sge, %get3A_275, %ge3A : vector<16xi32>
      %add3A_277 = arith.constant 65536 : i32
      %add3A_278 = arith.addi %mul3A_2, %add3A_277 : i32
      %lt3A = vector.broadcast %add3A_278 : i32 to vector<16xi32>
      %lt3A_279 = arith.cmpi slt, %get3A_275, %lt3A : vector<16xi32>
      %and3A_280 = arith.andi %ge3A_276, %lt3A_279 : vector<16xi1>
      %sub3A_281 = vector.broadcast %mul3A_2 : i32 to vector<16xi32>
      %sub3A_282 = arith.subi %get3A_275, %sub3A_281 : vector<16xi32>
      %swap3A = arith.index_cast %scan3A_272 : i32 to index
      %swap3A_283 = tpu.vector_load %arg7[%swap3A] masked %and3A_280 {strides = array<i32>} : memref<16384xi32, #tpu.memory_space<vmem>>, vector<16xi32>, vector<16xi1>
      tpu.vector_store %arg7[%swap3A], %sub3A_282 masked %and3A_280 {strides = array<i32>} : memref<16384xi32, #tpu.memory_space<vmem>>, vector<16xi32>, vector<16xi1>
      %mul3A_284 = arith.constant 16 : i32
      %mul3A_285 = arith.muli %scan3A_271, %mul3A_284 : i32
      %add3A_286 = arith.constant 12512 : i32
      %add3A_287 = arith.addi %add3A_286, %mul3A_285 : i32
      %add3A_288 = vector.broadcast %add3A_287 : i32 to vector<16xi32>
      %add3A_289 = arith.addi %iota3A, %add3A_288 : vector<16xi32>
      %swap3A_290 = arith.index_cast %scan3A_272 : i32 to index
      %swap3A_291 = tpu.vector_load %arg8[%swap3A_290] masked %and3A_280 {strides = array<i32>} : memref<16384xi32, #tpu.memory_space<vmem>>, vector<16xi32>, vector<16xi1>
      tpu.vector_store %arg8[%swap3A_290], %add3A_289 masked %and3A_280 {strides = array<i32>} : memref<16384xi32, #tpu.memory_space<vmem>>, vector<16xi32>, vector<16xi1>
      %all_reduce_population_count3A = tpu.all_reduce %and3A_280 {dim = 0 : i64, kind = #tpu.reduction_kind<sum>} : vector<16xi1> -> vector<16xi32>
      %slice3A = vector.extract_strided_slice %all_reduce_population_count3A {offsets = [0], sizes = [1], strides = [1]} : vector<16xi32> to vector<1xi32>
      %squeeze3A = vector.extract %slice3A[0] : i32 from vector<1xi32>
      %add3A_292 = arith.addi %scan3A_272, %squeeze3A : i32
      %min3A = arith.constant 16368 : i32
      %min3A_293 = arith.minsi %add3A_292, %min3A : i32
      scf.yield %min3A_293 : i32
    }
    %scan3A_42 = arith.constant 782 : i32
    %dma_wait3A_43 = arith.constant 25024 : i32
    %dma_wait3A_44 = tpu.memref_slice %arg2[%dma_wait3A_43] : memref<200192xi32, #tpu.memory_space<hbm>> -> memref<12512xi32, #tpu.memory_space<hbm>>
    %dma_wait3A_45 = arith.constant 25024 : i32
    %dma_wait3A_46 = tpu.memref_slice %arg2[%dma_wait3A_45] : memref<200192xi32, #tpu.memory_space<hbm>> -> memref<12512xi32, #tpu.memory_space<hbm>>
    tpu.wait_dma2 semaphore(%arg14 : memref<!tpu.dma_semaphore, #tpu.memory_space<semaphore_mem>>) src(%dma_wait3A_46 : memref<12512xi32, #tpu.memory_space<hbm>>) dst(%arg5 : memref<12512xi32, #tpu.memory_space<vmem>>)
    %dma_start3A_47 = arith.constant 37536 : i32
    %dma_start3A_48 = tpu.memref_slice %arg2[%dma_start3A_47] : memref<200192xi32, #tpu.memory_space<hbm>> -> memref<12512xi32, #tpu.memory_space<hbm>>
    %dma_start3A_49 = arith.constant 37536 : i32
    %dma_start3A_50 = tpu.memref_slice %arg2[%dma_start3A_49] : memref<200192xi32, #tpu.memory_space<hbm>> -> memref<12512xi32, #tpu.memory_space<hbm>>
    tpu.enqueue_dma source(%dma_start3A_50 : memref<12512xi32, #tpu.memory_space<hbm>>) target(%arg6 : memref<12512xi32, #tpu.memory_space<vmem>>) target_semaphore(%arg15 : memref<!tpu.dma_semaphore, #tpu.memory_space<semaphore_mem>>)
    %scan3A_51 = arith.constant 0 : i32
    %scan3A_52 = arith.constant 782 : i32
    %scan3A_53 = arith.addi %scan3A_51, %scan3A_52 : i32
    %scan3A_54 = arith.constant 1 : i32
    %scan3A_55 = scf.for %scan3A_271 = %scan3A_51 to %scan3A_53 step %scan3A_54 iter_args(%scan3A_272 = %scan3A_41) -> (i32)  : i32 {
      %mul3A_273 = arith.constant 16 : i32
      %mul3A_274 = arith.muli %scan3A_271, %mul3A_273 : i32
      %get3A = arith.index_cast %mul3A_274 : i32 to index
      %get3A_275 = tpu.vector_load %arg5[%get3A] {strides = array<i32>} : memref<12512xi32, #tpu.memory_space<vmem>>, vector<16xi32>,
      %ge3A = vector.broadcast %mul3A_2 : i32 to vector<16xi32>
      %ge3A_276 = arith.cmpi sge, %get3A_275, %ge3A : vector<16xi32>
      %add3A_277 = arith.constant 65536 : i32
      %add3A_278 = arith.addi %mul3A_2, %add3A_277 : i32
      %lt3A = vector.broadcast %add3A_278 : i32 to vector<16xi32>
      %lt3A_279 = arith.cmpi slt, %get3A_275, %lt3A : vector<16xi32>
      %and3A_280 = arith.andi %ge3A_276, %lt3A_279 : vector<16xi1>
      %sub3A_281 = vector.broadcast %mul3A_2 : i32 to vector<16xi32>
      %sub3A_282 = arith.subi %get3A_275, %sub3A_281 : vector<16xi32>
      %swap3A = arith.index_cast %scan3A_272 : i32 to index
      %swap3A_283 = tpu.vector_load %arg7[%swap3A] masked %and3A_280 {strides = array<i32>} : memref<16384xi32, #tpu.memory_space<vmem>>, vector<16xi32>, vector<16xi1>
      tpu.vector_store %arg7[%swap3A], %sub3A_282 masked %and3A_280 {strides = array<i32>} : memref<16384xi32, #tpu.memory_space<vmem>>, vector<16xi32>, vector<16xi1>
      %mul3A_284 = arith.constant 16 : i32
      %mul3A_285 = arith.muli %scan3A_271, %mul3A_284 : i32
      %add3A_286 = arith.constant 25024 : i32
      %add3A_287 = arith.addi %add3A_286, %mul3A_285 : i32
      %add3A_288 = vector.broadcast %add3A_287 : i32 to vector<16xi32>
      %add3A_289 = arith.addi %iota3A, %add3A_288 : vector<16xi32>
      %swap3A_290 = arith.index_cast %scan3A_272 : i32 to index
      %swap3A_291 = tpu.vector_load %arg8[%swap3A_290] masked %and3A_280 {strides = array<i32>} : memref<16384xi32, #tpu.memory_space<vmem>>, vector<16xi32>, vector<16xi1>
      tpu.vector_store %arg8[%swap3A_290], %add3A_289 masked %and3A_280 {strides = array<i32>} : memref<16384xi32, #tpu.memory_space<vmem>>, vector<16xi32>, vector<16xi1>
      %all_reduce_population_count3A = tpu.all_reduce %and3A_280 {dim = 0 : i64, kind = #tpu.reduction_kind<sum>} : vector<16xi1> -> vector<16xi32>
      %slice3A = vector.extract_strided_slice %all_reduce_population_count3A {offsets = [0], sizes = [1], strides = [1]} : vector<16xi32> to vector<1xi32>
      %squeeze3A = vector.extract %slice3A[0] : i32 from vector<1xi32>
      %add3A_292 = arith.addi %scan3A_272, %squeeze3A : i32
      %min3A = arith.constant 16368 : i32
      %min3A_293 = arith.minsi %add3A_292, %min3A : i32
      scf.yield %min3A_293 : i32
    }
    %scan3A_56 = arith.constant 782 : i32
    %dma_wait3A_57 = arith.constant 37536 : i32
    %dma_wait3A_58 = tpu.memref_slice %arg2[%dma_wait3A_57] : memref<200192xi32, #tpu.memory_space<hbm>> -> memref<12512xi32, #tpu.memory_space<hbm>>
    %dma_wait3A_59 = arith.constant 37536 : i32
    %dma_wait3A_60 = tpu.memref_slice %arg2[%dma_wait3A_59] : memref<200192xi32, #tpu.memory_space<hbm>> -> memref<12512xi32, #tpu.memory_space<hbm>>
    tpu.wait_dma2 semaphore(%arg15 : memref<!tpu.dma_semaphore, #tpu.memory_space<semaphore_mem>>) src(%dma_wait3A_60 : memref<12512xi32, #tpu.memory_space<hbm>>) dst(%arg6 : memref<12512xi32, #tpu.memory_space<vmem>>)
    %dma_start3A_61 = arith.constant 50048 : i32
    %dma_start3A_62 = tpu.memref_slice %arg2[%dma_start3A_61] : memref<200192xi32, #tpu.memory_space<hbm>> -> memref<12512xi32, #tpu.memory_space<hbm>>
    %dma_start3A_63 = arith.constant 50048 : i32
    %dma_start3A_64 = tpu.memref_slice %arg2[%dma_start3A_63] : memref<200192xi32, #tpu.memory_space<hbm>> -> memref<12512xi32, #tpu.memory_space<hbm>>
    tpu.enqueue_dma source(%dma_start3A_64 : memref<12512xi32, #tpu.memory_space<hbm>>) target(%arg5 : memref<12512xi32, #tpu.memory_space<vmem>>) target_semaphore(%arg14 : memref<!tpu.dma_semaphore, #tpu.memory_space<semaphore_mem>>)
    %scan3A_65 = arith.constant 0 : i32
    %scan3A_66 = arith.constant 782 : i32
    %scan3A_67 = arith.addi %scan3A_65, %scan3A_66 : i32
    %scan3A_68 = arith.constant 1 : i32
    %scan3A_69 = scf.for %scan3A_271 = %scan3A_65 to %scan3A_67 step %scan3A_68 iter_args(%scan3A_272 = %scan3A_55) -> (i32)  : i32 {
      %mul3A_273 = arith.constant 16 : i32
      %mul3A_274 = arith.muli %scan3A_271, %mul3A_273 : i32
      %get3A = arith.index_cast %mul3A_274 : i32 to index
      %get3A_275 = tpu.vector_load %arg6[%get3A] {strides = array<i32>} : memref<12512xi32, #tpu.memory_space<vmem>>, vector<16xi32>,
      %ge3A = vector.broadcast %mul3A_2 : i32 to vector<16xi32>
      %ge3A_276 = arith.cmpi sge, %get3A_275, %ge3A : vector<16xi32>
      %add3A_277 = arith.constant 65536 : i32
      %add3A_278 = arith.addi %mul3A_2, %add3A_277 : i32
      %lt3A = vector.broadcast %add3A_278 : i32 to vector<16xi32>
      %lt3A_279 = arith.cmpi slt, %get3A_275, %lt3A : vector<16xi32>
      %and3A_280 = arith.andi %ge3A_276, %lt3A_279 : vector<16xi1>
      %sub3A_281 = vector.broadcast %mul3A_2 : i32 to vector<16xi32>
      %sub3A_282 = arith.subi %get3A_275, %sub3A_281 : vector<16xi32>
      %swap3A = arith.index_cast %scan3A_272 : i32 to index
      %swap3A_283 = tpu.vector_load %arg7[%swap3A] masked %and3A_280 {strides = array<i32>} : memref<16384xi32, #tpu.memory_space<vmem>>, vector<16xi32>, vector<16xi1>
      tpu.vector_store %arg7[%swap3A], %sub3A_282 masked %and3A_280 {strides = array<i32>} : memref<16384xi32, #tpu.memory_space<vmem>>, vector<16xi32>, vector<16xi1>
      %mul3A_284 = arith.constant 16 : i32
      %mul3A_285 = arith.muli %scan3A_271, %mul3A_284 : i32
      %add3A_286 = arith.constant 37536 : i32
      %add3A_287 = arith.addi %add3A_286, %mul3A_285 : i32
      %add3A_288 = vector.broadcast %add3A_287 : i32 to vector<16xi32>
      %add3A_289 = arith.addi %iota3A, %add3A_288 : vector<16xi32>
      %swap3A_290 = arith.index_cast %scan3A_272 : i32 to index
      %swap3A_291 = tpu.vector_load %arg8[%swap3A_290] masked %and3A_280 {strides = array<i32>} : memref<16384xi32, #tpu.memory_space<vmem>>, vector<16xi32>, vector<16xi1>
      tpu.vector_store %arg8[%swap3A_290], %add3A_289 masked %and3A_280 {strides = array<i32>} : memref<16384xi32, #tpu.memory_space<vmem>>, vector<16xi32>, vector<16xi1>
      %all_reduce_population_count3A = tpu.all_reduce %and3A_280 {dim = 0 : i64, kind = #tpu.reduction_kind<sum>} : vector<16xi1> -> vector<16xi32>
      %slice3A = vector.extract_strided_slice %all_reduce_population_count3A {offsets = [0], sizes = [1], strides = [1]} : vector<16xi32> to vector<1xi32>
      %squeeze3A = vector.extract %slice3A[0] : i32 from vector<1xi32>
      %add3A_292 = arith.addi %scan3A_272, %squeeze3A : i32
      %min3A = arith.constant 16368 : i32
      %min3A_293 = arith.minsi %add3A_292, %min3A : i32
      scf.yield %min3A_293 : i32
    }
    %scan3A_70 = arith.constant 782 : i32
    %dma_wait3A_71 = arith.constant 50048 : i32
    %dma_wait3A_72 = tpu.memref_slice %arg2[%dma_wait3A_71] : memref<200192xi32, #tpu.memory_space<hbm>> -> memref<12512xi32, #tpu.memory_space<hbm>>
    %dma_wait3A_73 = arith.constant 50048 : i32
    %dma_wait3A_74 = tpu.memref_slice %arg2[%dma_wait3A_73] : memref<200192xi32, #tpu.memory_space<hbm>> -> memref<12512xi32, #tpu.memory_space<hbm>>
    tpu.wait_dma2 semaphore(%arg14 : memref<!tpu.dma_semaphore, #tpu.memory_space<semaphore_mem>>) src(%dma_wait3A_74 : memref<12512xi32, #tpu.memory_space<hbm>>) dst(%arg5 : memref<12512xi32, #tpu.memory_space<vmem>>)
    %dma_start3A_75 = arith.constant 62560 : i32
    %dma_start3A_76 = tpu.memref_slice %arg2[%dma_start3A_75] : memref<200192xi32, #tpu.memory_space<hbm>> -> memref<12512xi32, #tpu.memory_space<hbm>>
    %dma_start3A_77 = arith.constant 62560 : i32
    %dma_start3A_78 = tpu.memref_slice %arg2[%dma_start3A_77] : memref<200192xi32, #tpu.memory_space<hbm>> -> memref<12512xi32, #tpu.memory_space<hbm>>
    tpu.enqueue_dma source(%dma_start3A_78 : memref<12512xi32, #tpu.memory_space<hbm>>) target(%arg6 : memref<12512xi32, #tpu.memory_space<vmem>>) target_semaphore(%arg15 : memref<!tpu.dma_semaphore, #tpu.memory_space<semaphore_mem>>)
    %scan3A_79 = arith.constant 0 : i32
    %scan3A_80 = arith.constant 782 : i32
    %scan3A_81 = arith.addi %scan3A_79, %scan3A_80 : i32
    %scan3A_82 = arith.constant 1 : i32
    %scan3A_83 = scf.for %scan3A_271 = %scan3A_79 to %scan3A_81 step %scan3A_82 iter_args(%scan3A_272 = %scan3A_69) -> (i32)  : i32 {
      %mul3A_273 = arith.constant 16 : i32
      %mul3A_274 = arith.muli %scan3A_271, %mul3A_273 : i32
      %get3A = arith.index_cast %mul3A_274 : i32 to index
      %get3A_275 = tpu.vector_load %arg5[%get3A] {strides = array<i32>} : memref<12512xi32, #tpu.memory_space<vmem>>, vector<16xi32>,
      %ge3A = vector.broadcast %mul3A_2 : i32 to vector<16xi32>
      %ge3A_276 = arith.cmpi sge, %get3A_275, %ge3A : vector<16xi32>
      %add3A_277 = arith.constant 65536 : i32
      %add3A_278 = arith.addi %mul3A_2, %add3A_277 : i32
      %lt3A = vector.broadcast %add3A_278 : i32 to vector<16xi32>
      %lt3A_279 = arith.cmpi slt, %get3A_275, %lt3A : vector<16xi32>
      %and3A_280 = arith.andi %ge3A_276, %lt3A_279 : vector<16xi1>
      %sub3A_281 = vector.broadcast %mul3A_2 : i32 to vector<16xi32>
      %sub3A_282 = arith.subi %get3A_275, %sub3A_281 : vector<16xi32>
      %swap3A = arith.index_cast %scan3A_272 : i32 to index
      %swap3A_283 = tpu.vector_load %arg7[%swap3A] masked %and3A_280 {strides = array<i32>} : memref<16384xi32, #tpu.memory_space<vmem>>, vector<16xi32>, vector<16xi1>
      tpu.vector_store %arg7[%swap3A], %sub3A_282 masked %and3A_280 {strides = array<i32>} : memref<16384xi32, #tpu.memory_space<vmem>>, vector<16xi32>, vector<16xi1>
      %mul3A_284 = arith.constant 16 : i32
      %mul3A_285 = arith.muli %scan3A_271, %mul3A_284 : i32
      %add3A_286 = arith.constant 50048 : i32
      %add3A_287 = arith.addi %add3A_286, %mul3A_285 : i32
      %add3A_288 = vector.broadcast %add3A_287 : i32 to vector<16xi32>
      %add3A_289 = arith.addi %iota3A, %add3A_288 : vector<16xi32>
      %swap3A_290 = arith.index_cast %scan3A_272 : i32 to index
      %swap3A_291 = tpu.vector_load %arg8[%swap3A_290] masked %and3A_280 {strides = array<i32>} : memref<16384xi32, #tpu.memory_space<vmem>>, vector<16xi32>, vector<16xi1>
      tpu.vector_store %arg8[%swap3A_290], %add3A_289 masked %and3A_280 {strides = array<i32>} : memref<16384xi32, #tpu.memory_space<vmem>>, vector<16xi32>, vector<16xi1>
      %all_reduce_population_count3A = tpu.all_reduce %and3A_280 {dim = 0 : i64, kind = #tpu.reduction_kind<sum>} : vector<16xi1> -> vector<16xi32>
      %slice3A = vector.extract_strided_slice %all_reduce_population_count3A {offsets = [0], sizes = [1], strides = [1]} : vector<16xi32> to vector<1xi32>
      %squeeze3A = vector.extract %slice3A[0] : i32 from vector<1xi32>
      %add3A_292 = arith.addi %scan3A_272, %squeeze3A : i32
      %min3A = arith.constant 16368 : i32
      %min3A_293 = arith.minsi %add3A_292, %min3A : i32
      scf.yield %min3A_293 : i32
    }
    %scan3A_84 = arith.constant 782 : i32
    %dma_wait3A_85 = arith.constant 62560 : i32
    %dma_wait3A_86 = tpu.memref_slice %arg2[%dma_wait3A_85] : memref<200192xi32, #tpu.memory_space<hbm>> -> memref<12512xi32, #tpu.memory_space<hbm>>
    %dma_wait3A_87 = arith.constant 62560 : i32
    %dma_wait3A_88 = tpu.memref_slice %arg2[%dma_wait3A_87] : memref<200192xi32, #tpu.memory_space<hbm>> -> memref<12512xi32, #tpu.memory_space<hbm>>
    tpu.wait_dma2 semaphore(%arg15 : memref<!tpu.dma_semaphore, #tpu.memory_space<semaphore_mem>>) src(%dma_wait3A_88 : memref<12512xi32, #tpu.memory_space<hbm>>) dst(%arg6 : memref<12512xi32, #tpu.memory_space<vmem>>)
    %dma_start3A_89 = arith.constant 75072 : i32
    %dma_start3A_90 = tpu.memref_slice %arg2[%dma_start3A_89] : memref<200192xi32, #tpu.memory_space<hbm>> -> memref<12512xi32, #tpu.memory_space<hbm>>
    %dma_start3A_91 = arith.constant 75072 : i32
    %dma_start3A_92 = tpu.memref_slice %arg2[%dma_start3A_91] : memref<200192xi32, #tpu.memory_space<hbm>> -> memref<12512xi32, #tpu.memory_space<hbm>>
    tpu.enqueue_dma source(%dma_start3A_92 : memref<12512xi32, #tpu.memory_space<hbm>>) target(%arg5 : memref<12512xi32, #tpu.memory_space<vmem>>) target_semaphore(%arg14 : memref<!tpu.dma_semaphore, #tpu.memory_space<semaphore_mem>>)
    %scan3A_93 = arith.constant 0 : i32
    %scan3A_94 = arith.constant 782 : i32
    %scan3A_95 = arith.addi %scan3A_93, %scan3A_94 : i32
    %scan3A_96 = arith.constant 1 : i32
    %scan3A_97 = scf.for %scan3A_271 = %scan3A_93 to %scan3A_95 step %scan3A_96 iter_args(%scan3A_272 = %scan3A_83) -> (i32)  : i32 {
      %mul3A_273 = arith.constant 16 : i32
      %mul3A_274 = arith.muli %scan3A_271, %mul3A_273 : i32
      %get3A = arith.index_cast %mul3A_274 : i32 to index
      %get3A_275 = tpu.vector_load %arg6[%get3A] {strides = array<i32>} : memref<12512xi32, #tpu.memory_space<vmem>>, vector<16xi32>,
      %ge3A = vector.broadcast %mul3A_2 : i32 to vector<16xi32>
      %ge3A_276 = arith.cmpi sge, %get3A_275, %ge3A : vector<16xi32>
      %add3A_277 = arith.constant 65536 : i32
      %add3A_278 = arith.addi %mul3A_2, %add3A_277 : i32
      %lt3A = vector.broadcast %add3A_278 : i32 to vector<16xi32>
      %lt3A_279 = arith.cmpi slt, %get3A_275, %lt3A : vector<16xi32>
      %and3A_280 = arith.andi %ge3A_276, %lt3A_279 : vector<16xi1>
      %sub3A_281 = vector.broadcast %mul3A_2 : i32 to vector<16xi32>
      %sub3A_282 = arith.subi %get3A_275, %sub3A_281 : vector<16xi32>
      %swap3A = arith.index_cast %scan3A_272 : i32 to index
      %swap3A_283 = tpu.vector_load %arg7[%swap3A] masked %and3A_280 {strides = array<i32>} : memref<16384xi32, #tpu.memory_space<vmem>>, vector<16xi32>, vector<16xi1>
      tpu.vector_store %arg7[%swap3A], %sub3A_282 masked %and3A_280 {strides = array<i32>} : memref<16384xi32, #tpu.memory_space<vmem>>, vector<16xi32>, vector<16xi1>
      %mul3A_284 = arith.constant 16 : i32
      %mul3A_285 = arith.muli %scan3A_271, %mul3A_284 : i32
      %add3A_286 = arith.constant 62560 : i32
      %add3A_287 = arith.addi %add3A_286, %mul3A_285 : i32
      %add3A_288 = vector.broadcast %add3A_287 : i32 to vector<16xi32>
      %add3A_289 = arith.addi %iota3A, %add3A_288 : vector<16xi32>
      %swap3A_290 = arith.index_cast %scan3A_272 : i32 to index
      %swap3A_291 = tpu.vector_load %arg8[%swap3A_290] masked %and3A_280 {strides = array<i32>} : memref<16384xi32, #tpu.memory_space<vmem>>, vector<16xi32>, vector<16xi1>
      tpu.vector_store %arg8[%swap3A_290], %add3A_289 masked %and3A_280 {strides = array<i32>} : memref<16384xi32, #tpu.memory_space<vmem>>, vector<16xi32>, vector<16xi1>
      %all_reduce_population_count3A = tpu.all_reduce %and3A_280 {dim = 0 : i64, kind = #tpu.reduction_kind<sum>} : vector<16xi1> -> vector<16xi32>
      %slice3A = vector.extract_strided_slice %all_reduce_population_count3A {offsets = [0], sizes = [1], strides = [1]} : vector<16xi32> to vector<1xi32>
      %squeeze3A = vector.extract %slice3A[0] : i32 from vector<1xi32>
      %add3A_292 = arith.addi %scan3A_272, %squeeze3A : i32
      %min3A = arith.constant 16368 : i32
      %min3A_293 = arith.minsi %add3A_292, %min3A : i32
      scf.yield %min3A_293 : i32
    }
    %scan3A_98 = arith.constant 782 : i32
    %dma_wait3A_99 = arith.constant 75072 : i32
    %dma_wait3A_100 = tpu.memref_slice %arg2[%dma_wait3A_99] : memref<200192xi32, #tpu.memory_space<hbm>> -> memref<12512xi32, #tpu.memory_space<hbm>>
    %dma_wait3A_101 = arith.constant 75072 : i32
    %dma_wait3A_102 = tpu.memref_slice %arg2[%dma_wait3A_101] : memref<200192xi32, #tpu.memory_space<hbm>> -> memref<12512xi32, #tpu.memory_space<hbm>>
    tpu.wait_dma2 semaphore(%arg14 : memref<!tpu.dma_semaphore, #tpu.memory_space<semaphore_mem>>) src(%dma_wait3A_102 : memref<12512xi32, #tpu.memory_space<hbm>>) dst(%arg5 : memref<12512xi32, #tpu.memory_space<vmem>>)
    %dma_start3A_103 = arith.constant 87584 : i32
    %dma_start3A_104 = tpu.memref_slice %arg2[%dma_start3A_103] : memref<200192xi32, #tpu.memory_space<hbm>> -> memref<12512xi32, #tpu.memory_space<hbm>>
    %dma_start3A_105 = arith.constant 87584 : i32
    %dma_start3A_106 = tpu.memref_slice %arg2[%dma_start3A_105] : memref<200192xi32, #tpu.memory_space<hbm>> -> memref<12512xi32, #tpu.memory_space<hbm>>
    tpu.enqueue_dma source(%dma_start3A_106 : memref<12512xi32, #tpu.memory_space<hbm>>) target(%arg6 : memref<12512xi32, #tpu.memory_space<vmem>>) target_semaphore(%arg15 : memref<!tpu.dma_semaphore, #tpu.memory_space<semaphore_mem>>)
    %scan3A_107 = arith.constant 0 : i32
    %scan3A_108 = arith.constant 782 : i32
    %scan3A_109 = arith.addi %scan3A_107, %scan3A_108 : i32
    %scan3A_110 = arith.constant 1 : i32
    %scan3A_111 = scf.for %scan3A_271 = %scan3A_107 to %scan3A_109 step %scan3A_110 iter_args(%scan3A_272 = %scan3A_97) -> (i32)  : i32 {
      %mul3A_273 = arith.constant 16 : i32
      %mul3A_274 = arith.muli %scan3A_271, %mul3A_273 : i32
      %get3A = arith.index_cast %mul3A_274 : i32 to index
      %get3A_275 = tpu.vector_load %arg5[%get3A] {strides = array<i32>} : memref<12512xi32, #tpu.memory_space<vmem>>, vector<16xi32>,
      %ge3A = vector.broadcast %mul3A_2 : i32 to vector<16xi32>
      %ge3A_276 = arith.cmpi sge, %get3A_275, %ge3A : vector<16xi32>
      %add3A_277 = arith.constant 65536 : i32
      %add3A_278 = arith.addi %mul3A_2, %add3A_277 : i32
      %lt3A = vector.broadcast %add3A_278 : i32 to vector<16xi32>
      %lt3A_279 = arith.cmpi slt, %get3A_275, %lt3A : vector<16xi32>
      %and3A_280 = arith.andi %ge3A_276, %lt3A_279 : vector<16xi1>
      %sub3A_281 = vector.broadcast %mul3A_2 : i32 to vector<16xi32>
      %sub3A_282 = arith.subi %get3A_275, %sub3A_281 : vector<16xi32>
      %swap3A = arith.index_cast %scan3A_272 : i32 to index
      %swap3A_283 = tpu.vector_load %arg7[%swap3A] masked %and3A_280 {strides = array<i32>} : memref<16384xi32, #tpu.memory_space<vmem>>, vector<16xi32>, vector<16xi1>
      tpu.vector_store %arg7[%swap3A], %sub3A_282 masked %and3A_280 {strides = array<i32>} : memref<16384xi32, #tpu.memory_space<vmem>>, vector<16xi32>, vector<16xi1>
      %mul3A_284 = arith.constant 16 : i32
      %mul3A_285 = arith.muli %scan3A_271, %mul3A_284 : i32
      %add3A_286 = arith.constant 75072 : i32
      %add3A_287 = arith.addi %add3A_286, %mul3A_285 : i32
      %add3A_288 = vector.broadcast %add3A_287 : i32 to vector<16xi32>
      %add3A_289 = arith.addi %iota3A, %add3A_288 : vector<16xi32>
      %swap3A_290 = arith.index_cast %scan3A_272 : i32 to index
      %swap3A_291 = tpu.vector_load %arg8[%swap3A_290] masked %and3A_280 {strides = array<i32>} : memref<16384xi32, #tpu.memory_space<vmem>>, vector<16xi32>, vector<16xi1>
      tpu.vector_store %arg8[%swap3A_290], %add3A_289 masked %and3A_280 {strides = array<i32>} : memref<16384xi32, #tpu.memory_space<vmem>>, vector<16xi32>, vector<16xi1>
      %all_reduce_population_count3A = tpu.all_reduce %and3A_280 {dim = 0 : i64, kind = #tpu.reduction_kind<sum>} : vector<16xi1> -> vector<16xi32>
      %slice3A = vector.extract_strided_slice %all_reduce_population_count3A {offsets = [0], sizes = [1], strides = [1]} : vector<16xi32> to vector<1xi32>
      %squeeze3A = vector.extract %slice3A[0] : i32 from vector<1xi32>
      %add3A_292 = arith.addi %scan3A_272, %squeeze3A : i32
      %min3A = arith.constant 16368 : i32
      %min3A_293 = arith.minsi %add3A_292, %min3A : i32
      scf.yield %min3A_293 : i32
    }
    %scan3A_112 = arith.constant 782 : i32
    %dma_wait3A_113 = arith.constant 87584 : i32
    %dma_wait3A_114 = tpu.memref_slice %arg2[%dma_wait3A_113] : memref<200192xi32, #tpu.memory_space<hbm>> -> memref<12512xi32, #tpu.memory_space<hbm>>
    %dma_wait3A_115 = arith.constant 87584 : i32
    %dma_wait3A_116 = tpu.memref_slice %arg2[%dma_wait3A_115] : memref<200192xi32, #tpu.memory_space<hbm>> -> memref<12512xi32, #tpu.memory_space<hbm>>
    tpu.wait_dma2 semaphore(%arg15 : memref<!tpu.dma_semaphore, #tpu.memory_space<semaphore_mem>>) src(%dma_wait3A_116 : memref<12512xi32, #tpu.memory_space<hbm>>) dst(%arg6 : memref<12512xi32, #tpu.memory_space<vmem>>)
    %dma_start3A_117 = arith.constant 100096 : i32
    %dma_start3A_118 = tpu.memref_slice %arg2[%dma_start3A_117] : memref<200192xi32, #tpu.memory_space<hbm>> -> memref<12512xi32, #tpu.memory_space<hbm>>
    %dma_start3A_119 = arith.constant 100096 : i32
    %dma_start3A_120 = tpu.memref_slice %arg2[%dma_start3A_119] : memref<200192xi32, #tpu.memory_space<hbm>> -> memref<12512xi32, #tpu.memory_space<hbm>>
    tpu.enqueue_dma source(%dma_start3A_120 : memref<12512xi32, #tpu.memory_space<hbm>>) target(%arg5 : memref<12512xi32, #tpu.memory_space<vmem>>) target_semaphore(%arg14 : memref<!tpu.dma_semaphore, #tpu.memory_space<semaphore_mem>>)
    %scan3A_121 = arith.constant 0 : i32
    %scan3A_122 = arith.constant 782 : i32
    %scan3A_123 = arith.addi %scan3A_121, %scan3A_122 : i32
    %scan3A_124 = arith.constant 1 : i32
    %scan3A_125 = scf.for %scan3A_271 = %scan3A_121 to %scan3A_123 step %scan3A_124 iter_args(%scan3A_272 = %scan3A_111) -> (i32)  : i32 {
      %mul3A_273 = arith.constant 16 : i32
      %mul3A_274 = arith.muli %scan3A_271, %mul3A_273 : i32
      %get3A = arith.index_cast %mul3A_274 : i32 to index
      %get3A_275 = tpu.vector_load %arg6[%get3A] {strides = array<i32>} : memref<12512xi32, #tpu.memory_space<vmem>>, vector<16xi32>,
      %ge3A = vector.broadcast %mul3A_2 : i32 to vector<16xi32>
      %ge3A_276 = arith.cmpi sge, %get3A_275, %ge3A : vector<16xi32>
      %add3A_277 = arith.constant 65536 : i32
      %add3A_278 = arith.addi %mul3A_2, %add3A_277 : i32
      %lt3A = vector.broadcast %add3A_278 : i32 to vector<16xi32>
      %lt3A_279 = arith.cmpi slt, %get3A_275, %lt3A : vector<16xi32>
      %and3A_280 = arith.andi %ge3A_276, %lt3A_279 : vector<16xi1>
      %sub3A_281 = vector.broadcast %mul3A_2 : i32 to vector<16xi32>
      %sub3A_282 = arith.subi %get3A_275, %sub3A_281 : vector<16xi32>
      %swap3A = arith.index_cast %scan3A_272 : i32 to index
      %swap3A_283 = tpu.vector_load %arg7[%swap3A] masked %and3A_280 {strides = array<i32>} : memref<16384xi32, #tpu.memory_space<vmem>>, vector<16xi32>, vector<16xi1>
      tpu.vector_store %arg7[%swap3A], %sub3A_282 masked %and3A_280 {strides = array<i32>} : memref<16384xi32, #tpu.memory_space<vmem>>, vector<16xi32>, vector<16xi1>
      %mul3A_284 = arith.constant 16 : i32
      %mul3A_285 = arith.muli %scan3A_271, %mul3A_284 : i32
      %add3A_286 = arith.constant 87584 : i32
      %add3A_287 = arith.addi %add3A_286, %mul3A_285 : i32
      %add3A_288 = vector.broadcast %add3A_287 : i32 to vector<16xi32>
      %add3A_289 = arith.addi %iota3A, %add3A_288 : vector<16xi32>
      %swap3A_290 = arith.index_cast %scan3A_272 : i32 to index
      %swap3A_291 = tpu.vector_load %arg8[%swap3A_290] masked %and3A_280 {strides = array<i32>} : memref<16384xi32, #tpu.memory_space<vmem>>, vector<16xi32>, vector<16xi1>
      tpu.vector_store %arg8[%swap3A_290], %add3A_289 masked %and3A_280 {strides = array<i32>} : memref<16384xi32, #tpu.memory_space<vmem>>, vector<16xi32>, vector<16xi1>
      %all_reduce_population_count3A = tpu.all_reduce %and3A_280 {dim = 0 : i64, kind = #tpu.reduction_kind<sum>} : vector<16xi1> -> vector<16xi32>
      %slice3A = vector.extract_strided_slice %all_reduce_population_count3A {offsets = [0], sizes = [1], strides = [1]} : vector<16xi32> to vector<1xi32>
      %squeeze3A = vector.extract %slice3A[0] : i32 from vector<1xi32>
      %add3A_292 = arith.addi %scan3A_272, %squeeze3A : i32
      %min3A = arith.constant 16368 : i32
      %min3A_293 = arith.minsi %add3A_292, %min3A : i32
      scf.yield %min3A_293 : i32
    }
    %scan3A_126 = arith.constant 782 : i32
    %dma_wait3A_127 = arith.constant 100096 : i32
    %dma_wait3A_128 = tpu.memref_slice %arg2[%dma_wait3A_127] : memref<200192xi32, #tpu.memory_space<hbm>> -> memref<12512xi32, #tpu.memory_space<hbm>>
    %dma_wait3A_129 = arith.constant 100096 : i32
    %dma_wait3A_130 = tpu.memref_slice %arg2[%dma_wait3A_129] : memref<200192xi32, #tpu.memory_space<hbm>> -> memref<12512xi32, #tpu.memory_space<hbm>>
    tpu.wait_dma2 semaphore(%arg14 : memref<!tpu.dma_semaphore, #tpu.memory_space<semaphore_mem>>) src(%dma_wait3A_130 : memref<12512xi32, #tpu.memory_space<hbm>>) dst(%arg5 : memref<12512xi32, #tpu.memory_space<vmem>>)
    %dma_start3A_131 = arith.constant 112608 : i32
    %dma_start3A_132 = tpu.memref_slice %arg2[%dma_start3A_131] : memref<200192xi32, #tpu.memory_space<hbm>> -> memref<12512xi32, #tpu.memory_space<hbm>>
    %dma_start3A_133 = arith.constant 112608 : i32
    %dma_start3A_134 = tpu.memref_slice %arg2[%dma_start3A_133] : memref<200192xi32, #tpu.memory_space<hbm>> -> memref<12512xi32, #tpu.memory_space<hbm>>
    tpu.enqueue_dma source(%dma_start3A_134 : memref<12512xi32, #tpu.memory_space<hbm>>) target(%arg6 : memref<12512xi32, #tpu.memory_space<vmem>>) target_semaphore(%arg15 : memref<!tpu.dma_semaphore, #tpu.memory_space<semaphore_mem>>)
    %scan3A_135 = arith.constant 0 : i32
    %scan3A_136 = arith.constant 782 : i32
    %scan3A_137 = arith.addi %scan3A_135, %scan3A_136 : i32
    %scan3A_138 = arith.constant 1 : i32
    %scan3A_139 = scf.for %scan3A_271 = %scan3A_135 to %scan3A_137 step %scan3A_138 iter_args(%scan3A_272 = %scan3A_125) -> (i32)  : i32 {
      %mul3A_273 = arith.constant 16 : i32
      %mul3A_274 = arith.muli %scan3A_271, %mul3A_273 : i32
      %get3A = arith.index_cast %mul3A_274 : i32 to index
      %get3A_275 = tpu.vector_load %arg5[%get3A] {strides = array<i32>} : memref<12512xi32, #tpu.memory_space<vmem>>, vector<16xi32>,
      %ge3A = vector.broadcast %mul3A_2 : i32 to vector<16xi32>
      %ge3A_276 = arith.cmpi sge, %get3A_275, %ge3A : vector<16xi32>
      %add3A_277 = arith.constant 65536 : i32
      %add3A_278 = arith.addi %mul3A_2, %add3A_277 : i32
      %lt3A = vector.broadcast %add3A_278 : i32 to vector<16xi32>
      %lt3A_279 = arith.cmpi slt, %get3A_275, %lt3A : vector<16xi32>
      %and3A_280 = arith.andi %ge3A_276, %lt3A_279 : vector<16xi1>
      %sub3A_281 = vector.broadcast %mul3A_2 : i32 to vector<16xi32>
      %sub3A_282 = arith.subi %get3A_275, %sub3A_281 : vector<16xi32>
      %swap3A = arith.index_cast %scan3A_272 : i32 to index
      %swap3A_283 = tpu.vector_load %arg7[%swap3A] masked %and3A_280 {strides = array<i32>} : memref<16384xi32, #tpu.memory_space<vmem>>, vector<16xi32>, vector<16xi1>
      tpu.vector_store %arg7[%swap3A], %sub3A_282 masked %and3A_280 {strides = array<i32>} : memref<16384xi32, #tpu.memory_space<vmem>>, vector<16xi32>, vector<16xi1>
      %mul3A_284 = arith.constant 16 : i32
      %mul3A_285 = arith.muli %scan3A_271, %mul3A_284 : i32
      %add3A_286 = arith.constant 100096 : i32
      %add3A_287 = arith.addi %add3A_286, %mul3A_285 : i32
      %add3A_288 = vector.broadcast %add3A_287 : i32 to vector<16xi32>
      %add3A_289 = arith.addi %iota3A, %add3A_288 : vector<16xi32>
      %swap3A_290 = arith.index_cast %scan3A_272 : i32 to index
      %swap3A_291 = tpu.vector_load %arg8[%swap3A_290] masked %and3A_280 {strides = array<i32>} : memref<16384xi32, #tpu.memory_space<vmem>>, vector<16xi32>, vector<16xi1>
      tpu.vector_store %arg8[%swap3A_290], %add3A_289 masked %and3A_280 {strides = array<i32>} : memref<16384xi32, #tpu.memory_space<vmem>>, vector<16xi32>, vector<16xi1>
      %all_reduce_population_count3A = tpu.all_reduce %and3A_280 {dim = 0 : i64, kind = #tpu.reduction_kind<sum>} : vector<16xi1> -> vector<16xi32>
      %slice3A = vector.extract_strided_slice %all_reduce_population_count3A {offsets = [0], sizes = [1], strides = [1]} : vector<16xi32> to vector<1xi32>
      %squeeze3A = vector.extract %slice3A[0] : i32 from vector<1xi32>
      %add3A_292 = arith.addi %scan3A_272, %squeeze3A : i32
      %min3A = arith.constant 16368 : i32
      %min3A_293 = arith.minsi %add3A_292, %min3A : i32
      scf.yield %min3A_293 : i32
    }
    %scan3A_140 = arith.constant 782 : i32
    %dma_wait3A_141 = arith.constant 112608 : i32
    %dma_wait3A_142 = tpu.memref_slice %arg2[%dma_wait3A_141] : memref<200192xi32, #tpu.memory_space<hbm>> -> memref<12512xi32, #tpu.memory_space<hbm>>
    %dma_wait3A_143 = arith.constant 112608 : i32
    %dma_wait3A_144 = tpu.memref_slice %arg2[%dma_wait3A_143] : memref<200192xi32, #tpu.memory_space<hbm>> -> memref<12512xi32, #tpu.memory_space<hbm>>
    tpu.wait_dma2 semaphore(%arg15 : memref<!tpu.dma_semaphore, #tpu.memory_space<semaphore_mem>>) src(%dma_wait3A_144 : memref<12512xi32, #tpu.memory_space<hbm>>) dst(%arg6 : memref<12512xi32, #tpu.memory_space<vmem>>)
    %dma_start3A_145 = arith.constant 125120 : i32
    %dma_start3A_146 = tpu.memref_slice %arg2[%dma_start3A_145] : memref<200192xi32, #tpu.memory_space<hbm>> -> memref<12512xi32, #tpu.memory_space<hbm>>
    %dma_start3A_147 = arith.constant 125120 : i32
    %dma_start3A_148 = tpu.memref_slice %arg2[%dma_start3A_147] : memref<200192xi32, #tpu.memory_space<hbm>> -> memref<12512xi32, #tpu.memory_space<hbm>>
    tpu.enqueue_dma source(%dma_start3A_148 : memref<12512xi32, #tpu.memory_space<hbm>>) target(%arg5 : memref<12512xi32, #tpu.memory_space<vmem>>) target_semaphore(%arg14 : memref<!tpu.dma_semaphore, #tpu.memory_space<semaphore_mem>>)
    %scan3A_149 = arith.constant 0 : i32
    %scan3A_150 = arith.constant 782 : i32
    %scan3A_151 = arith.addi %scan3A_149, %scan3A_150 : i32
    %scan3A_152 = arith.constant 1 : i32
    %scan3A_153 = scf.for %scan3A_271 = %scan3A_149 to %scan3A_151 step %scan3A_152 iter_args(%scan3A_272 = %scan3A_139) -> (i32)  : i32 {
      %mul3A_273 = arith.constant 16 : i32
      %mul3A_274 = arith.muli %scan3A_271, %mul3A_273 : i32
      %get3A = arith.index_cast %mul3A_274 : i32 to index
      %get3A_275 = tpu.vector_load %arg6[%get3A] {strides = array<i32>} : memref<12512xi32, #tpu.memory_space<vmem>>, vector<16xi32>,
      %ge3A = vector.broadcast %mul3A_2 : i32 to vector<16xi32>
      %ge3A_276 = arith.cmpi sge, %get3A_275, %ge3A : vector<16xi32>
      %add3A_277 = arith.constant 65536 : i32
      %add3A_278 = arith.addi %mul3A_2, %add3A_277 : i32
      %lt3A = vector.broadcast %add3A_278 : i32 to vector<16xi32>
      %lt3A_279 = arith.cmpi slt, %get3A_275, %lt3A : vector<16xi32>
      %and3A_280 = arith.andi %ge3A_276, %lt3A_279 : vector<16xi1>
      %sub3A_281 = vector.broadcast %mul3A_2 : i32 to vector<16xi32>
      %sub3A_282 = arith.subi %get3A_275, %sub3A_281 : vector<16xi32>
      %swap3A = arith.index_cast %scan3A_272 : i32 to index
      %swap3A_283 = tpu.vector_load %arg7[%swap3A] masked %and3A_280 {strides = array<i32>} : memref<16384xi32, #tpu.memory_space<vmem>>, vector<16xi32>, vector<16xi1>
      tpu.vector_store %arg7[%swap3A], %sub3A_282 masked %and3A_280 {strides = array<i32>} : memref<16384xi32, #tpu.memory_space<vmem>>, vector<16xi32>, vector<16xi1>
      %mul3A_284 = arith.constant 16 : i32
      %mul3A_285 = arith.muli %scan3A_271, %mul3A_284 : i32
      %add3A_286 = arith.constant 112608 : i32
      %add3A_287 = arith.addi %add3A_286, %mul3A_285 : i32
      %add3A_288 = vector.broadcast %add3A_287 : i32 to vector<16xi32>
      %add3A_289 = arith.addi %iota3A, %add3A_288 : vector<16xi32>
      %swap3A_290 = arith.index_cast %scan3A_272 : i32 to index
      %swap3A_291 = tpu.vector_load %arg8[%swap3A_290] masked %and3A_280 {strides = array<i32>} : memref<16384xi32, #tpu.memory_space<vmem>>, vector<16xi32>, vector<16xi1>
      tpu.vector_store %arg8[%swap3A_290], %add3A_289 masked %and3A_280 {strides = array<i32>} : memref<16384xi32, #tpu.memory_space<vmem>>, vector<16xi32>, vector<16xi1>
      %all_reduce_population_count3A = tpu.all_reduce %and3A_280 {dim = 0 : i64, kind = #tpu.reduction_kind<sum>} : vector<16xi1> -> vector<16xi32>
      %slice3A = vector.extract_strided_slice %all_reduce_population_count3A {offsets = [0], sizes = [1], strides = [1]} : vector<16xi32> to vector<1xi32>
      %squeeze3A = vector.extract %slice3A[0] : i32 from vector<1xi32>
      %add3A_292 = arith.addi %scan3A_272, %squeeze3A : i32
      %min3A = arith.constant 16368 : i32
      %min3A_293 = arith.minsi %add3A_292, %min3A : i32
      scf.yield %min3A_293 : i32
    }
    %scan3A_154 = arith.constant 782 : i32
    %dma_wait3A_155 = arith.constant 125120 : i32
    %dma_wait3A_156 = tpu.memref_slice %arg2[%dma_wait3A_155] : memref<200192xi32, #tpu.memory_space<hbm>> -> memref<12512xi32, #tpu.memory_space<hbm>>
    %dma_wait3A_157 = arith.constant 125120 : i32
    %dma_wait3A_158 = tpu.memref_slice %arg2[%dma_wait3A_157] : memref<200192xi32, #tpu.memory_space<hbm>> -> memref<12512xi32, #tpu.memory_space<hbm>>
    tpu.wait_dma2 semaphore(%arg14 : memref<!tpu.dma_semaphore, #tpu.memory_space<semaphore_mem>>) src(%dma_wait3A_158 : memref<12512xi32, #tpu.memory_space<hbm>>) dst(%arg5 : memref<12512xi32, #tpu.memory_space<vmem>>)
    %dma_start3A_159 = arith.constant 137632 : i32
    %dma_start3A_160 = tpu.memref_slice %arg2[%dma_start3A_159] : memref<200192xi32, #tpu.memory_space<hbm>> -> memref<12512xi32, #tpu.memory_space<hbm>>
    %dma_start3A_161 = arith.constant 137632 : i32
    %dma_start3A_162 = tpu.memref_slice %arg2[%dma_start3A_161] : memref<200192xi32, #tpu.memory_space<hbm>> -> memref<12512xi32, #tpu.memory_space<hbm>>
    tpu.enqueue_dma source(%dma_start3A_162 : memref<12512xi32, #tpu.memory_space<hbm>>) target(%arg6 : memref<12512xi32, #tpu.memory_space<vmem>>) target_semaphore(%arg15 : memref<!tpu.dma_semaphore, #tpu.memory_space<semaphore_mem>>)
    %scan3A_163 = arith.constant 0 : i32
    %scan3A_164 = arith.constant 782 : i32
    %scan3A_165 = arith.addi %scan3A_163, %scan3A_164 : i32
    %scan3A_166 = arith.constant 1 : i32
    %scan3A_167 = scf.for %scan3A_271 = %scan3A_163 to %scan3A_165 step %scan3A_166 iter_args(%scan3A_272 = %scan3A_153) -> (i32)  : i32 {
      %mul3A_273 = arith.constant 16 : i32
      %mul3A_274 = arith.muli %scan3A_271, %mul3A_273 : i32
      %get3A = arith.index_cast %mul3A_274 : i32 to index
      %get3A_275 = tpu.vector_load %arg5[%get3A] {strides = array<i32>} : memref<12512xi32, #tpu.memory_space<vmem>>, vector<16xi32>,
      %ge3A = vector.broadcast %mul3A_2 : i32 to vector<16xi32>
      %ge3A_276 = arith.cmpi sge, %get3A_275, %ge3A : vector<16xi32>
      %add3A_277 = arith.constant 65536 : i32
      %add3A_278 = arith.addi %mul3A_2, %add3A_277 : i32
      %lt3A = vector.broadcast %add3A_278 : i32 to vector<16xi32>
      %lt3A_279 = arith.cmpi slt, %get3A_275, %lt3A : vector<16xi32>
      %and3A_280 = arith.andi %ge3A_276, %lt3A_279 : vector<16xi1>
      %sub3A_281 = vector.broadcast %mul3A_2 : i32 to vector<16xi32>
      %sub3A_282 = arith.subi %get3A_275, %sub3A_281 : vector<16xi32>
      %swap3A = arith.index_cast %scan3A_272 : i32 to index
      %swap3A_283 = tpu.vector_load %arg7[%swap3A] masked %and3A_280 {strides = array<i32>} : memref<16384xi32, #tpu.memory_space<vmem>>, vector<16xi32>, vector<16xi1>
      tpu.vector_store %arg7[%swap3A], %sub3A_282 masked %and3A_280 {strides = array<i32>} : memref<16384xi32, #tpu.memory_space<vmem>>, vector<16xi32>, vector<16xi1>
      %mul3A_284 = arith.constant 16 : i32
      %mul3A_285 = arith.muli %scan3A_271, %mul3A_284 : i32
      %add3A_286 = arith.constant 125120 : i32
      %add3A_287 = arith.addi %add3A_286, %mul3A_285 : i32
      %add3A_288 = vector.broadcast %add3A_287 : i32 to vector<16xi32>
      %add3A_289 = arith.addi %iota3A, %add3A_288 : vector<16xi32>
      %swap3A_290 = arith.index_cast %scan3A_272 : i32 to index
      %swap3A_291 = tpu.vector_load %arg8[%swap3A_290] masked %and3A_280 {strides = array<i32>} : memref<16384xi32, #tpu.memory_space<vmem>>, vector<16xi32>, vector<16xi1>
      tpu.vector_store %arg8[%swap3A_290], %add3A_289 masked %and3A_280 {strides = array<i32>} : memref<16384xi32, #tpu.memory_space<vmem>>, vector<16xi32>, vector<16xi1>
      %all_reduce_population_count3A = tpu.all_reduce %and3A_280 {dim = 0 : i64, kind = #tpu.reduction_kind<sum>} : vector<16xi1> -> vector<16xi32>
      %slice3A = vector.extract_strided_slice %all_reduce_population_count3A {offsets = [0], sizes = [1], strides = [1]} : vector<16xi32> to vector<1xi32>
      %squeeze3A = vector.extract %slice3A[0] : i32 from vector<1xi32>
      %add3A_292 = arith.addi %scan3A_272, %squeeze3A : i32
      %min3A = arith.constant 16368 : i32
      %min3A_293 = arith.minsi %add3A_292, %min3A : i32
      scf.yield %min3A_293 : i32
    }
    %scan3A_168 = arith.constant 782 : i32
    %dma_wait3A_169 = arith.constant 137632 : i32
    %dma_wait3A_170 = tpu.memref_slice %arg2[%dma_wait3A_169] : memref<200192xi32, #tpu.memory_space<hbm>> -> memref<12512xi32, #tpu.memory_space<hbm>>
    %dma_wait3A_171 = arith.constant 137632 : i32
    %dma_wait3A_172 = tpu.memref_slice %arg2[%dma_wait3A_171] : memref<200192xi32, #tpu.memory_space<hbm>> -> memref<12512xi32, #tpu.memory_space<hbm>>
    tpu.wait_dma2 semaphore(%arg15 : memref<!tpu.dma_semaphore, #tpu.memory_space<semaphore_mem>>) src(%dma_wait3A_172 : memref<12512xi32, #tpu.memory_space<hbm>>) dst(%arg6 : memref<12512xi32, #tpu.memory_space<vmem>>)
    %dma_start3A_173 = arith.constant 150144 : i32
    %dma_start3A_174 = tpu.memref_slice %arg2[%dma_start3A_173] : memref<200192xi32, #tpu.memory_space<hbm>> -> memref<12512xi32, #tpu.memory_space<hbm>>
    %dma_start3A_175 = arith.constant 150144 : i32
    %dma_start3A_176 = tpu.memref_slice %arg2[%dma_start3A_175] : memref<200192xi32, #tpu.memory_space<hbm>> -> memref<12512xi32, #tpu.memory_space<hbm>>
    tpu.enqueue_dma source(%dma_start3A_176 : memref<12512xi32, #tpu.memory_space<hbm>>) target(%arg5 : memref<12512xi32, #tpu.memory_space<vmem>>) target_semaphore(%arg14 : memref<!tpu.dma_semaphore, #tpu.memory_space<semaphore_mem>>)
    %scan3A_177 = arith.constant 0 : i32
    %scan3A_178 = arith.constant 782 : i32
    %scan3A_179 = arith.addi %scan3A_177, %scan3A_178 : i32
    %scan3A_180 = arith.constant 1 : i32
    %scan3A_181 = scf.for %scan3A_271 = %scan3A_177 to %scan3A_179 step %scan3A_180 iter_args(%scan3A_272 = %scan3A_167) -> (i32)  : i32 {
      %mul3A_273 = arith.constant 16 : i32
      %mul3A_274 = arith.muli %scan3A_271, %mul3A_273 : i32
      %get3A = arith.index_cast %mul3A_274 : i32 to index
      %get3A_275 = tpu.vector_load %arg6[%get3A] {strides = array<i32>} : memref<12512xi32, #tpu.memory_space<vmem>>, vector<16xi32>,
      %ge3A = vector.broadcast %mul3A_2 : i32 to vector<16xi32>
      %ge3A_276 = arith.cmpi sge, %get3A_275, %ge3A : vector<16xi32>
      %add3A_277 = arith.constant 65536 : i32
      %add3A_278 = arith.addi %mul3A_2, %add3A_277 : i32
      %lt3A = vector.broadcast %add3A_278 : i32 to vector<16xi32>
      %lt3A_279 = arith.cmpi slt, %get3A_275, %lt3A : vector<16xi32>
      %and3A_280 = arith.andi %ge3A_276, %lt3A_279 : vector<16xi1>
      %sub3A_281 = vector.broadcast %mul3A_2 : i32 to vector<16xi32>
      %sub3A_282 = arith.subi %get3A_275, %sub3A_281 : vector<16xi32>
      %swap3A = arith.index_cast %scan3A_272 : i32 to index
      %swap3A_283 = tpu.vector_load %arg7[%swap3A] masked %and3A_280 {strides = array<i32>} : memref<16384xi32, #tpu.memory_space<vmem>>, vector<16xi32>, vector<16xi1>
      tpu.vector_store %arg7[%swap3A], %sub3A_282 masked %and3A_280 {strides = array<i32>} : memref<16384xi32, #tpu.memory_space<vmem>>, vector<16xi32>, vector<16xi1>
      %mul3A_284 = arith.constant 16 : i32
      %mul3A_285 = arith.muli %scan3A_271, %mul3A_284 : i32
      %add3A_286 = arith.constant 137632 : i32
      %add3A_287 = arith.addi %add3A_286, %mul3A_285 : i32
      %add3A_288 = vector.broadcast %add3A_287 : i32 to vector<16xi32>
      %add3A_289 = arith.addi %iota3A, %add3A_288 : vector<16xi32>
      %swap3A_290 = arith.index_cast %scan3A_272 : i32 to index
      %swap3A_291 = tpu.vector_load %arg8[%swap3A_290] masked %and3A_280 {strides = array<i32>} : memref<16384xi32, #tpu.memory_space<vmem>>, vector<16xi32>, vector<16xi1>
      tpu.vector_store %arg8[%swap3A_290], %add3A_289 masked %and3A_280 {strides = array<i32>} : memref<16384xi32, #tpu.memory_space<vmem>>, vector<16xi32>, vector<16xi1>
      %all_reduce_population_count3A = tpu.all_reduce %and3A_280 {dim = 0 : i64, kind = #tpu.reduction_kind<sum>} : vector<16xi1> -> vector<16xi32>
      %slice3A = vector.extract_strided_slice %all_reduce_population_count3A {offsets = [0], sizes = [1], strides = [1]} : vector<16xi32> to vector<1xi32>
      %squeeze3A = vector.extract %slice3A[0] : i32 from vector<1xi32>
      %add3A_292 = arith.addi %scan3A_272, %squeeze3A : i32
      %min3A = arith.constant 16368 : i32
      %min3A_293 = arith.minsi %add3A_292, %min3A : i32
      scf.yield %min3A_293 : i32
    }
    %scan3A_182 = arith.constant 782 : i32
    %dma_wait3A_183 = arith.constant 150144 : i32
    %dma_wait3A_184 = tpu.memref_slice %arg2[%dma_wait3A_183] : memref<200192xi32, #tpu.memory_space<hbm>> -> memref<12512xi32, #tpu.memory_space<hbm>>
    %dma_wait3A_185 = arith.constant 150144 : i32
    %dma_wait3A_186 = tpu.memref_slice %arg2[%dma_wait3A_185] : memref<200192xi32, #tpu.memory_space<hbm>> -> memref<12512xi32, #tpu.memory_space<hbm>>
    tpu.wait_dma2 semaphore(%arg14 : memref<!tpu.dma_semaphore, #tpu.memory_space<semaphore_mem>>) src(%dma_wait3A_186 : memref<12512xi32, #tpu.memory_space<hbm>>) dst(%arg5 : memref<12512xi32, #tpu.memory_space<vmem>>)
    %dma_start3A_187 = arith.constant 162656 : i32
    %dma_start3A_188 = tpu.memref_slice %arg2[%dma_start3A_187] : memref<200192xi32, #tpu.memory_space<hbm>> -> memref<12512xi32, #tpu.memory_space<hbm>>
    %dma_start3A_189 = arith.constant 162656 : i32
    %dma_start3A_190 = tpu.memref_slice %arg2[%dma_start3A_189] : memref<200192xi32, #tpu.memory_space<hbm>> -> memref<12512xi32, #tpu.memory_space<hbm>>
    tpu.enqueue_dma source(%dma_start3A_190 : memref<12512xi32, #tpu.memory_space<hbm>>) target(%arg6 : memref<12512xi32, #tpu.memory_space<vmem>>) target_semaphore(%arg15 : memref<!tpu.dma_semaphore, #tpu.memory_space<semaphore_mem>>)
    %scan3A_191 = arith.constant 0 : i32
    %scan3A_192 = arith.constant 782 : i32
    %scan3A_193 = arith.addi %scan3A_191, %scan3A_192 : i32
    %scan3A_194 = arith.constant 1 : i32
    %scan3A_195 = scf.for %scan3A_271 = %scan3A_191 to %scan3A_193 step %scan3A_194 iter_args(%scan3A_272 = %scan3A_181) -> (i32)  : i32 {
      %mul3A_273 = arith.constant 16 : i32
      %mul3A_274 = arith.muli %scan3A_271, %mul3A_273 : i32
      %get3A = arith.index_cast %mul3A_274 : i32 to index
      %get3A_275 = tpu.vector_load %arg5[%get3A] {strides = array<i32>} : memref<12512xi32, #tpu.memory_space<vmem>>, vector<16xi32>,
      %ge3A = vector.broadcast %mul3A_2 : i32 to vector<16xi32>
      %ge3A_276 = arith.cmpi sge, %get3A_275, %ge3A : vector<16xi32>
      %add3A_277 = arith.constant 65536 : i32
      %add3A_278 = arith.addi %mul3A_2, %add3A_277 : i32
      %lt3A = vector.broadcast %add3A_278 : i32 to vector<16xi32>
      %lt3A_279 = arith.cmpi slt, %get3A_275, %lt3A : vector<16xi32>
      %and3A_280 = arith.andi %ge3A_276, %lt3A_279 : vector<16xi1>
      %sub3A_281 = vector.broadcast %mul3A_2 : i32 to vector<16xi32>
      %sub3A_282 = arith.subi %get3A_275, %sub3A_281 : vector<16xi32>
      %swap3A = arith.index_cast %scan3A_272 : i32 to index
      %swap3A_283 = tpu.vector_load %arg7[%swap3A] masked %and3A_280 {strides = array<i32>} : memref<16384xi32, #tpu.memory_space<vmem>>, vector<16xi32>, vector<16xi1>
      tpu.vector_store %arg7[%swap3A], %sub3A_282 masked %and3A_280 {strides = array<i32>} : memref<16384xi32, #tpu.memory_space<vmem>>, vector<16xi32>, vector<16xi1>
      %mul3A_284 = arith.constant 16 : i32
      %mul3A_285 = arith.muli %scan3A_271, %mul3A_284 : i32
      %add3A_286 = arith.constant 150144 : i32
      %add3A_287 = arith.addi %add3A_286, %mul3A_285 : i32
      %add3A_288 = vector.broadcast %add3A_287 : i32 to vector<16xi32>
      %add3A_289 = arith.addi %iota3A, %add3A_288 : vector<16xi32>
      %swap3A_290 = arith.index_cast %scan3A_272 : i32 to index
      %swap3A_291 = tpu.vector_load %arg8[%swap3A_290] masked %and3A_280 {strides = array<i32>} : memref<16384xi32, #tpu.memory_space<vmem>>, vector<16xi32>, vector<16xi1>
      tpu.vector_store %arg8[%swap3A_290], %add3A_289 masked %and3A_280 {strides = array<i32>} : memref<16384xi32, #tpu.memory_space<vmem>>, vector<16xi32>, vector<16xi1>
      %all_reduce_population_count3A = tpu.all_reduce %and3A_280 {dim = 0 : i64, kind = #tpu.reduction_kind<sum>} : vector<16xi1> -> vector<16xi32>
      %slice3A = vector.extract_strided_slice %all_reduce_population_count3A {offsets = [0], sizes = [1], strides = [1]} : vector<16xi32> to vector<1xi32>
      %squeeze3A = vector.extract %slice3A[0] : i32 from vector<1xi32>
      %add3A_292 = arith.addi %scan3A_272, %squeeze3A : i32
      %min3A = arith.constant 16368 : i32
      %min3A_293 = arith.minsi %add3A_292, %min3A : i32
      scf.yield %min3A_293 : i32
    }
    %scan3A_196 = arith.constant 782 : i32
    %dma_wait3A_197 = arith.constant 162656 : i32
    %dma_wait3A_198 = tpu.memref_slice %arg2[%dma_wait3A_197] : memref<200192xi32, #tpu.memory_space<hbm>> -> memref<12512xi32, #tpu.memory_space<hbm>>
    %dma_wait3A_199 = arith.constant 162656 : i32
    %dma_wait3A_200 = tpu.memref_slice %arg2[%dma_wait3A_199] : memref<200192xi32, #tpu.memory_space<hbm>> -> memref<12512xi32, #tpu.memory_space<hbm>>
    tpu.wait_dma2 semaphore(%arg15 : memref<!tpu.dma_semaphore, #tpu.memory_space<semaphore_mem>>) src(%dma_wait3A_200 : memref<12512xi32, #tpu.memory_space<hbm>>) dst(%arg6 : memref<12512xi32, #tpu.memory_space<vmem>>)
    %dma_start3A_201 = arith.constant 175168 : i32
    %dma_start3A_202 = tpu.memref_slice %arg2[%dma_start3A_201] : memref<200192xi32, #tpu.memory_space<hbm>> -> memref<12512xi32, #tpu.memory_space<hbm>>
    %dma_start3A_203 = arith.constant 175168 : i32
    %dma_start3A_204 = tpu.memref_slice %arg2[%dma_start3A_203] : memref<200192xi32, #tpu.memory_space<hbm>> -> memref<12512xi32, #tpu.memory_space<hbm>>
    tpu.enqueue_dma source(%dma_start3A_204 : memref<12512xi32, #tpu.memory_space<hbm>>) target(%arg5 : memref<12512xi32, #tpu.memory_space<vmem>>) target_semaphore(%arg14 : memref<!tpu.dma_semaphore, #tpu.memory_space<semaphore_mem>>)
    %scan3A_205 = arith.constant 0 : i32
    %scan3A_206 = arith.constant 782 : i32
    %scan3A_207 = arith.addi %scan3A_205, %scan3A_206 : i32
    %scan3A_208 = arith.constant 1 : i32
    %scan3A_209 = scf.for %scan3A_271 = %scan3A_205 to %scan3A_207 step %scan3A_208 iter_args(%scan3A_272 = %scan3A_195) -> (i32)  : i32 {
      %mul3A_273 = arith.constant 16 : i32
      %mul3A_274 = arith.muli %scan3A_271, %mul3A_273 : i32
      %get3A = arith.index_cast %mul3A_274 : i32 to index
      %get3A_275 = tpu.vector_load %arg6[%get3A] {strides = array<i32>} : memref<12512xi32, #tpu.memory_space<vmem>>, vector<16xi32>,
      %ge3A = vector.broadcast %mul3A_2 : i32 to vector<16xi32>
      %ge3A_276 = arith.cmpi sge, %get3A_275, %ge3A : vector<16xi32>
      %add3A_277 = arith.constant 65536 : i32
      %add3A_278 = arith.addi %mul3A_2, %add3A_277 : i32
      %lt3A = vector.broadcast %add3A_278 : i32 to vector<16xi32>
      %lt3A_279 = arith.cmpi slt, %get3A_275, %lt3A : vector<16xi32>
      %and3A_280 = arith.andi %ge3A_276, %lt3A_279 : vector<16xi1>
      %sub3A_281 = vector.broadcast %mul3A_2 : i32 to vector<16xi32>
      %sub3A_282 = arith.subi %get3A_275, %sub3A_281 : vector<16xi32>
      %swap3A = arith.index_cast %scan3A_272 : i32 to index
      %swap3A_283 = tpu.vector_load %arg7[%swap3A] masked %and3A_280 {strides = array<i32>} : memref<16384xi32, #tpu.memory_space<vmem>>, vector<16xi32>, vector<16xi1>
      tpu.vector_store %arg7[%swap3A], %sub3A_282 masked %and3A_280 {strides = array<i32>} : memref<16384xi32, #tpu.memory_space<vmem>>, vector<16xi32>, vector<16xi1>
      %mul3A_284 = arith.constant 16 : i32
      %mul3A_285 = arith.muli %scan3A_271, %mul3A_284 : i32
      %add3A_286 = arith.constant 162656 : i32
      %add3A_287 = arith.addi %add3A_286, %mul3A_285 : i32
      %add3A_288 = vector.broadcast %add3A_287 : i32 to vector<16xi32>
      %add3A_289 = arith.addi %iota3A, %add3A_288 : vector<16xi32>
      %swap3A_290 = arith.index_cast %scan3A_272 : i32 to index
      %swap3A_291 = tpu.vector_load %arg8[%swap3A_290] masked %and3A_280 {strides = array<i32>} : memref<16384xi32, #tpu.memory_space<vmem>>, vector<16xi32>, vector<16xi1>
      tpu.vector_store %arg8[%swap3A_290], %add3A_289 masked %and3A_280 {strides = array<i32>} : memref<16384xi32, #tpu.memory_space<vmem>>, vector<16xi32>, vector<16xi1>
      %all_reduce_population_count3A = tpu.all_reduce %and3A_280 {dim = 0 : i64, kind = #tpu.reduction_kind<sum>} : vector<16xi1> -> vector<16xi32>
      %slice3A = vector.extract_strided_slice %all_reduce_population_count3A {offsets = [0], sizes = [1], strides = [1]} : vector<16xi32> to vector<1xi32>
      %squeeze3A = vector.extract %slice3A[0] : i32 from vector<1xi32>
      %add3A_292 = arith.addi %scan3A_272, %squeeze3A : i32
      %min3A = arith.constant 16368 : i32
      %min3A_293 = arith.minsi %add3A_292, %min3A : i32
      scf.yield %min3A_293 : i32
    }
    %scan3A_210 = arith.constant 782 : i32
    %dma_wait3A_211 = arith.constant 175168 : i32
    %dma_wait3A_212 = tpu.memref_slice %arg2[%dma_wait3A_211] : memref<200192xi32, #tpu.memory_space<hbm>> -> memref<12512xi32, #tpu.memory_space<hbm>>
    %dma_wait3A_213 = arith.constant 175168 : i32
    %dma_wait3A_214 = tpu.memref_slice %arg2[%dma_wait3A_213] : memref<200192xi32, #tpu.memory_space<hbm>> -> memref<12512xi32, #tpu.memory_space<hbm>>
    tpu.wait_dma2 semaphore(%arg14 : memref<!tpu.dma_semaphore, #tpu.memory_space<semaphore_mem>>) src(%dma_wait3A_214 : memref<12512xi32, #tpu.memory_space<hbm>>) dst(%arg5 : memref<12512xi32, #tpu.memory_space<vmem>>)
    %dma_start3A_215 = arith.constant 187680 : i32
    %dma_start3A_216 = tpu.memref_slice %arg2[%dma_start3A_215] : memref<200192xi32, #tpu.memory_space<hbm>> -> memref<12512xi32, #tpu.memory_space<hbm>>
    %dma_start3A_217 = arith.constant 187680 : i32
    %dma_start3A_218 = tpu.memref_slice %arg2[%dma_start3A_217] : memref<200192xi32, #tpu.memory_space<hbm>> -> memref<12512xi32, #tpu.memory_space<hbm>>
    tpu.enqueue_dma source(%dma_start3A_218 : memref<12512xi32, #tpu.memory_space<hbm>>) target(%arg6 : memref<12512xi32, #tpu.memory_space<vmem>>) target_semaphore(%arg15 : memref<!tpu.dma_semaphore, #tpu.memory_space<semaphore_mem>>)
    %scan3A_219 = arith.constant 0 : i32
    %scan3A_220 = arith.constant 782 : i32
    %scan3A_221 = arith.addi %scan3A_219, %scan3A_220 : i32
    %scan3A_222 = arith.constant 1 : i32
    %scan3A_223 = scf.for %scan3A_271 = %scan3A_219 to %scan3A_221 step %scan3A_222 iter_args(%scan3A_272 = %scan3A_209) -> (i32)  : i32 {
      %mul3A_273 = arith.constant 16 : i32
      %mul3A_274 = arith.muli %scan3A_271, %mul3A_273 : i32
      %get3A = arith.index_cast %mul3A_274 : i32 to index
      %get3A_275 = tpu.vector_load %arg5[%get3A] {strides = array<i32>} : memref<12512xi32, #tpu.memory_space<vmem>>, vector<16xi32>,
      %ge3A = vector.broadcast %mul3A_2 : i32 to vector<16xi32>
      %ge3A_276 = arith.cmpi sge, %get3A_275, %ge3A : vector<16xi32>
      %add3A_277 = arith.constant 65536 : i32
      %add3A_278 = arith.addi %mul3A_2, %add3A_277 : i32
      %lt3A = vector.broadcast %add3A_278 : i32 to vector<16xi32>
      %lt3A_279 = arith.cmpi slt, %get3A_275, %lt3A : vector<16xi32>
      %and3A_280 = arith.andi %ge3A_276, %lt3A_279 : vector<16xi1>
      %sub3A_281 = vector.broadcast %mul3A_2 : i32 to vector<16xi32>
      %sub3A_282 = arith.subi %get3A_275, %sub3A_281 : vector<16xi32>
      %swap3A = arith.index_cast %scan3A_272 : i32 to index
      %swap3A_283 = tpu.vector_load %arg7[%swap3A] masked %and3A_280 {strides = array<i32>} : memref<16384xi32, #tpu.memory_space<vmem>>, vector<16xi32>, vector<16xi1>
      tpu.vector_store %arg7[%swap3A], %sub3A_282 masked %and3A_280 {strides = array<i32>} : memref<16384xi32, #tpu.memory_space<vmem>>, vector<16xi32>, vector<16xi1>
      %mul3A_284 = arith.constant 16 : i32
      %mul3A_285 = arith.muli %scan3A_271, %mul3A_284 : i32
      %add3A_286 = arith.constant 175168 : i32
      %add3A_287 = arith.addi %add3A_286, %mul3A_285 : i32
      %add3A_288 = vector.broadcast %add3A_287 : i32 to vector<16xi32>
      %add3A_289 = arith.addi %iota3A, %add3A_288 : vector<16xi32>
      %swap3A_290 = arith.index_cast %scan3A_272 : i32 to index
      %swap3A_291 = tpu.vector_load %arg8[%swap3A_290] masked %and3A_280 {strides = array<i32>} : memref<16384xi32, #tpu.memory_space<vmem>>, vector<16xi32>, vector<16xi1>
      tpu.vector_store %arg8[%swap3A_290], %add3A_289 masked %and3A_280 {strides = array<i32>} : memref<16384xi32, #tpu.memory_space<vmem>>, vector<16xi32>, vector<16xi1>
      %all_reduce_population_count3A = tpu.all_reduce %and3A_280 {dim = 0 : i64, kind = #tpu.reduction_kind<sum>} : vector<16xi1> -> vector<16xi32>
      %slice3A = vector.extract_strided_slice %all_reduce_population_count3A {offsets = [0], sizes = [1], strides = [1]} : vector<16xi32> to vector<1xi32>
      %squeeze3A = vector.extract %slice3A[0] : i32 from vector<1xi32>
      %add3A_292 = arith.addi %scan3A_272, %squeeze3A : i32
      %min3A = arith.constant 16368 : i32
      %min3A_293 = arith.minsi %add3A_292, %min3A : i32
      scf.yield %min3A_293 : i32
    }
    %scan3A_224 = arith.constant 782 : i32
    %dma_wait3A_225 = arith.constant 187680 : i32
    %dma_wait3A_226 = tpu.memref_slice %arg2[%dma_wait3A_225] : memref<200192xi32, #tpu.memory_space<hbm>> -> memref<12512xi32, #tpu.memory_space<hbm>>
    %dma_wait3A_227 = arith.constant 187680 : i32
    %dma_wait3A_228 = tpu.memref_slice %arg2[%dma_wait3A_227] : memref<200192xi32, #tpu.memory_space<hbm>> -> memref<12512xi32, #tpu.memory_space<hbm>>
    tpu.wait_dma2 semaphore(%arg15 : memref<!tpu.dma_semaphore, #tpu.memory_space<semaphore_mem>>) src(%dma_wait3A_228 : memref<12512xi32, #tpu.memory_space<hbm>>) dst(%arg6 : memref<12512xi32, #tpu.memory_space<vmem>>)
    %scan3A_229 = arith.constant 0 : i32
    %scan3A_230 = arith.constant 782 : i32
    %scan3A_231 = arith.addi %scan3A_229, %scan3A_230 : i32
    %scan3A_232 = arith.constant 1 : i32
    %scan3A_233 = scf.for %scan3A_271 = %scan3A_229 to %scan3A_231 step %scan3A_232 iter_args(%scan3A_272 = %scan3A_223) -> (i32)  : i32 {
      %mul3A_273 = arith.constant 16 : i32
      %mul3A_274 = arith.muli %scan3A_271, %mul3A_273 : i32
      %get3A = arith.index_cast %mul3A_274 : i32 to index
      %get3A_275 = tpu.vector_load %arg6[%get3A] {strides = array<i32>} : memref<12512xi32, #tpu.memory_space<vmem>>, vector<16xi32>,
      %ge3A = vector.broadcast %mul3A_2 : i32 to vector<16xi32>
      %ge3A_276 = arith.cmpi sge, %get3A_275, %ge3A : vector<16xi32>
      %add3A_277 = arith.constant 65536 : i32
      %add3A_278 = arith.addi %mul3A_2, %add3A_277 : i32
      %lt3A = vector.broadcast %add3A_278 : i32 to vector<16xi32>
      %lt3A_279 = arith.cmpi slt, %get3A_275, %lt3A : vector<16xi32>
      %and3A_280 = arith.andi %ge3A_276, %lt3A_279 : vector<16xi1>
      %sub3A_281 = vector.broadcast %mul3A_2 : i32 to vector<16xi32>
      %sub3A_282 = arith.subi %get3A_275, %sub3A_281 : vector<16xi32>
      %swap3A = arith.index_cast %scan3A_272 : i32 to index
      %swap3A_283 = tpu.vector_load %arg7[%swap3A] masked %and3A_280 {strides = array<i32>} : memref<16384xi32, #tpu.memory_space<vmem>>, vector<16xi32>, vector<16xi1>
      tpu.vector_store %arg7[%swap3A], %sub3A_282 masked %and3A_280 {strides = array<i32>} : memref<16384xi32, #tpu.memory_space<vmem>>, vector<16xi32>, vector<16xi1>
      %mul3A_284 = arith.constant 16 : i32
      %mul3A_285 = arith.muli %scan3A_271, %mul3A_284 : i32
      %add3A_286 = arith.constant 187680 : i32
      %add3A_287 = arith.addi %add3A_286, %mul3A_285 : i32
      %add3A_288 = vector.broadcast %add3A_287 : i32 to vector<16xi32>
      %add3A_289 = arith.addi %iota3A, %add3A_288 : vector<16xi32>
      %swap3A_290 = arith.index_cast %scan3A_272 : i32 to index
      %swap3A_291 = tpu.vector_load %arg8[%swap3A_290] masked %and3A_280 {strides = array<i32>} : memref<16384xi32, #tpu.memory_space<vmem>>, vector<16xi32>, vector<16xi1>
      tpu.vector_store %arg8[%swap3A_290], %add3A_289 masked %and3A_280 {strides = array<i32>} : memref<16384xi32, #tpu.memory_space<vmem>>, vector<16xi32>, vector<16xi1>
      %all_reduce_population_count3A = tpu.all_reduce %and3A_280 {dim = 0 : i64, kind = #tpu.reduction_kind<sum>} : vector<16xi1> -> vector<16xi32>
      %slice3A = vector.extract_strided_slice %all_reduce_population_count3A {offsets = [0], sizes = [1], strides = [1]} : vector<16xi32> to vector<1xi32>
      %squeeze3A = vector.extract %slice3A[0] : i32 from vector<1xi32>
      %add3A_292 = arith.addi %scan3A_272, %squeeze3A : i32
      %min3A = arith.constant 16368 : i32
      %min3A_293 = arith.minsi %add3A_292, %min3A : i32
      scf.yield %min3A_293 : i32
    }
    %scan3A_234 = arith.constant 782 : i32
    %add3A_235 = arith.constant 15 : i32
    %add3A_236 = arith.addi %scan3A_233, %add3A_235 : i32
    %jit3A = arith.constant 16 : i32
    %div3A = arith.divsi %add3A_236, %jit3A : i32
    %sign3A = arith.constant 0 : i32
    %sign3A_237 = arith.cmpi sgt, %add3A_236, %sign3A : i32
    %sign3A_238 = arith.extui %sign3A_237 : i1 to i32
    %sign3A_239 = arith.constant 0 : i32
    %sign3A_240 = arith.cmpi slt, %add3A_236, %sign3A_239 : i32
    %sign3A_241 = arith.extui %sign3A_240 : i1 to i32
    %sign3A_242 = arith.subi %sign3A_238, %sign3A_241 : i32
    %sign3A_243 = arith.constant 0 : i32
    %sign3A_244 = arith.cmpi sgt, %jit3A, %sign3A_243 : i32
    %sign3A_245 = arith.extui %sign3A_244 : i1 to i32
    %sign3A_246 = arith.constant 0 : i32
    %sign3A_247 = arith.cmpi slt, %jit3A, %sign3A_246 : i32
    %sign3A_248 = arith.extui %sign3A_247 : i1 to i32
    %sign3A_249 = arith.subi %sign3A_245, %sign3A_248 : i32
    %ne3A = arith.cmpi ne, %sign3A_242, %sign3A_249 : i32
    %rem3A = arith.remsi %add3A_236, %jit3A : i32
    %ne3A_250 = arith.constant 0 : i32
    %ne3A_251 = arith.cmpi ne, %rem3A, %ne3A_250 : i32
    %and3A = arith.andi %ne3A, %ne3A_251 : i1
    %sub3A = arith.constant 1 : i32
    %sub3A_252 = arith.subi %div3A, %sub3A : i32
    %select_n3A = arith.select %and3A, %sub3A_252, %div3A : i32
    %scan3A_253 = arith.constant 0 : i32
    %scan3A_254 = arith.constant 0 : i32
    %scan3A_255 = arith.constant 2048 : i32
    %scan3A_256 = arith.addi %scan3A_254, %scan3A_255 : i32
    %scan3A_257 = arith.constant 1 : i32
    %scan3A_258 = scf.for %scan3A_271 = %scan3A_254 to %scan3A_256 step %scan3A_257 iter_args(%scan3A_272 = %scan3A_253) -> (i32)  : i32 {
      %jit3A_273 = arith.constant 64 : i32
      %div3A_274 = arith.divsi %scan3A_271, %jit3A_273 : i32
      %sign3A_275 = arith.constant 0 : i32
      %sign3A_276 = arith.cmpi sgt, %scan3A_271, %sign3A_275 : i32
      %sign3A_277 = arith.extui %sign3A_276 : i1 to i32
      %sign3A_278 = arith.constant 0 : i32
      %sign3A_279 = arith.cmpi slt, %scan3A_271, %sign3A_278 : i32
      %sign3A_280 = arith.extui %sign3A_279 : i1 to i32
      %sign3A_281 = arith.subi %sign3A_277, %sign3A_280 : i32
      %sign3A_282 = arith.constant 0 : i32
      %sign3A_283 = arith.cmpi sgt, %jit3A_273, %sign3A_282 : i32
      %sign3A_284 = arith.extui %sign3A_283 : i1 to i32
      %sign3A_285 = arith.constant 0 : i32
      %sign3A_286 = arith.cmpi slt, %jit3A_273, %sign3A_285 : i32
      %sign3A_287 = arith.extui %sign3A_286 : i1 to i32
      %sign3A_288 = arith.subi %sign3A_284, %sign3A_287 : i32
      %ne3A_289 = arith.cmpi ne, %sign3A_281, %sign3A_288 : i32
      %rem3A_290 = arith.remsi %scan3A_271, %jit3A_273 : i32
      %ne3A_291 = arith.constant 0 : i32
      %ne3A_292 = arith.cmpi ne, %rem3A_290, %ne3A_291 : i32
      %and3A_293 = arith.andi %ne3A_289, %ne3A_292 : i1
      %sub3A_294 = arith.constant 1 : i32
      %sub3A_295 = arith.subi %div3A_274, %sub3A_294 : i32
      %select_n3A_296 = arith.select %and3A_293, %sub3A_295, %div3A_274 : i32
      %jit3A_297 = arith.constant 64 : i32
      %eq3A = arith.constant 0 : i32
      %eq3A_298 = arith.cmpi eq, %jit3A_297, %eq3A : i32
      %jit3A_299 = arith.constant 1 : i32
      %select_n3A_300 = arith.select %eq3A_298, %jit3A_299, %jit3A_297 : i32
      %rem3A_301 = arith.remsi %scan3A_271, %select_n3A_300 : i32
      %ne3A_302 = arith.constant 0 : i32
      %ne3A_303 = arith.cmpi ne, %rem3A_301, %ne3A_302 : i32
      %lt3A = arith.constant 0 : i32
      %lt3A_304 = arith.cmpi slt, %rem3A_301, %lt3A : i32
      %lt3A_305 = arith.constant 0 : i32
      %lt3A_306 = arith.cmpi slt, %select_n3A_300, %lt3A_305 : i32
      %ne3A_307 = arith.xori %lt3A_304, %lt3A_306 : i1
      %and3A_308 = arith.andi %ne3A_307, %ne3A_303 : i1
      %add3A_309 = arith.addi %rem3A_301, %select_n3A_300 : i32
      %select_n3A_310 = arith.select %and3A_308, %add3A_309, %rem3A_301 : i32
      %mul3A_311 = arith.constant 16 : i32
      %mul3A_312 = arith.muli %select_n3A_310, %mul3A_311 : i32
      %swap3A = arith.index_cast %select_n3A_296 : i32 to index
      %swap3A_313 = arith.index_cast %mul3A_312 : i32 to index
      %swap3A_314 = tpu.vector_load %arg13[%swap3A, %swap3A_313] {strides = array<i32>} : memref<32x1024xf32, #tpu.memory_space<vmem>>, vector<16xf32>,
      tpu.vector_store %arg13[%swap3A, %swap3A_313], %broadcast_in_dim3A_3 {strides = array<i32>} : memref<32x1024xf32, #tpu.memory_space<vmem>>, vector<16xf32>,
      %scan3A_315 = arith.constant 0 : i32
      scf.yield %scan3A_315 : i32
    }
    %scan3A_259 = arith.constant 2048 : i32
    %scan3A_260 = arith.constant 0 : i32
    %scan3A_261 = arith.constant 0 : i32
    %scan3A_262 = arith.constant 64 : i32
    %scan3A_263 = arith.addi %scan3A_261, %scan3A_262 : i32
    %scan3A_264 = arith.constant 1 : i32
    %scan3A_265 = scf.for %scan3A_271 = %scan3A_261 to %scan3A_263 step %scan3A_264 iter_args(%scan3A_272 = %scan3A_260) -> (i32)  : i32 {
      %jit3A_273 = arith.constant 2 : i32
      %eq3A = arith.constant 0 : i32
      %eq3A_274 = arith.cmpi eq, %jit3A_273, %eq3A : i32
      %jit3A_275 = arith.constant 1 : i32
      %select_n3A_276 = arith.select %eq3A_274, %jit3A_275, %jit3A_273 : i32
      %rem3A_277 = arith.remsi %scan3A_271, %select_n3A_276 : i32
      %ne3A_278 = arith.constant 0 : i32
      %ne3A_279 = arith.cmpi ne, %rem3A_277, %ne3A_278 : i32
      %lt3A = arith.constant 0 : i32
      %lt3A_280 = arith.cmpi slt, %rem3A_277, %lt3A : i32
      %lt3A_281 = arith.constant 0 : i32
      %lt3A_282 = arith.cmpi slt, %select_n3A_276, %lt3A_281 : i32
      %ne3A_283 = arith.xori %lt3A_280, %lt3A_282 : i1
      %and3A_284 = arith.andi %ne3A_283, %ne3A_279 : i1
      %add3A_285 = arith.addi %rem3A_277, %select_n3A_276 : i32
      %select_n3A_286 = arith.select %and3A_284, %add3A_285, %rem3A_277 : i32
      %mul3A_287 = arith.constant 512 : i32
      %mul3A_288 = arith.muli %select_n3A_286, %mul3A_287 : i32
      %mul3A_289 = arith.constant 1024 : i32
      %mul3A_290 = arith.muli %scan3A_271, %mul3A_289 : i32
      %while3A = arith.constant 0 : i32
      %while3A_291 = arith.constant 0 : i32
      %while3A_292 = arith.subi %select_n3A, %while3A : i32
      %while3A_293 = arith.addi %while3A, %while3A_292 : i32
      %while3A_294 = arith.constant 1 : i32
      %while3A_295 = arith.divsi %while3A_292, %while3A_294 : i32
      %while3A_296 = arith.muli %while3A_295, %while3A_294 : i32
      %while3A_297 = arith.addi %while3A, %while3A_296 : i32
      %while3A_298 = arith.constant 1 : i32
      %while3A_299 = scf.for %while3A_404 = %while3A to %while3A_297 step %while3A_298 iter_args(%while3A_405 = %while3A_291) -> (i32)  : i32 {
        %mul3A_406 = arith.constant 16 : i32
        %mul3A_407 = arith.muli %while3A_404, %mul3A_406 : i32
        %add3A_408 = vector.broadcast %mul3A_407 : i32 to vector<16xi32>
        %add3A_409 = arith.addi %add3A_408, %iota3A : vector<16xi32>
        %lt3A_410 = vector.broadcast %scan3A_233 : i32 to vector<16xi32>
        %lt3A_411 = arith.cmpi slt, %add3A_409, %lt3A_410 : vector<16xi32>
        %mul3A_412 = arith.constant 16 : i32
        %mul3A_413 = arith.muli %while3A_404, %mul3A_412 : i32
        %get3A = arith.index_cast %mul3A_413 : i32 to index
        %get3A_414 = tpu.vector_load %arg7[%get3A] {strides = array<i32>} : memref<16384xi32, #tpu.memory_space<vmem>>, vector<16xi32>,
        %sub3A_415 = vector.broadcast %mul3A_290 : i32 to vector<16xi32>
        %sub3A_416 = arith.subi %get3A_414, %sub3A_415 : vector<16xi32>
        %ge3A = arith.constant 0 : i32
        %ge3A_417 = vector.broadcast %ge3A : i32 to vector<16xi32>
        %ge3A_418 = arith.cmpi sge, %sub3A_416, %ge3A_417 : vector<16xi32>
        %and3A_419 = arith.andi %lt3A_411, %ge3A_418 : vector<16xi1>
        %lt3A_420 = arith.constant 1024 : i32
        %lt3A_421 = vector.broadcast %lt3A_420 : i32 to vector<16xi32>
        %lt3A_422 = arith.cmpi slt, %sub3A_416, %lt3A_421 : vector<16xi32>
        %and3A_423 = arith.andi %and3A_419, %lt3A_422 : vector<16xi1>
        %add3A_424 = arith.addi %mul3A_288, %while3A_405 : i32
        %swap3A = arith.index_cast %add3A_424 : i32 to index
        %swap3A_425 = tpu.vector_load %arg9[%swap3A] masked %and3A_423 {strides = array<i32>} : memref<1024xi32, #tpu.memory_space<vmem>>, vector<16xi32>, vector<16xi1>
        tpu.vector_store %arg9[%swap3A], %sub3A_416 masked %and3A_423 {strides = array<i32>} : memref<1024xi32, #tpu.memory_space<vmem>>, vector<16xi32>, vector<16xi1>
        %mul3A_426 = arith.constant 16 : i32
        %mul3A_427 = arith.muli %while3A_404, %mul3A_426 : i32
        %get3A_428 = arith.index_cast %mul3A_427 : i32 to index
        %get3A_429 = tpu.vector_load %arg8[%get3A_428] {strides = array<i32>} : memref<16384xi32, #tpu.memory_space<vmem>>, vector<16xi32>,
        %add3A_430 = arith.addi %mul3A_288, %while3A_405 : i32
        %swap3A_431 = arith.index_cast %add3A_430 : i32 to index
        %swap3A_432 = tpu.vector_load %arg10[%swap3A_431] masked %and3A_423 {strides = array<i32>} : memref<1024xi32, #tpu.memory_space<vmem>>, vector<16xi32>, vector<16xi1>
        tpu.vector_store %arg10[%swap3A_431], %get3A_429 masked %and3A_423 {strides = array<i32>} : memref<1024xi32, #tpu.memory_space<vmem>>, vector<16xi32>, vector<16xi1>
        %all_reduce_population_count3A = tpu.all_reduce %and3A_423 {dim = 0 : i64, kind = #tpu.reduction_kind<sum>} : vector<16xi1> -> vector<16xi32>
        %slice3A = vector.extract_strided_slice %all_reduce_population_count3A {offsets = [0], sizes = [1], strides = [1]} : vector<16xi32> to vector<1xi32>
        %squeeze3A = vector.extract %slice3A[0] : i32 from vector<1xi32>
        %add3A_433 = arith.addi %while3A_405, %squeeze3A : i32
        %min3A = arith.constant 496 : i32
        %min3A_434 = arith.minsi %add3A_433, %min3A : i32
        scf.yield %min3A_434 : i32
      }
      %while3A_300 = arith.constant 1 : i32
      %while3A_301 = scf.for %while3A_404 = %while3A_297 to %while3A_293 step %while3A_300 iter_args(%while3A_405 = %while3A_299) -> (i32)  : i32 {
        %mul3A_406 = arith.constant 16 : i32
        %mul3A_407 = arith.muli %while3A_404, %mul3A_406 : i32
        %add3A_408 = vector.broadcast %mul3A_407 : i32 to vector<16xi32>
        %add3A_409 = arith.addi %add3A_408, %iota3A : vector<16xi32>
        %lt3A_410 = vector.broadcast %scan3A_233 : i32 to vector<16xi32>
        %lt3A_411 = arith.cmpi slt, %add3A_409, %lt3A_410 : vector<16xi32>
        %mul3A_412 = arith.constant 16 : i32
        %mul3A_413 = arith.muli %while3A_404, %mul3A_412 : i32
        %get3A = arith.index_cast %mul3A_413 : i32 to index
        %get3A_414 = tpu.vector_load %arg7[%get3A] {strides = array<i32>} : memref<16384xi32, #tpu.memory_space<vmem>>, vector<16xi32>,
        %sub3A_415 = vector.broadcast %mul3A_290 : i32 to vector<16xi32>
        %sub3A_416 = arith.subi %get3A_414, %sub3A_415 : vector<16xi32>
        %ge3A = arith.constant 0 : i32
        %ge3A_417 = vector.broadcast %ge3A : i32 to vector<16xi32>
        %ge3A_418 = arith.cmpi sge, %sub3A_416, %ge3A_417 : vector<16xi32>
        %and3A_419 = arith.andi %lt3A_411, %ge3A_418 : vector<16xi1>
        %lt3A_420 = arith.constant 1024 : i32
        %lt3A_421 = vector.broadcast %lt3A_420 : i32 to vector<16xi32>
        %lt3A_422 = arith.cmpi slt, %sub3A_416, %lt3A_421 : vector<16xi32>
        %and3A_423 = arith.andi %and3A_419, %lt3A_422 : vector<16xi1>
        %add3A_424 = arith.addi %mul3A_288, %while3A_405 : i32
        %swap3A = arith.index_cast %add3A_424 : i32 to index
        %swap3A_425 = tpu.vector_load %arg9[%swap3A] masked %and3A_423 {strides = array<i32>} : memref<1024xi32, #tpu.memory_space<vmem>>, vector<16xi32>, vector<16xi1>
        tpu.vector_store %arg9[%swap3A], %sub3A_416 masked %and3A_423 {strides = array<i32>} : memref<1024xi32, #tpu.memory_space<vmem>>, vector<16xi32>, vector<16xi1>
        %mul3A_426 = arith.constant 16 : i32
        %mul3A_427 = arith.muli %while3A_404, %mul3A_426 : i32
        %get3A_428 = arith.index_cast %mul3A_427 : i32 to index
        %get3A_429 = tpu.vector_load %arg8[%get3A_428] {strides = array<i32>} : memref<16384xi32, #tpu.memory_space<vmem>>, vector<16xi32>,
        %add3A_430 = arith.addi %mul3A_288, %while3A_405 : i32
        %swap3A_431 = arith.index_cast %add3A_430 : i32 to index
        %swap3A_432 = tpu.vector_load %arg10[%swap3A_431] masked %and3A_423 {strides = array<i32>} : memref<1024xi32, #tpu.memory_space<vmem>>, vector<16xi32>, vector<16xi1>
        tpu.vector_store %arg10[%swap3A_431], %get3A_429 masked %and3A_423 {strides = array<i32>} : memref<1024xi32, #tpu.memory_space<vmem>>, vector<16xi32>, vector<16xi1>
        %all_reduce_population_count3A = tpu.all_reduce %and3A_423 {dim = 0 : i64, kind = #tpu.reduction_kind<sum>} : vector<16xi1> -> vector<16xi32>
        %slice3A = vector.extract_strided_slice %all_reduce_population_count3A {offsets = [0], sizes = [1], strides = [1]} : vector<16xi32> to vector<1xi32>
        %squeeze3A = vector.extract %slice3A[0] : i32 from vector<1xi32>
        %add3A_433 = arith.addi %while3A_405, %squeeze3A : i32
        %min3A = arith.constant 496 : i32
        %min3A_434 = arith.minsi %add3A_433, %min3A : i32
        scf.yield %min3A_434 : i32
      }
      %scan3A_302 = arith.constant 0 : i32
      %scan3A_303 = arith.constant 0 : i32
      %scan3A_304 = arith.constant 32 : i32
      %scan3A_305 = arith.addi %scan3A_303, %scan3A_304 : i32
      %scan3A_306 = arith.constant 1 : i32
      %scan3A_307 = scf.for %scan3A_404 = %scan3A_303 to %scan3A_305 step %scan3A_306 iter_args(%scan3A_405 = %scan3A_302) -> (i32)  : i32 {
        %mul3A_406 = arith.constant 16 : i32
        %mul3A_407 = arith.muli %scan3A_404, %mul3A_406 : i32
        %add3A_408 = arith.addi %mul3A_288, %mul3A_407 : i32
        %get3A = arith.index_cast %add3A_408 : i32 to index
        %get3A_409 = tpu.vector_load %arg10[%get3A] {strides = array<i32>} : memref<1024xi32, #tpu.memory_space<vmem>>, vector<16xi32>,
        %jit3A_410 = arith.constant 8 : i32
        %div3A_411 = arith.divsi %scan3A_404, %jit3A_410 : i32
        %sign3A_412 = arith.constant 0 : i32
        %sign3A_413 = arith.cmpi sgt, %scan3A_404, %sign3A_412 : i32
        %sign3A_414 = arith.extui %sign3A_413 : i1 to i32
        %sign3A_415 = arith.constant 0 : i32
        %sign3A_416 = arith.cmpi slt, %scan3A_404, %sign3A_415 : i32
        %sign3A_417 = arith.extui %sign3A_416 : i1 to i32
        %sign3A_418 = arith.subi %sign3A_414, %sign3A_417 : i32
        %sign3A_419 = arith.constant 0 : i32
        %sign3A_420 = arith.cmpi sgt, %jit3A_410, %sign3A_419 : i32
        %sign3A_421 = arith.extui %sign3A_420 : i1 to i32
        %sign3A_422 = arith.constant 0 : i32
        %sign3A_423 = arith.cmpi slt, %jit3A_410, %sign3A_422 : i32
        %sign3A_424 = arith.extui %sign3A_423 : i1 to i32
        %sign3A_425 = arith.subi %sign3A_421, %sign3A_424 : i32
        %ne3A_426 = arith.cmpi ne, %sign3A_418, %sign3A_425 : i32
        %rem3A_427 = arith.remsi %scan3A_404, %jit3A_410 : i32
        %ne3A_428 = arith.constant 0 : i32
        %ne3A_429 = arith.cmpi ne, %rem3A_427, %ne3A_428 : i32
        %and3A_430 = arith.andi %ne3A_426, %ne3A_429 : i1
        %sub3A_431 = arith.constant 1 : i32
        %sub3A_432 = arith.subi %div3A_411, %sub3A_431 : i32
        %select_n3A_433 = arith.select %and3A_430, %sub3A_432, %div3A_411 : i32
        %jit3A_434 = arith.constant 8 : i32
        %eq3A_435 = arith.constant 0 : i32
        %eq3A_436 = arith.cmpi eq, %jit3A_434, %eq3A_435 : i32
        %jit3A_437 = arith.constant 1 : i32
        %select_n3A_438 = arith.select %eq3A_436, %jit3A_437, %jit3A_434 : i32
        %rem3A_439 = arith.remsi %scan3A_404, %select_n3A_438 : i32
        %ne3A_440 = arith.constant 0 : i32
        %ne3A_441 = arith.cmpi ne, %rem3A_439, %ne3A_440 : i32
        %lt3A_442 = arith.constant 0 : i32
        %lt3A_443 = arith.cmpi slt, %rem3A_439, %lt3A_442 : i32
        %lt3A_444 = arith.constant 0 : i32
        %lt3A_445 = arith.cmpi slt, %select_n3A_438, %lt3A_444 : i32
        %ne3A_446 = arith.xori %lt3A_443, %lt3A_445 : i1
        %and3A_447 = arith.andi %ne3A_446, %ne3A_441 : i1
        %add3A_448 = arith.addi %rem3A_439, %select_n3A_438 : i32
        %select_n3A_449 = arith.select %and3A_447, %add3A_448, %rem3A_439 : i32
        %mul3A_450 = arith.constant 16 : i32
        %mul3A_451 = arith.muli %select_n3A_449, %mul3A_450 : i32
        %swap3A = arith.index_cast %select_n3A_433 : i32 to index
        %swap3A_452 = arith.index_cast %mul3A_451 : i32 to index
        %swap3A_453 = tpu.vector_load %arg11[%swap3A, %swap3A_452] {strides = array<i32>} : memref<4x128xi32, #tpu.memory_space<vmem>>, vector<16xi32>,
        tpu.vector_store %arg11[%swap3A, %swap3A_452], %get3A_409 {strides = array<i32>} : memref<4x128xi32, #tpu.memory_space<vmem>>, vector<16xi32>,
        %scan3A_454 = arith.constant 0 : i32
        scf.yield %scan3A_454 : i32
      }
      %scan3A_308 = arith.constant 32 : i32
      %add3A_309 = arith.constant 127 : i32
      %add3A_310 = arith.addi %while3A_301, %add3A_309 : i32
      %jit3A_311 = arith.constant 128 : i32
      %div3A_312 = arith.divsi %add3A_310, %jit3A_311 : i32
      %sign3A_313 = arith.constant 0 : i32
      %sign3A_314 = arith.cmpi sgt, %add3A_310, %sign3A_313 : i32
      %sign3A_315 = arith.extui %sign3A_314 : i1 to i32
      %sign3A_316 = arith.constant 0 : i32
      %sign3A_317 = arith.cmpi slt, %add3A_310, %sign3A_316 : i32
      %sign3A_318 = arith.extui %sign3A_317 : i1 to i32
      %sign3A_319 = arith.subi %sign3A_315, %sign3A_318 : i32
      %sign3A_320 = arith.constant 0 : i32
      %sign3A_321 = arith.cmpi sgt, %jit3A_311, %sign3A_320 : i32
      %sign3A_322 = arith.extui %sign3A_321 : i1 to i32
      %sign3A_323 = arith.constant 0 : i32
      %sign3A_324 = arith.cmpi slt, %jit3A_311, %sign3A_323 : i32
      %sign3A_325 = arith.extui %sign3A_324 : i1 to i32
      %sign3A_326 = arith.subi %sign3A_322, %sign3A_325 : i32
      %ne3A_327 = arith.cmpi ne, %sign3A_319, %sign3A_326 : i32
      %rem3A_328 = arith.remsi %add3A_310, %jit3A_311 : i32
      %ne3A_329 = arith.constant 0 : i32
      %ne3A_330 = arith.cmpi ne, %rem3A_328, %ne3A_329 : i32
      %and3A_331 = arith.andi %ne3A_327, %ne3A_330 : i1
      %sub3A_332 = arith.constant 1 : i32
      %sub3A_333 = arith.subi %div3A_312, %sub3A_332 : i32
      %select_n3A_334 = arith.select %and3A_331, %sub3A_333, %div3A_312 : i32
      %while3A_335 = arith.constant 0 : i32
      %while3A_336 = arith.constant 0 : i32
      %while3A_337 = arith.subi %select_n3A_334, %while3A_335 : i32
      %while3A_338 = arith.addi %while3A_335, %while3A_337 : i32
      %while3A_339 = arith.constant 1 : i32
      %while3A_340 = arith.divsi %while3A_337, %while3A_339 : i32
      %while3A_341 = arith.muli %while3A_340, %while3A_339 : i32
      %while3A_342 = arith.addi %while3A_335, %while3A_341 : i32
      %while3A_343 = arith.constant 1 : i32
      %while3A_344 = scf.for %while3A_404 = %while3A_335 to %while3A_342 step %while3A_343 iter_args(%while3A_405 = %while3A_336) -> (i32)  : i32 {
        %mul3A_406 = arith.constant 128 : i32
        %mul3A_407 = arith.muli %while3A_404, %mul3A_406 : i32
        %dma_start3A_408 = arith.constant 0 : i32
        %dma_start3A_409 = tpu.memref_slice %arg12[%mul3A_407, %dma_start3A_408] : memref<512x32xf32, #tpu.memory_space<vmem>> -> memref<128x32xf32, #tpu.memory_space<vmem>>
        %dma_start3A_410 = arith.constant 0 : i32
        %dma_start3A_411 = tpu.memref_slice %arg11[%while3A_404, %dma_start3A_410] : memref<4x128xi32, #tpu.memory_space<vmem>> -> memref<1x128xi32, #tpu.memory_space<vmem>>
        %dma_start3A_412 = tpu.memref_squeeze %dma_start3A_411 : memref<1x128xi32, #tpu.memory_space<vmem>> -> memref<128xi32, #tpu.memory_space<vmem>>
        %dma_start3A_413 = arith.constant 0 : i32
        %dma_start3A_414 = arith.constant 0 : i32
        %dma_start3A_415 = tpu.memref_slice %arg3[%dma_start3A_413, %dma_start3A_414] : memref<200000x32xf32, #tpu.memory_space<hbm>> -> memref<200000x32xf32, #tpu.memory_space<hbm>>
        tpu.enqueue_indirect_dma source(%dma_start3A_415 : memref<200000x32xf32, #tpu.memory_space<hbm>>) target(%dma_start3A_409 : memref<128x32xf32, #tpu.memory_space<vmem>>) offsets(%dma_start3A_412 : memref<128xi32, #tpu.memory_space<vmem>>) semaphore(%arg16 : memref<!tpu.dma_semaphore, #tpu.memory_space<semaphore_mem>>)
        %while3A_416 = arith.constant 0 : i32
        scf.yield %while3A_416 : i32
      }
      %while3A_345 = arith.constant 1 : i32
      %while3A_346 = scf.for %while3A_404 = %while3A_342 to %while3A_338 step %while3A_345 iter_args(%while3A_405 = %while3A_344) -> (i32)  : i32 {
        %mul3A_406 = arith.constant 128 : i32
        %mul3A_407 = arith.muli %while3A_404, %mul3A_406 : i32
        %dma_start3A_408 = arith.constant 0 : i32
        %dma_start3A_409 = tpu.memref_slice %arg12[%mul3A_407, %dma_start3A_408] : memref<512x32xf32, #tpu.memory_space<vmem>> -> memref<128x32xf32, #tpu.memory_space<vmem>>
        %dma_start3A_410 = arith.constant 0 : i32
        %dma_start3A_411 = tpu.memref_slice %arg11[%while3A_404, %dma_start3A_410] : memref<4x128xi32, #tpu.memory_space<vmem>> -> memref<1x128xi32, #tpu.memory_space<vmem>>
        %dma_start3A_412 = tpu.memref_squeeze %dma_start3A_411 : memref<1x128xi32, #tpu.memory_space<vmem>> -> memref<128xi32, #tpu.memory_space<vmem>>
        %dma_start3A_413 = arith.constant 0 : i32
        %dma_start3A_414 = arith.constant 0 : i32
        %dma_start3A_415 = tpu.memref_slice %arg3[%dma_start3A_413, %dma_start3A_414] : memref<200000x32xf32, #tpu.memory_space<hbm>> -> memref<200000x32xf32, #tpu.memory_space<hbm>>
        tpu.enqueue_indirect_dma source(%dma_start3A_415 : memref<200000x32xf32, #tpu.memory_space<hbm>>) target(%dma_start3A_409 : memref<128x32xf32, #tpu.memory_space<vmem>>) offsets(%dma_start3A_412 : memref<128xi32, #tpu.memory_space<vmem>>) semaphore(%arg16 : memref<!tpu.dma_semaphore, #tpu.memory_space<semaphore_mem>>)
        %while3A_416 = arith.constant 0 : i32
        scf.yield %while3A_416 : i32
      }
      %while3A_347 = arith.constant 0 : i32
      %while3A_348 = arith.constant 0 : i32
      %while3A_349 = arith.subi %select_n3A_334, %while3A_347 : i32
      %while3A_350 = arith.addi %while3A_347, %while3A_349 : i32
      %while3A_351 = arith.constant 1 : i32
      %while3A_352 = arith.divsi %while3A_349, %while3A_351 : i32
      %while3A_353 = arith.muli %while3A_352, %while3A_351 : i32
      %while3A_354 = arith.addi %while3A_347, %while3A_353 : i32
      %while3A_355 = arith.constant 1 : i32
      %while3A_356 = scf.for %while3A_404 = %while3A_347 to %while3A_354 step %while3A_355 iter_args(%while3A_405 = %while3A_348) -> (i32)  : i32 {
        %dma_wait3A_406 = arith.constant 0 : i32
        %dma_wait3A_407 = arith.constant 0 : i32
        %dma_wait3A_408 = arith.constant 0 : i32
        %dma_wait3A_409 = tpu.memref_slice %arg12[%dma_wait3A_407, %dma_wait3A_408] : memref<512x32xf32, #tpu.memory_space<vmem>> -> memref<128x32xf32, #tpu.memory_space<vmem>>
        %dma_wait3A_410 = arith.constant 0 : i32
        %dma_wait3A_411 = tpu.memref_slice %arg11[%dma_wait3A_406, %dma_wait3A_410] : memref<4x128xi32, #tpu.memory_space<vmem>> -> memref<1x128xi32, #tpu.memory_space<vmem>>
        %dma_wait3A_412 = tpu.memref_squeeze %dma_wait3A_411 : memref<1x128xi32, #tpu.memory_space<vmem>> -> memref<128xi32, #tpu.memory_space<vmem>>
        %dma_wait3A_413 = arith.constant 0 : i32
        %dma_wait3A_414 = arith.constant 0 : i32
        %dma_wait3A_415 = tpu.memref_slice %arg3[%dma_wait3A_413, %dma_wait3A_414] : memref<200000x32xf32, #tpu.memory_space<hbm>> -> memref<200000x32xf32, #tpu.memory_space<hbm>>
        tpu.wait_indirect_dma semaphore(%arg16 : memref<!tpu.dma_semaphore, #tpu.memory_space<semaphore_mem>>) src(%dma_wait3A_415 : memref<200000x32xf32, #tpu.memory_space<hbm>>) dst(%dma_wait3A_409 : memref<128x32xf32, #tpu.memory_space<vmem>>)
        %while3A_416 = arith.constant 0 : i32
        scf.yield %while3A_416 : i32
      }
      %while3A_357 = arith.constant 1 : i32
      %while3A_358 = scf.for %while3A_404 = %while3A_354 to %while3A_350 step %while3A_357 iter_args(%while3A_405 = %while3A_356) -> (i32)  : i32 {
        %dma_wait3A_406 = arith.constant 0 : i32
        %dma_wait3A_407 = arith.constant 0 : i32
        %dma_wait3A_408 = arith.constant 0 : i32
        %dma_wait3A_409 = tpu.memref_slice %arg12[%dma_wait3A_407, %dma_wait3A_408] : memref<512x32xf32, #tpu.memory_space<vmem>> -> memref<128x32xf32, #tpu.memory_space<vmem>>
        %dma_wait3A_410 = arith.constant 0 : i32
        %dma_wait3A_411 = tpu.memref_slice %arg11[%dma_wait3A_406, %dma_wait3A_410] : memref<4x128xi32, #tpu.memory_space<vmem>> -> memref<1x128xi32, #tpu.memory_space<vmem>>
        %dma_wait3A_412 = tpu.memref_squeeze %dma_wait3A_411 : memref<1x128xi32, #tpu.memory_space<vmem>> -> memref<128xi32, #tpu.memory_space<vmem>>
        %dma_wait3A_413 = arith.constant 0 : i32
        %dma_wait3A_414 = arith.constant 0 : i32
        %dma_wait3A_415 = tpu.memref_slice %arg3[%dma_wait3A_413, %dma_wait3A_414] : memref<200000x32xf32, #tpu.memory_space<hbm>> -> memref<200000x32xf32, #tpu.memory_space<hbm>>
        tpu.wait_indirect_dma semaphore(%arg16 : memref<!tpu.dma_semaphore, #tpu.memory_space<semaphore_mem>>) src(%dma_wait3A_415 : memref<200000x32xf32, #tpu.memory_space<hbm>>) dst(%dma_wait3A_409 : memref<128x32xf32, #tpu.memory_space<vmem>>)
        %while3A_416 = arith.constant 0 : i32
        scf.yield %while3A_416 : i32
      }
      %gt3A = arith.constant 0 : i32
      %gt3A_359 = arith.cmpi sgt, %scan3A_271, %gt3A : i32
      %convert_element_type3A = arith.extui %gt3A_359 : i1 to i32
      %cond3A = arith.constant 0 : i32
      %cond3A_360 = arith.cmpi ne, %convert_element_type3A, %cond3A : i32
      scf.if %cond3A_360 {
        %dma_wait3A_404 = arith.constant 0 : i32
        %dma_wait3A_405 = tpu.memref_slice %arg4[%dma_wait3A_404, %mul3A_2] : memref<32x2097152xf32, #tpu.memory_space<hbm>> -> memref<32x1024xf32, #tpu.memory_space<hbm>>
        %dma_wait3A_406 = arith.constant 0 : i32
        %dma_wait3A_407 = tpu.memref_slice %arg4[%dma_wait3A_406, %mul3A_2] : memref<32x2097152xf32, #tpu.memory_space<hbm>> -> memref<32x1024xf32, #tpu.memory_space<hbm>>
        tpu.wait_dma2 semaphore(%arg17 : memref<!tpu.dma_semaphore, #tpu.memory_space<semaphore_mem>>) src(%arg13 : memref<32x1024xf32, #tpu.memory_space<vmem>>) dst(%dma_wait3A_407 : memref<32x1024xf32, #tpu.memory_space<hbm>>)
        %sub3A_408 = arith.constant 1 : i32
        %sub3A_409 = arith.subi %sub3A_408, %select_n3A_286 : i32
        %mul3A_410 = arith.constant 512 : i32
        %mul3A_411 = arith.muli %sub3A_409, %mul3A_410 : i32
        %add3A_412 = arith.constant 15 : i32
        %add3A_413 = arith.addi %scan3A_272, %add3A_412 : i32
        %jit3A_414 = arith.constant 16 : i32
        %div3A_415 = arith.divsi %add3A_413, %jit3A_414 : i32
        %sign3A_416 = arith.constant 0 : i32
        %sign3A_417 = arith.cmpi sgt, %add3A_413, %sign3A_416 : i32
        %sign3A_418 = arith.extui %sign3A_417 : i1 to i32
        %sign3A_419 = arith.constant 0 : i32
        %sign3A_420 = arith.cmpi slt, %add3A_413, %sign3A_419 : i32
        %sign3A_421 = arith.extui %sign3A_420 : i1 to i32
        %sign3A_422 = arith.subi %sign3A_418, %sign3A_421 : i32
        %sign3A_423 = arith.constant 0 : i32
        %sign3A_424 = arith.cmpi sgt, %jit3A_414, %sign3A_423 : i32
        %sign3A_425 = arith.extui %sign3A_424 : i1 to i32
        %sign3A_426 = arith.constant 0 : i32
        %sign3A_427 = arith.cmpi slt, %jit3A_414, %sign3A_426 : i32
        %sign3A_428 = arith.extui %sign3A_427 : i1 to i32
        %sign3A_429 = arith.subi %sign3A_425, %sign3A_428 : i32
        %ne3A_430 = arith.cmpi ne, %sign3A_422, %sign3A_429 : i32
        %rem3A_431 = arith.remsi %add3A_413, %jit3A_414 : i32
        %ne3A_432 = arith.constant 0 : i32
        %ne3A_433 = arith.cmpi ne, %rem3A_431, %ne3A_432 : i32
        %and3A_434 = arith.andi %ne3A_430, %ne3A_433 : i1
        %sub3A_435 = arith.constant 1 : i32
        %sub3A_436 = arith.subi %div3A_415, %sub3A_435 : i32
        %select_n3A_437 = arith.select %and3A_434, %sub3A_436, %div3A_415 : i32
        %while3A_438 = arith.constant 0 : i32
        %while3A_439 = arith.constant 0 : i32
        %while3A_440 = arith.subi %select_n3A_437, %while3A_438 : i32
        %while3A_441 = arith.addi %while3A_438, %while3A_440 : i32
        %while3A_442 = arith.constant 1 : i32
        %while3A_443 = arith.divsi %while3A_440, %while3A_442 : i32
        %while3A_444 = arith.muli %while3A_443, %while3A_442 : i32
        %while3A_445 = arith.addi %while3A_438, %while3A_444 : i32
        %while3A_446 = arith.constant 1 : i32
        %while3A_447 = scf.for %while3A_450 = %while3A_438 to %while3A_445 step %while3A_446 iter_args(%while3A_451 = %while3A_439) -> (i32)  : i32 {
          %mul3A_452 = arith.constant 16 : i32
          %mul3A_453 = arith.muli %while3A_450, %mul3A_452 : i32
          %add3A_454 = arith.addi %mul3A_411, %mul3A_453 : i32
          %get3A = arith.index_cast %add3A_454 : i32 to index
          %get3A_455 = tpu.vector_load %arg9[%get3A] {strides = array<i32>} : memref<1024xi32, #tpu.memory_space<vmem>>, vector<16xi32>,
          %add3A_456 = arith.constant 0 : i32
          %add3A_457 = arith.addi %mul3A_453, %add3A_456 : i32
          %lt3A_458 = arith.cmpi slt, %add3A_457, %scan3A_272 : i32
          %broadcast_in_dim3A_459 = vector.broadcast %lt3A_458 : i1 to vector<16xi1>
          %slice3A = vector.extract_strided_slice %get3A_455 {offsets = [0], sizes = [1], strides = [1]} : vector<16xi32> to vector<1xi32>
          %squeeze3A = vector.extract %slice3A[0] : i32 from vector<1xi32>
          %broadcast_in_dim3A_460 = vector.broadcast %squeeze3A : i32 to vector<16xi32>
          tpu.vector_store_idx %arg13[%iota3A, %broadcast_in_dim3A_460], %broadcast_in_dim3A_3 masked %broadcast_in_dim3A_459 : memref<32x1024xf32, #tpu.memory_space<vmem>>[vector<16xi32>, vector<16xi32>], vector<16xf32>, vector<16xi1>
          %add3A_461 = arith.constant 16 : i32
          %add3A_462 = vector.broadcast %add3A_461 : i32 to vector<16xi32>
          %add3A_463 = arith.addi %iota3A, %add3A_462 : vector<16xi32>
          tpu.vector_store_idx %arg13[%add3A_463, %broadcast_in_dim3A_460], %broadcast_in_dim3A_3 masked %broadcast_in_dim3A_459 : memref<32x1024xf32, #tpu.memory_space<vmem>>[vector<16xi32>, vector<16xi32>], vector<16xf32>, vector<16xi1>
          %add3A_464 = arith.constant 1 : i32
          %add3A_465 = arith.addi %mul3A_453, %add3A_464 : i32
          %lt3A_466 = arith.cmpi slt, %add3A_465, %scan3A_272 : i32
          %broadcast_in_dim3A_467 = vector.broadcast %lt3A_466 : i1 to vector<16xi1>
          %slice3A_468 = vector.extract_strided_slice %get3A_455 {offsets = [1], sizes = [1], strides = [1]} : vector<16xi32> to vector<1xi32>
          %squeeze3A_469 = vector.extract %slice3A_468[0] : i32 from vector<1xi32>
          %broadcast_in_dim3A_470 = vector.broadcast %squeeze3A_469 : i32 to vector<16xi32>
          tpu.vector_store_idx %arg13[%iota3A, %broadcast_in_dim3A_470], %broadcast_in_dim3A_3 masked %broadcast_in_dim3A_467 : memref<32x1024xf32, #tpu.memory_space<vmem>>[vector<16xi32>, vector<16xi32>], vector<16xf32>, vector<16xi1>
          %add3A_471 = arith.constant 16 : i32
          %add3A_472 = vector.broadcast %add3A_471 : i32 to vector<16xi32>
          %add3A_473 = arith.addi %iota3A, %add3A_472 : vector<16xi32>
          tpu.vector_store_idx %arg13[%add3A_473, %broadcast_in_dim3A_470], %broadcast_in_dim3A_3 masked %broadcast_in_dim3A_467 : memref<32x1024xf32, #tpu.memory_space<vmem>>[vector<16xi32>, vector<16xi32>], vector<16xf32>, vector<16xi1>
          %add3A_474 = arith.constant 2 : i32
          %add3A_475 = arith.addi %mul3A_453, %add3A_474 : i32
          %lt3A_476 = arith.cmpi slt, %add3A_475, %scan3A_272 : i32
          %broadcast_in_dim3A_477 = vector.broadcast %lt3A_476 : i1 to vector<16xi1>
          %slice3A_478 = vector.extract_strided_slice %get3A_455 {offsets = [2], sizes = [1], strides = [1]} : vector<16xi32> to vector<1xi32>
          %squeeze3A_479 = vector.extract %slice3A_478[0] : i32 from vector<1xi32>
          %broadcast_in_dim3A_480 = vector.broadcast %squeeze3A_479 : i32 to vector<16xi32>
          tpu.vector_store_idx %arg13[%iota3A, %broadcast_in_dim3A_480], %broadcast_in_dim3A_3 masked %broadcast_in_dim3A_477 : memref<32x1024xf32, #tpu.memory_space<vmem>>[vector<16xi32>, vector<16xi32>], vector<16xf32>, vector<16xi1>
          %add3A_481 = arith.constant 16 : i32
          %add3A_482 = vector.broadcast %add3A_481 : i32 to vector<16xi32>
          %add3A_483 = arith.addi %iota3A, %add3A_482 : vector<16xi32>
          tpu.vector_store_idx %arg13[%add3A_483, %broadcast_in_dim3A_480], %broadcast_in_dim3A_3 masked %broadcast_in_dim3A_477 : memref<32x1024xf32, #tpu.memory_space<vmem>>[vector<16xi32>, vector<16xi32>], vector<16xf32>, vector<16xi1>
          %add3A_484 = arith.constant 3 : i32
          %add3A_485 = arith.addi %mul3A_453, %add3A_484 : i32
          %lt3A_486 = arith.cmpi slt, %add3A_485, %scan3A_272 : i32
          %broadcast_in_dim3A_487 = vector.broadcast %lt3A_486 : i1 to vector<16xi1>
          %slice3A_488 = vector.extract_strided_slice %get3A_455 {offsets = [3], sizes = [1], strides = [1]} : vector<16xi32> to vector<1xi32>
          %squeeze3A_489 = vector.extract %slice3A_488[0] : i32 from vector<1xi32>
          %broadcast_in_dim3A_490 = vector.broadcast %squeeze3A_489 : i32 to vector<16xi32>
          tpu.vector_store_idx %arg13[%iota3A, %broadcast_in_dim3A_490], %broadcast_in_dim3A_3 masked %broadcast_in_dim3A_487 : memref<32x1024xf32, #tpu.memory_space<vmem>>[vector<16xi32>, vector<16xi32>], vector<16xf32>, vector<16xi1>
          %add3A_491 = arith.constant 16 : i32
          %add3A_492 = vector.broadcast %add3A_491 : i32 to vector<16xi32>
          %add3A_493 = arith.addi %iota3A, %add3A_492 : vector<16xi32>
          tpu.vector_store_idx %arg13[%add3A_493, %broadcast_in_dim3A_490], %broadcast_in_dim3A_3 masked %broadcast_in_dim3A_487 : memref<32x1024xf32, #tpu.memory_space<vmem>>[vector<16xi32>, vector<16xi32>], vector<16xf32>, vector<16xi1>
          %add3A_494 = arith.constant 4 : i32
          %add3A_495 = arith.addi %mul3A_453, %add3A_494 : i32
          %lt3A_496 = arith.cmpi slt, %add3A_495, %scan3A_272 : i32
          %broadcast_in_dim3A_497 = vector.broadcast %lt3A_496 : i1 to vector<16xi1>
          %slice3A_498 = vector.extract_strided_slice %get3A_455 {offsets = [4], sizes = [1], strides = [1]} : vector<16xi32> to vector<1xi32>
          %squeeze3A_499 = vector.extract %slice3A_498[0] : i32 from vector<1xi32>
          %broadcast_in_dim3A_500 = vector.broadcast %squeeze3A_499 : i32 to vector<16xi32>
          tpu.vector_store_idx %arg13[%iota3A, %broadcast_in_dim3A_500], %broadcast_in_dim3A_3 masked %broadcast_in_dim3A_497 : memref<32x1024xf32, #tpu.memory_space<vmem>>[vector<16xi32>, vector<16xi32>], vector<16xf32>, vector<16xi1>
          %add3A_501 = arith.constant 16 : i32
          %add3A_502 = vector.broadcast %add3A_501 : i32 to vector<16xi32>
          %add3A_503 = arith.addi %iota3A, %add3A_502 : vector<16xi32>
          tpu.vector_store_idx %arg13[%add3A_503, %broadcast_in_dim3A_500], %broadcast_in_dim3A_3 masked %broadcast_in_dim3A_497 : memref<32x1024xf32, #tpu.memory_space<vmem>>[vector<16xi32>, vector<16xi32>], vector<16xf32>, vector<16xi1>
          %add3A_504 = arith.constant 5 : i32
          %add3A_505 = arith.addi %mul3A_453, %add3A_504 : i32
          %lt3A_506 = arith.cmpi slt, %add3A_505, %scan3A_272 : i32
          %broadcast_in_dim3A_507 = vector.broadcast %lt3A_506 : i1 to vector<16xi1>
          %slice3A_508 = vector.extract_strided_slice %get3A_455 {offsets = [5], sizes = [1], strides = [1]} : vector<16xi32> to vector<1xi32>
          %squeeze3A_509 = vector.extract %slice3A_508[0] : i32 from vector<1xi32>
          %broadcast_in_dim3A_510 = vector.broadcast %squeeze3A_509 : i32 to vector<16xi32>
          tpu.vector_store_idx %arg13[%iota3A, %broadcast_in_dim3A_510], %broadcast_in_dim3A_3 masked %broadcast_in_dim3A_507 : memref<32x1024xf32, #tpu.memory_space<vmem>>[vector<16xi32>, vector<16xi32>], vector<16xf32>, vector<16xi1>
          %add3A_511 = arith.constant 16 : i32
          %add3A_512 = vector.broadcast %add3A_511 : i32 to vector<16xi32>
          %add3A_513 = arith.addi %iota3A, %add3A_512 : vector<16xi32>
          tpu.vector_store_idx %arg13[%add3A_513, %broadcast_in_dim3A_510], %broadcast_in_dim3A_3 masked %broadcast_in_dim3A_507 : memref<32x1024xf32, #tpu.memory_space<vmem>>[vector<16xi32>, vector<16xi32>], vector<16xf32>, vector<16xi1>
          %add3A_514 = arith.constant 6 : i32
          %add3A_515 = arith.addi %mul3A_453, %add3A_514 : i32
          %lt3A_516 = arith.cmpi slt, %add3A_515, %scan3A_272 : i32
          %broadcast_in_dim3A_517 = vector.broadcast %lt3A_516 : i1 to vector<16xi1>
          %slice3A_518 = vector.extract_strided_slice %get3A_455 {offsets = [6], sizes = [1], strides = [1]} : vector<16xi32> to vector<1xi32>
          %squeeze3A_519 = vector.extract %slice3A_518[0] : i32 from vector<1xi32>
          %broadcast_in_dim3A_520 = vector.broadcast %squeeze3A_519 : i32 to vector<16xi32>
          tpu.vector_store_idx %arg13[%iota3A, %broadcast_in_dim3A_520], %broadcast_in_dim3A_3 masked %broadcast_in_dim3A_517 : memref<32x1024xf32, #tpu.memory_space<vmem>>[vector<16xi32>, vector<16xi32>], vector<16xf32>, vector<16xi1>
          %add3A_521 = arith.constant 16 : i32
          %add3A_522 = vector.broadcast %add3A_521 : i32 to vector<16xi32>
          %add3A_523 = arith.addi %iota3A, %add3A_522 : vector<16xi32>
          tpu.vector_store_idx %arg13[%add3A_523, %broadcast_in_dim3A_520], %broadcast_in_dim3A_3 masked %broadcast_in_dim3A_517 : memref<32x1024xf32, #tpu.memory_space<vmem>>[vector<16xi32>, vector<16xi32>], vector<16xf32>, vector<16xi1>
          %add3A_524 = arith.constant 7 : i32
          %add3A_525 = arith.addi %mul3A_453, %add3A_524 : i32
          %lt3A_526 = arith.cmpi slt, %add3A_525, %scan3A_272 : i32
          %broadcast_in_dim3A_527 = vector.broadcast %lt3A_526 : i1 to vector<16xi1>
          %slice3A_528 = vector.extract_strided_slice %get3A_455 {offsets = [7], sizes = [1], strides = [1]} : vector<16xi32> to vector<1xi32>
          %squeeze3A_529 = vector.extract %slice3A_528[0] : i32 from vector<1xi32>
          %broadcast_in_dim3A_530 = vector.broadcast %squeeze3A_529 : i32 to vector<16xi32>
          tpu.vector_store_idx %arg13[%iota3A, %broadcast_in_dim3A_530], %broadcast_in_dim3A_3 masked %broadcast_in_dim3A_527 : memref<32x1024xf32, #tpu.memory_space<vmem>>[vector<16xi32>, vector<16xi32>], vector<16xf32>, vector<16xi1>
          %add3A_531 = arith.constant 16 : i32
          %add3A_532 = vector.broadcast %add3A_531 : i32 to vector<16xi32>
          %add3A_533 = arith.addi %iota3A, %add3A_532 : vector<16xi32>
          tpu.vector_store_idx %arg13[%add3A_533, %broadcast_in_dim3A_530], %broadcast_in_dim3A_3 masked %broadcast_in_dim3A_527 : memref<32x1024xf32, #tpu.memory_space<vmem>>[vector<16xi32>, vector<16xi32>], vector<16xf32>, vector<16xi1>
          %add3A_534 = arith.constant 8 : i32
          %add3A_535 = arith.addi %mul3A_453, %add3A_534 : i32
          %lt3A_536 = arith.cmpi slt, %add3A_535, %scan3A_272 : i32
          %broadcast_in_dim3A_537 = vector.broadcast %lt3A_536 : i1 to vector<16xi1>
          %slice3A_538 = vector.extract_strided_slice %get3A_455 {offsets = [8], sizes = [1], strides = [1]} : vector<16xi32> to vector<1xi32>
          %squeeze3A_539 = vector.extract %slice3A_538[0] : i32 from vector<1xi32>
          %broadcast_in_dim3A_540 = vector.broadcast %squeeze3A_539 : i32 to vector<16xi32>
          tpu.vector_store_idx %arg13[%iota3A, %broadcast_in_dim3A_540], %broadcast_in_dim3A_3 masked %broadcast_in_dim3A_537 : memref<32x1024xf32, #tpu.memory_space<vmem>>[vector<16xi32>, vector<16xi32>], vector<16xf32>, vector<16xi1>
          %add3A_541 = arith.constant 16 : i32
          %add3A_542 = vector.broadcast %add3A_541 : i32 to vector<16xi32>
          %add3A_543 = arith.addi %iota3A, %add3A_542 : vector<16xi32>
          tpu.vector_store_idx %arg13[%add3A_543, %broadcast_in_dim3A_540], %broadcast_in_dim3A_3 masked %broadcast_in_dim3A_537 : memref<32x1024xf32, #tpu.memory_space<vmem>>[vector<16xi32>, vector<16xi32>], vector<16xf32>, vector<16xi1>
          %add3A_544 = arith.constant 9 : i32
          %add3A_545 = arith.addi %mul3A_453, %add3A_544 : i32
          %lt3A_546 = arith.cmpi slt, %add3A_545, %scan3A_272 : i32
          %broadcast_in_dim3A_547 = vector.broadcast %lt3A_546 : i1 to vector<16xi1>
          %slice3A_548 = vector.extract_strided_slice %get3A_455 {offsets = [9], sizes = [1], strides = [1]} : vector<16xi32> to vector<1xi32>
          %squeeze3A_549 = vector.extract %slice3A_548[0] : i32 from vector<1xi32>
          %broadcast_in_dim3A_550 = vector.broadcast %squeeze3A_549 : i32 to vector<16xi32>
          tpu.vector_store_idx %arg13[%iota3A, %broadcast_in_dim3A_550], %broadcast_in_dim3A_3 masked %broadcast_in_dim3A_547 : memref<32x1024xf32, #tpu.memory_space<vmem>>[vector<16xi32>, vector<16xi32>], vector<16xf32>, vector<16xi1>
          %add3A_551 = arith.constant 16 : i32
          %add3A_552 = vector.broadcast %add3A_551 : i32 to vector<16xi32>
          %add3A_553 = arith.addi %iota3A, %add3A_552 : vector<16xi32>
          tpu.vector_store_idx %arg13[%add3A_553, %broadcast_in_dim3A_550], %broadcast_in_dim3A_3 masked %broadcast_in_dim3A_547 : memref<32x1024xf32, #tpu.memory_space<vmem>>[vector<16xi32>, vector<16xi32>], vector<16xf32>, vector<16xi1>
          %add3A_554 = arith.constant 10 : i32
          %add3A_555 = arith.addi %mul3A_453, %add3A_554 : i32
          %lt3A_556 = arith.cmpi slt, %add3A_555, %scan3A_272 : i32
          %broadcast_in_dim3A_557 = vector.broadcast %lt3A_556 : i1 to vector<16xi1>
          %slice3A_558 = vector.extract_strided_slice %get3A_455 {offsets = [10], sizes = [1], strides = [1]} : vector<16xi32> to vector<1xi32>
          %squeeze3A_559 = vector.extract %slice3A_558[0] : i32 from vector<1xi32>
          %broadcast_in_dim3A_560 = vector.broadcast %squeeze3A_559 : i32 to vector<16xi32>
          tpu.vector_store_idx %arg13[%iota3A, %broadcast_in_dim3A_560], %broadcast_in_dim3A_3 masked %broadcast_in_dim3A_557 : memref<32x1024xf32, #tpu.memory_space<vmem>>[vector<16xi32>, vector<16xi32>], vector<16xf32>, vector<16xi1>
          %add3A_561 = arith.constant 16 : i32
          %add3A_562 = vector.broadcast %add3A_561 : i32 to vector<16xi32>
          %add3A_563 = arith.addi %iota3A, %add3A_562 : vector<16xi32>
          tpu.vector_store_idx %arg13[%add3A_563, %broadcast_in_dim3A_560], %broadcast_in_dim3A_3 masked %broadcast_in_dim3A_557 : memref<32x1024xf32, #tpu.memory_space<vmem>>[vector<16xi32>, vector<16xi32>], vector<16xf32>, vector<16xi1>
          %add3A_564 = arith.constant 11 : i32
          %add3A_565 = arith.addi %mul3A_453, %add3A_564 : i32
          %lt3A_566 = arith.cmpi slt, %add3A_565, %scan3A_272 : i32
          %broadcast_in_dim3A_567 = vector.broadcast %lt3A_566 : i1 to vector<16xi1>
          %slice3A_568 = vector.extract_strided_slice %get3A_455 {offsets = [11], sizes = [1], strides = [1]} : vector<16xi32> to vector<1xi32>
          %squeeze3A_569 = vector.extract %slice3A_568[0] : i32 from vector<1xi32>
          %broadcast_in_dim3A_570 = vector.broadcast %squeeze3A_569 : i32 to vector<16xi32>
          tpu.vector_store_idx %arg13[%iota3A, %broadcast_in_dim3A_570], %broadcast_in_dim3A_3 masked %broadcast_in_dim3A_567 : memref<32x1024xf32, #tpu.memory_space<vmem>>[vector<16xi32>, vector<16xi32>], vector<16xf32>, vector<16xi1>
          %add3A_571 = arith.constant 16 : i32
          %add3A_572 = vector.broadcast %add3A_571 : i32 to vector<16xi32>
          %add3A_573 = arith.addi %iota3A, %add3A_572 : vector<16xi32>
          tpu.vector_store_idx %arg13[%add3A_573, %broadcast_in_dim3A_570], %broadcast_in_dim3A_3 masked %broadcast_in_dim3A_567 : memref<32x1024xf32, #tpu.memory_space<vmem>>[vector<16xi32>, vector<16xi32>], vector<16xf32>, vector<16xi1>
          %add3A_574 = arith.constant 12 : i32
          %add3A_575 = arith.addi %mul3A_453, %add3A_574 : i32
          %lt3A_576 = arith.cmpi slt, %add3A_575, %scan3A_272 : i32
          %broadcast_in_dim3A_577 = vector.broadcast %lt3A_576 : i1 to vector<16xi1>
          %slice3A_578 = vector.extract_strided_slice %get3A_455 {offsets = [12], sizes = [1], strides = [1]} : vector<16xi32> to vector<1xi32>
          %squeeze3A_579 = vector.extract %slice3A_578[0] : i32 from vector<1xi32>
          %broadcast_in_dim3A_580 = vector.broadcast %squeeze3A_579 : i32 to vector<16xi32>
          tpu.vector_store_idx %arg13[%iota3A, %broadcast_in_dim3A_580], %broadcast_in_dim3A_3 masked %broadcast_in_dim3A_577 : memref<32x1024xf32, #tpu.memory_space<vmem>>[vector<16xi32>, vector<16xi32>], vector<16xf32>, vector<16xi1>
          %add3A_581 = arith.constant 16 : i32
          %add3A_582 = vector.broadcast %add3A_581 : i32 to vector<16xi32>
          %add3A_583 = arith.addi %iota3A, %add3A_582 : vector<16xi32>
          tpu.vector_store_idx %arg13[%add3A_583, %broadcast_in_dim3A_580], %broadcast_in_dim3A_3 masked %broadcast_in_dim3A_577 : memref<32x1024xf32, #tpu.memory_space<vmem>>[vector<16xi32>, vector<16xi32>], vector<16xf32>, vector<16xi1>
          %add3A_584 = arith.constant 13 : i32
          %add3A_585 = arith.addi %mul3A_453, %add3A_584 : i32
          %lt3A_586 = arith.cmpi slt, %add3A_585, %scan3A_272 : i32
          %broadcast_in_dim3A_587 = vector.broadcast %lt3A_586 : i1 to vector<16xi1>
          %slice3A_588 = vector.extract_strided_slice %get3A_455 {offsets = [13], sizes = [1], strides = [1]} : vector<16xi32> to vector<1xi32>
          %squeeze3A_589 = vector.extract %slice3A_588[0] : i32 from vector<1xi32>
          %broadcast_in_dim3A_590 = vector.broadcast %squeeze3A_589 : i32 to vector<16xi32>
          tpu.vector_store_idx %arg13[%iota3A, %broadcast_in_dim3A_590], %broadcast_in_dim3A_3 masked %broadcast_in_dim3A_587 : memref<32x1024xf32, #tpu.memory_space<vmem>>[vector<16xi32>, vector<16xi32>], vector<16xf32>, vector<16xi1>
          %add3A_591 = arith.constant 16 : i32
          %add3A_592 = vector.broadcast %add3A_591 : i32 to vector<16xi32>
          %add3A_593 = arith.addi %iota3A, %add3A_592 : vector<16xi32>
          tpu.vector_store_idx %arg13[%add3A_593, %broadcast_in_dim3A_590], %broadcast_in_dim3A_3 masked %broadcast_in_dim3A_587 : memref<32x1024xf32, #tpu.memory_space<vmem>>[vector<16xi32>, vector<16xi32>], vector<16xf32>, vector<16xi1>
          %add3A_594 = arith.constant 14 : i32
          %add3A_595 = arith.addi %mul3A_453, %add3A_594 : i32
          %lt3A_596 = arith.cmpi slt, %add3A_595, %scan3A_272 : i32
          %broadcast_in_dim3A_597 = vector.broadcast %lt3A_596 : i1 to vector<16xi1>
          %slice3A_598 = vector.extract_strided_slice %get3A_455 {offsets = [14], sizes = [1], strides = [1]} : vector<16xi32> to vector<1xi32>
          %squeeze3A_599 = vector.extract %slice3A_598[0] : i32 from vector<1xi32>
          %broadcast_in_dim3A_600 = vector.broadcast %squeeze3A_599 : i32 to vector<16xi32>
          tpu.vector_store_idx %arg13[%iota3A, %broadcast_in_dim3A_600], %broadcast_in_dim3A_3 masked %broadcast_in_dim3A_597 : memref<32x1024xf32, #tpu.memory_space<vmem>>[vector<16xi32>, vector<16xi32>], vector<16xf32>, vector<16xi1>
          %add3A_601 = arith.constant 16 : i32
          %add3A_602 = vector.broadcast %add3A_601 : i32 to vector<16xi32>
          %add3A_603 = arith.addi %iota3A, %add3A_602 : vector<16xi32>
          tpu.vector_store_idx %arg13[%add3A_603, %broadcast_in_dim3A_600], %broadcast_in_dim3A_3 masked %broadcast_in_dim3A_597 : memref<32x1024xf32, #tpu.memory_space<vmem>>[vector<16xi32>, vector<16xi32>], vector<16xf32>, vector<16xi1>
          %add3A_604 = arith.constant 15 : i32
          %add3A_605 = arith.addi %mul3A_453, %add3A_604 : i32
          %lt3A_606 = arith.cmpi slt, %add3A_605, %scan3A_272 : i32
          %broadcast_in_dim3A_607 = vector.broadcast %lt3A_606 : i1 to vector<16xi1>
          %slice3A_608 = vector.extract_strided_slice %get3A_455 {offsets = [15], sizes = [1], strides = [1]} : vector<16xi32> to vector<1xi32>
          %squeeze3A_609 = vector.extract %slice3A_608[0] : i32 from vector<1xi32>
          %broadcast_in_dim3A_610 = vector.broadcast %squeeze3A_609 : i32 to vector<16xi32>
          tpu.vector_store_idx %arg13[%iota3A, %broadcast_in_dim3A_610], %broadcast_in_dim3A_3 masked %broadcast_in_dim3A_607 : memref<32x1024xf32, #tpu.memory_space<vmem>>[vector<16xi32>, vector<16xi32>], vector<16xf32>, vector<16xi1>
          %add3A_611 = arith.constant 16 : i32
          %add3A_612 = vector.broadcast %add3A_611 : i32 to vector<16xi32>
          %add3A_613 = arith.addi %iota3A, %add3A_612 : vector<16xi32>
          tpu.vector_store_idx %arg13[%add3A_613, %broadcast_in_dim3A_610], %broadcast_in_dim3A_3 masked %broadcast_in_dim3A_607 : memref<32x1024xf32, #tpu.memory_space<vmem>>[vector<16xi32>, vector<16xi32>], vector<16xf32>, vector<16xi1>
          %while3A_614 = arith.constant 0 : i32
          scf.yield %while3A_614 : i32
        }
        %while3A_448 = arith.constant 1 : i32
        %while3A_449 = scf.for %while3A_450 = %while3A_445 to %while3A_441 step %while3A_448 iter_args(%while3A_451 = %while3A_447) -> (i32)  : i32 {
          %mul3A_452 = arith.constant 16 : i32
          %mul3A_453 = arith.muli %while3A_450, %mul3A_452 : i32
          %add3A_454 = arith.addi %mul3A_411, %mul3A_453 : i32
          %get3A = arith.index_cast %add3A_454 : i32 to index
          %get3A_455 = tpu.vector_load %arg9[%get3A] {strides = array<i32>} : memref<1024xi32, #tpu.memory_space<vmem>>, vector<16xi32>,
          %add3A_456 = arith.constant 0 : i32
          %add3A_457 = arith.addi %mul3A_453, %add3A_456 : i32
          %lt3A_458 = arith.cmpi slt, %add3A_457, %scan3A_272 : i32
          %broadcast_in_dim3A_459 = vector.broadcast %lt3A_458 : i1 to vector<16xi1>
          %slice3A = vector.extract_strided_slice %get3A_455 {offsets = [0], sizes = [1], strides = [1]} : vector<16xi32> to vector<1xi32>
          %squeeze3A = vector.extract %slice3A[0] : i32 from vector<1xi32>
          %broadcast_in_dim3A_460 = vector.broadcast %squeeze3A : i32 to vector<16xi32>
          tpu.vector_store_idx %arg13[%iota3A, %broadcast_in_dim3A_460], %broadcast_in_dim3A_3 masked %broadcast_in_dim3A_459 : memref<32x1024xf32, #tpu.memory_space<vmem>>[vector<16xi32>, vector<16xi32>], vector<16xf32>, vector<16xi1>
          %add3A_461 = arith.constant 16 : i32
          %add3A_462 = vector.broadcast %add3A_461 : i32 to vector<16xi32>
          %add3A_463 = arith.addi %iota3A, %add3A_462 : vector<16xi32>
          tpu.vector_store_idx %arg13[%add3A_463, %broadcast_in_dim3A_460], %broadcast_in_dim3A_3 masked %broadcast_in_dim3A_459 : memref<32x1024xf32, #tpu.memory_space<vmem>>[vector<16xi32>, vector<16xi32>], vector<16xf32>, vector<16xi1>
          %add3A_464 = arith.constant 1 : i32
          %add3A_465 = arith.addi %mul3A_453, %add3A_464 : i32
          %lt3A_466 = arith.cmpi slt, %add3A_465, %scan3A_272 : i32
          %broadcast_in_dim3A_467 = vector.broadcast %lt3A_466 : i1 to vector<16xi1>
          %slice3A_468 = vector.extract_strided_slice %get3A_455 {offsets = [1], sizes = [1], strides = [1]} : vector<16xi32> to vector<1xi32>
          %squeeze3A_469 = vector.extract %slice3A_468[0] : i32 from vector<1xi32>
          %broadcast_in_dim3A_470 = vector.broadcast %squeeze3A_469 : i32 to vector<16xi32>
          tpu.vector_store_idx %arg13[%iota3A, %broadcast_in_dim3A_470], %broadcast_in_dim3A_3 masked %broadcast_in_dim3A_467 : memref<32x1024xf32, #tpu.memory_space<vmem>>[vector<16xi32>, vector<16xi32>], vector<16xf32>, vector<16xi1>
          %add3A_471 = arith.constant 16 : i32
          %add3A_472 = vector.broadcast %add3A_471 : i32 to vector<16xi32>
          %add3A_473 = arith.addi %iota3A, %add3A_472 : vector<16xi32>
          tpu.vector_store_idx %arg13[%add3A_473, %broadcast_in_dim3A_470], %broadcast_in_dim3A_3 masked %broadcast_in_dim3A_467 : memref<32x1024xf32, #tpu.memory_space<vmem>>[vector<16xi32>, vector<16xi32>], vector<16xf32>, vector<16xi1>
          %add3A_474 = arith.constant 2 : i32
          %add3A_475 = arith.addi %mul3A_453, %add3A_474 : i32
          %lt3A_476 = arith.cmpi slt, %add3A_475, %scan3A_272 : i32
          %broadcast_in_dim3A_477 = vector.broadcast %lt3A_476 : i1 to vector<16xi1>
          %slice3A_478 = vector.extract_strided_slice %get3A_455 {offsets = [2], sizes = [1], strides = [1]} : vector<16xi32> to vector<1xi32>
          %squeeze3A_479 = vector.extract %slice3A_478[0] : i32 from vector<1xi32>
          %broadcast_in_dim3A_480 = vector.broadcast %squeeze3A_479 : i32 to vector<16xi32>
          tpu.vector_store_idx %arg13[%iota3A, %broadcast_in_dim3A_480], %broadcast_in_dim3A_3 masked %broadcast_in_dim3A_477 : memref<32x1024xf32, #tpu.memory_space<vmem>>[vector<16xi32>, vector<16xi32>], vector<16xf32>, vector<16xi1>
          %add3A_481 = arith.constant 16 : i32
          %add3A_482 = vector.broadcast %add3A_481 : i32 to vector<16xi32>
          %add3A_483 = arith.addi %iota3A, %add3A_482 : vector<16xi32>
          tpu.vector_store_idx %arg13[%add3A_483, %broadcast_in_dim3A_480], %broadcast_in_dim3A_3 masked %broadcast_in_dim3A_477 : memref<32x1024xf32, #tpu.memory_space<vmem>>[vector<16xi32>, vector<16xi32>], vector<16xf32>, vector<16xi1>
          %add3A_484 = arith.constant 3 : i32
          %add3A_485 = arith.addi %mul3A_453, %add3A_484 : i32
          %lt3A_486 = arith.cmpi slt, %add3A_485, %scan3A_272 : i32
          %broadcast_in_dim3A_487 = vector.broadcast %lt3A_486 : i1 to vector<16xi1>
          %slice3A_488 = vector.extract_strided_slice %get3A_455 {offsets = [3], sizes = [1], strides = [1]} : vector<16xi32> to vector<1xi32>
          %squeeze3A_489 = vector.extract %slice3A_488[0] : i32 from vector<1xi32>
          %broadcast_in_dim3A_490 = vector.broadcast %squeeze3A_489 : i32 to vector<16xi32>
          tpu.vector_store_idx %arg13[%iota3A, %broadcast_in_dim3A_490], %broadcast_in_dim3A_3 masked %broadcast_in_dim3A_487 : memref<32x1024xf32, #tpu.memory_space<vmem>>[vector<16xi32>, vector<16xi32>], vector<16xf32>, vector<16xi1>
          %add3A_491 = arith.constant 16 : i32
          %add3A_492 = vector.broadcast %add3A_491 : i32 to vector<16xi32>
          %add3A_493 = arith.addi %iota3A, %add3A_492 : vector<16xi32>
          tpu.vector_store_idx %arg13[%add3A_493, %broadcast_in_dim3A_490], %broadcast_in_dim3A_3 masked %broadcast_in_dim3A_487 : memref<32x1024xf32, #tpu.memory_space<vmem>>[vector<16xi32>, vector<16xi32>], vector<16xf32>, vector<16xi1>
          %add3A_494 = arith.constant 4 : i32
          %add3A_495 = arith.addi %mul3A_453, %add3A_494 : i32
          %lt3A_496 = arith.cmpi slt, %add3A_495, %scan3A_272 : i32
          %broadcast_in_dim3A_497 = vector.broadcast %lt3A_496 : i1 to vector<16xi1>
          %slice3A_498 = vector.extract_strided_slice %get3A_455 {offsets = [4], sizes = [1], strides = [1]} : vector<16xi32> to vector<1xi32>
          %squeeze3A_499 = vector.extract %slice3A_498[0] : i32 from vector<1xi32>
          %broadcast_in_dim3A_500 = vector.broadcast %squeeze3A_499 : i32 to vector<16xi32>
          tpu.vector_store_idx %arg13[%iota3A, %broadcast_in_dim3A_500], %broadcast_in_dim3A_3 masked %broadcast_in_dim3A_497 : memref<32x1024xf32, #tpu.memory_space<vmem>>[vector<16xi32>, vector<16xi32>], vector<16xf32>, vector<16xi1>
          %add3A_501 = arith.constant 16 : i32
          %add3A_502 = vector.broadcast %add3A_501 : i32 to vector<16xi32>
          %add3A_503 = arith.addi %iota3A, %add3A_502 : vector<16xi32>
          tpu.vector_store_idx %arg13[%add3A_503, %broadcast_in_dim3A_500], %broadcast_in_dim3A_3 masked %broadcast_in_dim3A_497 : memref<32x1024xf32, #tpu.memory_space<vmem>>[vector<16xi32>, vector<16xi32>], vector<16xf32>, vector<16xi1>
          %add3A_504 = arith.constant 5 : i32
          %add3A_505 = arith.addi %mul3A_453, %add3A_504 : i32
          %lt3A_506 = arith.cmpi slt, %add3A_505, %scan3A_272 : i32
          %broadcast_in_dim3A_507 = vector.broadcast %lt3A_506 : i1 to vector<16xi1>
          %slice3A_508 = vector.extract_strided_slice %get3A_455 {offsets = [5], sizes = [1], strides = [1]} : vector<16xi32> to vector<1xi32>
          %squeeze3A_509 = vector.extract %slice3A_508[0] : i32 from vector<1xi32>
          %broadcast_in_dim3A_510 = vector.broadcast %squeeze3A_509 : i32 to vector<16xi32>
          tpu.vector_store_idx %arg13[%iota3A, %broadcast_in_dim3A_510], %broadcast_in_dim3A_3 masked %broadcast_in_dim3A_507 : memref<32x1024xf32, #tpu.memory_space<vmem>>[vector<16xi32>, vector<16xi32>], vector<16xf32>, vector<16xi1>
          %add3A_511 = arith.constant 16 : i32
          %add3A_512 = vector.broadcast %add3A_511 : i32 to vector<16xi32>
          %add3A_513 = arith.addi %iota3A, %add3A_512 : vector<16xi32>
          tpu.vector_store_idx %arg13[%add3A_513, %broadcast_in_dim3A_510], %broadcast_in_dim3A_3 masked %broadcast_in_dim3A_507 : memref<32x1024xf32, #tpu.memory_space<vmem>>[vector<16xi32>, vector<16xi32>], vector<16xf32>, vector<16xi1>
          %add3A_514 = arith.constant 6 : i32
          %add3A_515 = arith.addi %mul3A_453, %add3A_514 : i32
          %lt3A_516 = arith.cmpi slt, %add3A_515, %scan3A_272 : i32
          %broadcast_in_dim3A_517 = vector.broadcast %lt3A_516 : i1 to vector<16xi1>
          %slice3A_518 = vector.extract_strided_slice %get3A_455 {offsets = [6], sizes = [1], strides = [1]} : vector<16xi32> to vector<1xi32>
          %squeeze3A_519 = vector.extract %slice3A_518[0] : i32 from vector<1xi32>
          %broadcast_in_dim3A_520 = vector.broadcast %squeeze3A_519 : i32 to vector<16xi32>
          tpu.vector_store_idx %arg13[%iota3A, %broadcast_in_dim3A_520], %broadcast_in_dim3A_3 masked %broadcast_in_dim3A_517 : memref<32x1024xf32, #tpu.memory_space<vmem>>[vector<16xi32>, vector<16xi32>], vector<16xf32>, vector<16xi1>
          %add3A_521 = arith.constant 16 : i32
          %add3A_522 = vector.broadcast %add3A_521 : i32 to vector<16xi32>
          %add3A_523 = arith.addi %iota3A, %add3A_522 : vector<16xi32>
          tpu.vector_store_idx %arg13[%add3A_523, %broadcast_in_dim3A_520], %broadcast_in_dim3A_3 masked %broadcast_in_dim3A_517 : memref<32x1024xf32, #tpu.memory_space<vmem>>[vector<16xi32>, vector<16xi32>], vector<16xf32>, vector<16xi1>
          %add3A_524 = arith.constant 7 : i32
          %add3A_525 = arith.addi %mul3A_453, %add3A_524 : i32
          %lt3A_526 = arith.cmpi slt, %add3A_525, %scan3A_272 : i32
          %broadcast_in_dim3A_527 = vector.broadcast %lt3A_526 : i1 to vector<16xi1>
          %slice3A_528 = vector.extract_strided_slice %get3A_455 {offsets = [7], sizes = [1], strides = [1]} : vector<16xi32> to vector<1xi32>
          %squeeze3A_529 = vector.extract %slice3A_528[0] : i32 from vector<1xi32>
          %broadcast_in_dim3A_530 = vector.broadcast %squeeze3A_529 : i32 to vector<16xi32>
          tpu.vector_store_idx %arg13[%iota3A, %broadcast_in_dim3A_530], %broadcast_in_dim3A_3 masked %broadcast_in_dim3A_527 : memref<32x1024xf32, #tpu.memory_space<vmem>>[vector<16xi32>, vector<16xi32>], vector<16xf32>, vector<16xi1>
          %add3A_531 = arith.constant 16 : i32
          %add3A_532 = vector.broadcast %add3A_531 : i32 to vector<16xi32>
          %add3A_533 = arith.addi %iota3A, %add3A_532 : vector<16xi32>
          tpu.vector_store_idx %arg13[%add3A_533, %broadcast_in_dim3A_530], %broadcast_in_dim3A_3 masked %broadcast_in_dim3A_527 : memref<32x1024xf32, #tpu.memory_space<vmem>>[vector<16xi32>, vector<16xi32>], vector<16xf32>, vector<16xi1>
          %add3A_534 = arith.constant 8 : i32
          %add3A_535 = arith.addi %mul3A_453, %add3A_534 : i32
          %lt3A_536 = arith.cmpi slt, %add3A_535, %scan3A_272 : i32
          %broadcast_in_dim3A_537 = vector.broadcast %lt3A_536 : i1 to vector<16xi1>
          %slice3A_538 = vector.extract_strided_slice %get3A_455 {offsets = [8], sizes = [1], strides = [1]} : vector<16xi32> to vector<1xi32>
          %squeeze3A_539 = vector.extract %slice3A_538[0] : i32 from vector<1xi32>
          %broadcast_in_dim3A_540 = vector.broadcast %squeeze3A_539 : i32 to vector<16xi32>
          tpu.vector_store_idx %arg13[%iota3A, %broadcast_in_dim3A_540], %broadcast_in_dim3A_3 masked %broadcast_in_dim3A_537 : memref<32x1024xf32, #tpu.memory_space<vmem>>[vector<16xi32>, vector<16xi32>], vector<16xf32>, vector<16xi1>
          %add3A_541 = arith.constant 16 : i32
          %add3A_542 = vector.broadcast %add3A_541 : i32 to vector<16xi32>
          %add3A_543 = arith.addi %iota3A, %add3A_542 : vector<16xi32>
          tpu.vector_store_idx %arg13[%add3A_543, %broadcast_in_dim3A_540], %broadcast_in_dim3A_3 masked %broadcast_in_dim3A_537 : memref<32x1024xf32, #tpu.memory_space<vmem>>[vector<16xi32>, vector<16xi32>], vector<16xf32>, vector<16xi1>
          %add3A_544 = arith.constant 9 : i32
          %add3A_545 = arith.addi %mul3A_453, %add3A_544 : i32
          %lt3A_546 = arith.cmpi slt, %add3A_545, %scan3A_272 : i32
          %broadcast_in_dim3A_547 = vector.broadcast %lt3A_546 : i1 to vector<16xi1>
          %slice3A_548 = vector.extract_strided_slice %get3A_455 {offsets = [9], sizes = [1], strides = [1]} : vector<16xi32> to vector<1xi32>
          %squeeze3A_549 = vector.extract %slice3A_548[0] : i32 from vector<1xi32>
          %broadcast_in_dim3A_550 = vector.broadcast %squeeze3A_549 : i32 to vector<16xi32>
          tpu.vector_store_idx %arg13[%iota3A, %broadcast_in_dim3A_550], %broadcast_in_dim3A_3 masked %broadcast_in_dim3A_547 : memref<32x1024xf32, #tpu.memory_space<vmem>>[vector<16xi32>, vector<16xi32>], vector<16xf32>, vector<16xi1>
          %add3A_551 = arith.constant 16 : i32
          %add3A_552 = vector.broadcast %add3A_551 : i32 to vector<16xi32>
          %add3A_553 = arith.addi %iota3A, %add3A_552 : vector<16xi32>
          tpu.vector_store_idx %arg13[%add3A_553, %broadcast_in_dim3A_550], %broadcast_in_dim3A_3 masked %broadcast_in_dim3A_547 : memref<32x1024xf32, #tpu.memory_space<vmem>>[vector<16xi32>, vector<16xi32>], vector<16xf32>, vector<16xi1>
          %add3A_554 = arith.constant 10 : i32
          %add3A_555 = arith.addi %mul3A_453, %add3A_554 : i32
          %lt3A_556 = arith.cmpi slt, %add3A_555, %scan3A_272 : i32
          %broadcast_in_dim3A_557 = vector.broadcast %lt3A_556 : i1 to vector<16xi1>
          %slice3A_558 = vector.extract_strided_slice %get3A_455 {offsets = [10], sizes = [1], strides = [1]} : vector<16xi32> to vector<1xi32>
          %squeeze3A_559 = vector.extract %slice3A_558[0] : i32 from vector<1xi32>
          %broadcast_in_dim3A_560 = vector.broadcast %squeeze3A_559 : i32 to vector<16xi32>
          tpu.vector_store_idx %arg13[%iota3A, %broadcast_in_dim3A_560], %broadcast_in_dim3A_3 masked %broadcast_in_dim3A_557 : memref<32x1024xf32, #tpu.memory_space<vmem>>[vector<16xi32>, vector<16xi32>], vector<16xf32>, vector<16xi1>
          %add3A_561 = arith.constant 16 : i32
          %add3A_562 = vector.broadcast %add3A_561 : i32 to vector<16xi32>
          %add3A_563 = arith.addi %iota3A, %add3A_562 : vector<16xi32>
          tpu.vector_store_idx %arg13[%add3A_563, %broadcast_in_dim3A_560], %broadcast_in_dim3A_3 masked %broadcast_in_dim3A_557 : memref<32x1024xf32, #tpu.memory_space<vmem>>[vector<16xi32>, vector<16xi32>], vector<16xf32>, vector<16xi1>
          %add3A_564 = arith.constant 11 : i32
          %add3A_565 = arith.addi %mul3A_453, %add3A_564 : i32
          %lt3A_566 = arith.cmpi slt, %add3A_565, %scan3A_272 : i32
          %broadcast_in_dim3A_567 = vector.broadcast %lt3A_566 : i1 to vector<16xi1>
          %slice3A_568 = vector.extract_strided_slice %get3A_455 {offsets = [11], sizes = [1], strides = [1]} : vector<16xi32> to vector<1xi32>
          %squeeze3A_569 = vector.extract %slice3A_568[0] : i32 from vector<1xi32>
          %broadcast_in_dim3A_570 = vector.broadcast %squeeze3A_569 : i32 to vector<16xi32>
          tpu.vector_store_idx %arg13[%iota3A, %broadcast_in_dim3A_570], %broadcast_in_dim3A_3 masked %broadcast_in_dim3A_567 : memref<32x1024xf32, #tpu.memory_space<vmem>>[vector<16xi32>, vector<16xi32>], vector<16xf32>, vector<16xi1>
          %add3A_571 = arith.constant 16 : i32
          %add3A_572 = vector.broadcast %add3A_571 : i32 to vector<16xi32>
          %add3A_573 = arith.addi %iota3A, %add3A_572 : vector<16xi32>
          tpu.vector_store_idx %arg13[%add3A_573, %broadcast_in_dim3A_570], %broadcast_in_dim3A_3 masked %broadcast_in_dim3A_567 : memref<32x1024xf32, #tpu.memory_space<vmem>>[vector<16xi32>, vector<16xi32>], vector<16xf32>, vector<16xi1>
          %add3A_574 = arith.constant 12 : i32
          %add3A_575 = arith.addi %mul3A_453, %add3A_574 : i32
          %lt3A_576 = arith.cmpi slt, %add3A_575, %scan3A_272 : i32
          %broadcast_in_dim3A_577 = vector.broadcast %lt3A_576 : i1 to vector<16xi1>
          %slice3A_578 = vector.extract_strided_slice %get3A_455 {offsets = [12], sizes = [1], strides = [1]} : vector<16xi32> to vector<1xi32>
          %squeeze3A_579 = vector.extract %slice3A_578[0] : i32 from vector<1xi32>
          %broadcast_in_dim3A_580 = vector.broadcast %squeeze3A_579 : i32 to vector<16xi32>
          tpu.vector_store_idx %arg13[%iota3A, %broadcast_in_dim3A_580], %broadcast_in_dim3A_3 masked %broadcast_in_dim3A_577 : memref<32x1024xf32, #tpu.memory_space<vmem>>[vector<16xi32>, vector<16xi32>], vector<16xf32>, vector<16xi1>
          %add3A_581 = arith.constant 16 : i32
          %add3A_582 = vector.broadcast %add3A_581 : i32 to vector<16xi32>
          %add3A_583 = arith.addi %iota3A, %add3A_582 : vector<16xi32>
          tpu.vector_store_idx %arg13[%add3A_583, %broadcast_in_dim3A_580], %broadcast_in_dim3A_3 masked %broadcast_in_dim3A_577 : memref<32x1024xf32, #tpu.memory_space<vmem>>[vector<16xi32>, vector<16xi32>], vector<16xf32>, vector<16xi1>
          %add3A_584 = arith.constant 13 : i32
          %add3A_585 = arith.addi %mul3A_453, %add3A_584 : i32
          %lt3A_586 = arith.cmpi slt, %add3A_585, %scan3A_272 : i32
          %broadcast_in_dim3A_587 = vector.broadcast %lt3A_586 : i1 to vector<16xi1>
          %slice3A_588 = vector.extract_strided_slice %get3A_455 {offsets = [13], sizes = [1], strides = [1]} : vector<16xi32> to vector<1xi32>
          %squeeze3A_589 = vector.extract %slice3A_588[0] : i32 from vector<1xi32>
          %broadcast_in_dim3A_590 = vector.broadcast %squeeze3A_589 : i32 to vector<16xi32>
          tpu.vector_store_idx %arg13[%iota3A, %broadcast_in_dim3A_590], %broadcast_in_dim3A_3 masked %broadcast_in_dim3A_587 : memref<32x1024xf32, #tpu.memory_space<vmem>>[vector<16xi32>, vector<16xi32>], vector<16xf32>, vector<16xi1>
          %add3A_591 = arith.constant 16 : i32
          %add3A_592 = vector.broadcast %add3A_591 : i32 to vector<16xi32>
          %add3A_593 = arith.addi %iota3A, %add3A_592 : vector<16xi32>
          tpu.vector_store_idx %arg13[%add3A_593, %broadcast_in_dim3A_590], %broadcast_in_dim3A_3 masked %broadcast_in_dim3A_587 : memref<32x1024xf32, #tpu.memory_space<vmem>>[vector<16xi32>, vector<16xi32>], vector<16xf32>, vector<16xi1>
          %add3A_594 = arith.constant 14 : i32
          %add3A_595 = arith.addi %mul3A_453, %add3A_594 : i32
          %lt3A_596 = arith.cmpi slt, %add3A_595, %scan3A_272 : i32
          %broadcast_in_dim3A_597 = vector.broadcast %lt3A_596 : i1 to vector<16xi1>
          %slice3A_598 = vector.extract_strided_slice %get3A_455 {offsets = [14], sizes = [1], strides = [1]} : vector<16xi32> to vector<1xi32>
          %squeeze3A_599 = vector.extract %slice3A_598[0] : i32 from vector<1xi32>
          %broadcast_in_dim3A_600 = vector.broadcast %squeeze3A_599 : i32 to vector<16xi32>
          tpu.vector_store_idx %arg13[%iota3A, %broadcast_in_dim3A_600], %broadcast_in_dim3A_3 masked %broadcast_in_dim3A_597 : memref<32x1024xf32, #tpu.memory_space<vmem>>[vector<16xi32>, vector<16xi32>], vector<16xf32>, vector<16xi1>
          %add3A_601 = arith.constant 16 : i32
          %add3A_602 = vector.broadcast %add3A_601 : i32 to vector<16xi32>
          %add3A_603 = arith.addi %iota3A, %add3A_602 : vector<16xi32>
          tpu.vector_store_idx %arg13[%add3A_603, %broadcast_in_dim3A_600], %broadcast_in_dim3A_3 masked %broadcast_in_dim3A_597 : memref<32x1024xf32, #tpu.memory_space<vmem>>[vector<16xi32>, vector<16xi32>], vector<16xf32>, vector<16xi1>
          %add3A_604 = arith.constant 15 : i32
          %add3A_605 = arith.addi %mul3A_453, %add3A_604 : i32
          %lt3A_606 = arith.cmpi slt, %add3A_605, %scan3A_272 : i32
          %broadcast_in_dim3A_607 = vector.broadcast %lt3A_606 : i1 to vector<16xi1>
          %slice3A_608 = vector.extract_strided_slice %get3A_455 {offsets = [15], sizes = [1], strides = [1]} : vector<16xi32> to vector<1xi32>
          %squeeze3A_609 = vector.extract %slice3A_608[0] : i32 from vector<1xi32>
          %broadcast_in_dim3A_610 = vector.broadcast %squeeze3A_609 : i32 to vector<16xi32>
          tpu.vector_store_idx %arg13[%iota3A, %broadcast_in_dim3A_610], %broadcast_in_dim3A_3 masked %broadcast_in_dim3A_607 : memref<32x1024xf32, #tpu.memory_space<vmem>>[vector<16xi32>, vector<16xi32>], vector<16xf32>, vector<16xi1>
          %add3A_611 = arith.constant 16 : i32
          %add3A_612 = vector.broadcast %add3A_611 : i32 to vector<16xi32>
          %add3A_613 = arith.addi %iota3A, %add3A_612 : vector<16xi32>
          tpu.vector_store_idx %arg13[%add3A_613, %broadcast_in_dim3A_610], %broadcast_in_dim3A_3 masked %broadcast_in_dim3A_607 : memref<32x1024xf32, #tpu.memory_space<vmem>>[vector<16xi32>, vector<16xi32>], vector<16xf32>, vector<16xi1>
          %while3A_614 = arith.constant 0 : i32
          scf.yield %while3A_614 : i32
        }
      } else {
      }
      %add3A_361 = arith.constant 15 : i32
      %add3A_362 = arith.addi %while3A_301, %add3A_361 : i32
      %jit3A_363 = arith.constant 16 : i32
      %div3A_364 = arith.divsi %add3A_362, %jit3A_363 : i32
      %sign3A_365 = arith.constant 0 : i32
      %sign3A_366 = arith.cmpi sgt, %add3A_362, %sign3A_365 : i32
      %sign3A_367 = arith.extui %sign3A_366 : i1 to i32
      %sign3A_368 = arith.constant 0 : i32
      %sign3A_369 = arith.cmpi slt, %add3A_362, %sign3A_368 : i32
      %sign3A_370 = arith.extui %sign3A_369 : i1 to i32
      %sign3A_371 = arith.subi %sign3A_367, %sign3A_370 : i32
      %sign3A_372 = arith.constant 0 : i32
      %sign3A_373 = arith.cmpi sgt, %jit3A_363, %sign3A_372 : i32
      %sign3A_374 = arith.extui %sign3A_373 : i1 to i32
      %sign3A_375 = arith.constant 0 : i32
      %sign3A_376 = arith.cmpi slt, %jit3A_363, %sign3A_375 : i32
      %sign3A_377 = arith.extui %sign3A_376 : i1 to i32
      %sign3A_378 = arith.subi %sign3A_374, %sign3A_377 : i32
      %ne3A_379 = arith.cmpi ne, %sign3A_371, %sign3A_378 : i32
      %rem3A_380 = arith.remsi %add3A_362, %jit3A_363 : i32
      %ne3A_381 = arith.constant 0 : i32
      %ne3A_382 = arith.cmpi ne, %rem3A_380, %ne3A_381 : i32
      %and3A_383 = arith.andi %ne3A_379, %ne3A_382 : i1
      %sub3A_384 = arith.constant 1 : i32
      %sub3A_385 = arith.subi %div3A_364, %sub3A_384 : i32
      %select_n3A_386 = arith.select %and3A_383, %sub3A_385, %div3A_364 : i32
      %while3A_387 = arith.constant 0 : i32
      %while3A_388 = arith.constant 0 : i32
      %while3A_389 = arith.subi %select_n3A_386, %while3A_387 : i32
      %while3A_390 = arith.addi %while3A_387, %while3A_389 : i32
      %while3A_391 = arith.constant 1 : i32
      %while3A_392 = arith.divsi %while3A_389, %while3A_391 : i32
      %while3A_393 = arith.muli %while3A_392, %while3A_391 : i32
      %while3A_394 = arith.addi %while3A_387, %while3A_393 : i32
      %while3A_395 = arith.constant 1 : i32
      %while3A_396 = scf.for %while3A_404 = %while3A_387 to %while3A_394 step %while3A_395 iter_args(%while3A_405 = %while3A_388) -> (i32)  : i32 {
        %mul3A_406 = arith.constant 16 : i32
        %mul3A_407 = arith.muli %while3A_404, %mul3A_406 : i32
        %add3A_408 = arith.addi %mul3A_288, %mul3A_407 : i32
        %get3A = arith.index_cast %add3A_408 : i32 to index
        %get3A_409 = tpu.vector_load %arg9[%get3A] {strides = array<i32>} : memref<1024xi32, #tpu.memory_space<vmem>>, vector<16xi32>,
        %add3A_410 = arith.constant 0 : i32
        %add3A_411 = arith.addi %mul3A_407, %add3A_410 : i32
        %lt3A_412 = arith.cmpi slt, %add3A_411, %while3A_301 : i32
        %broadcast_in_dim3A_413 = vector.broadcast %lt3A_412 : i1 to vector<16xi1>
        %slice3A = vector.extract_strided_slice %get3A_409 {offsets = [0], sizes = [1], strides = [1]} : vector<16xi32> to vector<1xi32>
        %squeeze3A = vector.extract %slice3A[0] : i32 from vector<1xi32>
        %broadcast_in_dim3A_414 = vector.broadcast %squeeze3A : i32 to vector<16xi32>
        %add3A_415 = arith.constant 0 : i32
        %add3A_416 = arith.addi %mul3A_407, %add3A_415 : i32
        %get3A_417 = arith.index_cast %add3A_416 : i32 to index
        %get3A_418 = arith.constant 0 : index
        %get3A_419 = tpu.vector_load %arg12[%get3A_417, %get3A_418] {strides = array<i32>} : memref<512x32xf32, #tpu.memory_space<vmem>>, vector<16xf32>,
        %add3A_420 = arith.constant 0 : i32
        %add3A_421 = arith.addi %mul3A_407, %add3A_420 : i32
        %get3A_422 = arith.index_cast %add3A_421 : i32 to index
        %get3A_423 = arith.constant 16 : index
        %get3A_424 = tpu.vector_load %arg12[%get3A_422, %get3A_423] {strides = array<i32>} : memref<512x32xf32, #tpu.memory_space<vmem>>, vector<16xf32>,
        tpu.vector_store_idx %arg13[%iota3A, %broadcast_in_dim3A_414], %get3A_419 masked %broadcast_in_dim3A_413 : memref<32x1024xf32, #tpu.memory_space<vmem>>[vector<16xi32>, vector<16xi32>], vector<16xf32>, vector<16xi1>
        %add3A_425 = arith.constant 16 : i32
        %add3A_426 = vector.broadcast %add3A_425 : i32 to vector<16xi32>
        %add3A_427 = arith.addi %iota3A, %add3A_426 : vector<16xi32>
        tpu.vector_store_idx %arg13[%add3A_427, %broadcast_in_dim3A_414], %get3A_424 masked %broadcast_in_dim3A_413 : memref<32x1024xf32, #tpu.memory_space<vmem>>[vector<16xi32>, vector<16xi32>], vector<16xf32>, vector<16xi1>
        %add3A_428 = arith.constant 1 : i32
        %add3A_429 = arith.addi %mul3A_407, %add3A_428 : i32
        %lt3A_430 = arith.cmpi slt, %add3A_429, %while3A_301 : i32
        %broadcast_in_dim3A_431 = vector.broadcast %lt3A_430 : i1 to vector<16xi1>
        %slice3A_432 = vector.extract_strided_slice %get3A_409 {offsets = [1], sizes = [1], strides = [1]} : vector<16xi32> to vector<1xi32>
        %squeeze3A_433 = vector.extract %slice3A_432[0] : i32 from vector<1xi32>
        %broadcast_in_dim3A_434 = vector.broadcast %squeeze3A_433 : i32 to vector<16xi32>
        %add3A_435 = arith.constant 1 : i32
        %add3A_436 = arith.addi %mul3A_407, %add3A_435 : i32
        %get3A_437 = arith.index_cast %add3A_436 : i32 to index
        %get3A_438 = arith.constant 0 : index
        %get3A_439 = tpu.vector_load %arg12[%get3A_437, %get3A_438] {strides = array<i32>} : memref<512x32xf32, #tpu.memory_space<vmem>>, vector<16xf32>,
        %add3A_440 = arith.constant 1 : i32
        %add3A_441 = arith.addi %mul3A_407, %add3A_440 : i32
        %get3A_442 = arith.index_cast %add3A_441 : i32 to index
        %get3A_443 = arith.constant 16 : index
        %get3A_444 = tpu.vector_load %arg12[%get3A_442, %get3A_443] {strides = array<i32>} : memref<512x32xf32, #tpu.memory_space<vmem>>, vector<16xf32>,
        tpu.vector_store_idx %arg13[%iota3A, %broadcast_in_dim3A_434], %get3A_439 masked %broadcast_in_dim3A_431 : memref<32x1024xf32, #tpu.memory_space<vmem>>[vector<16xi32>, vector<16xi32>], vector<16xf32>, vector<16xi1>
        %add3A_445 = arith.constant 16 : i32
        %add3A_446 = vector.broadcast %add3A_445 : i32 to vector<16xi32>
        %add3A_447 = arith.addi %iota3A, %add3A_446 : vector<16xi32>
        tpu.vector_store_idx %arg13[%add3A_447, %broadcast_in_dim3A_434], %get3A_444 masked %broadcast_in_dim3A_431 : memref<32x1024xf32, #tpu.memory_space<vmem>>[vector<16xi32>, vector<16xi32>], vector<16xf32>, vector<16xi1>
        %add3A_448 = arith.constant 2 : i32
        %add3A_449 = arith.addi %mul3A_407, %add3A_448 : i32
        %lt3A_450 = arith.cmpi slt, %add3A_449, %while3A_301 : i32
        %broadcast_in_dim3A_451 = vector.broadcast %lt3A_450 : i1 to vector<16xi1>
        %slice3A_452 = vector.extract_strided_slice %get3A_409 {offsets = [2], sizes = [1], strides = [1]} : vector<16xi32> to vector<1xi32>
        %squeeze3A_453 = vector.extract %slice3A_452[0] : i32 from vector<1xi32>
        %broadcast_in_dim3A_454 = vector.broadcast %squeeze3A_453 : i32 to vector<16xi32>
        %add3A_455 = arith.constant 2 : i32
        %add3A_456 = arith.addi %mul3A_407, %add3A_455 : i32
        %get3A_457 = arith.index_cast %add3A_456 : i32 to index
        %get3A_458 = arith.constant 0 : index
        %get3A_459 = tpu.vector_load %arg12[%get3A_457, %get3A_458] {strides = array<i32>} : memref<512x32xf32, #tpu.memory_space<vmem>>, vector<16xf32>,
        %add3A_460 = arith.constant 2 : i32
        %add3A_461 = arith.addi %mul3A_407, %add3A_460 : i32
        %get3A_462 = arith.index_cast %add3A_461 : i32 to index
        %get3A_463 = arith.constant 16 : index
        %get3A_464 = tpu.vector_load %arg12[%get3A_462, %get3A_463] {strides = array<i32>} : memref<512x32xf32, #tpu.memory_space<vmem>>, vector<16xf32>,
        tpu.vector_store_idx %arg13[%iota3A, %broadcast_in_dim3A_454], %get3A_459 masked %broadcast_in_dim3A_451 : memref<32x1024xf32, #tpu.memory_space<vmem>>[vector<16xi32>, vector<16xi32>], vector<16xf32>, vector<16xi1>
        %add3A_465 = arith.constant 16 : i32
        %add3A_466 = vector.broadcast %add3A_465 : i32 to vector<16xi32>
        %add3A_467 = arith.addi %iota3A, %add3A_466 : vector<16xi32>
        tpu.vector_store_idx %arg13[%add3A_467, %broadcast_in_dim3A_454], %get3A_464 masked %broadcast_in_dim3A_451 : memref<32x1024xf32, #tpu.memory_space<vmem>>[vector<16xi32>, vector<16xi32>], vector<16xf32>, vector<16xi1>
        %add3A_468 = arith.constant 3 : i32
        %add3A_469 = arith.addi %mul3A_407, %add3A_468 : i32
        %lt3A_470 = arith.cmpi slt, %add3A_469, %while3A_301 : i32
        %broadcast_in_dim3A_471 = vector.broadcast %lt3A_470 : i1 to vector<16xi1>
        %slice3A_472 = vector.extract_strided_slice %get3A_409 {offsets = [3], sizes = [1], strides = [1]} : vector<16xi32> to vector<1xi32>
        %squeeze3A_473 = vector.extract %slice3A_472[0] : i32 from vector<1xi32>
        %broadcast_in_dim3A_474 = vector.broadcast %squeeze3A_473 : i32 to vector<16xi32>
        %add3A_475 = arith.constant 3 : i32
        %add3A_476 = arith.addi %mul3A_407, %add3A_475 : i32
        %get3A_477 = arith.index_cast %add3A_476 : i32 to index
        %get3A_478 = arith.constant 0 : index
        %get3A_479 = tpu.vector_load %arg12[%get3A_477, %get3A_478] {strides = array<i32>} : memref<512x32xf32, #tpu.memory_space<vmem>>, vector<16xf32>,
        %add3A_480 = arith.constant 3 : i32
        %add3A_481 = arith.addi %mul3A_407, %add3A_480 : i32
        %get3A_482 = arith.index_cast %add3A_481 : i32 to index
        %get3A_483 = arith.constant 16 : index
        %get3A_484 = tpu.vector_load %arg12[%get3A_482, %get3A_483] {strides = array<i32>} : memref<512x32xf32, #tpu.memory_space<vmem>>, vector<16xf32>,
        tpu.vector_store_idx %arg13[%iota3A, %broadcast_in_dim3A_474], %get3A_479 masked %broadcast_in_dim3A_471 : memref<32x1024xf32, #tpu.memory_space<vmem>>[vector<16xi32>, vector<16xi32>], vector<16xf32>, vector<16xi1>
        %add3A_485 = arith.constant 16 : i32
        %add3A_486 = vector.broadcast %add3A_485 : i32 to vector<16xi32>
        %add3A_487 = arith.addi %iota3A, %add3A_486 : vector<16xi32>
        tpu.vector_store_idx %arg13[%add3A_487, %broadcast_in_dim3A_474], %get3A_484 masked %broadcast_in_dim3A_471 : memref<32x1024xf32, #tpu.memory_space<vmem>>[vector<16xi32>, vector<16xi32>], vector<16xf32>, vector<16xi1>
        %add3A_488 = arith.constant 4 : i32
        %add3A_489 = arith.addi %mul3A_407, %add3A_488 : i32
        %lt3A_490 = arith.cmpi slt, %add3A_489, %while3A_301 : i32
        %broadcast_in_dim3A_491 = vector.broadcast %lt3A_490 : i1 to vector<16xi1>
        %slice3A_492 = vector.extract_strided_slice %get3A_409 {offsets = [4], sizes = [1], strides = [1]} : vector<16xi32> to vector<1xi32>
        %squeeze3A_493 = vector.extract %slice3A_492[0] : i32 from vector<1xi32>
        %broadcast_in_dim3A_494 = vector.broadcast %squeeze3A_493 : i32 to vector<16xi32>
        %add3A_495 = arith.constant 4 : i32
        %add3A_496 = arith.addi %mul3A_407, %add3A_495 : i32
        %get3A_497 = arith.index_cast %add3A_496 : i32 to index
        %get3A_498 = arith.constant 0 : index
        %get3A_499 = tpu.vector_load %arg12[%get3A_497, %get3A_498] {strides = array<i32>} : memref<512x32xf32, #tpu.memory_space<vmem>>, vector<16xf32>,
        %add3A_500 = arith.constant 4 : i32
        %add3A_501 = arith.addi %mul3A_407, %add3A_500 : i32
        %get3A_502 = arith.index_cast %add3A_501 : i32 to index
        %get3A_503 = arith.constant 16 : index
        %get3A_504 = tpu.vector_load %arg12[%get3A_502, %get3A_503] {strides = array<i32>} : memref<512x32xf32, #tpu.memory_space<vmem>>, vector<16xf32>,
        tpu.vector_store_idx %arg13[%iota3A, %broadcast_in_dim3A_494], %get3A_499 masked %broadcast_in_dim3A_491 : memref<32x1024xf32, #tpu.memory_space<vmem>>[vector<16xi32>, vector<16xi32>], vector<16xf32>, vector<16xi1>
        %add3A_505 = arith.constant 16 : i32
        %add3A_506 = vector.broadcast %add3A_505 : i32 to vector<16xi32>
        %add3A_507 = arith.addi %iota3A, %add3A_506 : vector<16xi32>
        tpu.vector_store_idx %arg13[%add3A_507, %broadcast_in_dim3A_494], %get3A_504 masked %broadcast_in_dim3A_491 : memref<32x1024xf32, #tpu.memory_space<vmem>>[vector<16xi32>, vector<16xi32>], vector<16xf32>, vector<16xi1>
        %add3A_508 = arith.constant 5 : i32
        %add3A_509 = arith.addi %mul3A_407, %add3A_508 : i32
        %lt3A_510 = arith.cmpi slt, %add3A_509, %while3A_301 : i32
        %broadcast_in_dim3A_511 = vector.broadcast %lt3A_510 : i1 to vector<16xi1>
        %slice3A_512 = vector.extract_strided_slice %get3A_409 {offsets = [5], sizes = [1], strides = [1]} : vector<16xi32> to vector<1xi32>
        %squeeze3A_513 = vector.extract %slice3A_512[0] : i32 from vector<1xi32>
        %broadcast_in_dim3A_514 = vector.broadcast %squeeze3A_513 : i32 to vector<16xi32>
        %add3A_515 = arith.constant 5 : i32
        %add3A_516 = arith.addi %mul3A_407, %add3A_515 : i32
        %get3A_517 = arith.index_cast %add3A_516 : i32 to index
        %get3A_518 = arith.constant 0 : index
        %get3A_519 = tpu.vector_load %arg12[%get3A_517, %get3A_518] {strides = array<i32>} : memref<512x32xf32, #tpu.memory_space<vmem>>, vector<16xf32>,
        %add3A_520 = arith.constant 5 : i32
        %add3A_521 = arith.addi %mul3A_407, %add3A_520 : i32
        %get3A_522 = arith.index_cast %add3A_521 : i32 to index
        %get3A_523 = arith.constant 16 : index
        %get3A_524 = tpu.vector_load %arg12[%get3A_522, %get3A_523] {strides = array<i32>} : memref<512x32xf32, #tpu.memory_space<vmem>>, vector<16xf32>,
        tpu.vector_store_idx %arg13[%iota3A, %broadcast_in_dim3A_514], %get3A_519 masked %broadcast_in_dim3A_511 : memref<32x1024xf32, #tpu.memory_space<vmem>>[vector<16xi32>, vector<16xi32>], vector<16xf32>, vector<16xi1>
        %add3A_525 = arith.constant 16 : i32
        %add3A_526 = vector.broadcast %add3A_525 : i32 to vector<16xi32>
        %add3A_527 = arith.addi %iota3A, %add3A_526 : vector<16xi32>
        tpu.vector_store_idx %arg13[%add3A_527, %broadcast_in_dim3A_514], %get3A_524 masked %broadcast_in_dim3A_511 : memref<32x1024xf32, #tpu.memory_space<vmem>>[vector<16xi32>, vector<16xi32>], vector<16xf32>, vector<16xi1>
        %add3A_528 = arith.constant 6 : i32
        %add3A_529 = arith.addi %mul3A_407, %add3A_528 : i32
        %lt3A_530 = arith.cmpi slt, %add3A_529, %while3A_301 : i32
        %broadcast_in_dim3A_531 = vector.broadcast %lt3A_530 : i1 to vector<16xi1>
        %slice3A_532 = vector.extract_strided_slice %get3A_409 {offsets = [6], sizes = [1], strides = [1]} : vector<16xi32> to vector<1xi32>
        %squeeze3A_533 = vector.extract %slice3A_532[0] : i32 from vector<1xi32>
        %broadcast_in_dim3A_534 = vector.broadcast %squeeze3A_533 : i32 to vector<16xi32>
        %add3A_535 = arith.constant 6 : i32
        %add3A_536 = arith.addi %mul3A_407, %add3A_535 : i32
        %get3A_537 = arith.index_cast %add3A_536 : i32 to index
        %get3A_538 = arith.constant 0 : index
        %get3A_539 = tpu.vector_load %arg12[%get3A_537, %get3A_538] {strides = array<i32>} : memref<512x32xf32, #tpu.memory_space<vmem>>, vector<16xf32>,
        %add3A_540 = arith.constant 6 : i32
        %add3A_541 = arith.addi %mul3A_407, %add3A_540 : i32
        %get3A_542 = arith.index_cast %add3A_541 : i32 to index
        %get3A_543 = arith.constant 16 : index
        %get3A_544 = tpu.vector_load %arg12[%get3A_542, %get3A_543] {strides = array<i32>} : memref<512x32xf32, #tpu.memory_space<vmem>>, vector<16xf32>,
        tpu.vector_store_idx %arg13[%iota3A, %broadcast_in_dim3A_534], %get3A_539 masked %broadcast_in_dim3A_531 : memref<32x1024xf32, #tpu.memory_space<vmem>>[vector<16xi32>, vector<16xi32>], vector<16xf32>, vector<16xi1>
        %add3A_545 = arith.constant 16 : i32
        %add3A_546 = vector.broadcast %add3A_545 : i32 to vector<16xi32>
        %add3A_547 = arith.addi %iota3A, %add3A_546 : vector<16xi32>
        tpu.vector_store_idx %arg13[%add3A_547, %broadcast_in_dim3A_534], %get3A_544 masked %broadcast_in_dim3A_531 : memref<32x1024xf32, #tpu.memory_space<vmem>>[vector<16xi32>, vector<16xi32>], vector<16xf32>, vector<16xi1>
        %add3A_548 = arith.constant 7 : i32
        %add3A_549 = arith.addi %mul3A_407, %add3A_548 : i32
        %lt3A_550 = arith.cmpi slt, %add3A_549, %while3A_301 : i32
        %broadcast_in_dim3A_551 = vector.broadcast %lt3A_550 : i1 to vector<16xi1>
        %slice3A_552 = vector.extract_strided_slice %get3A_409 {offsets = [7], sizes = [1], strides = [1]} : vector<16xi32> to vector<1xi32>
        %squeeze3A_553 = vector.extract %slice3A_552[0] : i32 from vector<1xi32>
        %broadcast_in_dim3A_554 = vector.broadcast %squeeze3A_553 : i32 to vector<16xi32>
        %add3A_555 = arith.constant 7 : i32
        %add3A_556 = arith.addi %mul3A_407, %add3A_555 : i32
        %get3A_557 = arith.index_cast %add3A_556 : i32 to index
        %get3A_558 = arith.constant 0 : index
        %get3A_559 = tpu.vector_load %arg12[%get3A_557, %get3A_558] {strides = array<i32>} : memref<512x32xf32, #tpu.memory_space<vmem>>, vector<16xf32>,
        %add3A_560 = arith.constant 7 : i32
        %add3A_561 = arith.addi %mul3A_407, %add3A_560 : i32
        %get3A_562 = arith.index_cast %add3A_561 : i32 to index
        %get3A_563 = arith.constant 16 : index
        %get3A_564 = tpu.vector_load %arg12[%get3A_562, %get3A_563] {strides = array<i32>} : memref<512x32xf32, #tpu.memory_space<vmem>>, vector<16xf32>,
        tpu.vector_store_idx %arg13[%iota3A, %broadcast_in_dim3A_554], %get3A_559 masked %broadcast_in_dim3A_551 : memref<32x1024xf32, #tpu.memory_space<vmem>>[vector<16xi32>, vector<16xi32>], vector<16xf32>, vector<16xi1>
        %add3A_565 = arith.constant 16 : i32
        %add3A_566 = vector.broadcast %add3A_565 : i32 to vector<16xi32>
        %add3A_567 = arith.addi %iota3A, %add3A_566 : vector<16xi32>
        tpu.vector_store_idx %arg13[%add3A_567, %broadcast_in_dim3A_554], %get3A_564 masked %broadcast_in_dim3A_551 : memref<32x1024xf32, #tpu.memory_space<vmem>>[vector<16xi32>, vector<16xi32>], vector<16xf32>, vector<16xi1>
        %add3A_568 = arith.constant 8 : i32
        %add3A_569 = arith.addi %mul3A_407, %add3A_568 : i32
        %lt3A_570 = arith.cmpi slt, %add3A_569, %while3A_301 : i32
        %broadcast_in_dim3A_571 = vector.broadcast %lt3A_570 : i1 to vector<16xi1>
        %slice3A_572 = vector.extract_strided_slice %get3A_409 {offsets = [8], sizes = [1], strides = [1]} : vector<16xi32> to vector<1xi32>
        %squeeze3A_573 = vector.extract %slice3A_572[0] : i32 from vector<1xi32>
        %broadcast_in_dim3A_574 = vector.broadcast %squeeze3A_573 : i32 to vector<16xi32>
        %add3A_575 = arith.constant 8 : i32
        %add3A_576 = arith.addi %mul3A_407, %add3A_575 : i32
        %get3A_577 = arith.index_cast %add3A_576 : i32 to index
        %get3A_578 = arith.constant 0 : index
        %get3A_579 = tpu.vector_load %arg12[%get3A_577, %get3A_578] {strides = array<i32>} : memref<512x32xf32, #tpu.memory_space<vmem>>, vector<16xf32>,
        %add3A_580 = arith.constant 8 : i32
        %add3A_581 = arith.addi %mul3A_407, %add3A_580 : i32
        %get3A_582 = arith.index_cast %add3A_581 : i32 to index
        %get3A_583 = arith.constant 16 : index
        %get3A_584 = tpu.vector_load %arg12[%get3A_582, %get3A_583] {strides = array<i32>} : memref<512x32xf32, #tpu.memory_space<vmem>>, vector<16xf32>,
        tpu.vector_store_idx %arg13[%iota3A, %broadcast_in_dim3A_574], %get3A_579 masked %broadcast_in_dim3A_571 : memref<32x1024xf32, #tpu.memory_space<vmem>>[vector<16xi32>, vector<16xi32>], vector<16xf32>, vector<16xi1>
        %add3A_585 = arith.constant 16 : i32
        %add3A_586 = vector.broadcast %add3A_585 : i32 to vector<16xi32>
        %add3A_587 = arith.addi %iota3A, %add3A_586 : vector<16xi32>
        tpu.vector_store_idx %arg13[%add3A_587, %broadcast_in_dim3A_574], %get3A_584 masked %broadcast_in_dim3A_571 : memref<32x1024xf32, #tpu.memory_space<vmem>>[vector<16xi32>, vector<16xi32>], vector<16xf32>, vector<16xi1>
        %add3A_588 = arith.constant 9 : i32
        %add3A_589 = arith.addi %mul3A_407, %add3A_588 : i32
        %lt3A_590 = arith.cmpi slt, %add3A_589, %while3A_301 : i32
        %broadcast_in_dim3A_591 = vector.broadcast %lt3A_590 : i1 to vector<16xi1>
        %slice3A_592 = vector.extract_strided_slice %get3A_409 {offsets = [9], sizes = [1], strides = [1]} : vector<16xi32> to vector<1xi32>
        %squeeze3A_593 = vector.extract %slice3A_592[0] : i32 from vector<1xi32>
        %broadcast_in_dim3A_594 = vector.broadcast %squeeze3A_593 : i32 to vector<16xi32>
        %add3A_595 = arith.constant 9 : i32
        %add3A_596 = arith.addi %mul3A_407, %add3A_595 : i32
        %get3A_597 = arith.index_cast %add3A_596 : i32 to index
        %get3A_598 = arith.constant 0 : index
        %get3A_599 = tpu.vector_load %arg12[%get3A_597, %get3A_598] {strides = array<i32>} : memref<512x32xf32, #tpu.memory_space<vmem>>, vector<16xf32>,
        %add3A_600 = arith.constant 9 : i32
        %add3A_601 = arith.addi %mul3A_407, %add3A_600 : i32
        %get3A_602 = arith.index_cast %add3A_601 : i32 to index
        %get3A_603 = arith.constant 16 : index
        %get3A_604 = tpu.vector_load %arg12[%get3A_602, %get3A_603] {strides = array<i32>} : memref<512x32xf32, #tpu.memory_space<vmem>>, vector<16xf32>,
        tpu.vector_store_idx %arg13[%iota3A, %broadcast_in_dim3A_594], %get3A_599 masked %broadcast_in_dim3A_591 : memref<32x1024xf32, #tpu.memory_space<vmem>>[vector<16xi32>, vector<16xi32>], vector<16xf32>, vector<16xi1>
        %add3A_605 = arith.constant 16 : i32
        %add3A_606 = vector.broadcast %add3A_605 : i32 to vector<16xi32>
        %add3A_607 = arith.addi %iota3A, %add3A_606 : vector<16xi32>
        tpu.vector_store_idx %arg13[%add3A_607, %broadcast_in_dim3A_594], %get3A_604 masked %broadcast_in_dim3A_591 : memref<32x1024xf32, #tpu.memory_space<vmem>>[vector<16xi32>, vector<16xi32>], vector<16xf32>, vector<16xi1>
        %add3A_608 = arith.constant 10 : i32
        %add3A_609 = arith.addi %mul3A_407, %add3A_608 : i32
        %lt3A_610 = arith.cmpi slt, %add3A_609, %while3A_301 : i32
        %broadcast_in_dim3A_611 = vector.broadcast %lt3A_610 : i1 to vector<16xi1>
        %slice3A_612 = vector.extract_strided_slice %get3A_409 {offsets = [10], sizes = [1], strides = [1]} : vector<16xi32> to vector<1xi32>
        %squeeze3A_613 = vector.extract %slice3A_612[0] : i32 from vector<1xi32>
        %broadcast_in_dim3A_614 = vector.broadcast %squeeze3A_613 : i32 to vector<16xi32>
        %add3A_615 = arith.constant 10 : i32
        %add3A_616 = arith.addi %mul3A_407, %add3A_615 : i32
        %get3A_617 = arith.index_cast %add3A_616 : i32 to index
        %get3A_618 = arith.constant 0 : index
        %get3A_619 = tpu.vector_load %arg12[%get3A_617, %get3A_618] {strides = array<i32>} : memref<512x32xf32, #tpu.memory_space<vmem>>, vector<16xf32>,
        %add3A_620 = arith.constant 10 : i32
        %add3A_621 = arith.addi %mul3A_407, %add3A_620 : i32
        %get3A_622 = arith.index_cast %add3A_621 : i32 to index
        %get3A_623 = arith.constant 16 : index
        %get3A_624 = tpu.vector_load %arg12[%get3A_622, %get3A_623] {strides = array<i32>} : memref<512x32xf32, #tpu.memory_space<vmem>>, vector<16xf32>,
        tpu.vector_store_idx %arg13[%iota3A, %broadcast_in_dim3A_614], %get3A_619 masked %broadcast_in_dim3A_611 : memref<32x1024xf32, #tpu.memory_space<vmem>>[vector<16xi32>, vector<16xi32>], vector<16xf32>, vector<16xi1>
        %add3A_625 = arith.constant 16 : i32
        %add3A_626 = vector.broadcast %add3A_625 : i32 to vector<16xi32>
        %add3A_627 = arith.addi %iota3A, %add3A_626 : vector<16xi32>
        tpu.vector_store_idx %arg13[%add3A_627, %broadcast_in_dim3A_614], %get3A_624 masked %broadcast_in_dim3A_611 : memref<32x1024xf32, #tpu.memory_space<vmem>>[vector<16xi32>, vector<16xi32>], vector<16xf32>, vector<16xi1>
        %add3A_628 = arith.constant 11 : i32
        %add3A_629 = arith.addi %mul3A_407, %add3A_628 : i32
        %lt3A_630 = arith.cmpi slt, %add3A_629, %while3A_301 : i32
        %broadcast_in_dim3A_631 = vector.broadcast %lt3A_630 : i1 to vector<16xi1>
        %slice3A_632 = vector.extract_strided_slice %get3A_409 {offsets = [11], sizes = [1], strides = [1]} : vector<16xi32> to vector<1xi32>
        %squeeze3A_633 = vector.extract %slice3A_632[0] : i32 from vector<1xi32>
        %broadcast_in_dim3A_634 = vector.broadcast %squeeze3A_633 : i32 to vector<16xi32>
        %add3A_635 = arith.constant 11 : i32
        %add3A_636 = arith.addi %mul3A_407, %add3A_635 : i32
        %get3A_637 = arith.index_cast %add3A_636 : i32 to index
        %get3A_638 = arith.constant 0 : index
        %get3A_639 = tpu.vector_load %arg12[%get3A_637, %get3A_638] {strides = array<i32>} : memref<512x32xf32, #tpu.memory_space<vmem>>, vector<16xf32>,
        %add3A_640 = arith.constant 11 : i32
        %add3A_641 = arith.addi %mul3A_407, %add3A_640 : i32
        %get3A_642 = arith.index_cast %add3A_641 : i32 to index
        %get3A_643 = arith.constant 16 : index
        %get3A_644 = tpu.vector_load %arg12[%get3A_642, %get3A_643] {strides = array<i32>} : memref<512x32xf32, #tpu.memory_space<vmem>>, vector<16xf32>,
        tpu.vector_store_idx %arg13[%iota3A, %broadcast_in_dim3A_634], %get3A_639 masked %broadcast_in_dim3A_631 : memref<32x1024xf32, #tpu.memory_space<vmem>>[vector<16xi32>, vector<16xi32>], vector<16xf32>, vector<16xi1>
        %add3A_645 = arith.constant 16 : i32
        %add3A_646 = vector.broadcast %add3A_645 : i32 to vector<16xi32>
        %add3A_647 = arith.addi %iota3A, %add3A_646 : vector<16xi32>
        tpu.vector_store_idx %arg13[%add3A_647, %broadcast_in_dim3A_634], %get3A_644 masked %broadcast_in_dim3A_631 : memref<32x1024xf32, #tpu.memory_space<vmem>>[vector<16xi32>, vector<16xi32>], vector<16xf32>, vector<16xi1>
        %add3A_648 = arith.constant 12 : i32
        %add3A_649 = arith.addi %mul3A_407, %add3A_648 : i32
        %lt3A_650 = arith.cmpi slt, %add3A_649, %while3A_301 : i32
        %broadcast_in_dim3A_651 = vector.broadcast %lt3A_650 : i1 to vector<16xi1>
        %slice3A_652 = vector.extract_strided_slice %get3A_409 {offsets = [12], sizes = [1], strides = [1]} : vector<16xi32> to vector<1xi32>
        %squeeze3A_653 = vector.extract %slice3A_652[0] : i32 from vector<1xi32>
        %broadcast_in_dim3A_654 = vector.broadcast %squeeze3A_653 : i32 to vector<16xi32>
        %add3A_655 = arith.constant 12 : i32
        %add3A_656 = arith.addi %mul3A_407, %add3A_655 : i32
        %get3A_657 = arith.index_cast %add3A_656 : i32 to index
        %get3A_658 = arith.constant 0 : index
        %get3A_659 = tpu.vector_load %arg12[%get3A_657, %get3A_658] {strides = array<i32>} : memref<512x32xf32, #tpu.memory_space<vmem>>, vector<16xf32>,
        %add3A_660 = arith.constant 12 : i32
        %add3A_661 = arith.addi %mul3A_407, %add3A_660 : i32
        %get3A_662 = arith.index_cast %add3A_661 : i32 to index
        %get3A_663 = arith.constant 16 : index
        %get3A_664 = tpu.vector_load %arg12[%get3A_662, %get3A_663] {strides = array<i32>} : memref<512x32xf32, #tpu.memory_space<vmem>>, vector<16xf32>,
        tpu.vector_store_idx %arg13[%iota3A, %broadcast_in_dim3A_654], %get3A_659 masked %broadcast_in_dim3A_651 : memref<32x1024xf32, #tpu.memory_space<vmem>>[vector<16xi32>, vector<16xi32>], vector<16xf32>, vector<16xi1>
        %add3A_665 = arith.constant 16 : i32
        %add3A_666 = vector.broadcast %add3A_665 : i32 to vector<16xi32>
        %add3A_667 = arith.addi %iota3A, %add3A_666 : vector<16xi32>
        tpu.vector_store_idx %arg13[%add3A_667, %broadcast_in_dim3A_654], %get3A_664 masked %broadcast_in_dim3A_651 : memref<32x1024xf32, #tpu.memory_space<vmem>>[vector<16xi32>, vector<16xi32>], vector<16xf32>, vector<16xi1>
        %add3A_668 = arith.constant 13 : i32
        %add3A_669 = arith.addi %mul3A_407, %add3A_668 : i32
        %lt3A_670 = arith.cmpi slt, %add3A_669, %while3A_301 : i32
        %broadcast_in_dim3A_671 = vector.broadcast %lt3A_670 : i1 to vector<16xi1>
        %slice3A_672 = vector.extract_strided_slice %get3A_409 {offsets = [13], sizes = [1], strides = [1]} : vector<16xi32> to vector<1xi32>
        %squeeze3A_673 = vector.extract %slice3A_672[0] : i32 from vector<1xi32>
        %broadcast_in_dim3A_674 = vector.broadcast %squeeze3A_673 : i32 to vector<16xi32>
        %add3A_675 = arith.constant 13 : i32
        %add3A_676 = arith.addi %mul3A_407, %add3A_675 : i32
        %get3A_677 = arith.index_cast %add3A_676 : i32 to index
        %get3A_678 = arith.constant 0 : index
        %get3A_679 = tpu.vector_load %arg12[%get3A_677, %get3A_678] {strides = array<i32>} : memref<512x32xf32, #tpu.memory_space<vmem>>, vector<16xf32>,
        %add3A_680 = arith.constant 13 : i32
        %add3A_681 = arith.addi %mul3A_407, %add3A_680 : i32
        %get3A_682 = arith.index_cast %add3A_681 : i32 to index
        %get3A_683 = arith.constant 16 : index
        %get3A_684 = tpu.vector_load %arg12[%get3A_682, %get3A_683] {strides = array<i32>} : memref<512x32xf32, #tpu.memory_space<vmem>>, vector<16xf32>,
        tpu.vector_store_idx %arg13[%iota3A, %broadcast_in_dim3A_674], %get3A_679 masked %broadcast_in_dim3A_671 : memref<32x1024xf32, #tpu.memory_space<vmem>>[vector<16xi32>, vector<16xi32>], vector<16xf32>, vector<16xi1>
        %add3A_685 = arith.constant 16 : i32
        %add3A_686 = vector.broadcast %add3A_685 : i32 to vector<16xi32>
        %add3A_687 = arith.addi %iota3A, %add3A_686 : vector<16xi32>
        tpu.vector_store_idx %arg13[%add3A_687, %broadcast_in_dim3A_674], %get3A_684 masked %broadcast_in_dim3A_671 : memref<32x1024xf32, #tpu.memory_space<vmem>>[vector<16xi32>, vector<16xi32>], vector<16xf32>, vector<16xi1>
        %add3A_688 = arith.constant 14 : i32
        %add3A_689 = arith.addi %mul3A_407, %add3A_688 : i32
        %lt3A_690 = arith.cmpi slt, %add3A_689, %while3A_301 : i32
        %broadcast_in_dim3A_691 = vector.broadcast %lt3A_690 : i1 to vector<16xi1>
        %slice3A_692 = vector.extract_strided_slice %get3A_409 {offsets = [14], sizes = [1], strides = [1]} : vector<16xi32> to vector<1xi32>
        %squeeze3A_693 = vector.extract %slice3A_692[0] : i32 from vector<1xi32>
        %broadcast_in_dim3A_694 = vector.broadcast %squeeze3A_693 : i32 to vector<16xi32>
        %add3A_695 = arith.constant 14 : i32
        %add3A_696 = arith.addi %mul3A_407, %add3A_695 : i32
        %get3A_697 = arith.index_cast %add3A_696 : i32 to index
        %get3A_698 = arith.constant 0 : index
        %get3A_699 = tpu.vector_load %arg12[%get3A_697, %get3A_698] {strides = array<i32>} : memref<512x32xf32, #tpu.memory_space<vmem>>, vector<16xf32>,
        %add3A_700 = arith.constant 14 : i32
        %add3A_701 = arith.addi %mul3A_407, %add3A_700 : i32
        %get3A_702 = arith.index_cast %add3A_701 : i32 to index
        %get3A_703 = arith.constant 16 : index
        %get3A_704 = tpu.vector_load %arg12[%get3A_702, %get3A_703] {strides = array<i32>} : memref<512x32xf32, #tpu.memory_space<vmem>>, vector<16xf32>,
        tpu.vector_store_idx %arg13[%iota3A, %broadcast_in_dim3A_694], %get3A_699 masked %broadcast_in_dim3A_691 : memref<32x1024xf32, #tpu.memory_space<vmem>>[vector<16xi32>, vector<16xi32>], vector<16xf32>, vector<16xi1>
        %add3A_705 = arith.constant 16 : i32
        %add3A_706 = vector.broadcast %add3A_705 : i32 to vector<16xi32>
        %add3A_707 = arith.addi %iota3A, %add3A_706 : vector<16xi32>
        tpu.vector_store_idx %arg13[%add3A_707, %broadcast_in_dim3A_694], %get3A_704 masked %broadcast_in_dim3A_691 : memref<32x1024xf32, #tpu.memory_space<vmem>>[vector<16xi32>, vector<16xi32>], vector<16xf32>, vector<16xi1>
        %add3A_708 = arith.constant 15 : i32
        %add3A_709 = arith.addi %mul3A_407, %add3A_708 : i32
        %lt3A_710 = arith.cmpi slt, %add3A_709, %while3A_301 : i32
        %broadcast_in_dim3A_711 = vector.broadcast %lt3A_710 : i1 to vector<16xi1>
        %slice3A_712 = vector.extract_strided_slice %get3A_409 {offsets = [15], sizes = [1], strides = [1]} : vector<16xi32> to vector<1xi32>
        %squeeze3A_713 = vector.extract %slice3A_712[0] : i32 from vector<1xi32>
        %broadcast_in_dim3A_714 = vector.broadcast %squeeze3A_713 : i32 to vector<16xi32>
        %add3A_715 = arith.constant 15 : i32
        %add3A_716 = arith.addi %mul3A_407, %add3A_715 : i32
        %get3A_717 = arith.index_cast %add3A_716 : i32 to index
        %get3A_718 = arith.constant 0 : index
        %get3A_719 = tpu.vector_load %arg12[%get3A_717, %get3A_718] {strides = array<i32>} : memref<512x32xf32, #tpu.memory_space<vmem>>, vector<16xf32>,
        %add3A_720 = arith.constant 15 : i32
        %add3A_721 = arith.addi %mul3A_407, %add3A_720 : i32
        %get3A_722 = arith.index_cast %add3A_721 : i32 to index
        %get3A_723 = arith.constant 16 : index
        %get3A_724 = tpu.vector_load %arg12[%get3A_722, %get3A_723] {strides = array<i32>} : memref<512x32xf32, #tpu.memory_space<vmem>>, vector<16xf32>,
        tpu.vector_store_idx %arg13[%iota3A, %broadcast_in_dim3A_714], %get3A_719 masked %broadcast_in_dim3A_711 : memref<32x1024xf32, #tpu.memory_space<vmem>>[vector<16xi32>, vector<16xi32>], vector<16xf32>, vector<16xi1>
        %add3A_725 = arith.constant 16 : i32
        %add3A_726 = vector.broadcast %add3A_725 : i32 to vector<16xi32>
        %add3A_727 = arith.addi %iota3A, %add3A_726 : vector<16xi32>
        tpu.vector_store_idx %arg13[%add3A_727, %broadcast_in_dim3A_714], %get3A_724 masked %broadcast_in_dim3A_711 : memref<32x1024xf32, #tpu.memory_space<vmem>>[vector<16xi32>, vector<16xi32>], vector<16xf32>, vector<16xi1>
        %while3A_728 = arith.constant 0 : i32
        scf.yield %while3A_728 : i32
      }
      %while3A_397 = arith.constant 1 : i32
      %while3A_398 = scf.for %while3A_404 = %while3A_394 to %while3A_390 step %while3A_397 iter_args(%while3A_405 = %while3A_396) -> (i32)  : i32 {
        %mul3A_406 = arith.constant 16 : i32
        %mul3A_407 = arith.muli %while3A_404, %mul3A_406 : i32
        %add3A_408 = arith.addi %mul3A_288, %mul3A_407 : i32
        %get3A = arith.index_cast %add3A_408 : i32 to index
        %get3A_409 = tpu.vector_load %arg9[%get3A] {strides = array<i32>} : memref<1024xi32, #tpu.memory_space<vmem>>, vector<16xi32>,
        %add3A_410 = arith.constant 0 : i32
        %add3A_411 = arith.addi %mul3A_407, %add3A_410 : i32
        %lt3A_412 = arith.cmpi slt, %add3A_411, %while3A_301 : i32
        %broadcast_in_dim3A_413 = vector.broadcast %lt3A_412 : i1 to vector<16xi1>
        %slice3A = vector.extract_strided_slice %get3A_409 {offsets = [0], sizes = [1], strides = [1]} : vector<16xi32> to vector<1xi32>
        %squeeze3A = vector.extract %slice3A[0] : i32 from vector<1xi32>
        %broadcast_in_dim3A_414 = vector.broadcast %squeeze3A : i32 to vector<16xi32>
        %add3A_415 = arith.constant 0 : i32
        %add3A_416 = arith.addi %mul3A_407, %add3A_415 : i32
        %get3A_417 = arith.index_cast %add3A_416 : i32 to index
        %get3A_418 = arith.constant 0 : index
        %get3A_419 = tpu.vector_load %arg12[%get3A_417, %get3A_418] {strides = array<i32>} : memref<512x32xf32, #tpu.memory_space<vmem>>, vector<16xf32>,
        %add3A_420 = arith.constant 0 : i32
        %add3A_421 = arith.addi %mul3A_407, %add3A_420 : i32
        %get3A_422 = arith.index_cast %add3A_421 : i32 to index
        %get3A_423 = arith.constant 16 : index
        %get3A_424 = tpu.vector_load %arg12[%get3A_422, %get3A_423] {strides = array<i32>} : memref<512x32xf32, #tpu.memory_space<vmem>>, vector<16xf32>,
        tpu.vector_store_idx %arg13[%iota3A, %broadcast_in_dim3A_414], %get3A_419 masked %broadcast_in_dim3A_413 : memref<32x1024xf32, #tpu.memory_space<vmem>>[vector<16xi32>, vector<16xi32>], vector<16xf32>, vector<16xi1>
        %add3A_425 = arith.constant 16 : i32
        %add3A_426 = vector.broadcast %add3A_425 : i32 to vector<16xi32>
        %add3A_427 = arith.addi %iota3A, %add3A_426 : vector<16xi32>
        tpu.vector_store_idx %arg13[%add3A_427, %broadcast_in_dim3A_414], %get3A_424 masked %broadcast_in_dim3A_413 : memref<32x1024xf32, #tpu.memory_space<vmem>>[vector<16xi32>, vector<16xi32>], vector<16xf32>, vector<16xi1>
        %add3A_428 = arith.constant 1 : i32
        %add3A_429 = arith.addi %mul3A_407, %add3A_428 : i32
        %lt3A_430 = arith.cmpi slt, %add3A_429, %while3A_301 : i32
        %broadcast_in_dim3A_431 = vector.broadcast %lt3A_430 : i1 to vector<16xi1>
        %slice3A_432 = vector.extract_strided_slice %get3A_409 {offsets = [1], sizes = [1], strides = [1]} : vector<16xi32> to vector<1xi32>
        %squeeze3A_433 = vector.extract %slice3A_432[0] : i32 from vector<1xi32>
        %broadcast_in_dim3A_434 = vector.broadcast %squeeze3A_433 : i32 to vector<16xi32>
        %add3A_435 = arith.constant 1 : i32
        %add3A_436 = arith.addi %mul3A_407, %add3A_435 : i32
        %get3A_437 = arith.index_cast %add3A_436 : i32 to index
        %get3A_438 = arith.constant 0 : index
        %get3A_439 = tpu.vector_load %arg12[%get3A_437, %get3A_438] {strides = array<i32>} : memref<512x32xf32, #tpu.memory_space<vmem>>, vector<16xf32>,
        %add3A_440 = arith.constant 1 : i32
        %add3A_441 = arith.addi %mul3A_407, %add3A_440 : i32
        %get3A_442 = arith.index_cast %add3A_441 : i32 to index
        %get3A_443 = arith.constant 16 : index
        %get3A_444 = tpu.vector_load %arg12[%get3A_442, %get3A_443] {strides = array<i32>} : memref<512x32xf32, #tpu.memory_space<vmem>>, vector<16xf32>,
        tpu.vector_store_idx %arg13[%iota3A, %broadcast_in_dim3A_434], %get3A_439 masked %broadcast_in_dim3A_431 : memref<32x1024xf32, #tpu.memory_space<vmem>>[vector<16xi32>, vector<16xi32>], vector<16xf32>, vector<16xi1>
        %add3A_445 = arith.constant 16 : i32
        %add3A_446 = vector.broadcast %add3A_445 : i32 to vector<16xi32>
        %add3A_447 = arith.addi %iota3A, %add3A_446 : vector<16xi32>
        tpu.vector_store_idx %arg13[%add3A_447, %broadcast_in_dim3A_434], %get3A_444 masked %broadcast_in_dim3A_431 : memref<32x1024xf32, #tpu.memory_space<vmem>>[vector<16xi32>, vector<16xi32>], vector<16xf32>, vector<16xi1>
        %add3A_448 = arith.constant 2 : i32
        %add3A_449 = arith.addi %mul3A_407, %add3A_448 : i32
        %lt3A_450 = arith.cmpi slt, %add3A_449, %while3A_301 : i32
        %broadcast_in_dim3A_451 = vector.broadcast %lt3A_450 : i1 to vector<16xi1>
        %slice3A_452 = vector.extract_strided_slice %get3A_409 {offsets = [2], sizes = [1], strides = [1]} : vector<16xi32> to vector<1xi32>
        %squeeze3A_453 = vector.extract %slice3A_452[0] : i32 from vector<1xi32>
        %broadcast_in_dim3A_454 = vector.broadcast %squeeze3A_453 : i32 to vector<16xi32>
        %add3A_455 = arith.constant 2 : i32
        %add3A_456 = arith.addi %mul3A_407, %add3A_455 : i32
        %get3A_457 = arith.index_cast %add3A_456 : i32 to index
        %get3A_458 = arith.constant 0 : index
        %get3A_459 = tpu.vector_load %arg12[%get3A_457, %get3A_458] {strides = array<i32>} : memref<512x32xf32, #tpu.memory_space<vmem>>, vector<16xf32>,
        %add3A_460 = arith.constant 2 : i32
        %add3A_461 = arith.addi %mul3A_407, %add3A_460 : i32
        %get3A_462 = arith.index_cast %add3A_461 : i32 to index
        %get3A_463 = arith.constant 16 : index
        %get3A_464 = tpu.vector_load %arg12[%get3A_462, %get3A_463] {strides = array<i32>} : memref<512x32xf32, #tpu.memory_space<vmem>>, vector<16xf32>,
        tpu.vector_store_idx %arg13[%iota3A, %broadcast_in_dim3A_454], %get3A_459 masked %broadcast_in_dim3A_451 : memref<32x1024xf32, #tpu.memory_space<vmem>>[vector<16xi32>, vector<16xi32>], vector<16xf32>, vector<16xi1>
        %add3A_465 = arith.constant 16 : i32
        %add3A_466 = vector.broadcast %add3A_465 : i32 to vector<16xi32>
        %add3A_467 = arith.addi %iota3A, %add3A_466 : vector<16xi32>
        tpu.vector_store_idx %arg13[%add3A_467, %broadcast_in_dim3A_454], %get3A_464 masked %broadcast_in_dim3A_451 : memref<32x1024xf32, #tpu.memory_space<vmem>>[vector<16xi32>, vector<16xi32>], vector<16xf32>, vector<16xi1>
        %add3A_468 = arith.constant 3 : i32
        %add3A_469 = arith.addi %mul3A_407, %add3A_468 : i32
        %lt3A_470 = arith.cmpi slt, %add3A_469, %while3A_301 : i32
        %broadcast_in_dim3A_471 = vector.broadcast %lt3A_470 : i1 to vector<16xi1>
        %slice3A_472 = vector.extract_strided_slice %get3A_409 {offsets = [3], sizes = [1], strides = [1]} : vector<16xi32> to vector<1xi32>
        %squeeze3A_473 = vector.extract %slice3A_472[0] : i32 from vector<1xi32>
        %broadcast_in_dim3A_474 = vector.broadcast %squeeze3A_473 : i32 to vector<16xi32>
        %add3A_475 = arith.constant 3 : i32
        %add3A_476 = arith.addi %mul3A_407, %add3A_475 : i32
        %get3A_477 = arith.index_cast %add3A_476 : i32 to index
        %get3A_478 = arith.constant 0 : index
        %get3A_479 = tpu.vector_load %arg12[%get3A_477, %get3A_478] {strides = array<i32>} : memref<512x32xf32, #tpu.memory_space<vmem>>, vector<16xf32>,
        %add3A_480 = arith.constant 3 : i32
        %add3A_481 = arith.addi %mul3A_407, %add3A_480 : i32
        %get3A_482 = arith.index_cast %add3A_481 : i32 to index
        %get3A_483 = arith.constant 16 : index
        %get3A_484 = tpu.vector_load %arg12[%get3A_482, %get3A_483] {strides = array<i32>} : memref<512x32xf32, #tpu.memory_space<vmem>>, vector<16xf32>,
        tpu.vector_store_idx %arg13[%iota3A, %broadcast_in_dim3A_474], %get3A_479 masked %broadcast_in_dim3A_471 : memref<32x1024xf32, #tpu.memory_space<vmem>>[vector<16xi32>, vector<16xi32>], vector<16xf32>, vector<16xi1>
        %add3A_485 = arith.constant 16 : i32
        %add3A_486 = vector.broadcast %add3A_485 : i32 to vector<16xi32>
        %add3A_487 = arith.addi %iota3A, %add3A_486 : vector<16xi32>
        tpu.vector_store_idx %arg13[%add3A_487, %broadcast_in_dim3A_474], %get3A_484 masked %broadcast_in_dim3A_471 : memref<32x1024xf32, #tpu.memory_space<vmem>>[vector<16xi32>, vector<16xi32>], vector<16xf32>, vector<16xi1>
        %add3A_488 = arith.constant 4 : i32
        %add3A_489 = arith.addi %mul3A_407, %add3A_488 : i32
        %lt3A_490 = arith.cmpi slt, %add3A_489, %while3A_301 : i32
        %broadcast_in_dim3A_491 = vector.broadcast %lt3A_490 : i1 to vector<16xi1>
        %slice3A_492 = vector.extract_strided_slice %get3A_409 {offsets = [4], sizes = [1], strides = [1]} : vector<16xi32> to vector<1xi32>
        %squeeze3A_493 = vector.extract %slice3A_492[0] : i32 from vector<1xi32>
        %broadcast_in_dim3A_494 = vector.broadcast %squeeze3A_493 : i32 to vector<16xi32>
        %add3A_495 = arith.constant 4 : i32
        %add3A_496 = arith.addi %mul3A_407, %add3A_495 : i32
        %get3A_497 = arith.index_cast %add3A_496 : i32 to index
        %get3A_498 = arith.constant 0 : index
        %get3A_499 = tpu.vector_load %arg12[%get3A_497, %get3A_498] {strides = array<i32>} : memref<512x32xf32, #tpu.memory_space<vmem>>, vector<16xf32>,
        %add3A_500 = arith.constant 4 : i32
        %add3A_501 = arith.addi %mul3A_407, %add3A_500 : i32
        %get3A_502 = arith.index_cast %add3A_501 : i32 to index
        %get3A_503 = arith.constant 16 : index
        %get3A_504 = tpu.vector_load %arg12[%get3A_502, %get3A_503] {strides = array<i32>} : memref<512x32xf32, #tpu.memory_space<vmem>>, vector<16xf32>,
        tpu.vector_store_idx %arg13[%iota3A, %broadcast_in_dim3A_494], %get3A_499 masked %broadcast_in_dim3A_491 : memref<32x1024xf32, #tpu.memory_space<vmem>>[vector<16xi32>, vector<16xi32>], vector<16xf32>, vector<16xi1>
        %add3A_505 = arith.constant 16 : i32
        %add3A_506 = vector.broadcast %add3A_505 : i32 to vector<16xi32>
        %add3A_507 = arith.addi %iota3A, %add3A_506 : vector<16xi32>
        tpu.vector_store_idx %arg13[%add3A_507, %broadcast_in_dim3A_494], %get3A_504 masked %broadcast_in_dim3A_491 : memref<32x1024xf32, #tpu.memory_space<vmem>>[vector<16xi32>, vector<16xi32>], vector<16xf32>, vector<16xi1>
        %add3A_508 = arith.constant 5 : i32
        %add3A_509 = arith.addi %mul3A_407, %add3A_508 : i32
        %lt3A_510 = arith.cmpi slt, %add3A_509, %while3A_301 : i32
        %broadcast_in_dim3A_511 = vector.broadcast %lt3A_510 : i1 to vector<16xi1>
        %slice3A_512 = vector.extract_strided_slice %get3A_409 {offsets = [5], sizes = [1], strides = [1]} : vector<16xi32> to vector<1xi32>
        %squeeze3A_513 = vector.extract %slice3A_512[0] : i32 from vector<1xi32>
        %broadcast_in_dim3A_514 = vector.broadcast %squeeze3A_513 : i32 to vector<16xi32>
        %add3A_515 = arith.constant 5 : i32
        %add3A_516 = arith.addi %mul3A_407, %add3A_515 : i32
        %get3A_517 = arith.index_cast %add3A_516 : i32 to index
        %get3A_518 = arith.constant 0 : index
        %get3A_519 = tpu.vector_load %arg12[%get3A_517, %get3A_518] {strides = array<i32>} : memref<512x32xf32, #tpu.memory_space<vmem>>, vector<16xf32>,
        %add3A_520 = arith.constant 5 : i32
        %add3A_521 = arith.addi %mul3A_407, %add3A_520 : i32
        %get3A_522 = arith.index_cast %add3A_521 : i32 to index
        %get3A_523 = arith.constant 16 : index
        %get3A_524 = tpu.vector_load %arg12[%get3A_522, %get3A_523] {strides = array<i32>} : memref<512x32xf32, #tpu.memory_space<vmem>>, vector<16xf32>,
        tpu.vector_store_idx %arg13[%iota3A, %broadcast_in_dim3A_514], %get3A_519 masked %broadcast_in_dim3A_511 : memref<32x1024xf32, #tpu.memory_space<vmem>>[vector<16xi32>, vector<16xi32>], vector<16xf32>, vector<16xi1>
        %add3A_525 = arith.constant 16 : i32
        %add3A_526 = vector.broadcast %add3A_525 : i32 to vector<16xi32>
        %add3A_527 = arith.addi %iota3A, %add3A_526 : vector<16xi32>
        tpu.vector_store_idx %arg13[%add3A_527, %broadcast_in_dim3A_514], %get3A_524 masked %broadcast_in_dim3A_511 : memref<32x1024xf32, #tpu.memory_space<vmem>>[vector<16xi32>, vector<16xi32>], vector<16xf32>, vector<16xi1>
        %add3A_528 = arith.constant 6 : i32
        %add3A_529 = arith.addi %mul3A_407, %add3A_528 : i32
        %lt3A_530 = arith.cmpi slt, %add3A_529, %while3A_301 : i32
        %broadcast_in_dim3A_531 = vector.broadcast %lt3A_530 : i1 to vector<16xi1>
        %slice3A_532 = vector.extract_strided_slice %get3A_409 {offsets = [6], sizes = [1], strides = [1]} : vector<16xi32> to vector<1xi32>
        %squeeze3A_533 = vector.extract %slice3A_532[0] : i32 from vector<1xi32>
        %broadcast_in_dim3A_534 = vector.broadcast %squeeze3A_533 : i32 to vector<16xi32>
        %add3A_535 = arith.constant 6 : i32
        %add3A_536 = arith.addi %mul3A_407, %add3A_535 : i32
        %get3A_537 = arith.index_cast %add3A_536 : i32 to index
        %get3A_538 = arith.constant 0 : index
        %get3A_539 = tpu.vector_load %arg12[%get3A_537, %get3A_538] {strides = array<i32>} : memref<512x32xf32, #tpu.memory_space<vmem>>, vector<16xf32>,
        %add3A_540 = arith.constant 6 : i32
        %add3A_541 = arith.addi %mul3A_407, %add3A_540 : i32
        %get3A_542 = arith.index_cast %add3A_541 : i32 to index
        %get3A_543 = arith.constant 16 : index
        %get3A_544 = tpu.vector_load %arg12[%get3A_542, %get3A_543] {strides = array<i32>} : memref<512x32xf32, #tpu.memory_space<vmem>>, vector<16xf32>,
        tpu.vector_store_idx %arg13[%iota3A, %broadcast_in_dim3A_534], %get3A_539 masked %broadcast_in_dim3A_531 : memref<32x1024xf32, #tpu.memory_space<vmem>>[vector<16xi32>, vector<16xi32>], vector<16xf32>, vector<16xi1>
        %add3A_545 = arith.constant 16 : i32
        %add3A_546 = vector.broadcast %add3A_545 : i32 to vector<16xi32>
        %add3A_547 = arith.addi %iota3A, %add3A_546 : vector<16xi32>
        tpu.vector_store_idx %arg13[%add3A_547, %broadcast_in_dim3A_534], %get3A_544 masked %broadcast_in_dim3A_531 : memref<32x1024xf32, #tpu.memory_space<vmem>>[vector<16xi32>, vector<16xi32>], vector<16xf32>, vector<16xi1>
        %add3A_548 = arith.constant 7 : i32
        %add3A_549 = arith.addi %mul3A_407, %add3A_548 : i32
        %lt3A_550 = arith.cmpi slt, %add3A_549, %while3A_301 : i32
        %broadcast_in_dim3A_551 = vector.broadcast %lt3A_550 : i1 to vector<16xi1>
        %slice3A_552 = vector.extract_strided_slice %get3A_409 {offsets = [7], sizes = [1], strides = [1]} : vector<16xi32> to vector<1xi32>
        %squeeze3A_553 = vector.extract %slice3A_552[0] : i32 from vector<1xi32>
        %broadcast_in_dim3A_554 = vector.broadcast %squeeze3A_553 : i32 to vector<16xi32>
        %add3A_555 = arith.constant 7 : i32
        %add3A_556 = arith.addi %mul3A_407, %add3A_555 : i32
        %get3A_557 = arith.index_cast %add3A_556 : i32 to index
        %get3A_558 = arith.constant 0 : index
        %get3A_559 = tpu.vector_load %arg12[%get3A_557, %get3A_558] {strides = array<i32>} : memref<512x32xf32, #tpu.memory_space<vmem>>, vector<16xf32>,
        %add3A_560 = arith.constant 7 : i32
        %add3A_561 = arith.addi %mul3A_407, %add3A_560 : i32
        %get3A_562 = arith.index_cast %add3A_561 : i32 to index
        %get3A_563 = arith.constant 16 : index
        %get3A_564 = tpu.vector_load %arg12[%get3A_562, %get3A_563] {strides = array<i32>} : memref<512x32xf32, #tpu.memory_space<vmem>>, vector<16xf32>,
        tpu.vector_store_idx %arg13[%iota3A, %broadcast_in_dim3A_554], %get3A_559 masked %broadcast_in_dim3A_551 : memref<32x1024xf32, #tpu.memory_space<vmem>>[vector<16xi32>, vector<16xi32>], vector<16xf32>, vector<16xi1>
        %add3A_565 = arith.constant 16 : i32
        %add3A_566 = vector.broadcast %add3A_565 : i32 to vector<16xi32>
        %add3A_567 = arith.addi %iota3A, %add3A_566 : vector<16xi32>
        tpu.vector_store_idx %arg13[%add3A_567, %broadcast_in_dim3A_554], %get3A_564 masked %broadcast_in_dim3A_551 : memref<32x1024xf32, #tpu.memory_space<vmem>>[vector<16xi32>, vector<16xi32>], vector<16xf32>, vector<16xi1>
        %add3A_568 = arith.constant 8 : i32
        %add3A_569 = arith.addi %mul3A_407, %add3A_568 : i32
        %lt3A_570 = arith.cmpi slt, %add3A_569, %while3A_301 : i32
        %broadcast_in_dim3A_571 = vector.broadcast %lt3A_570 : i1 to vector<16xi1>
        %slice3A_572 = vector.extract_strided_slice %get3A_409 {offsets = [8], sizes = [1], strides = [1]} : vector<16xi32> to vector<1xi32>
        %squeeze3A_573 = vector.extract %slice3A_572[0] : i32 from vector<1xi32>
        %broadcast_in_dim3A_574 = vector.broadcast %squeeze3A_573 : i32 to vector<16xi32>
        %add3A_575 = arith.constant 8 : i32
        %add3A_576 = arith.addi %mul3A_407, %add3A_575 : i32
        %get3A_577 = arith.index_cast %add3A_576 : i32 to index
        %get3A_578 = arith.constant 0 : index
        %get3A_579 = tpu.vector_load %arg12[%get3A_577, %get3A_578] {strides = array<i32>} : memref<512x32xf32, #tpu.memory_space<vmem>>, vector<16xf32>,
        %add3A_580 = arith.constant 8 : i32
        %add3A_581 = arith.addi %mul3A_407, %add3A_580 : i32
        %get3A_582 = arith.index_cast %add3A_581 : i32 to index
        %get3A_583 = arith.constant 16 : index
        %get3A_584 = tpu.vector_load %arg12[%get3A_582, %get3A_583] {strides = array<i32>} : memref<512x32xf32, #tpu.memory_space<vmem>>, vector<16xf32>,
        tpu.vector_store_idx %arg13[%iota3A, %broadcast_in_dim3A_574], %get3A_579 masked %broadcast_in_dim3A_571 : memref<32x1024xf32, #tpu.memory_space<vmem>>[vector<16xi32>, vector<16xi32>], vector<16xf32>, vector<16xi1>
        %add3A_585 = arith.constant 16 : i32
        %add3A_586 = vector.broadcast %add3A_585 : i32 to vector<16xi32>
        %add3A_587 = arith.addi %iota3A, %add3A_586 : vector<16xi32>
        tpu.vector_store_idx %arg13[%add3A_587, %broadcast_in_dim3A_574], %get3A_584 masked %broadcast_in_dim3A_571 : memref<32x1024xf32, #tpu.memory_space<vmem>>[vector<16xi32>, vector<16xi32>], vector<16xf32>, vector<16xi1>
        %add3A_588 = arith.constant 9 : i32
        %add3A_589 = arith.addi %mul3A_407, %add3A_588 : i32
        %lt3A_590 = arith.cmpi slt, %add3A_589, %while3A_301 : i32
        %broadcast_in_dim3A_591 = vector.broadcast %lt3A_590 : i1 to vector<16xi1>
        %slice3A_592 = vector.extract_strided_slice %get3A_409 {offsets = [9], sizes = [1], strides = [1]} : vector<16xi32> to vector<1xi32>
        %squeeze3A_593 = vector.extract %slice3A_592[0] : i32 from vector<1xi32>
        %broadcast_in_dim3A_594 = vector.broadcast %squeeze3A_593 : i32 to vector<16xi32>
        %add3A_595 = arith.constant 9 : i32
        %add3A_596 = arith.addi %mul3A_407, %add3A_595 : i32
        %get3A_597 = arith.index_cast %add3A_596 : i32 to index
        %get3A_598 = arith.constant 0 : index
        %get3A_599 = tpu.vector_load %arg12[%get3A_597, %get3A_598] {strides = array<i32>} : memref<512x32xf32, #tpu.memory_space<vmem>>, vector<16xf32>,
        %add3A_600 = arith.constant 9 : i32
        %add3A_601 = arith.addi %mul3A_407, %add3A_600 : i32
        %get3A_602 = arith.index_cast %add3A_601 : i32 to index
        %get3A_603 = arith.constant 16 : index
        %get3A_604 = tpu.vector_load %arg12[%get3A_602, %get3A_603] {strides = array<i32>} : memref<512x32xf32, #tpu.memory_space<vmem>>, vector<16xf32>,
        tpu.vector_store_idx %arg13[%iota3A, %broadcast_in_dim3A_594], %get3A_599 masked %broadcast_in_dim3A_591 : memref<32x1024xf32, #tpu.memory_space<vmem>>[vector<16xi32>, vector<16xi32>], vector<16xf32>, vector<16xi1>
        %add3A_605 = arith.constant 16 : i32
        %add3A_606 = vector.broadcast %add3A_605 : i32 to vector<16xi32>
        %add3A_607 = arith.addi %iota3A, %add3A_606 : vector<16xi32>
        tpu.vector_store_idx %arg13[%add3A_607, %broadcast_in_dim3A_594], %get3A_604 masked %broadcast_in_dim3A_591 : memref<32x1024xf32, #tpu.memory_space<vmem>>[vector<16xi32>, vector<16xi32>], vector<16xf32>, vector<16xi1>
        %add3A_608 = arith.constant 10 : i32
        %add3A_609 = arith.addi %mul3A_407, %add3A_608 : i32
        %lt3A_610 = arith.cmpi slt, %add3A_609, %while3A_301 : i32
        %broadcast_in_dim3A_611 = vector.broadcast %lt3A_610 : i1 to vector<16xi1>
        %slice3A_612 = vector.extract_strided_slice %get3A_409 {offsets = [10], sizes = [1], strides = [1]} : vector<16xi32> to vector<1xi32>
        %squeeze3A_613 = vector.extract %slice3A_612[0] : i32 from vector<1xi32>
        %broadcast_in_dim3A_614 = vector.broadcast %squeeze3A_613 : i32 to vector<16xi32>
        %add3A_615 = arith.constant 10 : i32
        %add3A_616 = arith.addi %mul3A_407, %add3A_615 : i32
        %get3A_617 = arith.index_cast %add3A_616 : i32 to index
        %get3A_618 = arith.constant 0 : index
        %get3A_619 = tpu.vector_load %arg12[%get3A_617, %get3A_618] {strides = array<i32>} : memref<512x32xf32, #tpu.memory_space<vmem>>, vector<16xf32>,
        %add3A_620 = arith.constant 10 : i32
        %add3A_621 = arith.addi %mul3A_407, %add3A_620 : i32
        %get3A_622 = arith.index_cast %add3A_621 : i32 to index
        %get3A_623 = arith.constant 16 : index
        %get3A_624 = tpu.vector_load %arg12[%get3A_622, %get3A_623] {strides = array<i32>} : memref<512x32xf32, #tpu.memory_space<vmem>>, vector<16xf32>,
        tpu.vector_store_idx %arg13[%iota3A, %broadcast_in_dim3A_614], %get3A_619 masked %broadcast_in_dim3A_611 : memref<32x1024xf32, #tpu.memory_space<vmem>>[vector<16xi32>, vector<16xi32>], vector<16xf32>, vector<16xi1>
        %add3A_625 = arith.constant 16 : i32
        %add3A_626 = vector.broadcast %add3A_625 : i32 to vector<16xi32>
        %add3A_627 = arith.addi %iota3A, %add3A_626 : vector<16xi32>
        tpu.vector_store_idx %arg13[%add3A_627, %broadcast_in_dim3A_614], %get3A_624 masked %broadcast_in_dim3A_611 : memref<32x1024xf32, #tpu.memory_space<vmem>>[vector<16xi32>, vector<16xi32>], vector<16xf32>, vector<16xi1>
        %add3A_628 = arith.constant 11 : i32
        %add3A_629 = arith.addi %mul3A_407, %add3A_628 : i32
        %lt3A_630 = arith.cmpi slt, %add3A_629, %while3A_301 : i32
        %broadcast_in_dim3A_631 = vector.broadcast %lt3A_630 : i1 to vector<16xi1>
        %slice3A_632 = vector.extract_strided_slice %get3A_409 {offsets = [11], sizes = [1], strides = [1]} : vector<16xi32> to vector<1xi32>
        %squeeze3A_633 = vector.extract %slice3A_632[0] : i32 from vector<1xi32>
        %broadcast_in_dim3A_634 = vector.broadcast %squeeze3A_633 : i32 to vector<16xi32>
        %add3A_635 = arith.constant 11 : i32
        %add3A_636 = arith.addi %mul3A_407, %add3A_635 : i32
        %get3A_637 = arith.index_cast %add3A_636 : i32 to index
        %get3A_638 = arith.constant 0 : index
        %get3A_639 = tpu.vector_load %arg12[%get3A_637, %get3A_638] {strides = array<i32>} : memref<512x32xf32, #tpu.memory_space<vmem>>, vector<16xf32>,
        %add3A_640 = arith.constant 11 : i32
        %add3A_641 = arith.addi %mul3A_407, %add3A_640 : i32
        %get3A_642 = arith.index_cast %add3A_641 : i32 to index
        %get3A_643 = arith.constant 16 : index
        %get3A_644 = tpu.vector_load %arg12[%get3A_642, %get3A_643] {strides = array<i32>} : memref<512x32xf32, #tpu.memory_space<vmem>>, vector<16xf32>,
        tpu.vector_store_idx %arg13[%iota3A, %broadcast_in_dim3A_634], %get3A_639 masked %broadcast_in_dim3A_631 : memref<32x1024xf32, #tpu.memory_space<vmem>>[vector<16xi32>, vector<16xi32>], vector<16xf32>, vector<16xi1>
        %add3A_645 = arith.constant 16 : i32
        %add3A_646 = vector.broadcast %add3A_645 : i32 to vector<16xi32>
        %add3A_647 = arith.addi %iota3A, %add3A_646 : vector<16xi32>
        tpu.vector_store_idx %arg13[%add3A_647, %broadcast_in_dim3A_634], %get3A_644 masked %broadcast_in_dim3A_631 : memref<32x1024xf32, #tpu.memory_space<vmem>>[vector<16xi32>, vector<16xi32>], vector<16xf32>, vector<16xi1>
        %add3A_648 = arith.constant 12 : i32
        %add3A_649 = arith.addi %mul3A_407, %add3A_648 : i32
        %lt3A_650 = arith.cmpi slt, %add3A_649, %while3A_301 : i32
        %broadcast_in_dim3A_651 = vector.broadcast %lt3A_650 : i1 to vector<16xi1>
        %slice3A_652 = vector.extract_strided_slice %get3A_409 {offsets = [12], sizes = [1], strides = [1]} : vector<16xi32> to vector<1xi32>
        %squeeze3A_653 = vector.extract %slice3A_652[0] : i32 from vector<1xi32>
        %broadcast_in_dim3A_654 = vector.broadcast %squeeze3A_653 : i32 to vector<16xi32>
        %add3A_655 = arith.constant 12 : i32
        %add3A_656 = arith.addi %mul3A_407, %add3A_655 : i32
        %get3A_657 = arith.index_cast %add3A_656 : i32 to index
        %get3A_658 = arith.constant 0 : index
        %get3A_659 = tpu.vector_load %arg12[%get3A_657, %get3A_658] {strides = array<i32>} : memref<512x32xf32, #tpu.memory_space<vmem>>, vector<16xf32>,
        %add3A_660 = arith.constant 12 : i32
        %add3A_661 = arith.addi %mul3A_407, %add3A_660 : i32
        %get3A_662 = arith.index_cast %add3A_661 : i32 to index
        %get3A_663 = arith.constant 16 : index
        %get3A_664 = tpu.vector_load %arg12[%get3A_662, %get3A_663] {strides = array<i32>} : memref<512x32xf32, #tpu.memory_space<vmem>>, vector<16xf32>,
        tpu.vector_store_idx %arg13[%iota3A, %broadcast_in_dim3A_654], %get3A_659 masked %broadcast_in_dim3A_651 : memref<32x1024xf32, #tpu.memory_space<vmem>>[vector<16xi32>, vector<16xi32>], vector<16xf32>, vector<16xi1>
        %add3A_665 = arith.constant 16 : i32
        %add3A_666 = vector.broadcast %add3A_665 : i32 to vector<16xi32>
        %add3A_667 = arith.addi %iota3A, %add3A_666 : vector<16xi32>
        tpu.vector_store_idx %arg13[%add3A_667, %broadcast_in_dim3A_654], %get3A_664 masked %broadcast_in_dim3A_651 : memref<32x1024xf32, #tpu.memory_space<vmem>>[vector<16xi32>, vector<16xi32>], vector<16xf32>, vector<16xi1>
        %add3A_668 = arith.constant 13 : i32
        %add3A_669 = arith.addi %mul3A_407, %add3A_668 : i32
        %lt3A_670 = arith.cmpi slt, %add3A_669, %while3A_301 : i32
        %broadcast_in_dim3A_671 = vector.broadcast %lt3A_670 : i1 to vector<16xi1>
        %slice3A_672 = vector.extract_strided_slice %get3A_409 {offsets = [13], sizes = [1], strides = [1]} : vector<16xi32> to vector<1xi32>
        %squeeze3A_673 = vector.extract %slice3A_672[0] : i32 from vector<1xi32>
        %broadcast_in_dim3A_674 = vector.broadcast %squeeze3A_673 : i32 to vector<16xi32>
        %add3A_675 = arith.constant 13 : i32
        %add3A_676 = arith.addi %mul3A_407, %add3A_675 : i32
        %get3A_677 = arith.index_cast %add3A_676 : i32 to index
        %get3A_678 = arith.constant 0 : index
        %get3A_679 = tpu.vector_load %arg12[%get3A_677, %get3A_678] {strides = array<i32>} : memref<512x32xf32, #tpu.memory_space<vmem>>, vector<16xf32>,
        %add3A_680 = arith.constant 13 : i32
        %add3A_681 = arith.addi %mul3A_407, %add3A_680 : i32
        %get3A_682 = arith.index_cast %add3A_681 : i32 to index
        %get3A_683 = arith.constant 16 : index
        %get3A_684 = tpu.vector_load %arg12[%get3A_682, %get3A_683] {strides = array<i32>} : memref<512x32xf32, #tpu.memory_space<vmem>>, vector<16xf32>,
        tpu.vector_store_idx %arg13[%iota3A, %broadcast_in_dim3A_674], %get3A_679 masked %broadcast_in_dim3A_671 : memref<32x1024xf32, #tpu.memory_space<vmem>>[vector<16xi32>, vector<16xi32>], vector<16xf32>, vector<16xi1>
        %add3A_685 = arith.constant 16 : i32
        %add3A_686 = vector.broadcast %add3A_685 : i32 to vector<16xi32>
        %add3A_687 = arith.addi %iota3A, %add3A_686 : vector<16xi32>
        tpu.vector_store_idx %arg13[%add3A_687, %broadcast_in_dim3A_674], %get3A_684 masked %broadcast_in_dim3A_671 : memref<32x1024xf32, #tpu.memory_space<vmem>>[vector<16xi32>, vector<16xi32>], vector<16xf32>, vector<16xi1>
        %add3A_688 = arith.constant 14 : i32
        %add3A_689 = arith.addi %mul3A_407, %add3A_688 : i32
        %lt3A_690 = arith.cmpi slt, %add3A_689, %while3A_301 : i32
        %broadcast_in_dim3A_691 = vector.broadcast %lt3A_690 : i1 to vector<16xi1>
        %slice3A_692 = vector.extract_strided_slice %get3A_409 {offsets = [14], sizes = [1], strides = [1]} : vector<16xi32> to vector<1xi32>
        %squeeze3A_693 = vector.extract %slice3A_692[0] : i32 from vector<1xi32>
        %broadcast_in_dim3A_694 = vector.broadcast %squeeze3A_693 : i32 to vector<16xi32>
        %add3A_695 = arith.constant 14 : i32
        %add3A_696 = arith.addi %mul3A_407, %add3A_695 : i32
        %get3A_697 = arith.index_cast %add3A_696 : i32 to index
        %get3A_698 = arith.constant 0 : index
        %get3A_699 = tpu.vector_load %arg12[%get3A_697, %get3A_698] {strides = array<i32>} : memref<512x32xf32, #tpu.memory_space<vmem>>, vector<16xf32>,
        %add3A_700 = arith.constant 14 : i32
        %add3A_701 = arith.addi %mul3A_407, %add3A_700 : i32
        %get3A_702 = arith.index_cast %add3A_701 : i32 to index
        %get3A_703 = arith.constant 16 : index
        %get3A_704 = tpu.vector_load %arg12[%get3A_702, %get3A_703] {strides = array<i32>} : memref<512x32xf32, #tpu.memory_space<vmem>>, vector<16xf32>,
        tpu.vector_store_idx %arg13[%iota3A, %broadcast_in_dim3A_694], %get3A_699 masked %broadcast_in_dim3A_691 : memref<32x1024xf32, #tpu.memory_space<vmem>>[vector<16xi32>, vector<16xi32>], vector<16xf32>, vector<16xi1>
        %add3A_705 = arith.constant 16 : i32
        %add3A_706 = vector.broadcast %add3A_705 : i32 to vector<16xi32>
        %add3A_707 = arith.addi %iota3A, %add3A_706 : vector<16xi32>
        tpu.vector_store_idx %arg13[%add3A_707, %broadcast_in_dim3A_694], %get3A_704 masked %broadcast_in_dim3A_691 : memref<32x1024xf32, #tpu.memory_space<vmem>>[vector<16xi32>, vector<16xi32>], vector<16xf32>, vector<16xi1>
        %add3A_708 = arith.constant 15 : i32
        %add3A_709 = arith.addi %mul3A_407, %add3A_708 : i32
        %lt3A_710 = arith.cmpi slt, %add3A_709, %while3A_301 : i32
        %broadcast_in_dim3A_711 = vector.broadcast %lt3A_710 : i1 to vector<16xi1>
        %slice3A_712 = vector.extract_strided_slice %get3A_409 {offsets = [15], sizes = [1], strides = [1]} : vector<16xi32> to vector<1xi32>
        %squeeze3A_713 = vector.extract %slice3A_712[0] : i32 from vector<1xi32>
        %broadcast_in_dim3A_714 = vector.broadcast %squeeze3A_713 : i32 to vector<16xi32>
        %add3A_715 = arith.constant 15 : i32
        %add3A_716 = arith.addi %mul3A_407, %add3A_715 : i32
        %get3A_717 = arith.index_cast %add3A_716 : i32 to index
        %get3A_718 = arith.constant 0 : index
        %get3A_719 = tpu.vector_load %arg12[%get3A_717, %get3A_718] {strides = array<i32>} : memref<512x32xf32, #tpu.memory_space<vmem>>, vector<16xf32>,
        %add3A_720 = arith.constant 15 : i32
        %add3A_721 = arith.addi %mul3A_407, %add3A_720 : i32
        %get3A_722 = arith.index_cast %add3A_721 : i32 to index
        %get3A_723 = arith.constant 16 : index
        %get3A_724 = tpu.vector_load %arg12[%get3A_722, %get3A_723] {strides = array<i32>} : memref<512x32xf32, #tpu.memory_space<vmem>>, vector<16xf32>,
        tpu.vector_store_idx %arg13[%iota3A, %broadcast_in_dim3A_714], %get3A_719 masked %broadcast_in_dim3A_711 : memref<32x1024xf32, #tpu.memory_space<vmem>>[vector<16xi32>, vector<16xi32>], vector<16xf32>, vector<16xi1>
        %add3A_725 = arith.constant 16 : i32
        %add3A_726 = vector.broadcast %add3A_725 : i32 to vector<16xi32>
        %add3A_727 = arith.addi %iota3A, %add3A_726 : vector<16xi32>
        tpu.vector_store_idx %arg13[%add3A_727, %broadcast_in_dim3A_714], %get3A_724 masked %broadcast_in_dim3A_711 : memref<32x1024xf32, #tpu.memory_space<vmem>>[vector<16xi32>, vector<16xi32>], vector<16xf32>, vector<16xi1>
        %while3A_728 = arith.constant 0 : i32
        scf.yield %while3A_728 : i32
      }
      %add3A_399 = arith.addi %mul3A_2, %mul3A_290 : i32
      %dma_start3A_400 = arith.constant 0 : i32
      %dma_start3A_401 = tpu.memref_slice %arg4[%dma_start3A_400, %add3A_399] : memref<32x2097152xf32, #tpu.memory_space<hbm>> -> memref<32x1024xf32, #tpu.memory_space<hbm>>
      %dma_start3A_402 = arith.constant 0 : i32
      %dma_start3A_403 = tpu.memref_slice %arg4[%dma_start3A_402, %add3A_399] : memref<32x2097152xf32, #tpu.memory_space<hbm>> -> memref<32x1024xf32, #tpu.memory_space<hbm>>
      tpu.enqueue_dma source(%arg13 : memref<32x1024xf32, #tpu.memory_space<vmem>>) target(%dma_start3A_403 : memref<32x1024xf32, #tpu.memory_space<hbm>>) target_semaphore(%arg17 : memref<!tpu.dma_semaphore, #tpu.memory_space<semaphore_mem>>)
      scf.yield %while3A_301 : i32
    }
    %scan3A_266 = arith.constant 64 : i32
    %dma_wait3A_267 = arith.constant 0 : i32
    %dma_wait3A_268 = tpu.memref_slice %arg4[%dma_wait3A_267, %mul3A_2] : memref<32x2097152xf32, #tpu.memory_space<hbm>> -> memref<32x1024xf32, #tpu.memory_space<hbm>>
    %dma_wait3A_269 = arith.constant 0 : i32
    %dma_wait3A_270 = tpu.memref_slice %arg4[%dma_wait3A_269, %mul3A_2] : memref<32x2097152xf32, #tpu.memory_space<hbm>> -> memref<32x1024xf32, #tpu.memory_space<hbm>>
    tpu.wait_dma2 semaphore(%arg17 : memref<!tpu.dma_semaphore, #tpu.memory_space<semaphore_mem>>) src(%arg13 : memref<32x1024xf32, #tpu.memory_space<vmem>>) dst(%dma_wait3A_270 : memref<32x1024xf32, #tpu.memory_space<hbm>>)
    return
  }
}

#map = affine_map<(d0, d1) -> (0)>
module attributes {stable_mosaic.version = 14 : i64} {
  func.func @_lin_kernel(%arg0: i32, %arg1: i32, %arg2: memref<800768xi32, #tpu.memory_space<hbm>>, %arg3: memref<200192xi32, #tpu.memory_space<hbm>>, %arg4: memref<25024xi32, #tpu.memory_space<vmem>>, %arg5: memref<6256xi32, #tpu.memory_space<vmem>>) attributes {dimension_semantics = [#tpu.dimension_semantics<core_parallel>, #tpu.dimension_semantics<subcore_parallel>], iteration_bounds = array<i64: 2, 16>, scalar_prefetch = 0 : i64, scratch_operands = 2 : i64, tpu.core_type = #tpu.core_type<sc_vector_subcore>, window_params = [{transform_indices = #map}, {transform_indices = #map}]} {
    %mul3A = arith.constant 2 : i32
    %mul3A_0 = arith.muli %arg1, %mul3A : i32
    %add3A = arith.addi %mul3A_0, %arg0 : i32
    %mul3A_1 = arith.constant 6256 : i32
    %mul3A_2 = arith.muli %add3A, %mul3A_1 : i32
    %mul3A_3 = arith.constant 4 : i32
    %mul3A_4 = arith.muli %mul3A_2, %mul3A_3 : i32
    "tpu.region"() ({
      %run_scoped3A = tpu.sem_alloc : memref<!tpu.dma_semaphore, #tpu.memory_space<semaphore_mem>>
      %dma_start3A = tpu.memref_slice %arg2[%mul3A_4] : memref<800768xi32, #tpu.memory_space<hbm>> -> memref<25024xi32, #tpu.memory_space<hbm>>
      %dma_start3A_11 = tpu.memref_slice %arg2[%mul3A_4] : memref<800768xi32, #tpu.memory_space<hbm>> -> memref<25024xi32, #tpu.memory_space<hbm>>
      tpu.enqueue_dma source(%dma_start3A_11 : memref<25024xi32, #tpu.memory_space<hbm>>) target(%arg4 : memref<25024xi32, #tpu.memory_space<vmem>>) target_semaphore(%run_scoped3A : memref<!tpu.dma_semaphore, #tpu.memory_space<semaphore_mem>>)
      %dma_wait3A = tpu.memref_slice %arg2[%mul3A_4] : memref<800768xi32, #tpu.memory_space<hbm>> -> memref<25024xi32, #tpu.memory_space<hbm>>
      %dma_wait3A_12 = tpu.memref_slice %arg2[%mul3A_4] : memref<800768xi32, #tpu.memory_space<hbm>> -> memref<25024xi32, #tpu.memory_space<hbm>>
      tpu.wait_dma2 semaphore(%run_scoped3A : memref<!tpu.dma_semaphore, #tpu.memory_space<semaphore_mem>>) src(%dma_wait3A_12 : memref<25024xi32, #tpu.memory_space<hbm>>) dst(%arg4 : memref<25024xi32, #tpu.memory_space<vmem>>)
      tpu.yield
    }) : () -> ()
    %iota3A = tpu.iota {dimensions = array<i32: 0>} : vector<16xi32>
    %scan3A = arith.constant 0 : i32
    %scan3A_5 = arith.constant 0 : i32
    %scan3A_6 = arith.constant 391 : i32
    %scan3A_7 = arith.addi %scan3A_5, %scan3A_6 : i32
    %scan3A_8 = arith.constant 1 : i32
    %scan3A_9 = scf.for %scan3A_11 = %scan3A_5 to %scan3A_7 step %scan3A_8 iter_args(%scan3A_12 = %scan3A) -> (i32)  : i32 {
      %mul3A_13 = arith.constant 16 : i32
      %mul3A_14 = arith.muli %scan3A_11, %mul3A_13 : i32
      %add3A_15 = vector.broadcast %mul3A_14 : i32 to vector<16xi32>
      %add3A_16 = arith.addi %iota3A, %add3A_15 : vector<16xi32>
      %mul3A_17 = arith.constant 4 : i32
      %mul3A_18 = vector.broadcast %mul3A_17 : i32 to vector<16xi32>
      %mul3A_19 = arith.muli %add3A_16, %mul3A_18 : vector<16xi32>
      %add3A_20 = arith.constant 1 : i32
      %add3A_21 = vector.broadcast %add3A_20 : i32 to vector<16xi32>
      %add3A_22 = arith.addi %mul3A_19, %add3A_21 : vector<16xi32>
      %gather3A = tpu.vector_load_idx %arg4[%add3A_22] : memref<25024xi32, #tpu.memory_space<vmem>>[vector<16xi32>], vector<16xi32>,
      %add3A_23 = arith.constant 2 : i32
      %add3A_24 = vector.broadcast %add3A_23 : i32 to vector<16xi32>
      %add3A_25 = arith.addi %mul3A_19, %add3A_24 : vector<16xi32>
      %gather3A_26 = tpu.vector_load_idx %arg4[%add3A_25] : memref<25024xi32, #tpu.memory_space<vmem>>[vector<16xi32>], vector<16xi32>,
      %add3A_27 = arith.constant 3 : i32
      %add3A_28 = vector.broadcast %add3A_27 : i32 to vector<16xi32>
      %add3A_29 = arith.addi %mul3A_19, %add3A_28 : vector<16xi32>
      %gather3A_30 = tpu.vector_load_idx %arg4[%add3A_29] : memref<25024xi32, #tpu.memory_space<vmem>>[vector<16xi32>], vector<16xi32>,
      %mul3A_31 = arith.constant 128 : i32
      %mul3A_32 = vector.broadcast %mul3A_31 : i32 to vector<16xi32>
      %mul3A_33 = arith.muli %gather3A, %mul3A_32 : vector<16xi32>
      %add3A_34 = arith.addi %mul3A_33, %gather3A_26 : vector<16xi32>
      %mul3A_35 = arith.constant 16384 : i32
      %mul3A_36 = vector.broadcast %mul3A_35 : i32 to vector<16xi32>
      %mul3A_37 = arith.muli %gather3A_30, %mul3A_36 : vector<16xi32>
      %add3A_38 = arith.addi %add3A_34, %mul3A_37 : vector<16xi32>
      %add3A_39 = vector.broadcast %mul3A_14 : i32 to vector<16xi32>
      %add3A_40 = arith.addi %iota3A, %add3A_39 : vector<16xi32>
      %add3A_41 = vector.broadcast %mul3A_2 : i32 to vector<16xi32>
      %add3A_42 = arith.addi %add3A_40, %add3A_41 : vector<16xi32>
      %lt3A = arith.constant 200000 : i32
      %lt3A_43 = vector.broadcast %lt3A : i32 to vector<16xi32>
      %lt3A_44 = arith.cmpi slt, %add3A_42, %lt3A_43 : vector<16xi32>
      %jit3A = arith.constant 2097152 : i32
      %broadcast_in_dim3A = vector.broadcast %jit3A : i32 to vector<16xi32>
      %select_n3A = arith.select %lt3A_44, %add3A_38, %broadcast_in_dim3A : vector<16xi1>, vector<16xi32>
      %swap3A = arith.index_cast %mul3A_14 : i32 to index
      %swap3A_45 = tpu.vector_load %arg5[%swap3A] {strides = array<i32>} : memref<6256xi32, #tpu.memory_space<vmem>>, vector<16xi32>,
      tpu.vector_store %arg5[%swap3A], %select_n3A {strides = array<i32>} : memref<6256xi32, #tpu.memory_space<vmem>>, vector<16xi32>,
      %scan3A_46 = arith.constant 0 : i32
      scf.yield %scan3A_46 : i32
    }
    %scan3A_10 = arith.constant 391 : i32
    "tpu.region"() ({
      %run_scoped3A = tpu.sem_alloc : memref<!tpu.dma_semaphore, #tpu.memory_space<semaphore_mem>>
      %dma_start3A = tpu.memref_slice %arg3[%mul3A_2] : memref<200192xi32, #tpu.memory_space<hbm>> -> memref<6256xi32, #tpu.memory_space<hbm>>
      %dma_start3A_11 = tpu.memref_slice %arg3[%mul3A_2] : memref<200192xi32, #tpu.memory_space<hbm>> -> memref<6256xi32, #tpu.memory_space<hbm>>
      tpu.enqueue_dma source(%arg5 : memref<6256xi32, #tpu.memory_space<vmem>>) target(%dma_start3A_11 : memref<6256xi32, #tpu.memory_space<hbm>>) target_semaphore(%run_scoped3A : memref<!tpu.dma_semaphore, #tpu.memory_space<semaphore_mem>>)
      %dma_wait3A = tpu.memref_slice %arg3[%mul3A_2] : memref<200192xi32, #tpu.memory_space<hbm>> -> memref<6256xi32, #tpu.memory_space<hbm>>
      %dma_wait3A_12 = tpu.memref_slice %arg3[%mul3A_2] : memref<200192xi32, #tpu.memory_space<hbm>> -> memref<6256xi32, #tpu.memory_space<hbm>>
      tpu.wait_dma2 semaphore(%run_scoped3A : memref<!tpu.dma_semaphore, #tpu.memory_space<semaphore_mem>>) src(%arg5 : memref<6256xi32, #tpu.memory_space<vmem>>) dst(%dma_wait3A_12 : memref<6256xi32, #tpu.memory_space<hbm>>)
      tpu.yield
    }) : () -> ()
    return
  }
}

</mosaic_0001>

<sc_bundles>
// kernel: kernel.4.cloned.1.call-start
scs
__scs_entry_jumppad:
0x0: {  	(pc) =	sbr.rel $0x88, $3  }
0x1: {  	(tag) =	ssettag $0x0;
	lr =	simm.s32 $0x1  }
0x2: {  	[smem:$0x3F9F] =	sst lr;
	_ =	strace $0xD0000000  }
0x3: {  	_ = 	snop  }
0x4: {  	_ = 	snop  }
0x5: {  	_ = 	snop  }
0x6: {  	_ = 	snop  }
0x7: {  	_ = 	snop  }
__scs_overlays_trampoline_lowered:
0x8: {  	[smem:$0x3FAE] =	sst s0  }
0x9: {  	[smem:$0x3FAF] =	sst s1  }
0xa: {  	[smem:$0x3FB0] =	sst s2  }
0xb: {  	[smem:$0x3FB1] =	sst s3  }
0xc: {  	[smem:$0x3FB2] =	sst s4  }
0xd: {  	[smem:$0x3FB3] =	sst s5  }
0xe: {  	[smem:$0x3FB4] =	sst s6  }
0xf: {  	[smem:$0x3FB5] =	sst s7  }
0x10: {  	[smem:$0x3FB6] =	sst s8  }
0x11: {  	[smem:$0x3FB7] =	sst s9;
	s0 =	simm.s32 @!p0 $0x0  }
0x12: {  	s1 =	sld [smem:$0x3F9D];
	s0 =	simm.s32 @p0 $0x1  }
0x13: {  	[smem:$0x3FB8] =	sst s0;
	s0 =	simm.s32 @!p1 $0x0  }
0x14: {  	s2 =	sld [smem:$0x3F9C];
	s0 =	simm.s32 @p1 $0x1  }
0x15: {  	[smem:$0x3FB9] =	sst s0;
	s0 =	simm.s32 @!p2 $0x0  }
0x16: {  	s3 =	sld [smem:$0x3FDB];
	s0 =	simm.s32 @p2 $0x1  }
0x17: {  	s4 =	simm.s32 $0x1BF5;
	[smem:$0x3FBB] =	sst s0  }
0x18: {  	s0 =	sld [smem:$0x3F9E];
	_ =	swait.ge [sflag:s4], $0x0  }
0x19: {  	s7 =	sld [smem:$0x3F9F]  }
0x1a: {  	s8 =	sadd.s32 $0xFFFFE003, lr  }
0x1b: {  	s9 =	sadd.s32 $0xFFFFFEF7, lr;
	s5 =	simm.s32 $0xFFFFFFFF;
	p2 =	slt.u32 s8, $0xFFFFF086  }
0x1c: {  	p1 =	slt.u32 s9, $0xF7A;
	s5 =	simm.s32 @!p2 $0x0  }
0x1d: {  	s5 =	simm.s32 @p1 $0x1;
	p0 =	seq.s32 s7, s2  }
0x1e: {  	s7 =	smul.u32 @!p0 $0xF7A, s2;
	p2 =	seq.s32 @!p0 s5, $0x0  }
0x1f: {  	s9 =	smul.u32 $0xF7A, s1;
	s8 =	simm.s32 @!p0 $0x1BF5;
	p2 =	por !p2, p0  }
0x20: {  	[sflag:s8] =	ssyncset.s32 @!p0 $0xFFFFF086;
	s6 =	sadd.s32 @!p0 s3, s7;
	s7 =	simm.s32 @!p0 $0x108  }
0x21: {  	s3 =	sadd.s32 s3, s9;
	s6 =	sadd.s32 @!p0 $0x88, s6;
	s7 =	simm.s32 @p2 $0x1082  }
0x22: {  	[simem:s7], [sflag:s8] =	dma.local @!p0 [hbm:s6], $0xF7A  }
0x23: {  	s9 =	sor.u32 $0xD0000000, s2;
	s6 =	simm.s32 $0x108;
	_ =	swait.ge @!p0 [sflag:s8], $0x0  }
0x24: {  	s3 =	sadd.s32 $0x88, s3;
	s6 =	simm.s32 @!p1 $0x1082;
	[sflag:s4] =	ssyncset.s32 $0xFFFFF086  }
0x25: {  	[simem:s6], [sflag:s4] =	dma.local [hbm:s3], $0xF7A  }
0x26: {  	[smem:$0x3F9F] =	sst s1;
	(tag) =	ssettag s2;
	_ =	strace s9  }
0x27: {  	s1 =	sld [smem:$0x3FAF]  }
0x28: {  	s2 =	sld [smem:$0x3FB0]  }
0x29: {  	s4 =	sld [smem:$0x3FB2]  }
0x2a: {  	p0 =	seq.s32 s5, $0x0;
	s5 =	sld [smem:$0x3FB3]  }
0x2b: {  	s6 =	sld [smem:$0x3FB4]  }
0x2c: {  	s7 =	sld [smem:$0x3FB5]  }
0x2d: {  	s3 =	simm.s32 $0x108;
	s8 =	sld [smem:$0x3FB6]  }
0x2e: {  	s3 =	simm.s32 @!p0 $0x1082;
	s9 =	sld [smem:$0x3FB7]  }
0x2f: {  	lr =	sadd.s32 s0, s3;
	s0 =	sld [smem:$0x3FAE]  }
0x30: {  	s3 =	sld [smem:$0x3FB1]  }
0x31: {  	[smem:$0x3FBA] =	sst s10  }
0x32: {  	s10 =	sld [smem:$0x3FB8];
	_ =	sdelay $0x3  }
0x33: {  	p0 =	seq.s32 s10, $0x1;
	s10 =	sld [smem:$0x3FBA];
	_ =	sdelay $0x3  }
0x34: {  	[smem:$0x3FBA] =	sst s10  }
0x35: {  	s10 =	sld [smem:$0x3FB9];
	_ =	sdelay $0x3  }
0x36: {  	p1 =	seq.s32 s10, $0x1;
	s10 =	sld [smem:$0x3FBA];
	_ =	sdelay $0x3  }
0x37: {  	[smem:$0x3FBA] =	sst s10  }
0x38: {  	s10 =	sld [smem:$0x3FBB]  }
0x39: {  	_ = 	snop;
	(pc) =	sbr.ind lr, $3  }
0x3a: {  	_ = 	snop  }
0x3b: {  	_ = 	snop  }
0x3c: {  	p2 =	seq.s32 s10, $0x1;
	s10 =	sld [smem:$0x3FBA]  }
0x3d: {  	_ =	shalt  }
0x3e: {  	_ =	shalt  }
0x3f: {  	_ =	shalt  }
0x40: {  	_ =	shalt  }
0x41: {  	_ =	shalt  }
0x42: {  	_ =	shalt  }
0x43: {  	_ =	shalt  }
0x44: {  	_ =	shalt  }
0x45: {  	_ =	shalt  }
0x46: {  	_ =	shalt  }
0x47: {  	_ =	shalt  }
0x48: {  	_ =	shalt  }
0x49: {  	_ =	shalt  }
0x4a: {  	_ =	shalt  }
0x4b: {  	_ =	shalt  }
0x4c: {  	_ =	shalt  }
0x4d: {  	_ =	shalt  }
0x4e: {  	_ =	shalt  }
0x4f: {  	_ =	shalt  }
0x50: {  	_ =	shalt  }
0x51: {  	_ =	shalt  }
0x52: {  	_ =	shalt  }
0x53: {  	_ =	shalt  }
0x54: {  	_ =	shalt  }
0x55: {  	_ =	shalt  }
0x56: {  	_ =	shalt  }
0x57: {  	_ =	shalt  }
0x58: {  	_ =	shalt  }
0x59: {  	_ =	shalt  }
0x5a: {  	_ =	shalt  }
0x5b: {  	_ =	shalt  }
0x5c: {  	_ =	shalt  }
0x5d: {  	_ =	shalt  }
0x5e: {  	_ =	shalt  }
0x5f: {  	_ =	shalt  }
0x60: {  	_ =	shalt  }
0x61: {  	_ =	shalt  }
0x62: {  	_ =	shalt  }
0x63: {  	_ =	shalt  }
0x64: {  	_ =	shalt  }
0x65: {  	_ =	shalt  }
0x66: {  	_ =	shalt  }
0x67: {  	_ =	shalt  }
0x68: {  	_ =	shalt  }
0x69: {  	_ =	shalt  }
0x6a: {  	_ =	shalt  }
0x6b: {  	_ =	shalt  }
0x6c: {  	_ =	shalt  }
0x6d: {  	_ =	shalt  }
0x6e: {  	_ =	shalt  }
0x6f: {  	_ =	shalt  }
0x70: {  	_ =	shalt  }
0x71: {  	_ =	shalt  }
0x72: {  	_ =	shalt  }
0x73: {  	_ =	shalt  }
0x74: {  	_ =	shalt  }
0x75: {  	_ =	shalt  }
0x76: {  	_ =	shalt  }
0x77: {  	_ =	shalt  }
0x78: {  	_ =	shalt  }
0x79: {  	_ =	shalt  }
0x7a: {  	_ =	shalt  }
0x7b: {  	_ =	shalt  }
0x7c: {  	_ =	shalt  }
0x7d: {  	_ =	shalt  }
0x7e: {  	_ =	shalt  }
0x7f: {  	_ =	shalt  }
0x80: {  	_ =	shalt  }
0x81: {  	_ =	shalt  }
0x82: {  	_ =	shalt  }
0x83: {  	_ =	shalt  }
0x84: {  	_ =	shalt  }
0x85: {  	_ =	shalt  }
0x86: {  	_ =	shalt  }
0x87: {  	_ =	shalt  }
.Lfunc_end0:
.L_simem_size_0:
called_computation_lowered:
.L_overlay_start_0:
0x88: {  	s2 =	sld [smem:$0x3FD9]  }
0x89: {  	s3 =	sld [smem:$0x3FFE];
	_ =	sdelay $0x1  }
0x8a: {  	s1 =	srdreg.scid  }
0x8b: {  	s0 =	sand.u32 $0x1, s1  }
0x8c: {  	s16 =	sshll.u32 s0, $0xA;
	s2 =	sadd.s32 s3, s2  }
0x8d: {  	s2 =	sadd.s32 s2, s16  }
0x8e: {  	[smem:$0x3FC6] =	sst s2  }
0x8f: {  	_ = 	snop  }
0x90: {  	(tm) =	ssettm $0x1  }
0x91: {  	s17 =	sld [smem:$0x3FFB];
	_ =	sdelay $0x3  }
0x92: {  	_ =	strace s17  }
0x93: {  	s2 =	sld [smem:$0x3FFC];
	_ =	sdelay $0x3  }
0x94: {  	_ =	strace s2  }
0x95: {  	s2 =	sld [smem:$0x3FFD];
	_ =	sdelay $0x3  }
0x96: {  	_ =	strace s2  }
0x97: {  	_ =	strace $0x8FFFFFFF  }
0x98: {  	s18 =	sld [smem:$0x3FDB];
	_ =	sdelay $0x1  }
0x99: {  	s19 =	simm.s32 $_scs_section_size  }
0x9a: {  	s4 =	simm.s32 $_size__tile_overlayer_lowered;
	s5 =	simm.s32 $_tile_overlayer_lowered  }
0x9b: {  	s22 =	simm.s32 $0x1BFF;
	s21 =	sshll.u32 s5, $0x1;
	s2 =	sadd.s32 s19, s18  }
0x9c: {  	s6 =	simm.s32 $0x0;
	s20 =	sshll.u32 s4, $0x1;
	s4 =	sadd.s32 s21, s2  }
0x9d: {  	[timem:s6], [sflag:s22] =	dma.local [hbm:s4], s20  }
0x9e: {  	_ =	swait.ge [sflag:s22], s20  }
0x9f: {  	s3 =	ssub.s32 $0x0, s20;
	[sflag:s22] =	ssyncset.done $0x0  }
0xa0: {  	[sflag:s22] =	ssyncadd.s32 s3;
	_ =	sdelay $0x1  }
0xa1: {  	s23 =	simm.s32 $0x1B8B  }
0xa2: {  	_ =	swait.ge [sflag:s23], $0x1  }
0xa3: {  	[sflag:s23] =	ssyncset.done $0x0  }
0xa4: {  	s25 =	simm.s32 $0x1B8E;
	s24 =	sld [smem:$0x3FFE];
	[sflag:s23] =	ssyncadd.s32 $0xFFFFFFFF  }
0xa5: {  	s26 =	simm.s32 $execute0_lowered;
	[smem:$0x3FD2] =	sst s25  }
0xa6: {  	s4 =	sshll.u32 s26, $0x1;
	_ =	strace $0x80000046;
	[dreg:$0x1] =	wrdreg $0xFFFFFFFF  }
0xa7: {  	s28 =	simm.s32 $_size_execute0_lowered;
	s2 =	sadd.s32 s2, s4;
	[dreg:$0x0] =	wrdreg $0x0  }
0xa8: {  	s4 =	sshll.u32 s28, $0x1;
	[dreg:$0x2] =	wrdreg s2  }
0xa9: {  	[dreg:$0x3] =	wrdreg s4  }
0xaa: {  	[dreg:$0x4] =	wrdreg $0xC0  }
0xab: {  	_ =	task [dreg:s6], $0x5FFFF  }
0xac: {  	[dreg:$0x1] =	wrdreg $0xFFFFFFFF  }
0xad: {  	[dreg:$0x0] =	wrdreg $0x60  }
0xae: {  	[dreg:$0x2] =	wrdreg s24  }
0xaf: {  	[dreg:$0x3] =	wrdreg $0x9  }
0xb0: {  	_ =	task.clear_ibuf [dreg:s6], $0x4FFFF;
	_ =	strace $0x90000046  }
0xb1: {  	s29 =	simm.s32 $0x9;
	_ =	strace $0x80000048  }
0xb2: {  	_ =	swait.ge [sflag:s29], $0x1  }
0xb3: {  	[sflag:s29] =	ssyncadd.s32 $0xFFFFFFFF  }
0xb4: {  	_ =	strace $0x90000048  }
0xb5: {  	_ =	sfence  }
0xb6: {  	s30 =	sld [smem:$0x0];
	_ =	sdelay $0x2  }
0xb7: {  	s31 =	sshll.u32 s1, $0xD;
	s1 =	sshrl.u32 s1, $0x2  }
0xb8: {  	s3 =	sand.u32 $0x4000, s31;
	s1 =	sadd.s32 s1, s30  }
0xb9: {  	s0 =	sor.u32 s3, s0;
	s1 =	sshll.u32 s1, $0x11  }
0xba: {  	s0 =	sor.u32 s1, s0  }
0xbb: {  	s0 =	sadd.s32 $0x8F2B, s0  }
0xbc: {  	[sflag:s0] =	ssyncadd.remote.s32 $0x1  }
0xbd: {  	_ =	sfence.sel $0xFFFF  }
0xbe: {  	[dreg:$0x0] =	wrdreg $0xFFFFFFFF;
	(pc) =	sbr.abs _section_cstart, $3  }
0xbf: {  	[dreg:$0x1] =	wrdreg $0xFFFFFFFF  }
0xc0: {  	_ =	task.clear_ibuf [dreg:s6], $0x2FFFF;
	_ =	strace $0x9FFFFFFF  }
0xc1: {  	(tm) =	ssettm $0x7FFFFFFF  }
tec
execute0_lowered:
.L_overlay_start_1:
0x0: {  	(tag) =	ssettag $0x1  }
0x1: {  	s1 =	srdreg.scid;
	s0 =	stileid.u32  }
0x2: {  	s4 =	sand.u32 $0x1, s1;
	s30 =	sshll.u32 s0, $0x1  }
0x3: {  	s5 =	rddreg [dreg:$0x0];
	s6 =	sor.u32 s4, s30  }
0x4: {  	s2 =	simm.s32 $0x0;
	s9 =	simm.s32 $0x0;
	s3 =	smul.u32 $0x1870, s6  }
0x5: {  	[smem:$0x7FF] =	sst s2;
	s4 =	ssub.s32 $0x2, s4;
	s6 =	smul.u32 $0xC38, s6  }
0x6: {  	s1 =	rddreg [dreg:$0x1];
	_ =	strace $0x80000047;
	s8 =	sshrl.u32 s4, $0x1  }
0x7: {  	v0 =	vlaneseq.u32;
	s31 =	ssub.s32 s4, s8;
	s7 =	sshrl.u32 s3, $0x3;
	s6 =	sadd.s32 s6, s5  }
0x8: {  	v0 =	vmul.u32 $0x4, v0;
	s8 =	simm.s32 $0x61C0;
	s5 =	sadd.s32 s7, s5;
	s4 =	sadd.s32 $0x2400, s6  }
0x9: {  	s6 =	smax.u32 s31, $0x1;
	s7 =	simm.s32 $0x1;
	s5 =	sadd.s32 $0x1AC00, s5  }
.LBB2_1:
0xa: {  	v1 =	vmov s2  }
0xb: {  	v1 =	vshll.u32 v1, $0x2  }
0xc: {  	v1 =	vor.u32 v0, v1  }
0xd: {  	v2 =	vor.u32 $0x2, v1  }
0xe: {  	[tilespmem:s2], [sflag:$0x1] =	stream.linear.gather [hbm4b:s4+s2], $0x61C0, $0x38;
	v3 =	vor.u32 $0x1, v1;
	[tilespmem:$0x7A30] =	vst v63  }
0xf: {  	_ =	swait.ge [sflag:s7], $0x61C0;
	v1 =	vor.u32 $0x3, v1  }
0x10: {  	[sflag:s7] =	ssyncset.done $0x0  }
0x11: {  	[sflag:s7] =	ssyncadd.s32 $0xFFFF9E40  }
0x12: {  	v2 =	vld.idx.msk [tilespmem:v2+s2+$0x0], $0xffff  }
0x13: {  	v3 =	vld.idx.msk [tilespmem:v3+s2+$0x0], $0xffff  }
0x14: {  	s10 =	simm.s32 $0x10;
	v1 =	vld.idx.msk [tilespmem:v1+s2+$0x0], $0xffff  }
0x15: {  	v4 =	vmov s10  }
0x16: {  	v4 =	vshll.u32 v4, $0x2  }
0x17: {  	v4 =	vor.u32 v0, v4  }
0x18: {  	v5 =	vor.u32 $0x2, v4;
	v3 =	vshll.u32 v3, $0x7  }
0x19: {  	s11 =	sadd.s32 $0x0, s3;
	v6 =	vor.u32 $0x1, v4;
	v1 =	vshll.u32 v1, $0xE;
	v2 =	vadd.s32 v2, v3  }
0x1a: {  	p0 =	slt.u32 s11, $0x30D40;
	v4 =	vor.u32 $0x3, v4;
	v1 =	vadd.s32 v1, v2  }
0x1b: {  	v1 =	vpsel !p0, $0x200000, v1  }
0x1c: {  	[tilespmem:s8+$0x0] =	vst v1  }
0x1d: {  	v1 =	vld.idx.msk [tilespmem:v5+s2+$0x0], $0xffff  }
0x1e: {  	v3 =	vld.idx.msk [tilespmem:v6+s2+$0x0], $0xffff  }
0x1f: {  	s11 =	simm.s32 $0x20;
	v2 =	vld.idx.msk [tilespmem:v4+s2+$0x0], $0xffff  }
0x20: {  	v5 =	vmov s11  }
0x21: {  	s13 =	simm.s32 $0x30;
	s12 =	simm.s32 $0x61C0;
	v4 =	vshll.u32 v5, $0x2  }
.LBB2_2:
0x22: {  	p0 =	sne.s32 s13, $0x1860;
	v4 =	vor.u32 v0, v4  }
0x23: {  	v3 =	vshll.u32 v3, $0x7;
	v5 =	vor.u32 $0x2, v4  }
0x24: {  	s14 =	sadd.s32 s3, s10;
	s10 =	smov.u32 s11;
	s11 =	smov.u32 s13;
	v6 =	vor.u32 $0x1, v4;
	v1 =	vadd.s32 v1, v3;
	v2 =	vshll.u32 v2, $0xE  }
0x25: {  	v4 =	vor.u32 $0x3, v4;
	p1 =	slt.u32 s14, $0x30D40;
	v1 =	vadd.s32 v2, v1  }
0x26: {  	s12 =	sadd.s32 $0x10, s12;
	v1 =	vpsel !p1, $0x200000, v1  }
0x27: {  	[tilespmem:s12+$0x0] =	vst v1  }
0x28: {  	v1 =	vld.idx.msk [tilespmem:v5+s2+$0x0], $0xffff  }
.Ltmp0:
0x29: {  	v3 =	vld.idx.msk [tilespmem:v6+s2+$0x0], $0xffff;
	(pc) =	sbr.rel @p0 .LBB2_2-.Ltmp0, $3  }
0x2a: {  	v2 =	vld.idx.msk [tilespmem:v4+s2+$0x0], $0xffff;
	_ =	sdelay $0x1  }
0x2b: {  	v4 =	vmov s13  }
0x2c: {  	s13 =	sadd.s32 $0x10, s13;
	v4 =	vshll.u32 v4, $0x2  }
0x2d: {  	v4 =	vor.u32 v0, v4  }
0x2e: {  	v3 =	vshll.u32 v3, $0x7;
	v5 =	vor.u32 $0x2, v4  }
0x2f: {  	s10 =	sadd.s32 s3, s10;
	v6 =	vor.u32 $0x1, v4;
	v1 =	vadd.s32 v1, v3;
	v2 =	vshll.u32 v2, $0xE  }
0x30: {  	v3 =	vor.u32 $0x3, v4;
	p0 =	slt.u32 s10, $0x30D40;
	v1 =	vadd.s32 v2, v1  }
0x31: {  	s31 =	sadd.s32 $0x10, s12;
	v1 =	vpsel !p0, $0x200000, v1  }
0x32: {  	[tilespmem:s31+$0x0] =	vst v1  }
0x33: {  	v1 =	vld.idx.msk [tilespmem:v5+s2+$0x0], $0xffff  }
0x34: {  	v2 =	vld.idx.msk [tilespmem:v6+s2+$0x0], $0xffff  }
0x35: {  	v3 =	vld.idx.msk [tilespmem:v3+s2+$0x0], $0xffff;
	_ =	sdelay $0x3  }
0x36: {  	v2 =	vshll.u32 v2, $0x7  }
0x37: {  	s11 =	sadd.s32 s3, s11;
	v1 =	vadd.s32 v1, v2;
	v2 =	vshll.u32 v3, $0xE  }
0x38: {  	s9 =	sadd.s32 $0x1, s9;
	p6 =	slt.u32 s11, $0x30D40;
	v1 =	vadd.s32 v2, v1  }
0x39: {  	s10 =	sadd.s32 $0x10, s31;
	p0 =	sne.s32 s9, s6;
	v1 =	vpsel !p6, $0x200000, v1  }
.Ltmp1:
0x3a: {  	[tilespmem:s10+$0x0] =	vst v1;
	(pc) =	sbr.rel @p0 .LBB2_1-.Ltmp1, $4  }
0x3b: {  	[hbm4b:s5+s2] =	stream.linear.scatter [tilespmem:s8], [sflag:$0x1], $0x1870, $0x38;
	[tilespmem:$0x7A30] =	vst v63  }
0x3c: {  	_ =	swait.ge [sflag:s7], $0x1870  }
0x3d: {  	[sflag:s7] =	ssyncset.done $0x0  }
0x3e: {  	[sflag:s7] =	ssyncadd.s32 $0xFFFFE790  }
0x3f: {  	_ =	sfence.sel $0x180000  }
0x40: {  	[bflag:$0x0] =	sbarrier.arrive $0xFFFF  }
0x41: {  	p0 =	sne.s32 s0, $0x0;
	_ =	strace $0x90000047  }
0x42: {  	s0 =	sadd.s32 @!p0 $0x100000, s1;
	[bflag:$0x2] =	sbarrier.arrive $0xFFFF  }
0x43: {  	[sflag:s0] =	ssyncadd.tile.s32 @!p0 $0x1;
	_ =	shalt  }
.Lfunc_end2:
_tile_overlayer_lowered:
.L_overlay_start_2:
0x44: {  	(tag) =	ssettag $0x2  }
0x45: {  	s0 =	rddreg [dreg:$0x0];
	s2 =	stileid.u32  }
0x46: {  	s1 =	rddreg [dreg:$0x1];
	p0 =	sne.s32 s2, $0x0  }
0x47: {  	s3 =	rddreg [dreg:$0x2];
	[bflag:$0x3] =	sbarrier.arrive $0xFFFF;
	s2 =	simm.s32 @!p0 $0x1C01  }
0x48: {  	[timem:s3], [sflag:s2] =	dma.local @!p0 [hbm:s0], s1  }
0x49: {  	s0 =	simm.s32 @!p0 $0x1  }
0x4a: {  	_ =	swait.ge @!p0 [sflag:s0], s1  }
0x4b: {  	s1 =	ssub.s32 @!p0 $0x0, s1;
	[sflag:s0] =	ssyncset.done @!p0 $0x0  }
0x4c: {  	[sflag:s0] =	ssyncadd.s32 @!p0 s1  }
0x4d: {  	[bflag:$0x3] =	sbarrier.arrive $0xFFFF  }
0x4e: {  	_ =	shalt  }

// kernel: kernel.7.cloned.1.call-start
scs
__scs_entry_jumppad:
0x0: {  	(pc) =	sbr.rel $0x88, $3  }
0x1: {  	(tag) =	ssettag $0x0;
	lr =	simm.s32 $0x1  }
0x2: {  	[smem:$0x3F9F] =	sst lr;
	_ =	strace $0xD0000000  }
0x3: {  	_ = 	snop  }
0x4: {  	_ = 	snop  }
0x5: {  	_ = 	snop  }
0x6: {  	_ = 	snop  }
0x7: {  	_ = 	snop  }
__scs_overlays_trampoline_lowered:
0x8: {  	[smem:$0x3FAE] =	sst s0  }
0x9: {  	[smem:$0x3FAF] =	sst s1  }
0xa: {  	[smem:$0x3FB0] =	sst s2  }
0xb: {  	[smem:$0x3FB1] =	sst s3  }
0xc: {  	[smem:$0x3FB2] =	sst s4  }
0xd: {  	[smem:$0x3FB3] =	sst s5  }
0xe: {  	[smem:$0x3FB4] =	sst s6  }
0xf: {  	[smem:$0x3FB5] =	sst s7  }
0x10: {  	[smem:$0x3FB6] =	sst s8  }
0x11: {  	[smem:$0x3FB7] =	sst s9;
	s0 =	simm.s32 @!p0 $0x0  }
0x12: {  	s1 =	sld [smem:$0x3F9D];
	s0 =	simm.s32 @p0 $0x1  }
0x13: {  	[smem:$0x3FB8] =	sst s0;
	s0 =	simm.s32 @!p1 $0x0  }
0x14: {  	s2 =	sld [smem:$0x3F9C];
	s0 =	simm.s32 @p1 $0x1  }
0x15: {  	[smem:$0x3FB9] =	sst s0;
	s0 =	simm.s32 @!p2 $0x0  }
0x16: {  	s3 =	sld [smem:$0x3FDB];
	s0 =	simm.s32 @p2 $0x1  }
0x17: {  	s4 =	simm.s32 $0x1BF5;
	[smem:$0x3FBB] =	sst s0  }
0x18: {  	s0 =	sld [smem:$0x3F9E];
	_ =	swait.ge [sflag:s4], $0x0  }
0x19: {  	s7 =	sld [smem:$0x3F9F]  }
0x1a: {  	s8 =	sadd.s32 $0xFFFFE003, lr  }
0x1b: {  	s9 =	sadd.s32 $0xFFFFFEF7, lr;
	s5 =	simm.s32 $0xFFFFFFFF;
	p2 =	slt.u32 s8, $0xFFFFF086  }
0x1c: {  	p1 =	slt.u32 s9, $0xF7A;
	s5 =	simm.s32 @!p2 $0x0  }
0x1d: {  	s5 =	simm.s32 @p1 $0x1;
	p0 =	seq.s32 s7, s2  }
0x1e: {  	s7 =	smul.u32 @!p0 $0xF7A, s2;
	p2 =	seq.s32 @!p0 s5, $0x0  }
0x1f: {  	s9 =	smul.u32 $0xF7A, s1;
	s8 =	simm.s32 @!p0 $0x1BF5;
	p2 =	por !p2, p0  }
0x20: {  	[sflag:s8] =	ssyncset.s32 @!p0 $0xFFFFF086;
	s6 =	sadd.s32 @!p0 s3, s7;
	s7 =	simm.s32 @!p0 $0x108  }
0x21: {  	s3 =	sadd.s32 s3, s9;
	s6 =	sadd.s32 @!p0 $0x88, s6;
	s7 =	simm.s32 @p2 $0x1082  }
0x22: {  	[simem:s7], [sflag:s8] =	dma.local @!p0 [hbm:s6], $0xF7A  }
0x23: {  	s9 =	sor.u32 $0xD0000000, s2;
	s6 =	simm.s32 $0x108;
	_ =	swait.ge @!p0 [sflag:s8], $0x0  }
0x24: {  	s3 =	sadd.s32 $0x88, s3;
	s6 =	simm.s32 @!p1 $0x1082;
	[sflag:s4] =	ssyncset.s32 $0xFFFFF086  }
0x25: {  	[simem:s6], [sflag:s4] =	dma.local [hbm:s3], $0xF7A  }
0x26: {  	[smem:$0x3F9F] =	sst s1;
	(tag) =	ssettag s2;
	_ =	strace s9  }
0x27: {  	s1 =	sld [smem:$0x3FAF]  }
0x28: {  	s2 =	sld [smem:$0x3FB0]  }
0x29: {  	s4 =	sld [smem:$0x3FB2]  }
0x2a: {  	p0 =	seq.s32 s5, $0x0;
	s5 =	sld [smem:$0x3FB3]  }
0x2b: {  	s6 =	sld [smem:$0x3FB4]  }
0x2c: {  	s7 =	sld [smem:$0x3FB5]  }
0x2d: {  	s3 =	simm.s32 $0x108;
	s8 =	sld [smem:$0x3FB6]  }
0x2e: {  	s3 =	simm.s32 @!p0 $0x1082;
	s9 =	sld [smem:$0x3FB7]  }
0x2f: {  	lr =	sadd.s32 s0, s3;
	s0 =	sld [smem:$0x3FAE]  }
0x30: {  	s3 =	sld [smem:$0x3FB1]  }
0x31: {  	[smem:$0x3FBA] =	sst s10  }
0x32: {  	s10 =	sld [smem:$0x3FB8];
	_ =	sdelay $0x3  }
0x33: {  	p0 =	seq.s32 s10, $0x1;
	s10 =	sld [smem:$0x3FBA];
	_ =	sdelay $0x3  }
0x34: {  	[smem:$0x3FBA] =	sst s10  }
0x35: {  	s10 =	sld [smem:$0x3FB9];
	_ =	sdelay $0x3  }
0x36: {  	p1 =	seq.s32 s10, $0x1;
	s10 =	sld [smem:$0x3FBA];
	_ =	sdelay $0x3  }
0x37: {  	[smem:$0x3FBA] =	sst s10  }
0x38: {  	s10 =	sld [smem:$0x3FBB]  }
0x39: {  	_ = 	snop;
	(pc) =	sbr.ind lr, $3  }
0x3a: {  	_ = 	snop  }
0x3b: {  	_ = 	snop  }
0x3c: {  	p2 =	seq.s32 s10, $0x1;
	s10 =	sld [smem:$0x3FBA]  }
0x3d: {  	_ =	shalt  }
0x3e: {  	_ =	shalt  }
0x3f: {  	_ =	shalt  }
0x40: {  	_ =	shalt  }
0x41: {  	_ =	shalt  }
0x42: {  	_ =	shalt  }
0x43: {  	_ =	shalt  }
0x44: {  	_ =	shalt  }
0x45: {  	_ =	shalt  }
0x46: {  	_ =	shalt  }
0x47: {  	_ =	shalt  }
0x48: {  	_ =	shalt  }
0x49: {  	_ =	shalt  }
0x4a: {  	_ =	shalt  }
0x4b: {  	_ =	shalt  }
0x4c: {  	_ =	shalt  }
0x4d: {  	_ =	shalt  }
0x4e: {  	_ =	shalt  }
0x4f: {  	_ =	shalt  }
0x50: {  	_ =	shalt  }
0x51: {  	_ =	shalt  }
0x52: {  	_ =	shalt  }
0x53: {  	_ =	shalt  }
0x54: {  	_ =	shalt  }
0x55: {  	_ =	shalt  }
0x56: {  	_ =	shalt  }
0x57: {  	_ =	shalt  }
0x58: {  	_ =	shalt  }
0x59: {  	_ =	shalt  }
0x5a: {  	_ =	shalt  }
0x5b: {  	_ =	shalt  }
0x5c: {  	_ =	shalt  }
0x5d: {  	_ =	shalt  }
0x5e: {  	_ =	shalt  }
0x5f: {  	_ =	shalt  }
0x60: {  	_ =	shalt  }
0x61: {  	_ =	shalt  }
0x62: {  	_ =	shalt  }
0x63: {  	_ =	shalt  }
0x64: {  	_ =	shalt  }
0x65: {  	_ =	shalt  }
0x66: {  	_ =	shalt  }
0x67: {  	_ =	shalt  }
0x68: {  	_ =	shalt  }
0x69: {  	_ =	shalt  }
0x6a: {  	_ =	shalt  }
0x6b: {  	_ =	shalt  }
0x6c: {  	_ =	shalt  }
0x6d: {  	_ =	shalt  }
0x6e: {  	_ =	shalt  }
0x6f: {  	_ =	shalt  }
0x70: {  	_ =	shalt  }
0x71: {  	_ =	shalt  }
0x72: {  	_ =	shalt  }
0x73: {  	_ =	shalt  }
0x74: {  	_ =	shalt  }
0x75: {  	_ =	shalt  }
0x76: {  	_ =	shalt  }
0x77: {  	_ =	shalt  }
0x78: {  	_ =	shalt  }
0x79: {  	_ =	shalt  }
0x7a: {  	_ =	shalt  }
0x7b: {  	_ =	shalt  }
0x7c: {  	_ =	shalt  }
0x7d: {  	_ =	shalt  }
0x7e: {  	_ =	shalt  }
0x7f: {  	_ =	shalt  }
0x80: {  	_ =	shalt  }
0x81: {  	_ =	shalt  }
0x82: {  	_ =	shalt  }
0x83: {  	_ =	shalt  }
0x84: {  	_ =	shalt  }
0x85: {  	_ =	shalt  }
0x86: {  	_ =	shalt  }
0x87: {  	_ =	shalt  }
.Lfunc_end0:
.L_simem_size_0:
called_computation.1_lowered:
.L_overlay_start_0:
0x88: {  	s2 =	sld [smem:$0x3FD9]  }
0x89: {  	s3 =	sld [smem:$0x3FFE];
	_ =	sdelay $0x1  }
0x8a: {  	s1 =	srdreg.scid  }
0x8b: {  	s0 =	sand.u32 $0x1, s1  }
0x8c: {  	s17 =	sshll.u32 s0, $0xA;
	s2 =	sadd.s32 s3, s2  }
0x8d: {  	s2 =	sadd.s32 s2, s17  }
0x8e: {  	[smem:$0x3FC6] =	sst s2  }
0x8f: {  	_ = 	snop  }
0x90: {  	s2 =	sld [smem:$0x3FD0];
	(tm) =	ssettm $0x1  }
0x91: {  	s18 =	sld [smem:$0x3FFB];
	_ =	sdelay $0x3  }
0x92: {  	_ =	strace s18  }
0x93: {  	s3 =	sld [smem:$0x3FFC];
	_ =	sdelay $0x3  }
0x94: {  	_ =	strace s3  }
0x95: {  	s3 =	sld [smem:$0x3FFD];
	_ =	sdelay $0x3  }
0x96: {  	_ =	strace s3  }
0x97: {  	_ =	strace $0x8FFFFFFF  }
0x98: {  	s19 =	sld [smem:$0x3FDB];
	_ =	sdelay $0x1  }
0x99: {  	s4 =	simm.s32 $_scs_section_size  }
0x9a: {  	s5 =	simm.s32 $_size__tile_overlayer_lowered;
	s6 =	simm.s32 $_tile_overlayer_lowered  }
0x9b: {  	s22 =	simm.s32 $0x1BFF;
	s21 =	sshll.u32 s6, $0x1;
	s3 =	sadd.s32 s4, s19  }
0x9c: {  	s7 =	simm.s32 $0x0;
	s20 =	sshll.u32 s5, $0x1;
	s5 =	sadd.s32 s21, s3  }
0x9d: {  	[timem:s7], [sflag:s22] =	dma.local [hbm:s5], s20  }
0x9e: {  	_ =	swait.ge [sflag:s22], s20  }
0x9f: {  	s4 =	ssub.s32 $0x0, s20;
	[sflag:s22] =	ssyncset.done $0x0  }
0xa0: {  	[sflag:s22] =	ssyncadd.s32 s4;
	_ =	sdelay $0x1  }
0xa1: {  	s23 =	simm.s32 $0x1B8B  }
0xa2: {  	_ =	swait.ge [sflag:s23], $0x1  }
0xa3: {  	[sflag:s23] =	ssyncset.done $0x0  }
0xa4: {  	s25 =	simm.s32 $0x1B8E;
	s24 =	sld [smem:$0x3FFE];
	[sflag:s23] =	ssyncadd.s32 $0xFFFFFFFF  }
0xa5: {  	s26 =	simm.s32 $execute0_lowered;
	[smem:$0x3FD2] =	sst s25  }
0xa6: {  	s5 =	sshll.u32 s26, $0x1;
	_ =	strace $0x80000049;
	[dreg:$0x1] =	wrdreg $0xFFFFFFFF  }
0xa7: {  	s28 =	simm.s32 $_size_execute0_lowered;
	s3 =	sadd.s32 s3, s5;
	[dreg:$0x0] =	wrdreg $0x0  }
0xa8: {  	s5 =	sshll.u32 s28, $0x1;
	[dreg:$0x2] =	wrdreg s3  }
0xa9: {  	[dreg:$0x3] =	wrdreg s5  }
0xaa: {  	[dreg:$0x4] =	wrdreg $0xC0  }
0xab: {  	_ =	task [dreg:s7], $0x5FFFF  }
0xac: {  	[dreg:$0x1] =	wrdreg $0xFFFFFFFF  }
0xad: {  	[dreg:$0x0] =	wrdreg $0x60  }
0xae: {  	[dreg:$0x2] =	wrdreg s24  }
0xaf: {  	[dreg:$0x3] =	wrdreg s2  }
0xb0: {  	[dreg:$0x4] =	wrdreg $0x9  }
0xb1: {  	_ =	task.clear_ibuf [dreg:s7], $0x5FFFF;
	_ =	strace $0x90000049  }
0xb2: {  	s29 =	simm.s32 $0x9;
	_ =	strace $0x8000004B  }
0xb3: {  	_ =	swait.ge [sflag:s29], $0x1  }
0xb4: {  	[sflag:s29] =	ssyncadd.s32 $0xFFFFFFFF  }
0xb5: {  	_ =	strace $0x9000004B  }
0xb6: {  	_ =	sfence  }
0xb7: {  	s30 =	sld [smem:$0x0];
	_ =	sdelay $0x2  }
0xb8: {  	s31 =	sshll.u32 s1, $0xD;
	s1 =	sshrl.u32 s1, $0x2  }
0xb9: {  	s3 =	sand.u32 $0x4000, s31;
	s1 =	sadd.s32 s1, s30  }
0xba: {  	s0 =	sor.u32 s3, s0;
	s1 =	sshll.u32 s1, $0x11  }
0xbb: {  	s0 =	sor.u32 s1, s0  }
0xbc: {  	s0 =	sadd.s32 $0x8F2B, s0  }
0xbd: {  	[sflag:s0] =	ssyncadd.remote.s32 $0x1  }
0xbe: {  	_ =	sfence.sel $0xFFFF  }
0xbf: {  	[dreg:$0x0] =	wrdreg $0xFFFFFFFF;
	(pc) =	sbr.abs _section_cstart, $3  }
0xc0: {  	[dreg:$0x1] =	wrdreg $0xFFFFFFFF  }
0xc1: {  	_ =	task.clear_ibuf [dreg:s7], $0x2FFFF;
	_ =	strace $0x9FFFFFFF  }
0xc2: {  	(tm) =	ssettm $0x7FFFFFFF  }
0xc3: {  	_ =	shalt  }
tec
execute0_lowered:
.L_overlay_start_1:
0x0: {  	(tag) =	ssettag $0x1  }
0x1: {  	s0 =	rddreg [dreg:$0x0]  }
0x2: {  	s1 =	rddreg [dreg:$0x1];
	s2 =	simm.s32 $0x0  }
0x3: {  	[smem:$0x7FF] =	sst s2;
	s4 =	sadd.s32 $0x1AC00, s0  }
0x4: {  	s14 =	sadd.s32 $0x1B21C, s0;
	_ =	strace $0x8000004A;
	[dreg:$0x3] =	wrdreg s4  }
0x5: {  	s16 =	sadd.s32 $0x1B838, s0;
	[dreg:$0x4] =	wrdreg s14  }
0x6: {  	s17 =	sadd.s32 $0x1BE54, s0;
	[dreg:$0x5] =	wrdreg s16  }
0x7: {  	s3 =	srdreg.scid;
	s18 =	sadd.s32 $0x1C470, s0;
	[dreg:$0x6] =	wrdreg s17  }
0x8: {  	s5 =	stileid.u32;
	s19 =	sadd.s32 $0x1CA8C, s0;
	[dreg:$0x7] =	wrdreg s18  }
0x9: {  	s28 =	simm.s32 $0x3;
	s20 =	sadd.s32 $0x1D0A8, s0;
	[dreg:$0x8] =	wrdreg s19  }
0xa: {  	s29 =	simm.s32 $0x12BC0;
	s21 =	sadd.s32 $0x1D6C4, s0;
	[dreg:$0x9] =	wrdreg s20  }
0xb: {  	s30 =	simm.s32 $0x400;
	s22 =	sadd.s32 $0x1DCE0, s0;
	[dreg:$0xa] =	wrdreg s21  }
0xc: {  	s31 =	simm.s32 $0x200000;
	s23 =	sadd.s32 $0x1E2FC, s0;
	[dreg:$0xb] =	wrdreg s22  }
0xd: {  	s3 =	sand.u32 $0x1, s3;
	s24 =	sadd.s32 $0x1E918, s0;
	[dreg:$0xc] =	wrdreg s23  }
0xe: {  	s7 =	sshll.u32 s5, $0x11;
	s25 =	sadd.s32 $0x1EF34, s0;
	[dreg:$0xd] =	wrdreg s24  }
0xf: {  	s5 =	sadd.s32 $0x20E00, s0;
	s26 =	sadd.s32 $0x1F550, s0;
	[dreg:$0xe] =	wrdreg s25  }
0x10: {  	s13 =	ssub.s32 $0x2, s3;
	s3 =	sshll.u32 s3, $0x10;
	[dreg:$0xf] =	wrdreg s26  }
.Ltmp0:
0x11: {  	s19 =	sadd.s32 $0x1FB6C, s0;
	s20 =	sadd.s32 $0x20188, s0;
	(pc) =	sbr.rel .LBB2_1-.Ltmp0, $4  }
0x12: {  	v0 =	vlaneseq.u32;
	s21 =	sadd.s32 $0x207A4, s0;
	s23 =	simm.s32 $0x1;
	s6 =	sshrl.u32 s13, $0x1  }
0x13: {  	v1 =	vmul.u32 $0x400, v0;
	s24 =	simm.s32 $0x30E0;
	s4 =	ssub.s32 s13, s6;
	s6 =	sor.u32 s3, s7  }
0x14: {  	v4 =	vimm.s32 $0x0;
	v5 =	vimm.f32 $0.0e+00;
	vm0 =	vmxor vm0, vm0;
	s25 =	simm.s32 $0x2;
	s26 =	simm.s32 $0x80;
	s15 =	sadd.s32 $0x10000, s6  }
0x15: {  	s0 =	simm.s32 $0x4;
	v6 =	vor.u32 $0x4000, v1;
	s3 =	simm.s32 $0x0;
	s22 =	smax.u32 s4, $0x1;
	v3 =	vmov s6;
	v2 =	vmov s15  }
.LBB2_66:
0x16: {  	s3 =	sadd.s32 $0x1, s3  }
0x17: {  	p0 =	sne.s32 s3, s22  }
.Ltmp1:
0x18: {  	_ = 	snop;
	(pc) =	sbr.rel @!p0 .LBB2_67-.Ltmp1, $4  }
0x19: {  	_ = 	snop  }
0x1a: {  	_ =	swait.ge [sflag:s0], $0x8000  }
0x1b: {  	[sflag:s0] =	ssyncset.done $0x0  }
0x1c: {  	[sflag:s0] =	ssyncadd.s32 $0xFFFF8000  }
.LBB2_1:
0x1d: {  	s4 =	simm.s32 $0x40;
	s7 =	simm.s32 $0x0  }
.LBB2_2:
0x1e: {  	p0 =	sne.s32 s4, $0xFC0;
	[tilespmem:s7+$0xE5C0] =	vst v4;
	s8 =	smov.u32 s4;
	s4 =	sadd.s32 $0x40, s4  }
.Ltmp2:
0x1f: {  	[tilespmem:s7+$0xE1C0] =	vst v4;
	(pc) =	sbr.rel @p0 .LBB2_2-.Ltmp2, $2  }
0x20: {  	_ =	sdelay $0x2  }
0x21: {  	s7 =	sshra.s32 s8, $0x2  }
0x22: {  	[tilespmem:s7+$0xE5C0] =	vst v4  }
0x23: {  	[tilespmem:s7+$0xE1C0] =	vst v4;
	s4 =	simm.s32 $0x0;
	s17 =	rddreg [dreg:$0x3]  }
0x24: {  	[tilespmem:s4], [sflag:$0x1] =	stream.linear.gather [hbm4b:s17+s4], $0x30E0, $0x38;
	[tilespmem:$0x1ABC0] =	vst v63  }
0x25: {  	_ =	swait.ge [sflag:s23], $0x30E0  }
0x26: {  	[sflag:s23] =	ssyncset.done $0x0  }
0x27: {  	s18 =	rddreg [dreg:$0x4];
	[sflag:s23] =	ssyncadd.s32 $0xFFFFCF20  }
0x28: {  	[tilespmem:s24], [sflag:$0x2] =	stream.linear.gather [hbm4b:s18+s4], $0x30E0, $0x38;
	[tilespmem:$0x1ABC0] =	vst v63  }
0x29: {  	v7 =	vld [tilespmem:s4+$0x0];
	_ =	sdelay $0x4  }
0x2a: {  	vm1 =	vge.s32 v7, v3;
	vm2 =	vlt.s32 v7, v2  }
0x2b: {  	vm1 =	vmand vm1, vm2  }
0x2c: {  	v8 =	vmpcnt.ones.xlane vm1;
	_ =	sdelay $0x1  }
0x2d: {  	(v2sf) =	vpush v8, $0x0;
	_ =	sdelay $0x3  }
0x2e: {  	v7 =	vsub.s32 v7, v3  }
0x2f: {  	[tilespmem:s4+$0x61C0] =	vst.msk vm1, v7;
	v7 =	vor.u32 s4, v0  }
0x30: {  	s7 =	simm.s32 $0x10;
	[tilespmem:s4+$0xA1C0] =	vst.msk vm1, v7  }
0x31: {  	s8 =	simm.s32 $0x20;
	s9 =	simm.s32 $0x10;
	v7 =	vld [tilespmem:s7+$0x0]  }
.LBB2_4:
0x32: {  	p0 =	sne.s32 s8, $0x30D0;
	_ =	sdelay $0x3  }
0x33: {  	vm1 =	vge.s32 v7, v3;
	vm2 =	vlt.s32 v7, v2;
	v7 =	vsub.s32 v7, v3  }
0x34: {  	vm1 =	vmand vm1, vm2  }
0x35: {  	v8 =	vmpcnt.ones.xlane vm1  }
0x36: {  	s10 =	spop (v2sf)  }
0x37: {  	(v2sf) =	vpush v8, $0x0;
	s4 =	sadd.s32 s4, s10  }
0x38: {  	p1 =	slt.s32 s4, $0x3FF0  }
0x39: {  	s4 =	simm.s32 @!p1 $0x3FF0  }
.Ltmp3:
0x3a: {  	[tilespmem:s4+$0x61C0] =	vst.msk vm1, v7;
	v7 =	vor.u32 s7, v0;
	s7 =	smov.u32 s8;
	(pc) =	sbr.rel @p0 .LBB2_4-.Ltmp3, $3  }
0x3b: {  	[tilespmem:s4+$0xA1C0] =	vst.msk vm1, v7;
	_ =	sdelay $0x1  }
0x3c: {  	s9 =	sadd.s32 $0x10, s9  }
0x3d: {  	s8 =	sadd.s32 $0x10, s8;
	v7 =	vld [tilespmem:s9+$0x0]  }
0x3e: {  	_ =	sdelay $0x3  }
0x3f: {  	vm1 =	vge.s32 v7, v3;
	vm2 =	vlt.s32 v7, v2  }
0x40: {  	vm1 =	vmand vm1, vm2  }
0x41: {  	v8 =	vmpcnt.ones.xlane vm1;
	_ =	sdelay $0x1  }
0x42: {  	(v2sf) =	vpush v8, $0x0;
	_ =	sdelay $0x9  }
0x43: {  	s8 =	spop (v2sf)  }
0x44: {  	s4 =	sadd.s32 s4, s8  }
0x45: {  	p0 =	slt.s32 s4, $0x3FF0  }
0x46: {  	v7 =	vsub.s32 v7, v3;
	s4 =	simm.s32 @!p0 $0x3FF0  }
0x47: {  	[tilespmem:s4+$0x61C0] =	vst.msk vm1, v7;
	v7 =	vor.u32 s7, v0  }
0x48: {  	[tilespmem:s4+$0xA1C0] =	vst.msk vm1, v7;
	s16 =	spop (v2sf)  }
0x49: {  	_ =	swait.ge [sflag:s25], $0x30E0  }
0x4a: {  	[sflag:s25] =	ssyncset.done $0x0  }
0x4b: {  	s18 =	simm.s32 $0x30E0;
	s17 =	rddreg [dreg:$0x5];
	[sflag:s25] =	ssyncadd.s32 $0xFFFFCF20  }
0x4c: {  	[tilespmem:s2], [sflag:$0x1] =	stream.linear.gather [hbm4b:s17+s2], $0x30E0, $0x38;
	[tilespmem:$0x1ABC0] =	vst v63  }
0x4d: {  	v7 =	vld [tilespmem:s18+$0x0];
	_ =	sdelay $0x4  }
0x4e: {  	vm1 =	vge.s32 v7, v3;
	vm2 =	vlt.s32 v7, v2  }
0x4f: {  	vm1 =	vmand vm1, vm2  }
0x50: {  	v8 =	vmpcnt.ones.xlane vm1;
	_ =	sdelay $0x1  }
0x51: {  	(v2sf) =	vpush v8, $0x0;
	_ =	sdelay $0x1  }
0x52: {  	s4 =	sadd.s32 s4, s16  }
0x53: {  	p0 =	slt.s32 s4, $0x3FF0  }
0x54: {  	s4 =	simm.s32 @!p0 $0x3FF0;
	v7 =	vsub.s32 v7, v3  }
0x55: {  	[tilespmem:s4+$0x61C0] =	vst.msk vm1, v7;
	v7 =	vor.u32 s18, v0  }
0x56: {  	s7 =	simm.s32 $0x30F0;
	[tilespmem:s4+$0xA1C0] =	vst.msk vm1, v7  }
0x57: {  	s9 =	simm.s32 $0x30F0;
	s8 =	simm.s32 $0x3100;
	v7 =	vld [tilespmem:s7+$0x0]  }
.LBB2_6:
0x58: {  	p0 =	sne.s32 s8, $0x61B0;
	_ =	sdelay $0x3  }
0x59: {  	vm1 =	vge.s32 v7, v3;
	vm2 =	vlt.s32 v7, v2;
	v7 =	vsub.s32 v7, v3  }
0x5a: {  	vm1 =	vmand vm1, vm2  }
0x5b: {  	v8 =	vmpcnt.ones.xlane vm1  }
0x5c: {  	s10 =	spop (v2sf)  }
0x5d: {  	(v2sf) =	vpush v8, $0x0;
	s4 =	sadd.s32 s4, s10  }
0x5e: {  	p1 =	slt.s32 s4, $0x3FF0  }
0x5f: {  	s4 =	simm.s32 @!p1 $0x3FF0  }
.Ltmp4:
0x60: {  	[tilespmem:s4+$0x61C0] =	vst.msk vm1, v7;
	v7 =	vor.u32 s7, v0;
	s7 =	smov.u32 s8;
	(pc) =	sbr.rel @p0 .LBB2_6-.Ltmp4, $3  }
0x61: {  	[tilespmem:s4+$0xA1C0] =	vst.msk vm1, v7;
	_ =	sdelay $0x1  }
0x62: {  	s9 =	sadd.s32 $0x10, s9  }
0x63: {  	s8 =	sadd.s32 $0x10, s8;
	v7 =	vld [tilespmem:s9+$0x0]  }
0x64: {  	_ =	sdelay $0x3  }
0x65: {  	vm1 =	vge.s32 v7, v3;
	vm2 =	vlt.s32 v7, v2  }
0x66: {  	vm1 =	vmand vm1, vm2  }
0x67: {  	v8 =	vmpcnt.ones.xlane vm1;
	_ =	sdelay $0x1  }
0x68: {  	(v2sf) =	vpush v8, $0x0;
	_ =	sdelay $0x9  }
0x69: {  	s8 =	spop (v2sf)  }
0x6a: {  	s4 =	sadd.s32 s4, s8  }
0x6b: {  	p0 =	slt.s32 s4, $0x3FF0  }
0x6c: {  	v7 =	vsub.s32 v7, v3;
	s4 =	simm.s32 @!p0 $0x3FF0  }
0x6d: {  	[tilespmem:s4+$0x61C0] =	vst.msk vm1, v7;
	v7 =	vor.u32 s7, v0  }
0x6e: {  	[tilespmem:s4+$0xA1C0] =	vst.msk vm1, v7;
	s16 =	spop (v2sf)  }
0x6f: {  	_ =	swait.ge [sflag:s23], $0x30E0  }
0x70: {  	[sflag:s23] =	ssyncset.done $0x0  }
0x71: {  	s17 =	simm.s32 $0x0;
	s9 =	rddreg [dreg:$0x6];
	[sflag:s23] =	ssyncadd.s32 $0xFFFFCF20  }
0x72: {  	[tilespmem:s24], [sflag:$0x2] =	stream.linear.gather [hbm4b:s9+s17], $0x30E0, $0x38;
	[tilespmem:$0x1ABC0] =	vst v63  }
0x73: {  	v7 =	vld [tilespmem:s17+$0x0];
	_ =	sdelay $0x4  }
0x74: {  	vm1 =	vge.s32 v7, v3;
	vm2 =	vlt.s32 v7, v2  }
0x75: {  	vm1 =	vmand vm1, vm2  }
0x76: {  	v8 =	vmpcnt.ones.xlane vm1;
	_ =	sdelay $0x1  }
0x77: {  	(v2sf) =	vpush v8, $0x0;
	_ =	sdelay $0x1  }
0x78: {  	s4 =	sadd.s32 s4, s16  }
0x79: {  	p0 =	slt.s32 s4, $0x3FF0  }
0x7a: {  	s18 =	simm.s32 $0x61C0;
	s4 =	simm.s32 @!p0 $0x3FF0;
	v7 =	vsub.s32 v7, v3  }
0x7b: {  	[tilespmem:s4+$0x61C0] =	vst.msk vm1, v7;
	v7 =	vor.u32 s18, v0  }
0x7c: {  	s8 =	simm.s32 $0x10;
	[tilespmem:s4+$0xA1C0] =	vst.msk vm1, v7  }
0x7d: {  	s7 =	simm.s32 $0x61D0;
	s9 =	simm.s32 $0x61E0;
	v7 =	vld [tilespmem:s8+$0x0]  }
.LBB2_8:
0x7e: {  	p0 =	sne.s32 s9, $0x9290;
	_ =	sdelay $0x3  }
0x7f: {  	vm1 =	vge.s32 v7, v3;
	vm2 =	vlt.s32 v7, v2;
	v7 =	vsub.s32 v7, v3  }
0x80: {  	vm1 =	vmand vm1, vm2  }
0x81: {  	v8 =	vmpcnt.ones.xlane vm1  }
0x82: {  	s10 =	spop (v2sf)  }
0x83: {  	(v2sf) =	vpush v8, $0x0;
	s4 =	sadd.s32 s4, s10  }
0x84: {  	p1 =	slt.s32 s4, $0x3FF0  }
0x85: {  	s4 =	simm.s32 @!p1 $0x3FF0  }
.Ltmp5:
0x86: {  	[tilespmem:s4+$0x61C0] =	vst.msk vm1, v7;
	v7 =	vor.u32 s7, v0;
	s7 =	smov.u32 s9;
	(pc) =	sbr.rel @p0 .LBB2_8-.Ltmp5, $3  }
0x87: {  	[tilespmem:s4+$0xA1C0] =	vst.msk vm1, v7;
	_ =	sdelay $0x1  }
0x88: {  	s8 =	sadd.s32 $0x10, s8  }
0x89: {  	s9 =	sadd.s32 $0x10, s9;
	v7 =	vld [tilespmem:s8+$0x0]  }
0x8a: {  	_ =	sdelay $0x3  }
0x8b: {  	vm1 =	vge.s32 v7, v3;
	vm2 =	vlt.s32 v7, v2  }
0x8c: {  	vm1 =	vmand vm1, vm2  }
0x8d: {  	v8 =	vmpcnt.ones.xlane vm1;
	_ =	sdelay $0x1  }
0x8e: {  	(v2sf) =	vpush v8, $0x0;
	_ =	sdelay $0x9  }
0x8f: {  	s8 =	spop (v2sf)  }
0x90: {  	s4 =	sadd.s32 s4, s8  }
0x91: {  	p0 =	slt.s32 s4, $0x3FF0  }
0x92: {  	v7 =	vsub.s32 v7, v3;
	s4 =	simm.s32 @!p0 $0x3FF0  }
0x93: {  	[tilespmem:s4+$0x61C0] =	vst.msk vm1, v7;
	v7 =	vor.u32 s7, v0  }
0x94: {  	[tilespmem:s4+$0xA1C0] =	vst.msk vm1, v7;
	s15 =	spop (v2sf)  }
0x95: {  	_ =	swait.ge [sflag:s25], $0x30E0  }
0x96: {  	[sflag:s25] =	ssyncset.done $0x0  }
0x97: {  	s17 =	simm.s32 $0x30E0;
	s16 =	rddreg [dreg:$0x7];
	[sflag:s25] =	ssyncadd.s32 $0xFFFFCF20  }
0x98: {  	[tilespmem:s2], [sflag:$0x1] =	stream.linear.gather [hbm4b:s16+s2], $0x30E0, $0x38;
	[tilespmem:$0x1ABC0] =	vst v63  }
0x99: {  	v7 =	vld [tilespmem:s17+$0x0];
	_ =	sdelay $0x4  }
0x9a: {  	vm1 =	vge.s32 v7, v3;
	vm2 =	vlt.s32 v7, v2  }
0x9b: {  	vm1 =	vmand vm1, vm2  }
0x9c: {  	v8 =	vmpcnt.ones.xlane vm1;
	_ =	sdelay $0x1  }
0x9d: {  	(v2sf) =	vpush v8, $0x0;
	_ =	sdelay $0x1  }
0x9e: {  	s4 =	sadd.s32 s4, s15  }
0x9f: {  	p0 =	slt.s32 s4, $0x3FF0  }
0xa0: {  	s18 =	simm.s32 $0x92A0;
	s4 =	simm.s32 @!p0 $0x3FF0;
	v7 =	vsub.s32 v7, v3  }
0xa1: {  	[tilespmem:s4+$0x61C0] =	vst.msk vm1, v7;
	v7 =	vor.u32 s18, v0  }
0xa2: {  	s8 =	simm.s32 $0x30F0;
	[tilespmem:s4+$0xA1C0] =	vst.msk vm1, v7  }
0xa3: {  	s9 =	simm.s32 $0x92C0;
	s7 =	simm.s32 $0x92B0;
	v7 =	vld [tilespmem:s8+$0x0]  }
.LBB2_10:
0xa4: {  	p0 =	sne.s32 s9, $0xC370;
	_ =	sdelay $0x3  }
0xa5: {  	vm1 =	vge.s32 v7, v3;
	vm2 =	vlt.s32 v7, v2;
	v7 =	vsub.s32 v7, v3  }
0xa6: {  	vm1 =	vmand vm1, vm2  }
0xa7: {  	v8 =	vmpcnt.ones.xlane vm1  }
0xa8: {  	s10 =	spop (v2sf)  }
0xa9: {  	(v2sf) =	vpush v8, $0x0;
	s4 =	sadd.s32 s4, s10  }
0xaa: {  	p1 =	slt.s32 s4, $0x3FF0  }
0xab: {  	s4 =	simm.s32 @!p1 $0x3FF0  }
.Ltmp6:
0xac: {  	[tilespmem:s4+$0x61C0] =	vst.msk vm1, v7;
	v7 =	vor.u32 s7, v0;
	s7 =	smov.u32 s9;
	(pc) =	sbr.rel @p0 .LBB2_10-.Ltmp6, $3  }
0xad: {  	[tilespmem:s4+$0xA1C0] =	vst.msk vm1, v7;
	_ =	sdelay $0x1  }
0xae: {  	s8 =	sadd.s32 $0x10, s8  }
0xaf: {  	s9 =	sadd.s32 $0x10, s9;
	v7 =	vld [tilespmem:s8+$0x0]  }
0xb0: {  	_ =	sdelay $0x3  }
0xb1: {  	vm1 =	vge.s32 v7, v3;
	vm2 =	vlt.s32 v7, v2  }
0xb2: {  	vm1 =	vmand vm1, vm2  }
0xb3: {  	v8 =	vmpcnt.ones.xlane vm1;
	_ =	sdelay $0x1  }
0xb4: {  	(v2sf) =	vpush v8, $0x0;
	_ =	sdelay $0x9  }
0xb5: {  	s8 =	spop (v2sf)  }
0xb6: {  	s4 =	sadd.s32 s4, s8  }
0xb7: {  	p0 =	slt.s32 s4, $0x3FF0  }
0xb8: {  	v7 =	vsub.s32 v7, v3;
	s4 =	simm.s32 @!p0 $0x3FF0  }
0xb9: {  	[tilespmem:s4+$0x61C0] =	vst.msk vm1, v7;
	v7 =	vor.u32 s7, v0  }
0xba: {  	[tilespmem:s4+$0xA1C0] =	vst.msk vm1, v7;
	s16 =	spop (v2sf)  }
0xbb: {  	_ =	swait.ge [sflag:s23], $0x30E0  }
0xbc: {  	[sflag:s23] =	ssyncset.done $0x0  }
0xbd: {  	s17 =	simm.s32 $0x0;
	s9 =	rddreg [dreg:$0x8];
	[sflag:s23] =	ssyncadd.s32 $0xFFFFCF20  }
0xbe: {  	[tilespmem:s24], [sflag:$0x2] =	stream.linear.gather [hbm4b:s9+s17], $0x30E0, $0x38;
	[tilespmem:$0x1ABC0] =	vst v63  }
0xbf: {  	v7 =	vld [tilespmem:s17+$0x0];
	_ =	sdelay $0x4  }
0xc0: {  	vm1 =	vge.s32 v7, v3;
	vm2 =	vlt.s32 v7, v2  }
0xc1: {  	vm1 =	vmand vm1, vm2  }
0xc2: {  	v8 =	vmpcnt.ones.xlane vm1;
	_ =	sdelay $0x1  }
0xc3: {  	(v2sf) =	vpush v8, $0x0;
	_ =	sdelay $0x1  }
0xc4: {  	s4 =	sadd.s32 s4, s16  }
0xc5: {  	p0 =	slt.s32 s4, $0x3FF0  }
0xc6: {  	s18 =	simm.s32 $0xC380;
	s4 =	simm.s32 @!p0 $0x3FF0;
	v7 =	vsub.s32 v7, v3  }
0xc7: {  	[tilespmem:s4+$0x61C0] =	vst.msk vm1, v7;
	v7 =	vor.u32 s18, v0  }
0xc8: {  	s8 =	simm.s32 $0x10;
	[tilespmem:s4+$0xA1C0] =	vst.msk vm1, v7  }
0xc9: {  	s7 =	simm.s32 $0xC390;
	s9 =	simm.s32 $0xC3A0;
	v7 =	vld [tilespmem:s8+$0x0]  }
.LBB2_12:
0xca: {  	p0 =	sne.s32 s9, $0xF450;
	_ =	sdelay $0x3  }
0xcb: {  	vm1 =	vge.s32 v7, v3;
	vm2 =	vlt.s32 v7, v2;
	v7 =	vsub.s32 v7, v3  }
0xcc: {  	vm1 =	vmand vm1, vm2  }
0xcd: {  	v8 =	vmpcnt.ones.xlane vm1  }
0xce: {  	s10 =	spop (v2sf)  }
0xcf: {  	(v2sf) =	vpush v8, $0x0;
	s4 =	sadd.s32 s4, s10  }
0xd0: {  	p1 =	slt.s32 s4, $0x3FF0  }
0xd1: {  	s4 =	simm.s32 @!p1 $0x3FF0  }
.Ltmp7:
0xd2: {  	[tilespmem:s4+$0x61C0] =	vst.msk vm1, v7;
	v7 =	vor.u32 s7, v0;
	s7 =	smov.u32 s9;
	(pc) =	sbr.rel @p0 .LBB2_12-.Ltmp7, $3  }
0xd3: {  	[tilespmem:s4+$0xA1C0] =	vst.msk vm1, v7;
	_ =	sdelay $0x1  }
0xd4: {  	s8 =	sadd.s32 $0x10, s8  }
0xd5: {  	s9 =	sadd.s32 $0x10, s9;
	v7 =	vld [tilespmem:s8+$0x0]  }
0xd6: {  	_ =	sdelay $0x3  }
0xd7: {  	vm1 =	vge.s32 v7, v3;
	vm2 =	vlt.s32 v7, v2  }
0xd8: {  	vm1 =	vmand vm1, vm2  }
0xd9: {  	v8 =	vmpcnt.ones.xlane vm1;
	_ =	sdelay $0x1  }
0xda: {  	(v2sf) =	vpush v8, $0x0;
	_ =	sdelay $0x9  }
0xdb: {  	s8 =	spop (v2sf)  }
0xdc: {  	s4 =	sadd.s32 s4, s8  }
0xdd: {  	p0 =	slt.s32 s4, $0x3FF0  }
0xde: {  	v7 =	vsub.s32 v7, v3;
	s4 =	simm.s32 @!p0 $0x3FF0  }
0xdf: {  	[tilespmem:s4+$0x61C0] =	vst.msk vm1, v7;
	v7 =	vor.u32 s7, v0  }
0xe0: {  	[tilespmem:s4+$0xA1C0] =	vst.msk vm1, v7;
	s15 =	spop (v2sf)  }
0xe1: {  	_ =	swait.ge [sflag:s25], $0x30E0  }
0xe2: {  	[sflag:s25] =	ssyncset.done $0x0  }
0xe3: {  	s17 =	simm.s32 $0x30E0;
	s16 =	rddreg [dreg:$0x9];
	[sflag:s25] =	ssyncadd.s32 $0xFFFFCF20  }
0xe4: {  	[tilespmem:s2], [sflag:$0x1] =	stream.linear.gather [hbm4b:s16+s2], $0x30E0, $0x38;
	[tilespmem:$0x1ABC0] =	vst v63  }
0xe5: {  	v7 =	vld [tilespmem:s17+$0x0];
	_ =	sdelay $0x4  }
0xe6: {  	vm1 =	vge.s32 v7, v3;
	vm2 =	vlt.s32 v7, v2  }
0xe7: {  	vm1 =	vmand vm1, vm2  }
0xe8: {  	v8 =	vmpcnt.ones.xlane vm1;
	_ =	sdelay $0x1  }
0xe9: {  	(v2sf) =	vpush v8, $0x0;
	_ =	sdelay $0x1  }
0xea: {  	s4 =	sadd.s32 s4, s15  }
0xeb: {  	p0 =	slt.s32 s4, $0x3FF0  }
0xec: {  	s18 =	simm.s32 $0xF460;
	s4 =	simm.s32 @!p0 $0x3FF0;
	v7 =	vsub.s32 v7, v3  }
0xed: {  	[tilespmem:s4+$0x61C0] =	vst.msk vm1, v7;
	v7 =	vor.u32 s18, v0  }
0xee: {  	s8 =	simm.s32 $0x30F0;
	[tilespmem:s4+$0xA1C0] =	vst.msk vm1, v7  }
0xef: {  	s9 =	simm.s32 $0xF480;
	s7 =	simm.s32 $0xF470;
	v7 =	vld [tilespmem:s8+$0x0]  }
.LBB2_14:
0xf0: {  	p0 =	sne.s32 s9, $0x12530;
	_ =	sdelay $0x3  }
0xf1: {  	vm1 =	vge.s32 v7, v3;
	vm2 =	vlt.s32 v7, v2;
	v7 =	vsub.s32 v7, v3  }
0xf2: {  	vm1 =	vmand vm1, vm2  }
0xf3: {  	v8 =	vmpcnt.ones.xlane vm1  }
0xf4: {  	s10 =	spop (v2sf)  }
0xf5: {  	(v2sf) =	vpush v8, $0x0;
	s4 =	sadd.s32 s4, s10  }
0xf6: {  	p1 =	slt.s32 s4, $0x3FF0  }
0xf7: {  	s4 =	simm.s32 @!p1 $0x3FF0  }
.Ltmp8:
0xf8: {  	[tilespmem:s4+$0x61C0] =	vst.msk vm1, v7;
	v7 =	vor.u32 s7, v0;
	s7 =	smov.u32 s9;
	(pc) =	sbr.rel @p0 .LBB2_14-.Ltmp8, $3  }
0xf9: {  	[tilespmem:s4+$0xA1C0] =	vst.msk vm1, v7;
	_ =	sdelay $0x1  }
0xfa: {  	s8 =	sadd.s32 $0x10, s8  }
0xfb: {  	s9 =	sadd.s32 $0x10, s9;
	v7 =	vld [tilespmem:s8+$0x0]  }
0xfc: {  	_ =	sdelay $0x3  }
0xfd: {  	vm1 =	vge.s32 v7, v3;
	vm2 =	vlt.s32 v7, v2  }
0xfe: {  	vm1 =	vmand vm1, vm2  }
0xff: {  	v8 =	vmpcnt.ones.xlane vm1;
	_ =	sdelay $0x1  }
0x100: {  	(v2sf) =	vpush v8, $0x0;
	_ =	sdelay $0x9  }
0x101: {  	s8 =	spop (v2sf)  }
0x102: {  	s4 =	sadd.s32 s4, s8  }
0x103: {  	p0 =	slt.s32 s4, $0x3FF0  }
0x104: {  	v7 =	vsub.s32 v7, v3;
	s4 =	simm.s32 @!p0 $0x3FF0  }
0x105: {  	[tilespmem:s4+$0x61C0] =	vst.msk vm1, v7;
	v7 =	vor.u32 s7, v0  }
0x106: {  	[tilespmem:s4+$0xA1C0] =	vst.msk vm1, v7;
	s16 =	spop (v2sf)  }
0x107: {  	_ =	swait.ge [sflag:s23], $0x30E0  }
0x108: {  	[sflag:s23] =	ssyncset.done $0x0  }
0x109: {  	s17 =	simm.s32 $0x0;
	s9 =	rddreg [dreg:$0xa];
	[sflag:s23] =	ssyncadd.s32 $0xFFFFCF20  }
0x10a: {  	[tilespmem:s24], [sflag:$0x2] =	stream.linear.gather [hbm4b:s9+s17], $0x30E0, $0x38;
	[tilespmem:$0x1ABC0] =	vst v63  }
0x10b: {  	v7 =	vld [tilespmem:s17+$0x0];
	_ =	sdelay $0x4  }
0x10c: {  	vm1 =	vge.s32 v7, v3;
	vm2 =	vlt.s32 v7, v2  }
0x10d: {  	vm1 =	vmand vm1, vm2  }
0x10e: {  	v8 =	vmpcnt.ones.xlane vm1;
	_ =	sdelay $0x1  }
0x10f: {  	(v2sf) =	vpush v8, $0x0;
	_ =	sdelay $0x1  }
0x110: {  	s4 =	sadd.s32 s4, s16  }
0x111: {  	p0 =	slt.s32 s4, $0x3FF0  }
0x112: {  	s18 =	simm.s32 $0x12540;
	s4 =	simm.s32 @!p0 $0x3FF0;
	v7 =	vsub.s32 v7, v3  }
0x113: {  	[tilespmem:s4+$0x61C0] =	vst.msk vm1, v7;
	v7 =	vor.u32 s18, v0  }
0x114: {  	s8 =	simm.s32 $0x10;
	[tilespmem:s4+$0xA1C0] =	vst.msk vm1, v7  }
0x115: {  	s7 =	simm.s32 $0x12550;
	s9 =	simm.s32 $0x12560;
	v7 =	vld [tilespmem:s8+$0x0]  }
.LBB2_16:
0x116: {  	p0 =	sne.s32 s9, $0x15610;
	_ =	sdelay $0x3  }
0x117: {  	vm1 =	vge.s32 v7, v3;
	vm2 =	vlt.s32 v7, v2;
	v7 =	vsub.s32 v7, v3  }
0x118: {  	vm1 =	vmand vm1, vm2  }
0x119: {  	v8 =	vmpcnt.ones.xlane vm1  }
0x11a: {  	s10 =	spop (v2sf)  }
0x11b: {  	(v2sf) =	vpush v8, $0x0;
	s4 =	sadd.s32 s4, s10  }
0x11c: {  	p1 =	slt.s32 s4, $0x3FF0  }
0x11d: {  	s4 =	simm.s32 @!p1 $0x3FF0  }
.Ltmp9:
0x11e: {  	[tilespmem:s4+$0x61C0] =	vst.msk vm1, v7;
	v7 =	vor.u32 s7, v0;
	s7 =	smov.u32 s9;
	(pc) =	sbr.rel @p0 .LBB2_16-.Ltmp9, $3  }
0x11f: {  	[tilespmem:s4+$0xA1C0] =	vst.msk vm1, v7;
	_ =	sdelay $0x1  }
0x120: {  	s8 =	sadd.s32 $0x10, s8  }
0x121: {  	s9 =	sadd.s32 $0x10, s9;
	v7 =	vld [tilespmem:s8+$0x0]  }
0x122: {  	_ =	sdelay $0x3  }
0x123: {  	vm1 =	vge.s32 v7, v3;
	vm2 =	vlt.s32 v7, v2  }
0x124: {  	vm1 =	vmand vm1, vm2  }
0x125: {  	v8 =	vmpcnt.ones.xlane vm1;
	_ =	sdelay $0x1  }
0x126: {  	(v2sf) =	vpush v8, $0x0;
	_ =	sdelay $0x9  }
0x127: {  	s8 =	spop (v2sf)  }
0x128: {  	s4 =	sadd.s32 s4, s8  }
0x129: {  	p0 =	slt.s32 s4, $0x3FF0  }
0x12a: {  	v7 =	vsub.s32 v7, v3;
	s4 =	simm.s32 @!p0 $0x3FF0  }
0x12b: {  	[tilespmem:s4+$0x61C0] =	vst.msk vm1, v7;
	v7 =	vor.u32 s7, v0  }
0x12c: {  	[tilespmem:s4+$0xA1C0] =	vst.msk vm1, v7;
	s15 =	spop (v2sf)  }
0x12d: {  	_ =	swait.ge [sflag:s25], $0x30E0  }
0x12e: {  	[sflag:s25] =	ssyncset.done $0x0  }
0x12f: {  	s17 =	simm.s32 $0x30E0;
	s16 =	rddreg [dreg:$0xb];
	[sflag:s25] =	ssyncadd.s32 $0xFFFFCF20  }
0x130: {  	[tilespmem:s2], [sflag:$0x1] =	stream.linear.gather [hbm4b:s16+s2], $0x30E0, $0x38;
	[tilespmem:$0x1ABC0] =	vst v63  }
0x131: {  	v7 =	vld [tilespmem:s17+$0x0];
	_ =	sdelay $0x4  }
0x132: {  	vm1 =	vge.s32 v7, v3;
	vm2 =	vlt.s32 v7, v2  }
0x133: {  	vm1 =	vmand vm1, vm2  }
0x134: {  	v8 =	vmpcnt.ones.xlane vm1;
	_ =	sdelay $0x1  }
0x135: {  	(v2sf) =	vpush v8, $0x0;
	_ =	sdelay $0x1  }
0x136: {  	s4 =	sadd.s32 s4, s15  }
0x137: {  	p0 =	slt.s32 s4, $0x3FF0  }
0x138: {  	s18 =	simm.s32 $0x15620;
	s4 =	simm.s32 @!p0 $0x3FF0;
	v7 =	vsub.s32 v7, v3  }
0x139: {  	[tilespmem:s4+$0x61C0] =	vst.msk vm1, v7;
	v7 =	vor.u32 s18, v0  }
0x13a: {  	s8 =	simm.s32 $0x30F0;
	[tilespmem:s4+$0xA1C0] =	vst.msk vm1, v7  }
0x13b: {  	s9 =	simm.s32 $0x15640;
	s7 =	simm.s32 $0x15630;
	v7 =	vld [tilespmem:s8+$0x0]  }
.LBB2_18:
0x13c: {  	p0 =	sne.s32 s9, $0x186F0;
	_ =	sdelay $0x3  }
0x13d: {  	vm1 =	vge.s32 v7, v3;
	vm2 =	vlt.s32 v7, v2;
	v7 =	vsub.s32 v7, v3  }
0x13e: {  	vm1 =	vmand vm1, vm2  }
0x13f: {  	v8 =	vmpcnt.ones.xlane vm1  }
0x140: {  	s10 =	spop (v2sf)  }
0x141: {  	(v2sf) =	vpush v8, $0x0;
	s4 =	sadd.s32 s4, s10  }
0x142: {  	p1 =	slt.s32 s4, $0x3FF0  }
0x143: {  	s4 =	simm.s32 @!p1 $0x3FF0  }
.Ltmp10:
0x144: {  	[tilespmem:s4+$0x61C0] =	vst.msk vm1, v7;
	v7 =	vor.u32 s7, v0;
	s7 =	smov.u32 s9;
	(pc) =	sbr.rel @p0 .LBB2_18-.Ltmp10, $3  }
0x145: {  	[tilespmem:s4+$0xA1C0] =	vst.msk vm1, v7;
	_ =	sdelay $0x1  }
0x146: {  	s8 =	sadd.s32 $0x10, s8  }
0x147: {  	s9 =	sadd.s32 $0x10, s9;
	v7 =	vld [tilespmem:s8+$0x0]  }
0x148: {  	_ =	sdelay $0x3  }
0x149: {  	vm1 =	vge.s32 v7, v3;
	vm2 =	vlt.s32 v7, v2  }
0x14a: {  	vm1 =	vmand vm1, vm2  }
0x14b: {  	v8 =	vmpcnt.ones.xlane vm1;
	_ =	sdelay $0x1  }
0x14c: {  	(v2sf) =	vpush v8, $0x0;
	_ =	sdelay $0x9  }
0x14d: {  	s8 =	spop (v2sf)  }
0x14e: {  	s4 =	sadd.s32 s4, s8  }
0x14f: {  	p0 =	slt.s32 s4, $0x3FF0  }
0x150: {  	v7 =	vsub.s32 v7, v3;
	s4 =	simm.s32 @!p0 $0x3FF0  }
0x151: {  	[tilespmem:s4+$0x61C0] =	vst.msk vm1, v7;
	v7 =	vor.u32 s7, v0  }
0x152: {  	[tilespmem:s4+$0xA1C0] =	vst.msk vm1, v7;
	s16 =	spop (v2sf)  }
0x153: {  	_ =	swait.ge [sflag:s23], $0x30E0  }
0x154: {  	[sflag:s23] =	ssyncset.done $0x0  }
0x155: {  	s17 =	simm.s32 $0x0;
	s9 =	rddreg [dreg:$0xc];
	[sflag:s23] =	ssyncadd.s32 $0xFFFFCF20  }
0x156: {  	[tilespmem:s24], [sflag:$0x2] =	stream.linear.gather [hbm4b:s9+s17], $0x30E0, $0x38;
	[tilespmem:$0x1ABC0] =	vst v63  }
0x157: {  	v7 =	vld [tilespmem:s17+$0x0];
	_ =	sdelay $0x4  }
0x158: {  	vm1 =	vge.s32 v7, v3;
	vm2 =	vlt.s32 v7, v2  }
0x159: {  	vm1 =	vmand vm1, vm2  }
0x15a: {  	v8 =	vmpcnt.ones.xlane vm1;
	_ =	sdelay $0x1  }
0x15b: {  	(v2sf) =	vpush v8, $0x0;
	_ =	sdelay $0x1  }
0x15c: {  	s4 =	sadd.s32 s4, s16  }
0x15d: {  	p0 =	slt.s32 s4, $0x3FF0  }
0x15e: {  	s18 =	simm.s32 $0x18700;
	s4 =	simm.s32 @!p0 $0x3FF0;
	v7 =	vsub.s32 v7, v3  }
0x15f: {  	[tilespmem:s4+$0x61C0] =	vst.msk vm1, v7;
	v7 =	vor.u32 s18, v0  }
0x160: {  	s8 =	simm.s32 $0x10;
	[tilespmem:s4+$0xA1C0] =	vst.msk vm1, v7  }
0x161: {  	s7 =	simm.s32 $0x18710;
	s9 =	simm.s32 $0x18720;
	v7 =	vld [tilespmem:s8+$0x0]  }
.LBB2_20:
0x162: {  	p0 =	sne.s32 s9, $0x1B7D0;
	_ =	sdelay $0x3  }
0x163: {  	vm1 =	vge.s32 v7, v3;
	vm2 =	vlt.s32 v7, v2;
	v7 =	vsub.s32 v7, v3  }
0x164: {  	vm1 =	vmand vm1, vm2  }
0x165: {  	v8 =	vmpcnt.ones.xlane vm1  }
0x166: {  	s10 =	spop (v2sf)  }
0x167: {  	(v2sf) =	vpush v8, $0x0;
	s4 =	sadd.s32 s4, s10  }
0x168: {  	p1 =	slt.s32 s4, $0x3FF0  }
0x169: {  	s4 =	simm.s32 @!p1 $0x3FF0  }
.Ltmp11:
0x16a: {  	[tilespmem:s4+$0x61C0] =	vst.msk vm1, v7;
	v7 =	vor.u32 s7, v0;
	s7 =	smov.u32 s9;
	(pc) =	sbr.rel @p0 .LBB2_20-.Ltmp11, $3  }
0x16b: {  	[tilespmem:s4+$0xA1C0] =	vst.msk vm1, v7;
	_ =	sdelay $0x1  }
0x16c: {  	s8 =	sadd.s32 $0x10, s8  }
0x16d: {  	s9 =	sadd.s32 $0x10, s9;
	v7 =	vld [tilespmem:s8+$0x0]  }
0x16e: {  	_ =	sdelay $0x3  }
0x16f: {  	vm1 =	vge.s32 v7, v3;
	vm2 =	vlt.s32 v7, v2  }
0x170: {  	vm1 =	vmand vm1, vm2  }
0x171: {  	v8 =	vmpcnt.ones.xlane vm1;
	_ =	sdelay $0x1  }
0x172: {  	(v2sf) =	vpush v8, $0x0;
	_ =	sdelay $0x9  }
0x173: {  	s8 =	spop (v2sf)  }
0x174: {  	s4 =	sadd.s32 s4, s8  }
0x175: {  	p0 =	slt.s32 s4, $0x3FF0  }
0x176: {  	v7 =	vsub.s32 v7, v3;
	s4 =	simm.s32 @!p0 $0x3FF0  }
0x177: {  	[tilespmem:s4+$0x61C0] =	vst.msk vm1, v7;
	v7 =	vor.u32 s7, v0  }
0x178: {  	[tilespmem:s4+$0xA1C0] =	vst.msk vm1, v7;
	s15 =	spop (v2sf)  }
0x179: {  	_ =	swait.ge [sflag:s25], $0x30E0  }
0x17a: {  	[sflag:s25] =	ssyncset.done $0x0  }
0x17b: {  	s17 =	simm.s32 $0x30E0;
	s16 =	rddreg [dreg:$0xd];
	[sflag:s25] =	ssyncadd.s32 $0xFFFFCF20  }
0x17c: {  	[tilespmem:s2], [sflag:$0x1] =	stream.linear.gather [hbm4b:s16+s2], $0x30E0, $0x38;
	[tilespmem:$0x1ABC0] =	vst v63  }
0x17d: {  	v7 =	vld [tilespmem:s17+$0x0];
	_ =	sdelay $0x4  }
0x17e: {  	vm1 =	vge.s32 v7, v3;
	vm2 =	vlt.s32 v7, v2  }
0x17f: {  	vm1 =	vmand vm1, vm2  }
0x180: {  	v8 =	vmpcnt.ones.xlane vm1;
	_ =	sdelay $0x1  }
0x181: {  	(v2sf) =	vpush v8, $0x0;
	_ =	sdelay $0x1  }
0x182: {  	s4 =	sadd.s32 s4, s15  }
0x183: {  	p0 =	slt.s32 s4, $0x3FF0  }
0x184: {  	s18 =	simm.s32 $0x1B7E0;
	s4 =	simm.s32 @!p0 $0x3FF0;
	v7 =	vsub.s32 v7, v3  }
0x185: {  	[tilespmem:s4+$0x61C0] =	vst.msk vm1, v7;
	v7 =	vor.u32 s18, v0  }
0x186: {  	s8 =	simm.s32 $0x30F0;
	[tilespmem:s4+$0xA1C0] =	vst.msk vm1, v7  }
0x187: {  	s9 =	simm.s32 $0x1B800;
	s7 =	simm.s32 $0x1B7F0;
	v7 =	vld [tilespmem:s8+$0x0]  }
.LBB2_22:
0x188: {  	p0 =	sne.s32 s9, $0x1E8B0;
	_ =	sdelay $0x3  }
0x189: {  	vm1 =	vge.s32 v7, v3;
	vm2 =	vlt.s32 v7, v2;
	v7 =	vsub.s32 v7, v3  }
0x18a: {  	vm1 =	vmand vm1, vm2  }
0x18b: {  	v8 =	vmpcnt.ones.xlane vm1  }
0x18c: {  	s10 =	spop (v2sf)  }
0x18d: {  	(v2sf) =	vpush v8, $0x0;
	s4 =	sadd.s32 s4, s10  }
0x18e: {  	p1 =	slt.s32 s4, $0x3FF0  }
0x18f: {  	s4 =	simm.s32 @!p1 $0x3FF0  }
.Ltmp12:
0x190: {  	[tilespmem:s4+$0x61C0] =	vst.msk vm1, v7;
	v7 =	vor.u32 s7, v0;
	s7 =	smov.u32 s9;
	(pc) =	sbr.rel @p0 .LBB2_22-.Ltmp12, $3  }
0x191: {  	[tilespmem:s4+$0xA1C0] =	vst.msk vm1, v7;
	_ =	sdelay $0x1  }
0x192: {  	s8 =	sadd.s32 $0x10, s8  }
0x193: {  	s9 =	sadd.s32 $0x10, s9;
	v7 =	vld [tilespmem:s8+$0x0]  }
0x194: {  	_ =	sdelay $0x3  }
0x195: {  	vm1 =	vge.s32 v7, v3;
	vm2 =	vlt.s32 v7, v2  }
0x196: {  	vm1 =	vmand vm1, vm2  }
0x197: {  	v8 =	vmpcnt.ones.xlane vm1;
	_ =	sdelay $0x1  }
0x198: {  	(v2sf) =	vpush v8, $0x0;
	_ =	sdelay $0x9  }
0x199: {  	s8 =	spop (v2sf)  }
0x19a: {  	s4 =	sadd.s32 s4, s8  }
0x19b: {  	p0 =	slt.s32 s4, $0x3FF0  }
0x19c: {  	v7 =	vsub.s32 v7, v3;
	s4 =	simm.s32 @!p0 $0x3FF0  }
0x19d: {  	[tilespmem:s4+$0x61C0] =	vst.msk vm1, v7;
	v7 =	vor.u32 s7, v0  }
0x19e: {  	[tilespmem:s4+$0xA1C0] =	vst.msk vm1, v7;
	s16 =	spop (v2sf)  }
0x19f: {  	_ =	swait.ge [sflag:s23], $0x30E0  }
0x1a0: {  	[sflag:s23] =	ssyncset.done $0x0  }
0x1a1: {  	s17 =	simm.s32 $0x0;
	s9 =	rddreg [dreg:$0xe];
	[sflag:s23] =	ssyncadd.s32 $0xFFFFCF20  }
0x1a2: {  	[tilespmem:s24], [sflag:$0x2] =	stream.linear.gather [hbm4b:s9+s17], $0x30E0, $0x38;
	[tilespmem:$0x1ABC0] =	vst v63  }
0x1a3: {  	v7 =	vld [tilespmem:s17+$0x0];
	_ =	sdelay $0x4  }
0x1a4: {  	vm1 =	vge.s32 v7, v3;
	vm2 =	vlt.s32 v7, v2  }
0x1a5: {  	vm1 =	vmand vm1, vm2  }
0x1a6: {  	v8 =	vmpcnt.ones.xlane vm1;
	_ =	sdelay $0x1  }
0x1a7: {  	(v2sf) =	vpush v8, $0x0;
	_ =	sdelay $0x1  }
0x1a8: {  	s4 =	sadd.s32 s4, s16  }
0x1a9: {  	p0 =	slt.s32 s4, $0x3FF0  }
0x1aa: {  	s18 =	simm.s32 $0x1E8C0;
	s4 =	simm.s32 @!p0 $0x3FF0;
	v7 =	vsub.s32 v7, v3  }
0x1ab: {  	[tilespmem:s4+$0x61C0] =	vst.msk vm1, v7;
	v7 =	vor.u32 s18, v0  }
0x1ac: {  	s8 =	simm.s32 $0x10;
	[tilespmem:s4+$0xA1C0] =	vst.msk vm1, v7  }
0x1ad: {  	s7 =	simm.s32 $0x1E8D0;
	s9 =	simm.s32 $0x1E8E0;
	v7 =	vld [tilespmem:s8+$0x0]  }
.LBB2_24:
0x1ae: {  	p0 =	sne.s32 s9, $0x21990;
	_ =	sdelay $0x3  }
0x1af: {  	vm1 =	vge.s32 v7, v3;
	vm2 =	vlt.s32 v7, v2;
	v7 =	vsub.s32 v7, v3  }
0x1b0: {  	vm1 =	vmand vm1, vm2  }
0x1b1: {  	v8 =	vmpcnt.ones.xlane vm1  }
0x1b2: {  	s10 =	spop (v2sf)  }
0x1b3: {  	(v2sf) =	vpush v8, $0x0;
	s4 =	sadd.s32 s4, s10  }
0x1b4: {  	p1 =	slt.s32 s4, $0x3FF0  }
0x1b5: {  	s4 =	simm.s32 @!p1 $0x3FF0  }
.Ltmp13:
0x1b6: {  	[tilespmem:s4+$0x61C0] =	vst.msk vm1, v7;
	v7 =	vor.u32 s7, v0;
	s7 =	smov.u32 s9;
	(pc) =	sbr.rel @p0 .LBB2_24-.Ltmp13, $3  }
0x1b7: {  	[tilespmem:s4+$0xA1C0] =	vst.msk vm1, v7;
	_ =	sdelay $0x1  }
0x1b8: {  	s8 =	sadd.s32 $0x10, s8  }
0x1b9: {  	s9 =	sadd.s32 $0x10, s9;
	v7 =	vld [tilespmem:s8+$0x0]  }
0x1ba: {  	_ =	sdelay $0x3  }
0x1bb: {  	vm1 =	vge.s32 v7, v3;
	vm2 =	vlt.s32 v7, v2  }
0x1bc: {  	vm1 =	vmand vm1, vm2  }
0x1bd: {  	v8 =	vmpcnt.ones.xlane vm1;
	_ =	sdelay $0x1  }
0x1be: {  	(v2sf) =	vpush v8, $0x0;
	_ =	sdelay $0x9  }
0x1bf: {  	s8 =	spop (v2sf)  }
0x1c0: {  	s4 =	sadd.s32 s4, s8  }
0x1c1: {  	p0 =	slt.s32 s4, $0x3FF0  }
0x1c2: {  	v7 =	vsub.s32 v7, v3;
	s4 =	simm.s32 @!p0 $0x3FF0  }
0x1c3: {  	[tilespmem:s4+$0x61C0] =	vst.msk vm1, v7;
	v7 =	vor.u32 s7, v0  }
0x1c4: {  	[tilespmem:s4+$0xA1C0] =	vst.msk vm1, v7;
	s15 =	spop (v2sf)  }
0x1c5: {  	_ =	swait.ge [sflag:s25], $0x30E0  }
0x1c6: {  	[sflag:s25] =	ssyncset.done $0x0  }
0x1c7: {  	s17 =	simm.s32 $0x30E0;
	s16 =	rddreg [dreg:$0xf];
	[sflag:s25] =	ssyncadd.s32 $0xFFFFCF20  }
0x1c8: {  	[tilespmem:s2], [sflag:$0x1] =	stream.linear.gather [hbm4b:s16+s2], $0x30E0, $0x38;
	[tilespmem:$0x1ABC0] =	vst v63  }
0x1c9: {  	v7 =	vld [tilespmem:s17+$0x0];
	_ =	sdelay $0x4  }
0x1ca: {  	vm1 =	vge.s32 v7, v3;
	vm2 =	vlt.s32 v7, v2  }
0x1cb: {  	vm1 =	vmand vm1, vm2  }
0x1cc: {  	v8 =	vmpcnt.ones.xlane vm1;
	_ =	sdelay $0x1  }
0x1cd: {  	(v2sf) =	vpush v8, $0x0;
	_ =	sdelay $0x1  }
0x1ce: {  	s4 =	sadd.s32 s4, s15  }
0x1cf: {  	p0 =	slt.s32 s4, $0x3FF0  }
0x1d0: {  	s18 =	simm.s32 $0x219A0;
	s4 =	simm.s32 @!p0 $0x3FF0;
	v7 =	vsub.s32 v7, v3  }
0x1d1: {  	[tilespmem:s4+$0x61C0] =	vst.msk vm1, v7;
	v7 =	vor.u32 s18, v0  }
0x1d2: {  	s8 =	simm.s32 $0x30F0;
	[tilespmem:s4+$0xA1C0] =	vst.msk vm1, v7  }
0x1d3: {  	s9 =	simm.s32 $0x219C0;
	s7 =	simm.s32 $0x219B0;
	v7 =	vld [tilespmem:s8+$0x0]  }
.LBB2_26:
0x1d4: {  	p0 =	sne.s32 s9, $0x24A70;
	_ =	sdelay $0x3  }
0x1d5: {  	vm1 =	vge.s32 v7, v3;
	vm2 =	vlt.s32 v7, v2;
	v7 =	vsub.s32 v7, v3  }
0x1d6: {  	vm1 =	vmand vm1, vm2  }
0x1d7: {  	v8 =	vmpcnt.ones.xlane vm1  }
0x1d8: {  	s10 =	spop (v2sf)  }
0x1d9: {  	(v2sf) =	vpush v8, $0x0;
	s4 =	sadd.s32 s4, s10  }
0x1da: {  	p1 =	slt.s32 s4, $0x3FF0  }
0x1db: {  	s4 =	simm.s32 @!p1 $0x3FF0  }
.Ltmp14:
0x1dc: {  	[tilespmem:s4+$0x61C0] =	vst.msk vm1, v7;
	v7 =	vor.u32 s7, v0;
	s7 =	smov.u32 s9;
	(pc) =	sbr.rel @p0 .LBB2_26-.Ltmp14, $3  }
0x1dd: {  	[tilespmem:s4+$0xA1C0] =	vst.msk vm1, v7;
	_ =	sdelay $0x1  }
0x1de: {  	s8 =	sadd.s32 $0x10, s8  }
0x1df: {  	s9 =	sadd.s32 $0x10, s9;
	v7 =	vld [tilespmem:s8+$0x0]  }
0x1e0: {  	_ =	sdelay $0x3  }
0x1e1: {  	vm1 =	vge.s32 v7, v3;
	vm2 =	vlt.s32 v7, v2  }
0x1e2: {  	vm1 =	vmand vm1, vm2  }
0x1e3: {  	v8 =	vmpcnt.ones.xlane vm1;
	_ =	sdelay $0x1  }
0x1e4: {  	(v2sf) =	vpush v8, $0x0;
	_ =	sdelay $0x9  }
0x1e5: {  	s8 =	spop (v2sf)  }
0x1e6: {  	s4 =	sadd.s32 s4, s8  }
0x1e7: {  	p0 =	slt.s32 s4, $0x3FF0  }
0x1e8: {  	v7 =	vsub.s32 v7, v3;
	s4 =	simm.s32 @!p0 $0x3FF0  }
0x1e9: {  	[tilespmem:s4+$0x61C0] =	vst.msk vm1, v7;
	v7 =	vor.u32 s7, v0  }
0x1ea: {  	[tilespmem:s4+$0xA1C0] =	vst.msk vm1, v7;
	s16 =	spop (v2sf)  }
0x1eb: {  	_ =	swait.ge [sflag:s23], $0x30E0  }
0x1ec: {  	[sflag:s23] =	ssyncset.done $0x0  }
0x1ed: {  	s17 =	simm.s32 $0x0;
	[sflag:s23] =	ssyncadd.s32 $0xFFFFCF20  }
0x1ee: {  	[tilespmem:s24], [sflag:$0x2] =	stream.linear.gather [hbm4b:s19+s17], $0x30E0, $0x38;
	[tilespmem:$0x1ABC0] =	vst v63  }
0x1ef: {  	v7 =	vld [tilespmem:s17+$0x0];
	_ =	sdelay $0x4  }
0x1f0: {  	vm1 =	vge.s32 v7, v3;
	vm2 =	vlt.s32 v7, v2  }
0x1f1: {  	vm1 =	vmand vm1, vm2  }
0x1f2: {  	v8 =	vmpcnt.ones.xlane vm1;
	_ =	sdelay $0x1  }
0x1f3: {  	(v2sf) =	vpush v8, $0x0;
	_ =	sdelay $0x1  }
0x1f4: {  	s4 =	sadd.s32 s4, s16  }
0x1f5: {  	p0 =	slt.s32 s4, $0x3FF0  }
0x1f6: {  	s18 =	simm.s32 $0x24A80;
	s4 =	simm.s32 @!p0 $0x3FF0;
	v7 =	vsub.s32 v7, v3  }
0x1f7: {  	[tilespmem:s4+$0x61C0] =	vst.msk vm1, v7;
	v7 =	vor.u32 s18, v0  }
0x1f8: {  	s8 =	simm.s32 $0x10;
	[tilespmem:s4+$0xA1C0] =	vst.msk vm1, v7  }
0x1f9: {  	s9 =	simm.s32 $0x24AA0;
	s7 =	simm.s32 $0x24A90;
	v7 =	vld [tilespmem:s8+$0x0]  }
.LBB2_28:
0x1fa: {  	p0 =	sne.s32 s9, $0x27B50;
	_ =	sdelay $0x3  }
0x1fb: {  	vm1 =	vge.s32 v7, v3;
	vm2 =	vlt.s32 v7, v2;
	v7 =	vsub.s32 v7, v3  }
0x1fc: {  	vm1 =	vmand vm1, vm2  }
0x1fd: {  	v8 =	vmpcnt.ones.xlane vm1  }
0x1fe: {  	s10 =	spop (v2sf)  }
0x1ff: {  	(v2sf) =	vpush v8, $0x0;
	s4 =	sadd.s32 s4, s10  }
0x200: {  	p1 =	slt.s32 s4, $0x3FF0  }
0x201: {  	s4 =	simm.s32 @!p1 $0x3FF0  }
.Ltmp15:
0x202: {  	[tilespmem:s4+$0x61C0] =	vst.msk vm1, v7;
	v7 =	vor.u32 s7, v0;
	s7 =	smov.u32 s9;
	(pc) =	sbr.rel @p0 .LBB2_28-.Ltmp15, $3  }
0x203: {  	[tilespmem:s4+$0xA1C0] =	vst.msk vm1, v7;
	_ =	sdelay $0x1  }
0x204: {  	s8 =	sadd.s32 $0x10, s8  }
0x205: {  	s9 =	sadd.s32 $0x10, s9;
	v7 =	vld [tilespmem:s8+$0x0]  }
0x206: {  	_ =	sdelay $0x3  }
0x207: {  	vm1 =	vge.s32 v7, v3;
	vm2 =	vlt.s32 v7, v2  }
0x208: {  	vm1 =	vmand vm1, vm2  }
0x209: {  	v8 =	vmpcnt.ones.xlane vm1;
	_ =	sdelay $0x1  }
0x20a: {  	(v2sf) =	vpush v8, $0x0;
	_ =	sdelay $0x9  }
0x20b: {  	s8 =	spop (v2sf)  }
0x20c: {  	s4 =	sadd.s32 s4, s8  }
0x20d: {  	p0 =	slt.s32 s4, $0x3FF0  }
0x20e: {  	v7 =	vsub.s32 v7, v3;
	s4 =	simm.s32 @!p0 $0x3FF0  }
0x20f: {  	[tilespmem:s4+$0x61C0] =	vst.msk vm1, v7;
	v7 =	vor.u32 s7, v0  }
0x210: {  	[tilespmem:s4+$0xA1C0] =	vst.msk vm1, v7;
	s16 =	spop (v2sf)  }
0x211: {  	_ =	swait.ge [sflag:s25], $0x30E0  }
0x212: {  	[sflag:s25] =	ssyncset.done $0x0  }
0x213: {  	s17 =	simm.s32 $0x30E0;
	[sflag:s25] =	ssyncadd.s32 $0xFFFFCF20  }
0x214: {  	[tilespmem:s2], [sflag:$0x1] =	stream.linear.gather [hbm4b:s20+s2], $0x30E0, $0x38;
	[tilespmem:$0x1ABC0] =	vst v63  }
0x215: {  	v7 =	vld [tilespmem:s17+$0x0];
	_ =	sdelay $0x4  }
0x216: {  	vm1 =	vge.s32 v7, v3;
	vm2 =	vlt.s32 v7, v2  }
0x217: {  	vm1 =	vmand vm1, vm2  }
0x218: {  	v8 =	vmpcnt.ones.xlane vm1;
	_ =	sdelay $0x1  }
0x219: {  	(v2sf) =	vpush v8, $0x0;
	_ =	sdelay $0x1  }
0x21a: {  	s4 =	sadd.s32 s4, s16  }
0x21b: {  	p0 =	slt.s32 s4, $0x3FF0  }
0x21c: {  	s18 =	simm.s32 $0x27B60;
	s4 =	simm.s32 @!p0 $0x3FF0;
	v7 =	vsub.s32 v7, v3  }
0x21d: {  	[tilespmem:s4+$0x61C0] =	vst.msk vm1, v7;
	v7 =	vor.u32 s18, v0  }
0x21e: {  	s8 =	simm.s32 $0x30F0;
	[tilespmem:s4+$0xA1C0] =	vst.msk vm1, v7  }
0x21f: {  	s9 =	simm.s32 $0x27B80;
	s7 =	simm.s32 $0x27B70;
	v7 =	vld [tilespmem:s8+$0x0]  }
.LBB2_30:
0x220: {  	p0 =	sne.s32 s9, $0x2AC30;
	_ =	sdelay $0x3  }
0x221: {  	vm1 =	vge.s32 v7, v3;
	vm2 =	vlt.s32 v7, v2;
	v7 =	vsub.s32 v7, v3  }
0x222: {  	vm1 =	vmand vm1, vm2  }
0x223: {  	v8 =	vmpcnt.ones.xlane vm1  }
0x224: {  	s10 =	spop (v2sf)  }
0x225: {  	(v2sf) =	vpush v8, $0x0;
	s4 =	sadd.s32 s4, s10  }
0x226: {  	p1 =	slt.s32 s4, $0x3FF0  }
0x227: {  	s4 =	simm.s32 @!p1 $0x3FF0  }
.Ltmp16:
0x228: {  	[tilespmem:s4+$0x61C0] =	vst.msk vm1, v7;
	v7 =	vor.u32 s7, v0;
	s7 =	smov.u32 s9;
	(pc) =	sbr.rel @p0 .LBB2_30-.Ltmp16, $3  }
0x229: {  	[tilespmem:s4+$0xA1C0] =	vst.msk vm1, v7;
	_ =	sdelay $0x1  }
0x22a: {  	s8 =	sadd.s32 $0x10, s8  }
0x22b: {  	s9 =	sadd.s32 $0x10, s9;
	v7 =	vld [tilespmem:s8+$0x0]  }
0x22c: {  	_ =	sdelay $0x3  }
0x22d: {  	vm1 =	vge.s32 v7, v3;
	vm2 =	vlt.s32 v7, v2  }
0x22e: {  	vm1 =	vmand vm1, vm2  }
0x22f: {  	v8 =	vmpcnt.ones.xlane vm1;
	_ =	sdelay $0x1  }
0x230: {  	(v2sf) =	vpush v8, $0x0;
	_ =	sdelay $0x9  }
0x231: {  	s8 =	spop (v2sf)  }
0x232: {  	s4 =	sadd.s32 s4, s8  }
0x233: {  	p0 =	slt.s32 s4, $0x3FF0  }
0x234: {  	v7 =	vsub.s32 v7, v3;
	s4 =	simm.s32 @!p0 $0x3FF0  }
0x235: {  	[tilespmem:s4+$0x61C0] =	vst.msk vm1, v7;
	v7 =	vor.u32 s7, v0  }
0x236: {  	[tilespmem:s4+$0xA1C0] =	vst.msk vm1, v7;
	s16 =	spop (v2sf)  }
0x237: {  	_ =	swait.ge [sflag:s23], $0x30E0  }
0x238: {  	[sflag:s23] =	ssyncset.done $0x0  }
0x239: {  	s17 =	simm.s32 $0x0;
	[sflag:s23] =	ssyncadd.s32 $0xFFFFCF20  }
0x23a: {  	[tilespmem:s24], [sflag:$0x2] =	stream.linear.gather [hbm4b:s21+s17], $0x30E0, $0x38;
	[tilespmem:$0x1ABC0] =	vst v63  }
0x23b: {  	v7 =	vld [tilespmem:s17+$0x0];
	_ =	sdelay $0x4  }
0x23c: {  	vm1 =	vge.s32 v7, v3;
	vm2 =	vlt.s32 v7, v2  }
0x23d: {  	vm1 =	vmand vm1, vm2  }
0x23e: {  	v8 =	vmpcnt.ones.xlane vm1;
	_ =	sdelay $0x1  }
0x23f: {  	(v2sf) =	vpush v8, $0x0;
	_ =	sdelay $0x1  }
0x240: {  	s4 =	sadd.s32 s4, s16  }
0x241: {  	p0 =	slt.s32 s4, $0x3FF0  }
0x242: {  	s18 =	simm.s32 $0x2AC40;
	s4 =	simm.s32 @!p0 $0x3FF0;
	v7 =	vsub.s32 v7, v3  }
0x243: {  	[tilespmem:s4+$0x61C0] =	vst.msk vm1, v7;
	v7 =	vor.u32 s18, v0  }
0x244: {  	s8 =	simm.s32 $0x10;
	[tilespmem:s4+$0xA1C0] =	vst.msk vm1, v7  }
0x245: {  	s9 =	simm.s32 $0x2AC60;
	s7 =	simm.s32 $0x2AC50;
	v7 =	vld [tilespmem:s8+$0x0]  }
.LBB2_32:
0x246: {  	p0 =	sne.s32 s9, $0x2DD10;
	_ =	sdelay $0x3  }
0x247: {  	vm1 =	vge.s32 v7, v3;
	vm2 =	vlt.s32 v7, v2;
	v7 =	vsub.s32 v7, v3  }
0x248: {  	vm1 =	vmand vm1, vm2  }
0x249: {  	v8 =	vmpcnt.ones.xlane vm1  }
0x24a: {  	s10 =	spop (v2sf)  }
0x24b: {  	(v2sf) =	vpush v8, $0x0;
	s4 =	sadd.s32 s4, s10  }
0x24c: {  	p1 =	slt.s32 s4, $0x3FF0  }
0x24d: {  	s4 =	simm.s32 @!p1 $0x3FF0  }
.Ltmp17:
0x24e: {  	[tilespmem:s4+$0x61C0] =	vst.msk vm1, v7;
	v7 =	vor.u32 s7, v0;
	s7 =	smov.u32 s9;
	(pc) =	sbr.rel @p0 .LBB2_32-.Ltmp17, $3  }
0x24f: {  	[tilespmem:s4+$0xA1C0] =	vst.msk vm1, v7;
	_ =	sdelay $0x1  }
0x250: {  	s8 =	sadd.s32 $0x10, s8  }
0x251: {  	s9 =	sadd.s32 $0x10, s9;
	v7 =	vld [tilespmem:s8+$0x0]  }
0x252: {  	_ =	sdelay $0x3  }
0x253: {  	vm1 =	vge.s32 v7, v3;
	vm2 =	vlt.s32 v7, v2  }
0x254: {  	vm1 =	vmand vm1, vm2  }
0x255: {  	v8 =	vmpcnt.ones.xlane vm1;
	_ =	sdelay $0x1  }
0x256: {  	(v2sf) =	vpush v8, $0x0;
	_ =	sdelay $0x9  }
0x257: {  	s8 =	spop (v2sf)  }
0x258: {  	s4 =	sadd.s32 s4, s8  }
0x259: {  	p0 =	slt.s32 s4, $0x3FF0  }
0x25a: {  	v7 =	vsub.s32 v7, v3;
	s4 =	simm.s32 @!p0 $0x3FF0  }
0x25b: {  	p1 =	por $0x0, $0x0;
	[tilespmem:s4+$0x61C0] =	vst.msk vm1, v7;
	v7 =	vor.u32 s7, v0  }
.Ltmp18:
0x25c: {  	[tilespmem:s4+$0xA1C0] =	vst.msk vm1, v7;
	s17 =	spop (v2sf);
	(pc) =	sbr.rel @p1 .LBB2_34-.Ltmp18, $4  }
0x25d: {  	_ =	swait.ge [sflag:s25], $0x30E0  }
0x25e: {  	s18 =	simm.s32 $0x30E0;
	s4 =	sadd.s32 s4, s17;
	[sflag:s25] =	ssyncset.done $0x0  }
0x25f: {  	s9 =	simm.s32 $0x2DD20;
	p0 =	slt.s32 s4, $0x3FF0;
	[sflag:s25] =	ssyncadd.s32 $0xFFFFCF20  }
0x260: {  	s7 =	simm.s32 $0x2DD30;
	s4 =	simm.s32 @!p0 $0x3FF0;
	p0 =	por $0x0, $0x0;
	v7 =	vld [tilespmem:s18+$0x0]  }
0x261: {  	_ =	sdelay $0x3  }
0x262: {  	vm1 =	vge.s32 v7, v3;
	vm2 =	vlt.s32 v7, v2  }
0x263: {  	vm1 =	vmand vm1, vm2  }
0x264: {  	v8 =	vmpcnt.ones.xlane vm1;
	_ =	sdelay $0x1  }
0x265: {  	(v2sf) =	vpush v8, $0x0;
	_ =	sdelay $0x1  }
0x266: {  	p1 =	por $0x0, $0x0  }
.Ltmp19:
0x267: {  	_ = 	snop;
	(pc) =	sbr.rel @p1 .LBB2_36-.Ltmp19, $4  }
0x268: {  	v7 =	vsub.s32 v7, v3  }
0x269: {  	[tilespmem:s4+$0x61C0] =	vst.msk vm1, v7;
	v7 =	vor.u32 s9, v0  }
0x26a: {  	s9 =	simm.s32 $0x30F0;
	[tilespmem:s4+$0xA1C0] =	vst.msk vm1, v7  }
0x26b: {  	s10 =	simm.s32 $0x2DD40;
	p0 =	por $0x1, $0x1;
	s8 =	smov.u32 s4;
	v7 =	vld [tilespmem:s9+$0x0]  }
.LBB2_37:
0x26c: {  	p1 =	seq.s32 s10, $0x30DF0;
	_ =	sdelay $0x3  }
0x26d: {  	vm1 =	vge.s32 v7, v3;
	vm2 =	vlt.s32 v7, v2;
	v7 =	vsub.s32 v7, v3  }
0x26e: {  	vm1 =	vmand vm1, vm2  }
0x26f: {  	v8 =	vmpcnt.ones.xlane vm1  }
0x270: {  	s11 =	spop (v2sf)  }
0x271: {  	(v2sf) =	vpush v8, $0x0;
	s8 =	sadd.s32 s8, s11  }
0x272: {  	p2 =	slt.s32 s8, $0x3FF0  }
0x273: {  	s8 =	simm.s32 @!p2 $0x3FF0  }
.Ltmp20:
0x274: {  	[tilespmem:s8+$0x61C0] =	vst.msk vm1, v7;
	v7 =	vor.u32 s7, v0;
	s7 =	smov.u32 s10;
	(pc) =	sbr.rel @!p1 .LBB2_37-.Ltmp20, $3  }
0x275: {  	[tilespmem:s8+$0xA1C0] =	vst.msk vm1, v7;
	_ =	sdelay $0x1  }
0x276: {  	s9 =	sadd.s32 $0x10, s9  }
0x277: {  	s10 =	sadd.s32 $0x10, s10;
	v7 =	vld [tilespmem:s9+$0x0]  }
0x278: {  	s9 =	smov.u32 s7  }
.LBB2_39:
0x279: {  	_ =	sdelay $0x2  }
0x27a: {  	vm1 =	vge.s32 v7, v3;
	vm2 =	vlt.s32 v7, v2  }
0x27b: {  	vm1 =	vmand vm1, vm2  }
0x27c: {  	v8 =	vmpcnt.ones.xlane vm1;
	_ =	sdelay $0x1  }
0x27d: {  	(v2sf) =	vpush v8, $0x0;
	_ =	sdelay $0x8  }
0x27e: {  	s7 =	spop @p0 (v2sf)  }
0x27f: {  	s7 =	sadd.s32 @p0 s8, s7  }
0x280: {  	p1 =	slt.s32 @p0 s7, $0x3FF0  }
0x281: {  	p1 =	por !p1, !p0  }
0x282: {  	s7 =	simm.s32 @p1 $0x3FF0  }
0x283: {  	v7 =	vsub.s32 v7, v3;
	s4 =	smov.u32 @p0 s7  }
0x284: {  	[tilespmem:s4+$0x61C0] =	vst.msk vm1, v7;
	v7 =	vor.u32 s9, v0;
	s17 =	spop (v2sf)  }
0x285: {  	[tilespmem:s4+$0xA1C0] =	vst.msk vm1, v7;
	s8 =	sadd.s32 s4, s17;
	s4 =	simm.s32 $0x0  }
0x286: {  	p0 =	slt.s32 s8, $0x3FF0;
	s18 =	sand.u32 $0x1F000, s4  }
0x287: {  	s7 =	smov.u32 s8;
	s10 =	sand.u32 $0x3F0, s4;
	s11 =	sshrl.u32 s18, $0x2  }
0x288: {  	s9 =	simm.s32 $0x40;
	s7 =	simm.s32 @!p0 $0x3FF0;
	s10 =	sor.u32 s10, s11  }
.LBB2_40:
0x289: {  	p0 =	seq.s32 s9, $0x1FFC0  }
0x28a: {  	[tilespmem:s10+$0x12BC0] =	vst v5;
	s4 =	sadd.s32 $0x10, s4;
	s10 =	smov.u32 s9;
	s9 =	sadd.s32 $0x40, s9  }
.Ltmp21:
0x28b: {  	(pc) =	sbr.rel @!p0 .LBB2_40-.Ltmp21, $4  }
0x28c: {  	_ = 	snop  }
0x28d: {  	s10 =	sand.u32 $0x1F000, s10  }
0x28e: {  	s11 =	sand.u32 $0x3F0, s4;
	s10 =	sshrl.u32 s10, $0x2  }
0x28f: {  	s10 =	sor.u32 s11, s10  }
0x290: {  	s4 =	sadd.s32 $0xF, s7  }
0x291: {  	s9 =	sand.u32 $0xF, s4  }
0x292: {  	p0 =	slt.s32 s8, $0xFFFFFFF2;
	s18 =	sshra.s32 s4, $0x1F;
	p1 =	sne.s32 s9, $0x0  }
.Ltmp22:
0x293: {  	s8 =	sshrl.u32 s18, $0x1C;
	p0 =	por !p0, !p1;
	(pc) =	sbr.rel .LBB2_42-.Ltmp22, $4  }
0x294: {  	s4 =	sadd.s32 s8, s4;
	s8 =	simm.s32 $0x1;
	p0 =	por !p0, !p0  }
0x295: {  	s4 =	sshra.s32 s4, $0x4;
	s8 =	simm.s32 @!p0 $0x0  }
0x296: {  	v7 =	vmov s7;
	s7 =	simm.s32 $0x0;
	s4 =	ssub.s32 s4, s8  }
0x297: {  	[tilespmem:s10+$0x12BC0] =	vst v5;
	s9 =	simm.s32 $0x0;
	p0 =	por $0x0, $0x0;
	p1 =	slt.s32 s4, $0x1  }
.LBB2_64:
0x298: {  	_ =	sdelay $0x4  }
0x299: {  	[tilespmem:v8+s29+$0x0] =	vst.idx.msk vm1, v9  }
.LBB2_65:
0x29a: {  	s7 =	sadd.s32 $0x1, s7  }
0x29b: {  	p2 =	sne.s32 s7, $0x40  }
.Ltmp23:
0x29c: {  	_ = 	snop;
	(pc) =	sbr.rel @!p2 .LBB2_66-.Ltmp23, $4  }
0x29d: {  	s8 =	sor.u32 s6, s8  }
0x29e: {  	s8 =	sshrl.u32 s8, $0x3  }
0x29f: {  	p0 =	por !p0, !p0;
	s9 =	smov.u32 s11;
	s8 =	sadd.s32 s1, s8  }
0x2a0: {  	[hbm4b:s8+s30] =	stream.strided.scatter [tilespmem:s29], [sflag:$0x4], $0x8000, s31, s30, $0x38;
	[tilespmem:$0x1ABC0] =	vst v63  }
.LBB2_42:
.Ltmp24:
0x2a1: {  	(pc) =	sbr.rel @p1 .LBB2_49-.Ltmp24, $3  }
0x2a2: {  	_ =	sdelay $0x1  }
0x2a3: {  	s8 =	sshll.u32 s7, $0x9  }
0x2a4: {  	s11 =	simm.s32 $0x0;
	s12 =	sand.u32 $0x200, s8;
	s8 =	sshll.u32 s7, $0xA  }
0x2a5: {  	p3 =	seq.s32 s4, $0x1  }
.Ltmp25:
0x2a6: {  	_ = 	snop;
	(pc) =	sbr.rel @p3 .LBB2_44-.Ltmp25, $3  }
0x2a7: {  	_ =	sdelay $0x1  }
0x2a8: {  	s13 =	simm.s32 $0x61C0;
	s11 =	simm.s32 $0xA1C0  }
0x2a9: {  	v9 =	vmov s8;
	s10 =	simm.s32 $0x0;
	v8 =	vmov s12;
	p2 =	por $0x0, $0x0;
	v10 =	vld [tilespmem:s13+$0x0];
	s13 =	sadd.s32 $0xFFFFFFFF, s4  }
0x2aa: {  	_ =	sdelay $0x3  }
0x2ab: {  	v11 =	vor.u32 s10, v0;
	v10 =	vsub.s32 v10, v9  }
0x2ac: {  	vm1 =	vlt.s32 v11, v7;
	vm2 =	vlt.u32 v10, $0x400  }
0x2ad: {  	vm1 =	vmand vm1, vm2  }
0x2ae: {  	v11 =	vmpcnt.ones.xlane vm1;
	_ =	sdelay $0x1  }
0x2af: {  	(v2sf) =	vpush v11, $0x0;
	_ =	sdelay $0x2  }
0x2b0: {  	[tilespmem:v8+s10+$0xE1C0 ss:$0x1] =	vst.idx.msk vm1, v10  }
0x2b1: {  	v10 =	vld [tilespmem:s11+$0x0]  }
0x2b2: {  	p3 =	seq.s32 s13, $0x1  }
.Ltmp26:
0x2b3: {  	_ = 	snop;
	(pc) =	sbr.rel @p3 .LBB2_46-.Ltmp26, $3  }
0x2b4: {  	_ =	sdelay $0x1  }
0x2b5: {  	s16 =	simm.s32 $0x61D0;
	s17 =	sadd.s32 $0xFFFFFFFF, s13;
	p2 =	por $0x1, $0x1;
	[tilespmem:v8+s10+$0xE5C0 ss:$0x1] =	vst.idx.msk vm1, v10  }
0x2b6: {  	s15 =	simm.s32 $0x0;
	s14 =	simm.s32 $0x0;
	s13 =	simm.s32 $0xA1C0;
	v10 =	vld [tilespmem:s16+$0x0]  }
.LBB2_47:
0x2b7: {  	p3 =	seq.s32 s17, $0x1;
	_ =	sdelay $0x2  }
0x2b8: {  	s15 =	sadd.s32 $0x10, s15  }
0x2b9: {  	v11 =	vor.u32 s15, v0;
	v10 =	vsub.s32 v10, v9;
	s18 =	spop (v2sf)  }
0x2ba: {  	vm1 =	vlt.s32 v11, v7;
	vm2 =	vlt.u32 v10, $0x400;
	s14 =	sadd.s32 s14, s18  }
0x2bb: {  	vm1 =	vmand vm1, vm2;
	p4 =	slt.s32 s14, $0x1F0  }
0x2bc: {  	v11 =	vmpcnt.ones.xlane vm1;
	s14 =	simm.s32 @!p4 $0x1F0;
	_ =	sdelay $0x1  }
0x2bd: {  	(v2sf) =	vpush v11, $0x0;
	_ =	sdelay $0x2  }
0x2be: {  	s13 =	sadd.s32 $0x10, s13;
	[tilespmem:v8+s14+$0xE1C0 ss:$0x1] =	vst.idx.msk vm1, v10  }
0x2bf: {  	v10 =	vld [tilespmem:s13+$0x0];
	_ =	sdelay $0x1  }
.Ltmp27:
0x2c0: {  	(pc) =	sbr.rel @!p3 .LBB2_47-.Ltmp27, $3  }
0x2c1: {  	_ =	sdelay $0x1  }
0x2c2: {  	s16 =	sadd.s32 $0x10, s16;
	[tilespmem:v8+s14+$0xE5C0 ss:$0x1] =	vst.idx.msk vm1, v10  }
0x2c3: {  	s17 =	sadd.s32 $0xFFFFFFFF, s17;
	v10 =	vld [tilespmem:s16+$0x0]  }
.LBB2_48:
0x2c4: {  	_ =	sdelay $0x1  }
0x2c5: {  	s15 =	sadd.s32 @p2 $0x10, s15;
	s16 =	simm.s32 $0x0  }
0x2c6: {  	s16 =	smov.u32 @p2 s15  }
0x2c7: {  	v11 =	vor.u32 s16, v0;
	v9 =	vsub.s32 v10, v9  }
0x2c8: {  	vm1 =	vlt.s32 v11, v7;
	vm2 =	vlt.u32 v9, $0x400  }
0x2c9: {  	vm1 =	vmand vm1, vm2  }
0x2ca: {  	v63 =	vmpcnt.ones.xlane vm1;
	_ =	sdelay $0x1  }
0x2cb: {  	(v2sf) =	vpush v63, $0x0;
	_ =	sdelay $0x5  }
0x2cc: {  	s15 =	spop @p2 (v2sf)  }
0x2cd: {  	s14 =	sadd.s32 @p2 s14, s15  }
0x2ce: {  	p3 =	slt.s32 @p2 s14, $0x1F0  }
0x2cf: {  	p3 =	por !p3, !p2  }
0x2d0: {  	s14 =	simm.s32 @p3 $0x1F0  }
0x2d1: {  	s13 =	sadd.s32 @p2 $0x10, s13;
	s10 =	smov.u32 @p2 s14  }
0x2d2: {  	s11 =	smov.u32 @p2 s13;
	[tilespmem:v8+s10+$0xE1C0 ss:$0x1] =	vst.idx.msk vm1, v9  }
0x2d3: {  	v9 =	vld [tilespmem:s11+$0x0];
	_ =	sdelay $0x1  }
0x2d4: {  	s18 =	spop (v2sf)  }
0x2d5: {  	s11 =	sadd.s32 s10, s18  }
0x2d6: {  	p2 =	slt.s32 s11, $0x1F0  }
0x2d7: {  	[tilespmem:v8+s10+$0xE5C0 ss:$0x1] =	vst.idx.msk vm1, v9;
	s11 =	simm.s32 @!p2 $0x1F0  }
.LBB2_49:
0x2d8: {  	s10 =	simm.s32 $0x1  }
0x2d9: {  	s10 =	simm.s32 @!p0 $0x0  }
0x2da: {  	s10 =	sshll.u32 s10, $0x9  }
0x2db: {  	s14 =	sor.u32 $0xE5C0, s10  }
0x2dc: {  	v8 =	vmov s14;
	_ =	sdelay $0x2  }
0x2dd: {  	s13 =	simm.s32 $0x0;
	s16 =	simm.s32 $0x0  }
0x2de: {  	s15 =	simm.s32 $0x10;
	s10 =	sor.u32 $0xE1C0, s10;
	s14 =	simm.s32 $0x0  }
.LBB2_50:
0x2df: {  	p2 =	sne.s32 s15, $0x1F0;
	v9 =	vld.idx.msk [tilespmem:v8+s16+$0x0 ss:$0x1], $0xffff;
	_ =	sdelay $0x1  }
.Ltmp28:
0x2e0: {  	(pc) =	sbr.rel @p2 .LBB2_50-.Ltmp28, $4  }
0x2e1: {  	s16 =	sand.u32 $0x600, s13  }
0x2e2: {  	s17 =	sand.u32 $0x70, s14;
	s14 =	smov.u32 s15;
	s16 =	sshrl.u32 s16, $0x2  }
0x2e3: {  	s13 =	sadd.s32 $0x40, s13;
	s17 =	sor.u32 s17, s16  }
0x2e4: {  	s15 =	sadd.s32 $0x10, s15;
	s16 =	sshra.s32 s13, $0x2;
	[tilespmem:s17+$0xE9C0] =	vst v9  }
0x2e5: {  	s15 =	sadd.s32 $0x7F, s11  }
0x2e6: {  	s17 =	sand.u32 $0x7F, s15  }
0x2e7: {  	p3 =	slt.s32 s11, $0xFFFFFF82;
	s18 =	sshra.s32 s15, $0x1F;
	p2 =	sne.s32 s17, $0x0  }
0x2e8: {  	s17 =	sshrl.u32 s18, $0x19;
	p2 =	por !p3, !p2  }
0x2e9: {  	v8 =	vld.idx.msk [tilespmem:v8+s16+$0x0 ss:$0x1], $0xffff;
	s16 =	simm.s32 $0x1;
	s15 =	sadd.s32 s17, s15;
	p2 =	por !p2, !p2  }
0x2ea: {  	s15 =	sshra.s32 s15, $0x7;
	s16 =	simm.s32 @!p2 $0x0  }
0x2eb: {  	s18 =	sand.u32 $0x600, s13;
	s13 =	ssub.s32 s15, s16  }
0x2ec: {  	p2 =	slt.s32 s13, $0x1  }
.Ltmp29:
0x2ed: {  	_ = 	snop;
	(pc) =	sbr.rel @p2 .LBB2_57-.Ltmp29, $4  }
0x2ee: {  	_ = 	snop  }
0x2ef: {  	s14 =	sand.u32 $0x70, s14;
	s18 =	sshrl.u32 s18, $0x2  }
0x2f0: {  	s14 =	sor.u32 s14, s18  }
0x2f1: {  	[tilespmem:s14+$0xE9C0] =	vst v8  }
0x2f2: {  	p2 =	sne.s32 s13, $0x1  }
.Ltmp30:
0x2f3: {  	_ = 	snop;
	(pc) =	sbr.rel @!p2 .LBB2_54-.Ltmp30, $3  }
0x2f4: {  	_ =	sdelay $0x1  }
0x2f5: {  	s14 =	simm.s32 $0xE9C0;
	s15 =	simm.s32 $0xEBC0;
	s16 =	sadd.s32 $0xFFFFFFFF, s13  }
0x2f6: {  	[tilespmem:s15], [sflag:$0x3] =	stream.indirect.gather [hbm4b:s5+s26], $0x20, s14, s26, $0xb8;
	[tilespmem:$0x1ABC0] =	vst v63  }
.LBB2_53:
0x2f7: {  	p3 =	sne.s32 s16, $0x1  }
.Ltmp31:
0x2f8: {  	_ = 	snop;
	(pc) =	sbr.rel @p3 .LBB2_53-.Ltmp31, $4  }
0x2f9: {  	_ = 	snop  }
0x2fa: {  	s14 =	sadd.s32 $0x80, s14;
	s15 =	sadd.s32 $0x1000, s15  }
0x2fb: {  	s16 =	sadd.s32 $0xFFFFFFFF, s16  }
0x2fc: {  	[tilespmem:s15], [sflag:$0x3] =	stream.indirect.gather [hbm4b:s5+s26], $0x20, s14, s26, $0xb8;
	[tilespmem:$0x1ABC0] =	vst v63  }
.LBB2_54:
.Ltmp32:
0x2fd: {  	(pc) =	sbr.rel @!p2 .LBB2_56-.Ltmp32, $3  }
0x2fe: {  	_ =	sdelay $0x1  }
0x2ff: {  	_ =	swait.ge [sflag:s28], $0x1000  }
0x300: {  	s13 =	sadd.s32 $0xFFFFFFFF, s13;
	[sflag:s28] =	ssyncset.done $0x0  }
.LBB2_55:
0x301: {  	p2 =	sne.s32 s13, $0x1;
	s13 =	sadd.s32 $0xFFFFFFFF, s13;
	[sflag:s28] =	ssyncadd.s32 $0xFFFFF000  }
.Ltmp33:
0x302: {  	(pc) =	sbr.rel @p2 .LBB2_55-.Ltmp33, $3  }
0x303: {  	_ =	sdelay $0x1  }
0x304: {  	_ =	swait.ge [sflag:s28], $0x1000  }
0x305: {  	[sflag:s28] =	ssyncset.done $0x0  }
.LBB2_56:
0x306: {  	[sflag:s28] =	ssyncadd.s32 $0xFFFFF000  }
.LBB2_57:
0x307: {  	p2 =	seq.s32 s7, $0x0  }
0x308: {  	s13 =	sadd.s32 @!p2 $0xF, s9  }
0x309: {  	s14 =	sand.u32 @!p2 $0xF, s13  }
0x30a: {  	p3 =	slt.s32 @!p2 s9, $0xFFFFFFF2;
	p4 =	sne.s32 @!p2 s14, $0x0  }
0x30b: {  	s14 =	sshra.s32 @!p2 s13, $0x1F;
	p3 =	por @!p2 !p3, !p4  }
0x30c: {  	s14 =	sshrl.u32 @!p2 s14, $0x1C;
	p3 =	por @!p2 !p3, !p3  }
0x30d: {  	s13 =	sadd.s32 @!p2 s14, s13;
	s14 =	simm.s32 @!p2 $0x1;
	p3 =	por !p3, p2  }
0x30e: {  	s13 =	sshra.s32 @!p2 s13, $0x4;
	s14 =	simm.s32 @p3 $0x0  }
0x30f: {  	s14 =	ssub.s32 @!p2 s13, s14  }
0x310: {  	p3 =	slt.s32 @!p2 s14, $0x1  }
0x311: {  	p3 =	por p2, p3  }
.Ltmp34:
0x312: {  	_ = 	snop;
	(pc) =	sbr.rel @p3 .LBB2_61-.Ltmp34, $4  }
0x313: {  	s13 =	simm.s32 @!p2 $0x4  }
0x314: {  	_ =	swait.ge @!p2 [sflag:s13], $0x8000  }
0x315: {  	[sflag:s13] =	ssyncset.done @!p2 $0x0  }
0x316: {  	[sflag:s13] =	ssyncadd.s32 @!p2 $0xFFFF8000  }
0x317: {  	s12 =	sxor.u32 $0x200, s12  }
0x318: {  	s12 =	sadd.s32 $0xE1C0, s12  }
0x319: {  	v8 =	vld [tilespmem:s12+$0x0];
	_ =	sdelay $0x4  }
0x31a: {  	p2 =	sgt.s32 s9, $0x0;
	vm1 =	vmmov vm0;
	v9 =	vbroadcast v8, $0x0  }
0x31b: {  	vm1 =	vmneg @p2 vm1  }
0x31c: {  	vm2 =	vmmov vm0;
	p2 =	sgt.s32 s9, $0x1;
	v10 =	vbroadcast v8, $0x1;
	v11 =	vadd.s32 v1, v9  }
0x31d: {  	vm2 =	vmneg @p2 vm2;
	v9 =	vadd.s32 v6, v9  }
0x31e: {  	vm3 =	vmmov vm0;
	p2 =	sgt.s32 s9, $0x2;
	v12 =	vbroadcast v8, $0x2;
	v13 =	vadd.s32 v1, v10  }
0x31f: {  	vm3 =	vmneg @p2 vm3;
	v10 =	vadd.s32 v6, v10  }
0x320: {  	vm4 =	vmmov vm0;
	p2 =	sgt.s32 s9, $0x3;
	v14 =	vbroadcast v8, $0x3;
	v15 =	vadd.s32 v1, v12  }
0x321: {  	vm4 =	vmneg @p2 vm4;
	[tilespmem:v11+s29+$0x0] =	vst.idx.msk vm1, v5;
	v11 =	vadd.s32 v6, v12  }
0x322: {  	p2 =	sgt.s32 s9, $0x4;
	v44 =	vbroadcast v8, $0x4;
	[tilespmem:v9+s29+$0x0] =	vst.idx.msk vm1, v5;
	v9 =	vadd.s32 v1, v14;
	vm1 =	vmmov vm0  }
0x323: {  	v45 =	vadd.s32 v6, v14;
	[tilespmem:v13+s29+$0x0] =	vst.idx.msk vm2, v5;
	vm1 =	vmneg @p2 vm1  }
0x324: {  	v46 =	vbroadcast v8, $0x5;
	p2 =	sgt.s32 s9, $0x5;
	[tilespmem:v10+s29+$0x0] =	vst.idx.msk vm2, v5;
	v10 =	vadd.s32 v1, v44;
	vm2 =	vmmov vm0  }
0x325: {  	v12 =	vadd.s32 v6, v44;
	[tilespmem:v15+s29+$0x0] =	vst.idx.msk vm3, v5;
	vm2 =	vmneg @p2 vm2  }
0x326: {  	v47 =	vbroadcast v8, $0x6;
	p2 =	sgt.s32 s9, $0x6;
	[tilespmem:v11+s29+$0x0] =	vst.idx.msk vm3, v5;
	v11 =	vadd.s32 v1, v46;
	vm3 =	vmmov vm0  }
0x327: {  	[tilespmem:v9+s29+$0x0] =	vst.idx.msk vm4, v5;
	v9 =	vadd.s32 v6, v46;
	vm3 =	vmneg @p2 vm3  }
0x328: {  	v48 =	vbroadcast v8, $0x7;
	v49 =	vadd.s32 v1, v47;
	p2 =	sgt.s32 s9, $0x7;
	[tilespmem:v45+s29+$0x0] =	vst.idx.msk vm4, v5;
	vm4 =	vmmov vm0  }
0x329: {  	[tilespmem:v10+s29+$0x0] =	vst.idx.msk vm1, v5;
	v10 =	vadd.s32 v6, v47;
	vm4 =	vmneg @p2 vm4  }
0x32a: {  	v50 =	vbroadcast v8, $0x8;
	v51 =	vadd.s32 v1, v48;
	p2 =	sgt.s32 s9, $0x8;
	[tilespmem:v12+s29+$0x0] =	vst.idx.msk vm1, v5;
	vm1 =	vmmov vm0  }
0x32b: {  	[tilespmem:v11+s29+$0x0] =	vst.idx.msk vm2, v5;
	v11 =	vadd.s32 v6, v48;
	vm1 =	vmneg @p2 vm1  }
0x32c: {  	v52 =	vbroadcast v8, $0x9;
	p2 =	sgt.s32 s9, $0x9;
	[tilespmem:v9+s29+$0x0] =	vst.idx.msk vm2, v5;
	v9 =	vadd.s32 v1, v50;
	vm2 =	vmmov vm0  }
0x32d: {  	v53 =	vadd.s32 v6, v50;
	[tilespmem:v49+s29+$0x0] =	vst.idx.msk vm3, v5;
	vm2 =	vmneg @p2 vm2  }
0x32e: {  	v54 =	vbroadcast v8, $0xA;
	p2 =	sgt.s32 s9, $0xA;
	[tilespmem:v10+s29+$0x0] =	vst.idx.msk vm3, v5;
	v10 =	vadd.s32 v1, v52;
	vm3 =	vmmov vm0  }
0x32f: {  	v55 =	vadd.s32 v6, v52;
	[tilespmem:v51+s29+$0x0] =	vst.idx.msk vm4, v5;
	vm3 =	vmneg @p2 vm3  }
0x330: {  	v56 =	vbroadcast v8, $0xB;
	p2 =	sgt.s32 s9, $0xB;
	[tilespmem:v11+s29+$0x0] =	vst.idx.msk vm4, v5;
	v11 =	vadd.s32 v1, v54;
	vm4 =	vmmov vm0  }
0x331: {  	[tilespmem:v9+s29+$0x0] =	vst.idx.msk vm1, v5;
	v9 =	vadd.s32 v6, v54;
	vm4 =	vmneg @p2 vm4  }
0x332: {  	vm5 =	vmmov vm0;
	v57 =	vbroadcast v8, $0xC;
	v58 =	vadd.s32 v1, v56;
	p2 =	sgt.s32 s9, $0xC;
	[tilespmem:v53+s29+$0x0] =	vst.idx.msk vm1, v5  }
0x333: {  	vm5 =	vmneg @p2 vm5;
	[tilespmem:v10+s29+$0x0] =	vst.idx.msk vm2, v5;
	v10 =	vadd.s32 v6, v56  }
0x334: {  	v59 =	vbroadcast v8, $0xD;
	v60 =	vadd.s32 v1, v57;
	p2 =	sgt.s32 s9, $0xD;
	[tilespmem:v55+s29+$0x0] =	vst.idx.msk vm2, v5;
	vm2 =	vmmov vm0  }
0x335: {  	[tilespmem:v11+s29+$0x0] =	vst.idx.msk vm3, v5;
	v11 =	vadd.s32 v6, v57;
	vm2 =	vmneg @p2 vm2  }
0x336: {  	v61 =	vbroadcast v8, $0xE;
	p2 =	sgt.s32 s9, $0xE;
	[tilespmem:v9+s29+$0x0] =	vst.idx.msk vm3, v5;
	v9 =	vadd.s32 v1, v59;
	vm3 =	vmmov vm0  }
0x337: {  	v62 =	vadd.s32 v6, v59;
	[tilespmem:v58+s29+$0x0] =	vst.idx.msk vm4, v5;
	vm3 =	vmneg @p2 vm3  }
0x338: {  	v8 =	vbroadcast v8, $0xF;
	vm1 =	vmmov vm0;
	p2 =	sgt.s32 s9, $0xF;
	[tilespmem:v10+s29+$0x0] =	vst.idx.msk vm4, v5;
	v10 =	vadd.s32 v1, v61  }
0x339: {  	v63 =	vadd.s32 v6, v61;
	vm1 =	vmneg @p2 vm1;
	[tilespmem:v60+s29+$0x0] =	vst.idx.msk vm5, v5  }
0x33a: {  	p2 =	sne.s32 s14, $0x1;
	[tilespmem:v11+s29+$0x0] =	vst.idx.msk vm5, v5;
	v11 =	vadd.s32 v1, v8  }
.Ltmp35:
0x33b: {  	v8 =	vadd.s32 v6, v8;
	[tilespmem:v9+s29+$0x0] =	vst.idx.msk vm2, v5;
	(pc) =	sbr.rel @!p2 .LBB2_60-.Ltmp35, $4  }
0x33c: {  	[tilespmem:v62+s29+$0x0] =	vst.idx.msk vm2, v5  }
0x33d: {  	[tilespmem:v10+s29+$0x0] =	vst.idx.msk vm3, v5  }
0x33e: {  	[tilespmem:v63+s29+$0x0] =	vst.idx.msk vm3, v5  }
0x33f: {  	s13 =	simm.s32 $0xF;
	s14 =	sadd.s32 $0xFFFFFFFF, s14;
	[tilespmem:v11+s29+$0x0] =	vst.idx.msk vm1, v5  }
.LBB2_59:
0x340: {  	p2 =	sne.s32 s14, $0x1;
	[tilespmem:v8+s29+$0x0] =	vst.idx.msk vm1, v5;
	s13 =	sadd.s32 $0x10, s13;
	s12 =	sadd.s32 $0x10, s12  }
0x341: {  	s14 =	sadd.s32 $0xFFFFFFFF, s14;
	v8 =	vld [tilespmem:s12+$0x0];
	_ =	sdelay $0x2  }
0x342: {  	vm2 =	vmmov vm0;
	s15 =	sadd.s32 $0xFFFFFFF1, s13  }
0x343: {  	vm1 =	vmmov vm0;
	vm3 =	vmmov vm0;
	vm4 =	vmmov vm0;
	p3 =	slt.s32 s15, s9;
	s15 =	sadd.s32 $0xFFFFFFF2, s13  }
0x344: {  	vm2 =	vmneg @p3 vm2;
	p3 =	slt.s32 s15, s9;
	v9 =	vbroadcast v8, $0x0;
	v10 =	vbroadcast v8, $0x1  }
0x345: {  	s15 =	sadd.s32 $0xFFFFFFF3, s13;
	vm1 =	vmneg @p3 vm1;
	v11 =	vbroadcast v8, $0x2;
	v12 =	vbroadcast v8, $0x3  }
0x346: {  	p3 =	slt.s32 s15, s9;
	v14 =	vbroadcast v8, $0x4;
	v15 =	vbroadcast v8, $0x5;
	v13 =	vadd.s32 v1, v9  }
0x347: {  	vm3 =	vmneg @p3 vm3;
	v16 =	vbroadcast v8, $0x6;
	v9 =	vadd.s32 v6, v9  }
0x348: {  	s15 =	sadd.s32 $0xFFFFFFF4, s13;
	v18 =	vbroadcast v8, $0x7;
	v19 =	vbroadcast v8, $0x8;
	v17 =	vadd.s32 v1, v10  }
0x349: {  	p3 =	slt.s32 s15, s9;
	v20 =	vbroadcast v8, $0x9;
	v22 =	vbroadcast v8, $0xA;
	v10 =	vadd.s32 v6, v10  }
0x34a: {  	v23 =	vbroadcast v8, $0xB;
	vm4 =	vmneg @p3 vm4;
	v21 =	vadd.s32 v1, v11  }
0x34b: {  	s15 =	sadd.s32 $0xFFFFFFF5, s13;
	v24 =	vbroadcast v8, $0xD;
	v11 =	vadd.s32 v6, v11;
	[tilespmem:v13+s29+$0x0] =	vst.idx.msk vm2, v5;
	v13 =	vbroadcast v8, $0xC  }
0x34c: {  	p3 =	slt.s32 s15, s9;
	v25 =	vbroadcast v8, $0xE;
	[tilespmem:v9+s29+$0x0] =	vst.idx.msk vm2, v5;
	v9 =	vadd.s32 v1, v12;
	vm2 =	vmmov vm0  }
0x34d: {  	s15 =	sadd.s32 $0xFFFFFFF6, s13;
	v8 =	vbroadcast v8, $0xF;
	v12 =	vadd.s32 v6, v12;
	[tilespmem:v17+s29+$0x0] =	vst.idx.msk vm1, v5;
	vm2 =	vmneg @p3 vm2  }
0x34e: {  	p3 =	slt.s32 s15, s9;
	[tilespmem:v10+s29+$0x0] =	vst.idx.msk vm1, v5;
	v10 =	vadd.s32 v1, v14;
	vm1 =	vmmov vm0  }
0x34f: {  	s15 =	sadd.s32 $0xFFFFFFF7, s13;
	v14 =	vadd.s32 v6, v14;
	[tilespmem:v21+s29+$0x0] =	vst.idx.msk vm3, v5;
	vm1 =	vmneg @p3 vm1  }
0x350: {  	p3 =	slt.s32 s15, s9;
	[tilespmem:v11+s29+$0x0] =	vst.idx.msk vm3, v5;
	v11 =	vadd.s32 v1, v15;
	vm3 =	vmmov vm0  }
0x351: {  	s15 =	sadd.s32 $0xFFFFFFF8, s13;
	[tilespmem:v9+s29+$0x0] =	vst.idx.msk vm4, v5;
	v9 =	vadd.s32 v6, v15;
	vm3 =	vmneg @p3 vm3  }
0x352: {  	p3 =	slt.s32 s15, s9;
	[tilespmem:v12+s29+$0x0] =	vst.idx.msk vm4, v5;
	v12 =	vadd.s32 v1, v16;
	vm4 =	vmmov vm0  }
0x353: {  	s15 =	sadd.s32 $0xFFFFFFF9, s13;
	[tilespmem:v10+s29+$0x0] =	vst.idx.msk vm2, v5;
	v10 =	vadd.s32 v6, v16;
	vm4 =	vmneg @p3 vm4  }
0x354: {  	p3 =	slt.s32 s15, s9;
	[tilespmem:v14+s29+$0x0] =	vst.idx.msk vm2, v5;
	v14 =	vadd.s32 v1, v18;
	vm2 =	vmmov vm0  }
0x355: {  	s15 =	sadd.s32 $0xFFFFFFFA, s13;
	[tilespmem:v11+s29+$0x0] =	vst.idx.msk vm1, v5;
	v11 =	vadd.s32 v6, v18;
	vm2 =	vmneg @p3 vm2  }
0x356: {  	p3 =	slt.s32 s15, s9;
	[tilespmem:v9+s29+$0x0] =	vst.idx.msk vm1, v5;
	v9 =	vadd.s32 v1, v19;
	vm1 =	vmmov vm0  }
0x357: {  	s15 =	sadd.s32 $0xFFFFFFFB, s13;
	[tilespmem:v12+s29+$0x0] =	vst.idx.msk vm3, v5;
	v12 =	vadd.s32 v6, v19;
	vm1 =	vmneg @p3 vm1  }
0x358: {  	p3 =	slt.s32 s15, s9;
	[tilespmem:v10+s29+$0x0] =	vst.idx.msk vm3, v5;
	v10 =	vadd.s32 v1, v20;
	vm3 =	vmmov vm0  }
0x359: {  	s15 =	sadd.s32 $0xFFFFFFFC, s13;
	[tilespmem:v14+s29+$0x0] =	vst.idx.msk vm4, v5;
	v14 =	vadd.s32 v6, v20;
	vm3 =	vmneg @p3 vm3  }
0x35a: {  	p3 =	slt.s32 s15, s9;
	[tilespmem:v11+s29+$0x0] =	vst.idx.msk vm4, v5;
	v11 =	vadd.s32 v1, v22;
	vm4 =	vmmov vm0  }
0x35b: {  	s15 =	sadd.s32 $0xFFFFFFFD, s13;
	[tilespmem:v9+s29+$0x0] =	vst.idx.msk vm2, v5;
	v9 =	vadd.s32 v6, v22;
	vm4 =	vmneg @p3 vm4  }
0x35c: {  	p3 =	slt.s32 s15, s9;
	[tilespmem:v12+s29+$0x0] =	vst.idx.msk vm2, v5;
	v12 =	vadd.s32 v1, v23;
	vm2 =	vmmov vm0  }
0x35d: {  	s15 =	sadd.s32 $0xFFFFFFFE, s13;
	[tilespmem:v10+s29+$0x0] =	vst.idx.msk vm1, v5;
	v10 =	vadd.s32 v6, v23;
	vm2 =	vmneg @p3 vm2  }
0x35e: {  	vm5 =	vmmov vm0;
	p3 =	slt.s32 s15, s9;
	[tilespmem:v14+s29+$0x0] =	vst.idx.msk vm1, v5;
	v14 =	vadd.s32 v1, v13  }
0x35f: {  	s15 =	sadd.s32 $0xFFFFFFFF, s13;
	vm5 =	vmneg @p3 vm5;
	[tilespmem:v11+s29+$0x0] =	vst.idx.msk vm3, v5;
	v11 =	vadd.s32 v6, v13  }
0x360: {  	p3 =	slt.s32 s15, s9;
	[tilespmem:v9+s29+$0x0] =	vst.idx.msk vm3, v5;
	v9 =	vadd.s32 v1, v24;
	vm3 =	vmmov vm0  }
0x361: {  	[tilespmem:v12+s29+$0x0] =	vst.idx.msk vm4, v5;
	v12 =	vadd.s32 v6, v24;
	vm3 =	vmneg @p3 vm3  }
0x362: {  	vm1 =	vmmov vm0;
	p3 =	slt.s32 s13, s9;
	[tilespmem:v10+s29+$0x0] =	vst.idx.msk vm4, v5;
	v10 =	vadd.s32 v1, v25  }
0x363: {  	v13 =	vadd.s32 v6, v25;
	vm1 =	vmneg @p3 vm1;
	[tilespmem:v14+s29+$0x0] =	vst.idx.msk vm2, v5  }
0x364: {  	[tilespmem:v11+s29+$0x0] =	vst.idx.msk vm2, v5;
	v11 =	vadd.s32 v1, v8  }
.Ltmp36:
0x365: {  	v8 =	vadd.s32 v6, v8;
	[tilespmem:v9+s29+$0x0] =	vst.idx.msk vm5, v5;
	(pc) =	sbr.rel @p2 .LBB2_59-.Ltmp36, $4  }
0x366: {  	[tilespmem:v12+s29+$0x0] =	vst.idx.msk vm5, v5  }
0x367: {  	[tilespmem:v10+s29+$0x0] =	vst.idx.msk vm3, v5  }
0x368: {  	[tilespmem:v13+s29+$0x0] =	vst.idx.msk vm3, v5  }
0x369: {  	[tilespmem:v11+s29+$0x0] =	vst.idx.msk vm1, v5  }
.LBB2_60:
0x36a: {  	_ =	sdelay $0x4  }
0x36b: {  	[tilespmem:v8+s29+$0x0] =	vst.idx.msk vm1, v5  }
.LBB2_61:
0x36c: {  	s9 =	sadd.s32 $0xF, s11  }
0x36d: {  	s12 =	sand.u32 $0xF, s9  }
0x36e: {  	p2 =	slt.s32 s11, $0xFFFFFFF2;
	s13 =	sshra.s32 s9, $0x1F;
	p3 =	sne.s32 s12, $0x0  }
0x36f: {  	s18 =	sshrl.u32 s13, $0x1C;
	p2 =	por !p2, !p3  }
0x370: {  	s12 =	simm.s32 $0x1;
	s9 =	sadd.s32 s18, s9;
	p2 =	por !p2, !p2  }
0x371: {  	s9 =	sshra.s32 s9, $0x4;
	s12 =	simm.s32 @!p2 $0x0  }
0x372: {  	s13 =	ssub.s32 s9, s12  }
0x373: {  	p2 =	slt.s32 s13, $0x1  }
.Ltmp37:
0x374: {  	_ = 	snop;
	(pc) =	sbr.rel @p2 .LBB2_65-.Ltmp37, $1  }
0x375: {  	_ =	sdelay $0x3  }
0x376: {  	v8 =	vld [tilespmem:s10+$0x0];
	_ =	sdelay $0x4  }
0x377: {  	p2 =	sgt.s32 s11, $0x0;
	vm1 =	vmmov vm0;
	v9 =	vbroadcast v8, $0x0  }
0x378: {  	s9 =	simm.s32 $0xECC0;
	vm1 =	vmneg @p2 vm1  }
0x379: {  	v10 =	vld [tilespmem:s9+$0xFFFFFF00];
	v11 =	vadd.s32 v1, v9  }
0x37a: {  	v12 =	vld [tilespmem:s9+$0xFFFFFF10];
	v9 =	vadd.s32 v6, v9;
	_ =	sdelay $0x3  }
0x37b: {  	vm2 =	vmmov vm0;
	p2 =	sgt.s32 s11, $0x1;
	v13 =	vbroadcast v8, $0x1;
	[tilespmem:v11+s29+$0x0] =	vst.idx.msk vm1, v10  }
0x37c: {  	vm2 =	vmneg @p2 vm2;
	[tilespmem:v9+s29+$0x0] =	vst.idx.msk vm1, v12  }
0x37d: {  	v10 =	vadd.s32 v1, v13;
	v9 =	vld [tilespmem:s9+$0xFFFFFF20]  }
0x37e: {  	v37 =	vadd.s32 v6, v13;
	v11 =	vld [tilespmem:s9+$0xFFFFFF30];
	_ =	sdelay $0x3  }
0x37f: {  	p2 =	sgt.s32 s11, $0x2;
	v38 =	vbroadcast v8, $0x2;
	vm1 =	vmmov vm0;
	[tilespmem:v10+s29+$0x0] =	vst.idx.msk vm2, v9  }
0x380: {  	vm1 =	vmneg @p2 vm1;
	[tilespmem:v37+s29+$0x0] =	vst.idx.msk vm2, v11  }
0x381: {  	v10 =	vadd.s32 v1, v38;
	v9 =	vld [tilespmem:s9+$0xFFFFFF40]  }
0x382: {  	v39 =	vadd.s32 v6, v38;
	v11 =	vld [tilespmem:s9+$0xFFFFFF50];
	_ =	sdelay $0x3  }
0x383: {  	v40 =	vbroadcast v8, $0x3;
	p2 =	sgt.s32 s11, $0x3;
	vm2 =	vmmov vm0;
	[tilespmem:v10+s29+$0x0] =	vst.idx.msk vm1, v9  }
0x384: {  	vm2 =	vmneg @p2 vm2;
	[tilespmem:v39+s29+$0x0] =	vst.idx.msk vm1, v11  }
0x385: {  	v10 =	vadd.s32 v1, v40;
	v9 =	vld [tilespmem:s9+$0xFFFFFF60]  }
0x386: {  	v41 =	vadd.s32 v6, v40;
	v11 =	vld [tilespmem:s9+$0xFFFFFF70];
	_ =	sdelay $0x3  }
0x387: {  	v42 =	vbroadcast v8, $0x4;
	p2 =	sgt.s32 s11, $0x4;
	vm1 =	vmmov vm0;
	[tilespmem:v10+s29+$0x0] =	vst.idx.msk vm2, v9  }
0x388: {  	vm1 =	vmneg @p2 vm1;
	[tilespmem:v41+s29+$0x0] =	vst.idx.msk vm2, v11  }
0x389: {  	v10 =	vadd.s32 v1, v42;
	v9 =	vld [tilespmem:s9+$0xFFFFFF80]  }
0x38a: {  	v43 =	vadd.s32 v6, v42;
	v11 =	vld [tilespmem:s9+$0xFFFFFF90];
	_ =	sdelay $0x3  }
0x38b: {  	v44 =	vbroadcast v8, $0x5;
	p2 =	sgt.s32 s11, $0x5;
	vm2 =	vmmov vm0;
	[tilespmem:v10+s29+$0x0] =	vst.idx.msk vm1, v9  }
0x38c: {  	vm2 =	vmneg @p2 vm2;
	[tilespmem:v43+s29+$0x0] =	vst.idx.msk vm1, v11  }
0x38d: {  	v10 =	vadd.s32 v1, v44;
	v9 =	vld [tilespmem:s9+$0xFFFFFFA0]  }
0x38e: {  	v45 =	vadd.s32 v6, v44;
	v11 =	vld [tilespmem:s9+$0xFFFFFFB0];
	_ =	sdelay $0x3  }
0x38f: {  	v46 =	vbroadcast v8, $0x6;
	p2 =	sgt.s32 s11, $0x6;
	vm1 =	vmmov vm0;
	[tilespmem:v10+s29+$0x0] =	vst.idx.msk vm2, v9  }
0x390: {  	vm1 =	vmneg @p2 vm1;
	[tilespmem:v45+s29+$0x0] =	vst.idx.msk vm2, v11  }
0x391: {  	v10 =	vadd.s32 v1, v46;
	v9 =	vld [tilespmem:s9+$0xFFFFFFC0]  }
0x392: {  	v47 =	vadd.s32 v6, v46;
	v11 =	vld [tilespmem:s9+$0xFFFFFFD0];
	_ =	sdelay $0x3  }
0x393: {  	v48 =	vbroadcast v8, $0x7;
	p2 =	sgt.s32 s11, $0x7;
	vm2 =	vmmov vm0;
	[tilespmem:v10+s29+$0x0] =	vst.idx.msk vm1, v9  }
0x394: {  	vm2 =	vmneg @p2 vm2;
	[tilespmem:v47+s29+$0x0] =	vst.idx.msk vm1, v11  }
0x395: {  	v10 =	vadd.s32 v1, v48;
	v9 =	vld [tilespmem:s9+$0xFFFFFFE0]  }
0x396: {  	v49 =	vadd.s32 v6, v48;
	v11 =	vld [tilespmem:s9+$0xFFFFFFF0];
	_ =	sdelay $0x3  }
0x397: {  	v50 =	vbroadcast v8, $0x8;
	p2 =	sgt.s32 s11, $0x8;
	vm1 =	vmmov vm0;
	[tilespmem:v10+s29+$0x0] =	vst.idx.msk vm2, v9  }
0x398: {  	vm1 =	vmneg @p2 vm1;
	[tilespmem:v49+s29+$0x0] =	vst.idx.msk vm2, v11  }
0x399: {  	v10 =	vadd.s32 v1, v50;
	v9 =	vld [tilespmem:s9+$0x0]  }
0x39a: {  	v51 =	vadd.s32 v6, v50;
	v11 =	vld [tilespmem:s9+$0x10];
	_ =	sdelay $0x3  }
0x39b: {  	v52 =	vbroadcast v8, $0x9;
	p2 =	sgt.s32 s11, $0x9;
	vm2 =	vmmov vm0;
	[tilespmem:v10+s29+$0x0] =	vst.idx.msk vm1, v9  }
0x39c: {  	vm2 =	vmneg @p2 vm2;
	[tilespmem:v51+s29+$0x0] =	vst.idx.msk vm1, v11  }
0x39d: {  	v10 =	vadd.s32 v1, v52;
	v9 =	vld [tilespmem:s9+$0x20]  }
0x39e: {  	v53 =	vadd.s32 v6, v52;
	v11 =	vld [tilespmem:s9+$0x30];
	_ =	sdelay $0x3  }
0x39f: {  	v54 =	vbroadcast v8, $0xA;
	p2 =	sgt.s32 s11, $0xA;
	vm1 =	vmmov vm0;
	[tilespmem:v10+s29+$0x0] =	vst.idx.msk vm2, v9  }
0x3a0: {  	vm1 =	vmneg @p2 vm1;
	[tilespmem:v53+s29+$0x0] =	vst.idx.msk vm2, v11  }
0x3a1: {  	v10 =	vadd.s32 v1, v54;
	v9 =	vld [tilespmem:s9+$0x40]  }
0x3a2: {  	v55 =	vadd.s32 v6, v54;
	v11 =	vld [tilespmem:s9+$0x50];
	_ =	sdelay $0x3  }
0x3a3: {  	v56 =	vbroadcast v8, $0xB;
	p2 =	sgt.s32 s11, $0xB;
	vm2 =	vmmov vm0;
	[tilespmem:v10+s29+$0x0] =	vst.idx.msk vm1, v9  }
0x3a4: {  	vm2 =	vmneg @p2 vm2;
	[tilespmem:v55+s29+$0x0] =	vst.idx.msk vm1, v11  }
0x3a5: {  	v10 =	vadd.s32 v1, v56;
	v9 =	vld [tilespmem:s9+$0x60]  }
0x3a6: {  	v57 =	vadd.s32 v6, v56;
	v11 =	vld [tilespmem:s9+$0x70];
	_ =	sdelay $0x3  }
0x3a7: {  	v58 =	vbroadcast v8, $0xC;
	p2 =	sgt.s32 s11, $0xC;
	vm1 =	vmmov vm0;
	[tilespmem:v10+s29+$0x0] =	vst.idx.msk vm2, v9  }
0x3a8: {  	vm1 =	vmneg @p2 vm1;
	[tilespmem:v57+s29+$0x0] =	vst.idx.msk vm2, v11  }
0x3a9: {  	v10 =	vadd.s32 v1, v58;
	v9 =	vld [tilespmem:s9+$0x80]  }
0x3aa: {  	v59 =	vadd.s32 v6, v58;
	v11 =	vld [tilespmem:s9+$0x90];
	_ =	sdelay $0x3  }
0x3ab: {  	v60 =	vbroadcast v8, $0xD;
	p2 =	sgt.s32 s11, $0xD;
	vm2 =	vmmov vm0;
	[tilespmem:v10+s29+$0x0] =	vst.idx.msk vm1, v9  }
0x3ac: {  	vm2 =	vmneg @p2 vm2;
	[tilespmem:v59+s29+$0x0] =	vst.idx.msk vm1, v11  }
0x3ad: {  	v10 =	vadd.s32 v1, v60;
	v9 =	vld [tilespmem:s9+$0xA0]  }
0x3ae: {  	v61 =	vadd.s32 v6, v60;
	v11 =	vld [tilespmem:s9+$0xB0];
	_ =	sdelay $0x3  }
0x3af: {  	vm3 =	vmmov vm0;
	v62 =	vbroadcast v8, $0xE;
	p2 =	sgt.s32 s11, $0xE;
	[tilespmem:v10+s29+$0x0] =	vst.idx.msk vm2, v9  }
0x3b0: {  	vm3 =	vmneg @p2 vm3;
	[tilespmem:v61+s29+$0x0] =	vst.idx.msk vm2, v11  }
0x3b1: {  	v10 =	vadd.s32 v1, v62;
	v9 =	vld [tilespmem:s9+$0xC0]  }
0x3b2: {  	v63 =	vadd.s32 v6, v62;
	v11 =	vld [tilespmem:s9+$0xD0];
	_ =	sdelay $0x3  }
0x3b3: {  	v8 =	vbroadcast v8, $0xF;
	p2 =	sgt.s32 s11, $0xF;
	vm1 =	vmmov vm0;
	[tilespmem:v10+s29+$0x0] =	vst.idx.msk vm3, v9  }
0x3b4: {  	vm1 =	vmneg @p2 vm1;
	[tilespmem:v63+s29+$0x0] =	vst.idx.msk vm3, v11  }
0x3b5: {  	p2 =	sne.s32 s13, $0x1;
	v11 =	vadd.s32 v1, v8;
	v10 =	vld [tilespmem:s9+$0xE0]  }
.Ltmp38:
0x3b6: {  	v8 =	vadd.s32 v6, v8;
	v9 =	vld [tilespmem:s9+$0xF0];
	(pc) =	sbr.rel @!p2 .LBB2_64-.Ltmp38, $2  }
0x3b7: {  	_ =	sdelay $0x2  }
0x3b8: {  	s12 =	simm.s32 $0xF;
	s13 =	sadd.s32 $0xFFFFFFFF, s13;
	[tilespmem:v11+s29+$0x0] =	vst.idx.msk vm1, v10  }
.LBB2_63:
0x3b9: {  	[tilespmem:v8+s29+$0x0] =	vst.idx.msk vm1, v9;
	s12 =	sadd.s32 $0x10, s12;
	s10 =	sadd.s32 $0x10, s10;
	s9 =	sadd.s32 $0x200, s9  }
0x3ba: {  	p2 =	sne.s32 s13, $0x1;
	s13 =	sadd.s32 $0xFFFFFFFF, s13;
	v8 =	vld [tilespmem:s10+$0x0];
	_ =	sdelay $0x3  }
0x3bb: {  	s14 =	sadd.s32 $0xFFFFFFF1, s12  }
0x3bc: {  	vm1 =	vmmov vm0;
	p3 =	slt.s32 s14, s11;
	v9 =	vbroadcast v8, $0x0;
	v16 =	vbroadcast v8, $0x1  }
0x3bd: {  	vm1 =	vmneg @p3 vm1;
	v17 =	vbroadcast v8, $0x2;
	v18 =	vbroadcast v8, $0x3  }
0x3be: {  	v21 =	vbroadcast v8, $0x4;
	v22 =	vbroadcast v8, $0x5;
	v19 =	vld [tilespmem:s9+$0xFFFFFF00];
	v20 =	vadd.s32 v1, v9  }
0x3bf: {  	v25 =	vbroadcast v8, $0x6;
	v26 =	vbroadcast v8, $0x7;
	v24 =	vadd.s32 v6, v9;
	v23 =	vld [tilespmem:s9+$0xFFFFFF10]  }
0x3c0: {  	v15 =	vbroadcast v8, $0x8;
	v14 =	vbroadcast v8, $0x9  }
0x3c1: {  	v13 =	vbroadcast v8, $0xA;
	v12 =	vbroadcast v8, $0xB  }
0x3c2: {  	s14 =	sadd.s32 $0xFFFFFFF2, s12;
	v11 =	vbroadcast v8, $0xC;
	v10 =	vbroadcast v8, $0xD  }
0x3c3: {  	p3 =	slt.s32 s14, s11;
	v9 =	vbroadcast v8, $0xE;
	v8 =	vbroadcast v8, $0xF;
	[tilespmem:v20+s29+$0x0] =	vst.idx.msk vm1, v19  }
0x3c4: {  	[tilespmem:v24+s29+$0x0] =	vst.idx.msk vm1, v23;
	vm1 =	vmmov vm0  }
0x3c5: {  	vm1 =	vmneg @p3 vm1  }
0x3c6: {  	v20 =	vadd.s32 v1, v16;
	v19 =	vld [tilespmem:s9+$0xFFFFFF20]  }
0x3c7: {  	v16 =	vadd.s32 v6, v16;
	v23 =	vld [tilespmem:s9+$0xFFFFFF30];
	_ =	sdelay $0x2  }
0x3c8: {  	s14 =	sadd.s32 $0xFFFFFFF3, s12  }
0x3c9: {  	p3 =	slt.s32 s14, s11;
	[tilespmem:v20+s29+$0x0] =	vst.idx.msk vm1, v19  }
0x3ca: {  	[tilespmem:v16+s29+$0x0] =	vst.idx.msk vm1, v23;
	vm1 =	vmmov vm0  }
0x3cb: {  	vm1 =	vmneg @p3 vm1  }
0x3cc: {  	v19 =	vadd.s32 v1, v17;
	v16 =	vld [tilespmem:s9+$0xFFFFFF40]  }
0x3cd: {  	v17 =	vadd.s32 v6, v17;
	v20 =	vld [tilespmem:s9+$0xFFFFFF50];
	_ =	sdelay $0x2  }
0x3ce: {  	s14 =	sadd.s32 $0xFFFFFFF4, s12  }
0x3cf: {  	p3 =	slt.s32 s14, s11;
	[tilespmem:v19+s29+$0x0] =	vst.idx.msk vm1, v16  }
0x3d0: {  	[tilespmem:v17+s29+$0x0] =	vst.idx.msk vm1, v20;
	vm1 =	vmmov vm0  }
0x3d1: {  	vm1 =	vmneg @p3 vm1  }
0x3d2: {  	v17 =	vadd.s32 v1, v18;
	v16 =	vld [tilespmem:s9+$0xFFFFFF60]  }
0x3d3: {  	v18 =	vadd.s32 v6, v18;
	v19 =	vld [tilespmem:s9+$0xFFFFFF70];
	_ =	sdelay $0x2  }
0x3d4: {  	s14 =	sadd.s32 $0xFFFFFFF5, s12  }
0x3d5: {  	p3 =	slt.s32 s14, s11;
	[tilespmem:v17+s29+$0x0] =	vst.idx.msk vm1, v16  }
0x3d6: {  	[tilespmem:v18+s29+$0x0] =	vst.idx.msk vm1, v19;
	vm1 =	vmmov vm0  }
0x3d7: {  	vm1 =	vmneg @p3 vm1  }
0x3d8: {  	v17 =	vadd.s32 v1, v21;
	v16 =	vld [tilespmem:s9+$0xFFFFFF80]  }
0x3d9: {  	v19 =	vadd.s32 v6, v21;
	v18 =	vld [tilespmem:s9+$0xFFFFFF90];
	_ =	sdelay $0x2  }
0x3da: {  	s14 =	sadd.s32 $0xFFFFFFF6, s12  }
0x3db: {  	p3 =	slt.s32 s14, s11;
	[tilespmem:v17+s29+$0x0] =	vst.idx.msk vm1, v16  }
0x3dc: {  	[tilespmem:v19+s29+$0x0] =	vst.idx.msk vm1, v18;
	vm1 =	vmmov vm0  }
0x3dd: {  	vm1 =	vmneg @p3 vm1  }
0x3de: {  	v17 =	vadd.s32 v1, v22;
	v16 =	vld [tilespmem:s9+$0xFFFFFFA0]  }
0x3df: {  	v19 =	vadd.s32 v6, v22;
	v18 =	vld [tilespmem:s9+$0xFFFFFFB0];
	_ =	sdelay $0x2  }
0x3e0: {  	s14 =	sadd.s32 $0xFFFFFFF7, s12  }
0x3e1: {  	p3 =	slt.s32 s14, s11;
	[tilespmem:v17+s29+$0x0] =	vst.idx.msk vm1, v16  }
0x3e2: {  	[tilespmem:v19+s29+$0x0] =	vst.idx.msk vm1, v18;
	vm1 =	vmmov vm0  }
0x3e3: {  	vm1 =	vmneg @p3 vm1  }
0x3e4: {  	v17 =	vadd.s32 v1, v25;
	v16 =	vld [tilespmem:s9+$0xFFFFFFC0]  }
0x3e5: {  	v19 =	vadd.s32 v6, v25;
	v18 =	vld [tilespmem:s9+$0xFFFFFFD0];
	_ =	sdelay $0x2  }
0x3e6: {  	s14 =	sadd.s32 $0xFFFFFFF8, s12  }
0x3e7: {  	p3 =	slt.s32 s14, s11;
	[tilespmem:v17+s29+$0x0] =	vst.idx.msk vm1, v16  }
0x3e8: {  	[tilespmem:v19+s29+$0x0] =	vst.idx.msk vm1, v18;
	vm1 =	vmmov vm0  }
0x3e9: {  	vm1 =	vmneg @p3 vm1  }
0x3ea: {  	v17 =	vadd.s32 v1, v26;
	v16 =	vld [tilespmem:s9+$0xFFFFFFE0]  }
0x3eb: {  	v19 =	vadd.s32 v6, v26;
	v18 =	vld [tilespmem:s9+$0xFFFFFFF0];
	_ =	sdelay $0x2  }
0x3ec: {  	s14 =	sadd.s32 $0xFFFFFFF9, s12  }
0x3ed: {  	p3 =	slt.s32 s14, s11;
	[tilespmem:v17+s29+$0x0] =	vst.idx.msk vm1, v16  }
0x3ee: {  	[tilespmem:v19+s29+$0x0] =	vst.idx.msk vm1, v18;
	vm1 =	vmmov vm0  }
0x3ef: {  	vm1 =	vmneg @p3 vm1  }
0x3f0: {  	v17 =	vadd.s32 v1, v15;
	v16 =	vld [tilespmem:s9+$0x0]  }
0x3f1: {  	v15 =	vadd.s32 v6, v15;
	v18 =	vld [tilespmem:s9+$0x10];
	_ =	sdelay $0x2  }
0x3f2: {  	s14 =	sadd.s32 $0xFFFFFFFA, s12  }
0x3f3: {  	p3 =	slt.s32 s14, s11;
	[tilespmem:v17+s29+$0x0] =	vst.idx.msk vm1, v16  }
0x3f4: {  	[tilespmem:v15+s29+$0x0] =	vst.idx.msk vm1, v18;
	vm1 =	vmmov vm0  }
0x3f5: {  	vm1 =	vmneg @p3 vm1  }
0x3f6: {  	v16 =	vadd.s32 v1, v14;
	v15 =	vld [tilespmem:s9+$0x20]  }
0x3f7: {  	v14 =	vadd.s32 v6, v14;
	v17 =	vld [tilespmem:s9+$0x30];
	_ =	sdelay $0x2  }
0x3f8: {  	s14 =	sadd.s32 $0xFFFFFFFB, s12  }
0x3f9: {  	p3 =	slt.s32 s14, s11;
	[tilespmem:v16+s29+$0x0] =	vst.idx.msk vm1, v15  }
0x3fa: {  	[tilespmem:v14+s29+$0x0] =	vst.idx.msk vm1, v17;
	vm1 =	vmmov vm0  }
0x3fb: {  	vm1 =	vmneg @p3 vm1  }
0x3fc: {  	v15 =	vadd.s32 v1, v13;
	v14 =	vld [tilespmem:s9+$0x40]  }
0x3fd: {  	v13 =	vadd.s32 v6, v13;
	v16 =	vld [tilespmem:s9+$0x50];
	_ =	sdelay $0x2  }
0x3fe: {  	s14 =	sadd.s32 $0xFFFFFFFC, s12  }
0x3ff: {  	p3 =	slt.s32 s14, s11;
	[tilespmem:v15+s29+$0x0] =	vst.idx.msk vm1, v14  }
0x400: {  	[tilespmem:v13+s29+$0x0] =	vst.idx.msk vm1, v16;
	vm1 =	vmmov vm0  }
0x401: {  	vm1 =	vmneg @p3 vm1  }
0x402: {  	v14 =	vadd.s32 v1, v12;
	v13 =	vld [tilespmem:s9+$0x60]  }
0x403: {  	v12 =	vadd.s32 v6, v12;
	v15 =	vld [tilespmem:s9+$0x70];
	_ =	sdelay $0x2  }
0x404: {  	s14 =	sadd.s32 $0xFFFFFFFD, s12  }
0x405: {  	p3 =	slt.s32 s14, s11;
	[tilespmem:v14+s29+$0x0] =	vst.idx.msk vm1, v13  }
0x406: {  	[tilespmem:v12+s29+$0x0] =	vst.idx.msk vm1, v15;
	vm1 =	vmmov vm0  }
0x407: {  	vm1 =	vmneg @p3 vm1  }
0x408: {  	v13 =	vadd.s32 v1, v11;
	v12 =	vld [tilespmem:s9+$0x80]  }
0x409: {  	v11 =	vadd.s32 v6, v11;
	v14 =	vld [tilespmem:s9+$0x90];
	_ =	sdelay $0x2  }
0x40a: {  	s14 =	sadd.s32 $0xFFFFFFFE, s12  }
0x40b: {  	p3 =	slt.s32 s14, s11;
	[tilespmem:v13+s29+$0x0] =	vst.idx.msk vm1, v12  }
0x40c: {  	[tilespmem:v11+s29+$0x0] =	vst.idx.msk vm1, v14;
	vm1 =	vmmov vm0  }
0x40d: {  	vm1 =	vmneg @p3 vm1  }
0x40e: {  	v12 =	vadd.s32 v1, v10;
	v11 =	vld [tilespmem:s9+$0xA0]  }
0x40f: {  	v10 =	vadd.s32 v6, v10;
	v13 =	vld [tilespmem:s9+$0xB0];
	_ =	sdelay $0x2  }
0x410: {  	s14 =	sadd.s32 $0xFFFFFFFF, s12  }
0x411: {  	p3 =	slt.s32 s14, s11;
	[tilespmem:v12+s29+$0x0] =	vst.idx.msk vm1, v11  }
0x412: {  	[tilespmem:v10+s29+$0x0] =	vst.idx.msk vm1, v13;
	vm1 =	vmmov vm0  }
0x413: {  	vm1 =	vmneg @p3 vm1  }
0x414: {  	v11 =	vadd.s32 v1, v9;
	v10 =	vld [tilespmem:s9+$0xC0]  }
0x415: {  	v9 =	vadd.s32 v6, v9;
	v12 =	vld [tilespmem:s9+$0xD0];
	_ =	sdelay $0x3  }
0x416: {  	p3 =	slt.s32 s12, s11;
	[tilespmem:v11+s29+$0x0] =	vst.idx.msk vm1, v10  }
0x417: {  	[tilespmem:v9+s29+$0x0] =	vst.idx.msk vm1, v12;
	vm1 =	vmmov vm0  }
0x418: {  	vm1 =	vmneg @p3 vm1  }
0x419: {  	v11 =	vadd.s32 v1, v8;
	v10 =	vld [tilespmem:s9+$0xE0]  }
.Ltmp39:
0x41a: {  	v8 =	vadd.s32 v6, v8;
	v9 =	vld [tilespmem:s9+$0xF0];
	(pc) =	sbr.rel @p2 .LBB2_63-.Ltmp39, $2  }
0x41b: {  	_ =	sdelay $0x2  }
0x41c: {  	[tilespmem:v11+s29+$0x0] =	vst.idx.msk vm1, v10  }
.Ltmp40:
0x41d: {  	_ = 	snop;
	(pc) =	sbr.rel .LBB2_64-.Ltmp40, $1  }
0x41e: {  	_ =	sdelay $0x3  }
.LBB2_44:
.Ltmp41:
0x41f: {  	(pc) =	sbr.rel .LBB2_48-.Ltmp41, $2  }
0x420: {  	_ =	sdelay $0x2  }
0x421: {  	s15 =	simm.s32 $0x0;
	s14 =	simm.s32 $0x0;
	s13 =	simm.s32 $0xA1C0  }
.LBB2_46:
.Ltmp42:
0x422: {  	(pc) =	sbr.rel .LBB2_48-.Ltmp42, $2  }
0x423: {  	_ =	sdelay $0x2  }
0x424: {  	s15 =	simm.s32 $0x0;
	s14 =	simm.s32 $0x0;
	s13 =	simm.s32 $0xA1C0  }
.LBB2_34:
.Ltmp43:
0x425: {  	(pc) =	sbr.rel .LBB2_39-.Ltmp43, $2  }
0x426: {  	_ =	sdelay $0x2  }
0x427: {  	s8 =	smov.u32 s4  }
.LBB2_36:
.Ltmp44:
0x428: {  	(pc) =	sbr.rel .LBB2_39-.Ltmp44, $2  }
0x429: {  	_ =	sdelay $0x2  }
0x42a: {  	s8 =	smov.u32 s4;
	s9 =	simm.s32 $0x2DD30  }
.LBB2_67:
0x42b: {  	_ =	sfence.sel $0x180000  }
0x42c: {  	[bflag:$0x0] =	sbarrier.arrive $0xFFFF  }
0x42d: {  	_ =	strace $0x9000004A  }
0x42e: {  	s0 =	stileid.u32;
	[bflag:$0x2] =	sbarrier.arrive $0xFFFF  }
0x42f: {  	p0 =	sne.s32 s0, $0x0;
	s0 =	rddreg [dreg:$0x2]  }
0x430: {  	s0 =	sadd.s32 @!p0 $0x100000, s0  }
0x431: {  	[sflag:s0] =	ssyncadd.tile.s32 @!p0 $0x1;
	_ =	shalt  }
.Lfunc_end2:
_tile_overlayer_lowered:
.L_overlay_start_2:
0x432: {  	(tag) =	ssettag $0x2  }
0x433: {  	s0 =	rddreg [dreg:$0x0];
	s2 =	stileid.u32  }
0x434: {  	s1 =	rddreg [dreg:$0x1];
	p0 =	sne.s32 s2, $0x0  }
0x435: {  	s3 =	rddreg [dreg:$0x2];
	[bflag:$0x3] =	sbarrier.arrive $0xFFFF;
	s2 =	simm.s32 @!p0 $0x1C05  }
0x436: {  	[timem:s3], [sflag:s2] =	dma.local @!p0 [hbm:s0], s1  }
0x437: {  	s0 =	simm.s32 @!p0 $0x5  }
0x438: {  	_ =	swait.ge @!p0 [sflag:s0], s1  }
0x439: {  	s1 =	ssub.s32 @!p0 $0x0, s1;
	[sflag:s0] =	ssyncset.done @!p0 $0x0  }
0x43a: {  	[sflag:s0] =	ssyncadd.s32 @!p0 s1  }
0x43b: {  	[bflag:$0x3] =	sbarrier.arrive $0xFFFF  }
0x43c: {  	_ =	shalt  }

</sc_bundles>
